<compile_context>
chip_gen: v7x
topology: tpu7x:2x2x1
jax: 0.10.2.dev20260603
libtpu: 0.0.44.dev20260713+nightly
codegen_flags: <defaults>
</compile_context>

<pallas_src>
import functools

import jax
import jax.numpy as jnp
from jax import lax
from jax.experimental import pallas as pl
from jax.experimental.pallas import tpu as pltpu
from jax.experimental.pallas import tpu_sc as plsc

BLK = 64
NB = 32
NMID = NB - 2
NSLOT = 8
SCALE = 1.0 / 8.0


def _routing_tables(attention_mask):
    bm = attention_mask[::BLK, ::BLK]
    mesh = plsc.VectorSubcoreMesh(core_axis_name="c", subcore_axis_name="s")

    @functools.partial(
        pl.kernel, mesh=mesh,
        out_type=[jax.ShapeDtypeStruct((NB, 16), jnp.int32),
                  jax.ShapeDtypeStruct((NB, 16), jnp.float32)],
        scratch_types=[pltpu.VMEM((NB,), jnp.float32),
                       pltpu.VMEM((16,), jnp.int32),
                       pltpu.VMEM((16,), jnp.float32)],
        compiler_params=pltpu.CompilerParams(needs_layout_passes=False),
    )
    def route(bm_hbm, idx_hbm, bias_hbm, row_v, idx_v, bias_v):
        wid = lax.axis_index("s") * 2 + lax.axis_index("c")
        pltpu.sync_copy(bm_hbm.at[wid], row_v)
        x0 = row_v[pl.ds(0, 16)]
        x1 = row_v[pl.ds(16, 16)]
        m0 = x0 > 0.0
        m1 = x1 > 0.0
        c0 = jnp.cumsum(m0.astype(jnp.int32))
        c1 = jnp.cumsum(m1.astype(jnp.int32)) + jnp.sum(m0.astype(jnp.int32))
        lanes = lax.broadcasted_iota(jnp.int32, (16,), 0)
        cols1 = lanes + 16
        zero = jnp.zeros((16,), jnp.int32)
        acc_idx = jnp.zeros((16,), jnp.int32)
        acc_bias = jnp.zeros((16,), jnp.float32)
        for j in range(NSLOT):
            t = j + 1
            oh0 = m0 & (c0 == t)
            oh1 = m1 & (c1 == t)
            idx_j = (jnp.sum(jnp.where(oh0, lanes, zero))
                     + jnp.sum(jnp.where(oh1, cols1, zero)))
            cnt_j = (jnp.sum(oh0.astype(jnp.int32))
                     + jnp.sum(oh1.astype(jnp.int32)))
            bias_j = jnp.where(cnt_j > 0, 0.0, -1e9)
            sel = lanes == j
            acc_idx = jnp.where(sel, idx_j, acc_idx)
            acc_bias = jnp.where(sel, bias_j, acc_bias)
        idx_v[...] = acc_idx
        bias_v[...] = acc_bias
        pltpu.sync_copy(idx_v, idx_hbm.at[wid])
        pltpu.sync_copy(bias_v, bias_hbm.at[wid])

    idx16, bias16 = route(bm)
    return idx16[1:NB - 1, :NSLOT], bias16[1:NB - 1, :NSLOT]


def _attn_kernel(idx_ref, biasrow_ref, q_ref, k_ref, v_ref, o_ref,
                 s_ref, p_ref):
    q = q_ref[0]
    k = k_ref[0]
    v = v_ref[0]

    qg = jnp.concatenate([q[:BLK], q[(NB - 1) * BLK:]], axis=0)
    s = lax.dot_general(qg, k, (((1,), (1,)), ((), ())),
                        preferred_element_type=jnp.float32)
    e = jnp.exp(s)
    p = (e / jnp.sum(e, axis=1, keepdims=True)).astype(v.dtype)
    og = lax.dot_general(p, v, (((1,), (0,)), ((), ())),
                         preferred_element_type=jnp.float32)
    o_ref[0, :BLK] = og[:BLK]
    o_ref[0, (NB - 1) * BLK:] = og[BLK:]

    for r in range(NMID):
        qr = q[(r + 1) * BLK:(r + 2) * BLK]
        kband = jnp.concatenate(
            [k_ref[0, pl.ds(idx_ref[r, j] * BLK, BLK), :]
             for j in range(NSLOT)], axis=0)
        s = lax.dot_general(qr, kband, (((1,), (1,)), ((), ())),
                            preferred_element_type=jnp.float32)
        s_ref[r * BLK:(r + 1) * BLK] = s + biasrow_ref[r, 0][None, :]

    for c in range(0, NMID, 2):
        s = s_ref[c * BLK:(c + 2) * BLK]
        e = jnp.exp(s)
        p_ref[c * BLK:(c + 2) * BLK] = (
            e / jnp.sum(e, axis=1, keepdims=True)).astype(jnp.bfloat16)

    for r in range(NMID):
        vband = jnp.concatenate(
            [v_ref[0, pl.ds(idx_ref[r, j] * BLK, BLK), :]
             for j in range(NSLOT)], axis=0)
        acc = lax.dot_general(p_ref[r * BLK:(r + 1) * BLK], vband,
                              (((1,), (0,)), ((), ())),
                              preferred_element_type=jnp.float32)
        o_ref[0, (r + 1) * BLK:(r + 2) * BLK] = acc


@jax.jit
def kernel(query_layer, key_layer, value_layer, attention_mask):
    b, h, sq, d = query_layer.shape
    bh = b * h
    sk = key_layer.shape[2]
    cdt = jnp.bfloat16
    q3 = (query_layer.reshape(bh, sq, d) * SCALE).astype(cdt)
    k3 = key_layer.reshape(bh, sk, d).astype(cdt)
    v3 = value_layer.reshape(bh, sk, d).astype(cdt)
    idx, bias = _routing_tables(attention_mask)
    biasrow = jnp.repeat(bias, BLK, axis=1).reshape(NMID, 1, NSLOT * BLK)

    grid = (bh,)
    bf_spec = pl.BlockSpec((1, sq, d), lambda i: (i, 0, 0))
    smem_spec = pl.BlockSpec(memory_space=pltpu.SMEM)
    biasrow_spec = pl.BlockSpec((NMID, 1, NSLOT * BLK), lambda i: (0, 0, 0))
    out = pl.pallas_call(
        _attn_kernel,
        grid=grid,
        in_specs=[smem_spec, biasrow_spec, bf_spec, bf_spec, bf_spec],
        out_specs=bf_spec,
        out_shape=jax.ShapeDtypeStruct((bh, sq, d), jnp.float32),
        scratch_shapes=[
            pltpu.VMEM((NMID * BLK, NSLOT * BLK), jnp.float32),
            pltpu.VMEM((NMID * BLK, NSLOT * BLK), jnp.bfloat16),
        ],
    )(idx, biasrow, q3, k3, v3)
    return out.reshape(b, h, sq, d)

# --- scband reference (transcript-rebuilt; emitter-appended) ---
"""Pipeline reference for scband-bigbird-simulated-attention-32057635897446 (READ-ONLY COPY).

The authoritative reference and input builder live on the scoring server;
editing this copy changes nothing except your own understanding.
"""

import jax, jax.numpy as jnp
import numpy as np

NUM_HEADS = 16
SIZE_PER_HEAD = 64
NUM_RAND_BLOCKS = 3
FROM_SEQ_LEN = 2048
TO_SEQ_LEN = 2048
FROM_BLOCK = 64
TO_BLOCK = 64
BATCH = 2


def bigbird_block_rand_mask(from_seq_length, to_seq_length, from_block_size, to_block_size, num_rand_blocks, last_idx=-1):
    nfb = from_seq_length // from_block_size
    ntb = to_seq_length // to_block_size
    rand_attn = np.zeros((nfb - 2, num_rand_blocks), dtype=np.int32)
    middle_seq = np.arange(1, ntb - 1, dtype=np.int32)
    last = ntb - 1
    if last_idx > 2 * to_block_size:
        last = last_idx // to_block_size - 1
    r = num_rand_blocks
    for i in range(1, nfb - 1):
        start = i - 2
        end = i
        if i == 1:
            rand_attn[i - 1, :] = np.random.permutation(middle_seq[2:last])[:r]
        elif i == 2:
            rand_attn[i - 1, :] = np.random.permutation(middle_seq[3:last])[:r]
        elif i == nfb - 3:
            rand_attn[i - 1, :] = np.random.permutation(middle_seq[: last - 4])[:r]
        elif i == nfb - 2:
            rand_attn[i - 1, :] = np.random.permutation(middle_seq[: last - 3])[:r]
        else:
            if start > last:
                start = last
                rand_attn[i - 1, :] = np.random.permutation(middle_seq[:start])[:r]
            elif (end + 1) == last:
                rand_attn[i - 1, :] = np.random.permutation(middle_seq[:start])[:r]
            else:
                rand_attn[i - 1, :] = np.random.permutation(
                    np.concatenate((middle_seq[:start], middle_seq[end + 1:last]))
                )[:r]
    return rand_attn


def build_bigbird_mask():
    np.random.seed(0)
    nb = FROM_SEQ_LEN // FROM_BLOCK
    rand_attn = bigbird_block_rand_mask(FROM_SEQ_LEN, TO_SEQ_LEN, FROM_BLOCK, TO_BLOCK, NUM_RAND_BLOCKS)
    block_mask = np.zeros((nb, nb), dtype=np.float32)
    # global attention: first and last block rows/cols
    block_mask[0, :] = 1.0
    block_mask[-1, :] = 1.0
    block_mask[:, 0] = 1.0
    block_mask[:, -1] = 1.0
    # sliding window of 3 blocks
    for i in range(nb):
        for j in range(max(0, i - 1), min(nb, i + 2)):
            block_mask[i, j] = 1.0
    # random blocks
    for i in range(1, nb - 1):
        for j in rand_attn[i - 1]:
            block_mask[i, j] = 1.0
    full_mask = np.kron(block_mask, np.ones((FROM_BLOCK, TO_BLOCK), dtype=np.float32))
    return full_mask


def setup_inputs(seed: int = 0) -> dict:
    key = jax.random.key(seed)
    k1, k2, k3 = jax.random.split(key, 3)
    query_layer = jax.random.normal(k1, (BATCH, NUM_HEADS, FROM_SEQ_LEN, SIZE_PER_HEAD), dtype=jnp.float32)
    key_layer = jax.random.normal(k2, (BATCH, NUM_HEADS, TO_SEQ_LEN, SIZE_PER_HEAD), dtype=jnp.float32)
    value_layer = jax.random.normal(k3, (BATCH, NUM_HEADS, TO_SEQ_LEN, SIZE_PER_HEAD), dtype=jnp.float32)
    attention_mask = jnp.asarray(build_bigbird_mask())
    return {
        "query_layer": query_layer,
        "key_layer": key_layer,
        "value_layer": value_layer,
        "attention_mask": attention_mask,
    }


def reference(query_layer, key_layer, value_layer, attention_mask):
    # BigbirdSimulatedAttention: simulated block-sparse attention via a dense
    # BigBird mask (global + window + random blocks) applied inside
    # OriginalFullAttention.
    d = query_layer.shape[-1]
    scores = jnp.einsum("bhqd,bhkd->bhqk", query_layer, key_layer)
    scores = scores / jnp.sqrt(jnp.asarray(d, dtype=jnp.float32))
    scores = scores + (1.0 - attention_mask)[None, None, :, :] * (-1e9)
    probs = jax.nn.softmax(scores, axis=-1)
    context = jnp.einsum("bhqk,bhkd->bhqd", probs, value_layer)
    return context

if __name__ == "__main__":
    import jax
    _d = setup_inputs()
    print(jax.jit(kernel)(*tuple(_d.values())))

</pallas_src>

<mosaic_0001>
#map = affine_map<(d0, d1) -> (0, 0)>
module attributes {stable_mosaic.version = 14 : i64} {
  func.func @route(%arg0: i32, %arg1: i32, %arg2: memref<32x32xf32, #tpu.memory_space<hbm>>, %arg3: memref<32x16xi32, #tpu.memory_space<hbm>>, %arg4: memref<32x16xf32, #tpu.memory_space<hbm>>, %arg5: memref<32xf32, #tpu.memory_space<vmem>>, %arg6: memref<16xi32, #tpu.memory_space<vmem>>, %arg7: memref<16xf32, #tpu.memory_space<vmem>>) attributes {dimension_semantics = [#tpu.dimension_semantics<core_parallel>, #tpu.dimension_semantics<subcore_parallel>], iteration_bounds = array<i64: 2, 16>, scalar_prefetch = 0 : i64, scratch_operands = 3 : i64, tpu.core_type = #tpu.core_type<sc_vector_subcore>, window_params = [{transform_indices = #map}, {transform_indices = #map}, {transform_indices = #map}]} {
    %mul3A = arith.constant 2 : i32
    %mul3A_0 = arith.muli %arg1, %mul3A : i32
    %add3A = arith.addi %mul3A_0, %arg0 : i32
    "tpu.region"() ({
      %run_scoped3A = tpu.sem_alloc : memref<!tpu.dma_semaphore, #tpu.memory_space<semaphore_mem>>
      %dma_start3A = arith.constant 0 : i32
      %dma_start3A_364 = tpu.memref_slice %arg2[%add3A, %dma_start3A] : memref<32x32xf32, #tpu.memory_space<hbm>> -> memref<1x32xf32, #tpu.memory_space<hbm>>
      %dma_start3A_365 = tpu.memref_squeeze %dma_start3A_364 : memref<1x32xf32, #tpu.memory_space<hbm>> -> memref<32xf32, #tpu.memory_space<hbm>>
      %dma_start3A_366 = arith.constant 0 : i32
      %dma_start3A_367 = tpu.memref_slice %arg2[%add3A, %dma_start3A_366] : memref<32x32xf32, #tpu.memory_space<hbm>> -> memref<1x32xf32, #tpu.memory_space<hbm>>
      %dma_start3A_368 = tpu.memref_squeeze %dma_start3A_367 : memref<1x32xf32, #tpu.memory_space<hbm>> -> memref<32xf32, #tpu.memory_space<hbm>>
      tpu.enqueue_dma source(%dma_start3A_368 : memref<32xf32, #tpu.memory_space<hbm>>) target(%arg5 : memref<32xf32, #tpu.memory_space<vmem>>) target_semaphore(%run_scoped3A : memref<!tpu.dma_semaphore, #tpu.memory_space<semaphore_mem>>)
      %dma_wait3A = arith.constant 0 : i32
      %dma_wait3A_369 = tpu.memref_slice %arg2[%add3A, %dma_wait3A] : memref<32x32xf32, #tpu.memory_space<hbm>> -> memref<1x32xf32, #tpu.memory_space<hbm>>
      %dma_wait3A_370 = tpu.memref_squeeze %dma_wait3A_369 : memref<1x32xf32, #tpu.memory_space<hbm>> -> memref<32xf32, #tpu.memory_space<hbm>>
      %dma_wait3A_371 = arith.constant 0 : i32
      %dma_wait3A_372 = tpu.memref_slice %arg2[%add3A, %dma_wait3A_371] : memref<32x32xf32, #tpu.memory_space<hbm>> -> memref<1x32xf32, #tpu.memory_space<hbm>>
      %dma_wait3A_373 = tpu.memref_squeeze %dma_wait3A_372 : memref<1x32xf32, #tpu.memory_space<hbm>> -> memref<32xf32, #tpu.memory_space<hbm>>
      tpu.wait_dma2 semaphore(%run_scoped3A : memref<!tpu.dma_semaphore, #tpu.memory_space<semaphore_mem>>) src(%dma_wait3A_373 : memref<32xf32, #tpu.memory_space<hbm>>) dst(%arg5 : memref<32xf32, #tpu.memory_space<vmem>>)
      tpu.yield
    }) : () -> ()
    %get3A = arith.constant 0 : index
    %get3A_1 = tpu.vector_load %arg5[%get3A] {strides = array<i32>} : memref<32xf32, #tpu.memory_space<vmem>>, vector<16xf32>,
    %get3A_2 = arith.constant 16 : index
    %get3A_3 = tpu.vector_load %arg5[%get3A_2] {strides = array<i32>} : memref<32xf32, #tpu.memory_space<vmem>>, vector<16xf32>,
    %gt3A = arith.constant 0.000000e+00 : f32
    %gt3A_4 = vector.broadcast %gt3A : f32 to vector<16xf32>
    %gt3A_5 = arith.cmpf ogt, %get3A_1, %gt3A_4 : vector<16xf32>
    %gt3A_6 = arith.constant 0.000000e+00 : f32
    %gt3A_7 = vector.broadcast %gt3A_6 : f32 to vector<16xf32>
    %gt3A_8 = arith.cmpf ogt, %get3A_3, %gt3A_7 : vector<16xf32>
    %convert_element_type3A = arith.extui %gt3A_5 : vector<16xi1> to vector<16xi32>
    %cumsum3A = arith.constant true
    %cumsum3A_9 = vector.broadcast %cumsum3A : i1 to vector<16xi1>
    %cumsum3A_10 = tpu.scan <sum>, %convert_element_type3A masked %cumsum3A_9 : vector<16xi32>, vector<16xi1> -> vector<16xi32>
    %convert_element_type3A_11 = arith.extui %gt3A_8 : vector<16xi1> to vector<16xi32>
    %cumsum3A_12 = arith.constant true
    %cumsum3A_13 = vector.broadcast %cumsum3A_12 : i1 to vector<16xi1>
    %cumsum3A_14 = tpu.scan <sum>, %convert_element_type3A_11 masked %cumsum3A_13 : vector<16xi32>, vector<16xi1> -> vector<16xi32>
    %convert_element_type3A_15 = arith.extui %gt3A_5 : vector<16xi1> to vector<16xi32>
    %reduce_sum3A = arith.constant true
    %reduce_sum3A_16 = vector.broadcast %reduce_sum3A : i1 to vector<16xi1>
    %reduce_sum3A_17 = tpu.scan <sum>, %convert_element_type3A_15 masked %reduce_sum3A_16 : vector<16xi32>, vector<16xi1> -> vector<16xi32>
    %reduce_sum3A_18 = vector.extract %reduce_sum3A_17[15] : i32 from vector<16xi32>
    %add3A_19 = vector.broadcast %reduce_sum3A_18 : i32 to vector<16xi32>
    %add3A_20 = arith.addi %cumsum3A_14, %add3A_19 : vector<16xi32>
    %iota3A = tpu.iota {dimensions = array<i32: 0>} : vector<16xi32>
    %add3A_21 = arith.constant 16 : i32
    %add3A_22 = vector.broadcast %add3A_21 : i32 to vector<16xi32>
    %add3A_23 = arith.addi %iota3A, %add3A_22 : vector<16xi32>
    %broadcast_in_dim3A = arith.constant 0 : i32
    %broadcast_in_dim3A_24 = vector.broadcast %broadcast_in_dim3A : i32 to vector<16xi32>
    %broadcast_in_dim3A_25 = arith.constant 0 : i32
    %broadcast_in_dim3A_26 = vector.broadcast %broadcast_in_dim3A_25 : i32 to vector<16xi32>
    %broadcast_in_dim3A_27 = arith.constant 0.000000e+00 : f32
    %broadcast_in_dim3A_28 = vector.broadcast %broadcast_in_dim3A_27 : f32 to vector<16xf32>
    %eq3A = arith.constant 1 : i32
    %eq3A_29 = vector.broadcast %eq3A : i32 to vector<16xi32>
    %eq3A_30 = arith.cmpi eq, %cumsum3A_10, %eq3A_29 : vector<16xi32>
    %and3A = arith.andi %gt3A_5, %eq3A_30 : vector<16xi1>
    %eq3A_31 = arith.constant 1 : i32
    %eq3A_32 = vector.broadcast %eq3A_31 : i32 to vector<16xi32>
    %eq3A_33 = arith.cmpi eq, %add3A_20, %eq3A_32 : vector<16xi32>
    %and3A_34 = arith.andi %gt3A_8, %eq3A_33 : vector<16xi1>
    %select_n3A = arith.select %and3A, %iota3A, %broadcast_in_dim3A_24 : vector<16xi1>, vector<16xi32>
    %reduce_sum3A_35 = arith.constant true
    %reduce_sum3A_36 = vector.broadcast %reduce_sum3A_35 : i1 to vector<16xi1>
    %reduce_sum3A_37 = tpu.scan <sum>, %select_n3A masked %reduce_sum3A_36 : vector<16xi32>, vector<16xi1> -> vector<16xi32>
    %reduce_sum3A_38 = vector.extract %reduce_sum3A_37[15] : i32 from vector<16xi32>
    %select_n3A_39 = arith.select %and3A_34, %add3A_23, %broadcast_in_dim3A_24 : vector<16xi1>, vector<16xi32>
    %reduce_sum3A_40 = arith.constant true
    %reduce_sum3A_41 = vector.broadcast %reduce_sum3A_40 : i1 to vector<16xi1>
    %reduce_sum3A_42 = tpu.scan <sum>, %select_n3A_39 masked %reduce_sum3A_41 : vector<16xi32>, vector<16xi1> -> vector<16xi32>
    %reduce_sum3A_43 = vector.extract %reduce_sum3A_42[15] : i32 from vector<16xi32>
    %add3A_44 = arith.addi %reduce_sum3A_38, %reduce_sum3A_43 : i32
    %convert_element_type3A_45 = arith.extui %and3A : vector<16xi1> to vector<16xi32>
    %reduce_sum3A_46 = arith.constant true
    %reduce_sum3A_47 = vector.broadcast %reduce_sum3A_46 : i1 to vector<16xi1>
    %reduce_sum3A_48 = tpu.scan <sum>, %convert_element_type3A_45 masked %reduce_sum3A_47 : vector<16xi32>, vector<16xi1> -> vector<16xi32>
    %reduce_sum3A_49 = vector.extract %reduce_sum3A_48[15] : i32 from vector<16xi32>
    %convert_element_type3A_50 = arith.extui %and3A_34 : vector<16xi1> to vector<16xi32>
    %reduce_sum3A_51 = arith.constant true
    %reduce_sum3A_52 = vector.broadcast %reduce_sum3A_51 : i1 to vector<16xi1>
    %reduce_sum3A_53 = tpu.scan <sum>, %convert_element_type3A_50 masked %reduce_sum3A_52 : vector<16xi32>, vector<16xi1> -> vector<16xi32>
    %reduce_sum3A_54 = vector.extract %reduce_sum3A_53[15] : i32 from vector<16xi32>
    %add3A_55 = arith.addi %reduce_sum3A_49, %reduce_sum3A_54 : i32
    %gt3A_56 = arith.constant 0 : i32
    %gt3A_57 = arith.cmpi sgt, %add3A_55, %gt3A_56 : i32
    %jit3A = arith.constant 0.000000e+00 : f32
    %jit3A_58 = arith.constant -1.000000e+09 : f32
    %select_n3A_59 = arith.select %gt3A_57, %jit3A, %jit3A_58 : f32
    %eq3A_60 = arith.constant 0 : i32
    %eq3A_61 = vector.broadcast %eq3A_60 : i32 to vector<16xi32>
    %eq3A_62 = arith.cmpi eq, %iota3A, %eq3A_61 : vector<16xi32>
    %broadcast_in_dim3A_63 = vector.broadcast %add3A_44 : i32 to vector<16xi32>
    %select_n3A_64 = arith.select %eq3A_62, %broadcast_in_dim3A_63, %broadcast_in_dim3A_26 : vector<16xi1>, vector<16xi32>
    %broadcast_in_dim3A_65 = vector.broadcast %select_n3A_59 : f32 to vector<16xf32>
    %select_n3A_66 = arith.select %eq3A_62, %broadcast_in_dim3A_65, %broadcast_in_dim3A_28 : vector<16xi1>, vector<16xf32>
    %eq3A_67 = arith.constant 2 : i32
    %eq3A_68 = vector.broadcast %eq3A_67 : i32 to vector<16xi32>
    %eq3A_69 = arith.cmpi eq, %cumsum3A_10, %eq3A_68 : vector<16xi32>
    %and3A_70 = arith.andi %gt3A_5, %eq3A_69 : vector<16xi1>
    %eq3A_71 = arith.constant 2 : i32
    %eq3A_72 = vector.broadcast %eq3A_71 : i32 to vector<16xi32>
    %eq3A_73 = arith.cmpi eq, %add3A_20, %eq3A_72 : vector<16xi32>
    %and3A_74 = arith.andi %gt3A_8, %eq3A_73 : vector<16xi1>
    %select_n3A_75 = arith.select %and3A_70, %iota3A, %broadcast_in_dim3A_24 : vector<16xi1>, vector<16xi32>
    %reduce_sum3A_76 = arith.constant true
    %reduce_sum3A_77 = vector.broadcast %reduce_sum3A_76 : i1 to vector<16xi1>
    %reduce_sum3A_78 = tpu.scan <sum>, %select_n3A_75 masked %reduce_sum3A_77 : vector<16xi32>, vector<16xi1> -> vector<16xi32>
    %reduce_sum3A_79 = vector.extract %reduce_sum3A_78[15] : i32 from vector<16xi32>
    %select_n3A_80 = arith.select %and3A_74, %add3A_23, %broadcast_in_dim3A_24 : vector<16xi1>, vector<16xi32>
    %reduce_sum3A_81 = arith.constant true
    %reduce_sum3A_82 = vector.broadcast %reduce_sum3A_81 : i1 to vector<16xi1>
    %reduce_sum3A_83 = tpu.scan <sum>, %select_n3A_80 masked %reduce_sum3A_82 : vector<16xi32>, vector<16xi1> -> vector<16xi32>
    %reduce_sum3A_84 = vector.extract %reduce_sum3A_83[15] : i32 from vector<16xi32>
    %add3A_85 = arith.addi %reduce_sum3A_79, %reduce_sum3A_84 : i32
    %convert_element_type3A_86 = arith.extui %and3A_70 : vector<16xi1> to vector<16xi32>
    %reduce_sum3A_87 = arith.constant true
    %reduce_sum3A_88 = vector.broadcast %reduce_sum3A_87 : i1 to vector<16xi1>
    %reduce_sum3A_89 = tpu.scan <sum>, %convert_element_type3A_86 masked %reduce_sum3A_88 : vector<16xi32>, vector<16xi1> -> vector<16xi32>
    %reduce_sum3A_90 = vector.extract %reduce_sum3A_89[15] : i32 from vector<16xi32>
    %convert_element_type3A_91 = arith.extui %and3A_74 : vector<16xi1> to vector<16xi32>
    %reduce_sum3A_92 = arith.constant true
    %reduce_sum3A_93 = vector.broadcast %reduce_sum3A_92 : i1 to vector<16xi1>
    %reduce_sum3A_94 = tpu.scan <sum>, %convert_element_type3A_91 masked %reduce_sum3A_93 : vector<16xi32>, vector<16xi1> -> vector<16xi32>
    %reduce_sum3A_95 = vector.extract %reduce_sum3A_94[15] : i32 from vector<16xi32>
    %add3A_96 = arith.addi %reduce_sum3A_90, %reduce_sum3A_95 : i32
    %gt3A_97 = arith.constant 0 : i32
    %gt3A_98 = arith.cmpi sgt, %add3A_96, %gt3A_97 : i32
    %jit3A_99 = arith.constant 0.000000e+00 : f32
    %jit3A_100 = arith.constant -1.000000e+09 : f32
    %select_n3A_101 = arith.select %gt3A_98, %jit3A_99, %jit3A_100 : f32
    %eq3A_102 = arith.constant 1 : i32
    %eq3A_103 = vector.broadcast %eq3A_102 : i32 to vector<16xi32>
    %eq3A_104 = arith.cmpi eq, %iota3A, %eq3A_103 : vector<16xi32>
    %broadcast_in_dim3A_105 = vector.broadcast %add3A_85 : i32 to vector<16xi32>
    %select_n3A_106 = arith.select %eq3A_104, %broadcast_in_dim3A_105, %select_n3A_64 : vector<16xi1>, vector<16xi32>
    %broadcast_in_dim3A_107 = vector.broadcast %select_n3A_101 : f32 to vector<16xf32>
    %select_n3A_108 = arith.select %eq3A_104, %broadcast_in_dim3A_107, %select_n3A_66 : vector<16xi1>, vector<16xf32>
    %eq3A_109 = arith.constant 3 : i32
    %eq3A_110 = vector.broadcast %eq3A_109 : i32 to vector<16xi32>
    %eq3A_111 = arith.cmpi eq, %cumsum3A_10, %eq3A_110 : vector<16xi32>
    %and3A_112 = arith.andi %gt3A_5, %eq3A_111 : vector<16xi1>
    %eq3A_113 = arith.constant 3 : i32
    %eq3A_114 = vector.broadcast %eq3A_113 : i32 to vector<16xi32>
    %eq3A_115 = arith.cmpi eq, %add3A_20, %eq3A_114 : vector<16xi32>
    %and3A_116 = arith.andi %gt3A_8, %eq3A_115 : vector<16xi1>
    %select_n3A_117 = arith.select %and3A_112, %iota3A, %broadcast_in_dim3A_24 : vector<16xi1>, vector<16xi32>
    %reduce_sum3A_118 = arith.constant true
    %reduce_sum3A_119 = vector.broadcast %reduce_sum3A_118 : i1 to vector<16xi1>
    %reduce_sum3A_120 = tpu.scan <sum>, %select_n3A_117 masked %reduce_sum3A_119 : vector<16xi32>, vector<16xi1> -> vector<16xi32>
    %reduce_sum3A_121 = vector.extract %reduce_sum3A_120[15] : i32 from vector<16xi32>
    %select_n3A_122 = arith.select %and3A_116, %add3A_23, %broadcast_in_dim3A_24 : vector<16xi1>, vector<16xi32>
    %reduce_sum3A_123 = arith.constant true
    %reduce_sum3A_124 = vector.broadcast %reduce_sum3A_123 : i1 to vector<16xi1>
    %reduce_sum3A_125 = tpu.scan <sum>, %select_n3A_122 masked %reduce_sum3A_124 : vector<16xi32>, vector<16xi1> -> vector<16xi32>
    %reduce_sum3A_126 = vector.extract %reduce_sum3A_125[15] : i32 from vector<16xi32>
    %add3A_127 = arith.addi %reduce_sum3A_121, %reduce_sum3A_126 : i32
    %convert_element_type3A_128 = arith.extui %and3A_112 : vector<16xi1> to vector<16xi32>
    %reduce_sum3A_129 = arith.constant true
    %reduce_sum3A_130 = vector.broadcast %reduce_sum3A_129 : i1 to vector<16xi1>
    %reduce_sum3A_131 = tpu.scan <sum>, %convert_element_type3A_128 masked %reduce_sum3A_130 : vector<16xi32>, vector<16xi1> -> vector<16xi32>
    %reduce_sum3A_132 = vector.extract %reduce_sum3A_131[15] : i32 from vector<16xi32>
    %convert_element_type3A_133 = arith.extui %and3A_116 : vector<16xi1> to vector<16xi32>
    %reduce_sum3A_134 = arith.constant true
    %reduce_sum3A_135 = vector.broadcast %reduce_sum3A_134 : i1 to vector<16xi1>
    %reduce_sum3A_136 = tpu.scan <sum>, %convert_element_type3A_133 masked %reduce_sum3A_135 : vector<16xi32>, vector<16xi1> -> vector<16xi32>
    %reduce_sum3A_137 = vector.extract %reduce_sum3A_136[15] : i32 from vector<16xi32>
    %add3A_138 = arith.addi %reduce_sum3A_132, %reduce_sum3A_137 : i32
    %gt3A_139 = arith.constant 0 : i32
    %gt3A_140 = arith.cmpi sgt, %add3A_138, %gt3A_139 : i32
    %jit3A_141 = arith.constant 0.000000e+00 : f32
    %jit3A_142 = arith.constant -1.000000e+09 : f32
    %select_n3A_143 = arith.select %gt3A_140, %jit3A_141, %jit3A_142 : f32
    %eq3A_144 = arith.constant 2 : i32
    %eq3A_145 = vector.broadcast %eq3A_144 : i32 to vector<16xi32>
    %eq3A_146 = arith.cmpi eq, %iota3A, %eq3A_145 : vector<16xi32>
    %broadcast_in_dim3A_147 = vector.broadcast %add3A_127 : i32 to vector<16xi32>
    %select_n3A_148 = arith.select %eq3A_146, %broadcast_in_dim3A_147, %select_n3A_106 : vector<16xi1>, vector<16xi32>
    %broadcast_in_dim3A_149 = vector.broadcast %select_n3A_143 : f32 to vector<16xf32>
    %select_n3A_150 = arith.select %eq3A_146, %broadcast_in_dim3A_149, %select_n3A_108 : vector<16xi1>, vector<16xf32>
    %eq3A_151 = arith.constant 4 : i32
    %eq3A_152 = vector.broadcast %eq3A_151 : i32 to vector<16xi32>
    %eq3A_153 = arith.cmpi eq, %cumsum3A_10, %eq3A_152 : vector<16xi32>
    %and3A_154 = arith.andi %gt3A_5, %eq3A_153 : vector<16xi1>
    %eq3A_155 = arith.constant 4 : i32
    %eq3A_156 = vector.broadcast %eq3A_155 : i32 to vector<16xi32>
    %eq3A_157 = arith.cmpi eq, %add3A_20, %eq3A_156 : vector<16xi32>
    %and3A_158 = arith.andi %gt3A_8, %eq3A_157 : vector<16xi1>
    %select_n3A_159 = arith.select %and3A_154, %iota3A, %broadcast_in_dim3A_24 : vector<16xi1>, vector<16xi32>
    %reduce_sum3A_160 = arith.constant true
    %reduce_sum3A_161 = vector.broadcast %reduce_sum3A_160 : i1 to vector<16xi1>
    %reduce_sum3A_162 = tpu.scan <sum>, %select_n3A_159 masked %reduce_sum3A_161 : vector<16xi32>, vector<16xi1> -> vector<16xi32>
    %reduce_sum3A_163 = vector.extract %reduce_sum3A_162[15] : i32 from vector<16xi32>
    %select_n3A_164 = arith.select %and3A_158, %add3A_23, %broadcast_in_dim3A_24 : vector<16xi1>, vector<16xi32>
    %reduce_sum3A_165 = arith.constant true
    %reduce_sum3A_166 = vector.broadcast %reduce_sum3A_165 : i1 to vector<16xi1>
    %reduce_sum3A_167 = tpu.scan <sum>, %select_n3A_164 masked %reduce_sum3A_166 : vector<16xi32>, vector<16xi1> -> vector<16xi32>
    %reduce_sum3A_168 = vector.extract %reduce_sum3A_167[15] : i32 from vector<16xi32>
    %add3A_169 = arith.addi %reduce_sum3A_163, %reduce_sum3A_168 : i32
    %convert_element_type3A_170 = arith.extui %and3A_154 : vector<16xi1> to vector<16xi32>
    %reduce_sum3A_171 = arith.constant true
    %reduce_sum3A_172 = vector.broadcast %reduce_sum3A_171 : i1 to vector<16xi1>
    %reduce_sum3A_173 = tpu.scan <sum>, %convert_element_type3A_170 masked %reduce_sum3A_172 : vector<16xi32>, vector<16xi1> -> vector<16xi32>
    %reduce_sum3A_174 = vector.extract %reduce_sum3A_173[15] : i32 from vector<16xi32>
    %convert_element_type3A_175 = arith.extui %and3A_158 : vector<16xi1> to vector<16xi32>
    %reduce_sum3A_176 = arith.constant true
    %reduce_sum3A_177 = vector.broadcast %reduce_sum3A_176 : i1 to vector<16xi1>
    %reduce_sum3A_178 = tpu.scan <sum>, %convert_element_type3A_175 masked %reduce_sum3A_177 : vector<16xi32>, vector<16xi1> -> vector<16xi32>
    %reduce_sum3A_179 = vector.extract %reduce_sum3A_178[15] : i32 from vector<16xi32>
    %add3A_180 = arith.addi %reduce_sum3A_174, %reduce_sum3A_179 : i32
    %gt3A_181 = arith.constant 0 : i32
    %gt3A_182 = arith.cmpi sgt, %add3A_180, %gt3A_181 : i32
    %jit3A_183 = arith.constant 0.000000e+00 : f32
    %jit3A_184 = arith.constant -1.000000e+09 : f32
    %select_n3A_185 = arith.select %gt3A_182, %jit3A_183, %jit3A_184 : f32
    %eq3A_186 = arith.constant 3 : i32
    %eq3A_187 = vector.broadcast %eq3A_186 : i32 to vector<16xi32>
    %eq3A_188 = arith.cmpi eq, %iota3A, %eq3A_187 : vector<16xi32>
    %broadcast_in_dim3A_189 = vector.broadcast %add3A_169 : i32 to vector<16xi32>
    %select_n3A_190 = arith.select %eq3A_188, %broadcast_in_dim3A_189, %select_n3A_148 : vector<16xi1>, vector<16xi32>
    %broadcast_in_dim3A_191 = vector.broadcast %select_n3A_185 : f32 to vector<16xf32>
    %select_n3A_192 = arith.select %eq3A_188, %broadcast_in_dim3A_191, %select_n3A_150 : vector<16xi1>, vector<16xf32>
    %eq3A_193 = arith.constant 5 : i32
    %eq3A_194 = vector.broadcast %eq3A_193 : i32 to vector<16xi32>
    %eq3A_195 = arith.cmpi eq, %cumsum3A_10, %eq3A_194 : vector<16xi32>
    %and3A_196 = arith.andi %gt3A_5, %eq3A_195 : vector<16xi1>
    %eq3A_197 = arith.constant 5 : i32
    %eq3A_198 = vector.broadcast %eq3A_197 : i32 to vector<16xi32>
    %eq3A_199 = arith.cmpi eq, %add3A_20, %eq3A_198 : vector<16xi32>
    %and3A_200 = arith.andi %gt3A_8, %eq3A_199 : vector<16xi1>
    %select_n3A_201 = arith.select %and3A_196, %iota3A, %broadcast_in_dim3A_24 : vector<16xi1>, vector<16xi32>
    %reduce_sum3A_202 = arith.constant true
    %reduce_sum3A_203 = vector.broadcast %reduce_sum3A_202 : i1 to vector<16xi1>
    %reduce_sum3A_204 = tpu.scan <sum>, %select_n3A_201 masked %reduce_sum3A_203 : vector<16xi32>, vector<16xi1> -> vector<16xi32>
    %reduce_sum3A_205 = vector.extract %reduce_sum3A_204[15] : i32 from vector<16xi32>
    %select_n3A_206 = arith.select %and3A_200, %add3A_23, %broadcast_in_dim3A_24 : vector<16xi1>, vector<16xi32>
    %reduce_sum3A_207 = arith.constant true
    %reduce_sum3A_208 = vector.broadcast %reduce_sum3A_207 : i1 to vector<16xi1>
    %reduce_sum3A_209 = tpu.scan <sum>, %select_n3A_206 masked %reduce_sum3A_208 : vector<16xi32>, vector<16xi1> -> vector<16xi32>
    %reduce_sum3A_210 = vector.extract %reduce_sum3A_209[15] : i32 from vector<16xi32>
    %add3A_211 = arith.addi %reduce_sum3A_205, %reduce_sum3A_210 : i32
    %convert_element_type3A_212 = arith.extui %and3A_196 : vector<16xi1> to vector<16xi32>
    %reduce_sum3A_213 = arith.constant true
    %reduce_sum3A_214 = vector.broadcast %reduce_sum3A_213 : i1 to vector<16xi1>
    %reduce_sum3A_215 = tpu.scan <sum>, %convert_element_type3A_212 masked %reduce_sum3A_214 : vector<16xi32>, vector<16xi1> -> vector<16xi32>
    %reduce_sum3A_216 = vector.extract %reduce_sum3A_215[15] : i32 from vector<16xi32>
    %convert_element_type3A_217 = arith.extui %and3A_200 : vector<16xi1> to vector<16xi32>
    %reduce_sum3A_218 = arith.constant true
    %reduce_sum3A_219 = vector.broadcast %reduce_sum3A_218 : i1 to vector<16xi1>
    %reduce_sum3A_220 = tpu.scan <sum>, %convert_element_type3A_217 masked %reduce_sum3A_219 : vector<16xi32>, vector<16xi1> -> vector<16xi32>
    %reduce_sum3A_221 = vector.extract %reduce_sum3A_220[15] : i32 from vector<16xi32>
    %add3A_222 = arith.addi %reduce_sum3A_216, %reduce_sum3A_221 : i32
    %gt3A_223 = arith.constant 0 : i32
    %gt3A_224 = arith.cmpi sgt, %add3A_222, %gt3A_223 : i32
    %jit3A_225 = arith.constant 0.000000e+00 : f32
    %jit3A_226 = arith.constant -1.000000e+09 : f32
    %select_n3A_227 = arith.select %gt3A_224, %jit3A_225, %jit3A_226 : f32
    %eq3A_228 = arith.constant 4 : i32
    %eq3A_229 = vector.broadcast %eq3A_228 : i32 to vector<16xi32>
    %eq3A_230 = arith.cmpi eq, %iota3A, %eq3A_229 : vector<16xi32>
    %broadcast_in_dim3A_231 = vector.broadcast %add3A_211 : i32 to vector<16xi32>
    %select_n3A_232 = arith.select %eq3A_230, %broadcast_in_dim3A_231, %select_n3A_190 : vector<16xi1>, vector<16xi32>
    %broadcast_in_dim3A_233 = vector.broadcast %select_n3A_227 : f32 to vector<16xf32>
    %select_n3A_234 = arith.select %eq3A_230, %broadcast_in_dim3A_233, %select_n3A_192 : vector<16xi1>, vector<16xf32>
    %eq3A_235 = arith.constant 6 : i32
    %eq3A_236 = vector.broadcast %eq3A_235 : i32 to vector<16xi32>
    %eq3A_237 = arith.cmpi eq, %cumsum3A_10, %eq3A_236 : vector<16xi32>
    %and3A_238 = arith.andi %gt3A_5, %eq3A_237 : vector<16xi1>
    %eq3A_239 = arith.constant 6 : i32
    %eq3A_240 = vector.broadcast %eq3A_239 : i32 to vector<16xi32>
    %eq3A_241 = arith.cmpi eq, %add3A_20, %eq3A_240 : vector<16xi32>
    %and3A_242 = arith.andi %gt3A_8, %eq3A_241 : vector<16xi1>
    %select_n3A_243 = arith.select %and3A_238, %iota3A, %broadcast_in_dim3A_24 : vector<16xi1>, vector<16xi32>
    %reduce_sum3A_244 = arith.constant true
    %reduce_sum3A_245 = vector.broadcast %reduce_sum3A_244 : i1 to vector<16xi1>
    %reduce_sum3A_246 = tpu.scan <sum>, %select_n3A_243 masked %reduce_sum3A_245 : vector<16xi32>, vector<16xi1> -> vector<16xi32>
    %reduce_sum3A_247 = vector.extract %reduce_sum3A_246[15] : i32 from vector<16xi32>
    %select_n3A_248 = arith.select %and3A_242, %add3A_23, %broadcast_in_dim3A_24 : vector<16xi1>, vector<16xi32>
    %reduce_sum3A_249 = arith.constant true
    %reduce_sum3A_250 = vector.broadcast %reduce_sum3A_249 : i1 to vector<16xi1>
    %reduce_sum3A_251 = tpu.scan <sum>, %select_n3A_248 masked %reduce_sum3A_250 : vector<16xi32>, vector<16xi1> -> vector<16xi32>
    %reduce_sum3A_252 = vector.extract %reduce_sum3A_251[15] : i32 from vector<16xi32>
    %add3A_253 = arith.addi %reduce_sum3A_247, %reduce_sum3A_252 : i32
    %convert_element_type3A_254 = arith.extui %and3A_238 : vector<16xi1> to vector<16xi32>
    %reduce_sum3A_255 = arith.constant true
    %reduce_sum3A_256 = vector.broadcast %reduce_sum3A_255 : i1 to vector<16xi1>
    %reduce_sum3A_257 = tpu.scan <sum>, %convert_element_type3A_254 masked %reduce_sum3A_256 : vector<16xi32>, vector<16xi1> -> vector<16xi32>
    %reduce_sum3A_258 = vector.extract %reduce_sum3A_257[15] : i32 from vector<16xi32>
    %convert_element_type3A_259 = arith.extui %and3A_242 : vector<16xi1> to vector<16xi32>
    %reduce_sum3A_260 = arith.constant true
    %reduce_sum3A_261 = vector.broadcast %reduce_sum3A_260 : i1 to vector<16xi1>
    %reduce_sum3A_262 = tpu.scan <sum>, %convert_element_type3A_259 masked %reduce_sum3A_261 : vector<16xi32>, vector<16xi1> -> vector<16xi32>
    %reduce_sum3A_263 = vector.extract %reduce_sum3A_262[15] : i32 from vector<16xi32>
    %add3A_264 = arith.addi %reduce_sum3A_258, %reduce_sum3A_263 : i32
    %gt3A_265 = arith.constant 0 : i32
    %gt3A_266 = arith.cmpi sgt, %add3A_264, %gt3A_265 : i32
    %jit3A_267 = arith.constant 0.000000e+00 : f32
    %jit3A_268 = arith.constant -1.000000e+09 : f32
    %select_n3A_269 = arith.select %gt3A_266, %jit3A_267, %jit3A_268 : f32
    %eq3A_270 = arith.constant 5 : i32
    %eq3A_271 = vector.broadcast %eq3A_270 : i32 to vector<16xi32>
    %eq3A_272 = arith.cmpi eq, %iota3A, %eq3A_271 : vector<16xi32>
    %broadcast_in_dim3A_273 = vector.broadcast %add3A_253 : i32 to vector<16xi32>
    %select_n3A_274 = arith.select %eq3A_272, %broadcast_in_dim3A_273, %select_n3A_232 : vector<16xi1>, vector<16xi32>
    %broadcast_in_dim3A_275 = vector.broadcast %select_n3A_269 : f32 to vector<16xf32>
    %select_n3A_276 = arith.select %eq3A_272, %broadcast_in_dim3A_275, %select_n3A_234 : vector<16xi1>, vector<16xf32>
    %eq3A_277 = arith.constant 7 : i32
    %eq3A_278 = vector.broadcast %eq3A_277 : i32 to vector<16xi32>
    %eq3A_279 = arith.cmpi eq, %cumsum3A_10, %eq3A_278 : vector<16xi32>
    %and3A_280 = arith.andi %gt3A_5, %eq3A_279 : vector<16xi1>
    %eq3A_281 = arith.constant 7 : i32
    %eq3A_282 = vector.broadcast %eq3A_281 : i32 to vector<16xi32>
    %eq3A_283 = arith.cmpi eq, %add3A_20, %eq3A_282 : vector<16xi32>
    %and3A_284 = arith.andi %gt3A_8, %eq3A_283 : vector<16xi1>
    %select_n3A_285 = arith.select %and3A_280, %iota3A, %broadcast_in_dim3A_24 : vector<16xi1>, vector<16xi32>
    %reduce_sum3A_286 = arith.constant true
    %reduce_sum3A_287 = vector.broadcast %reduce_sum3A_286 : i1 to vector<16xi1>
    %reduce_sum3A_288 = tpu.scan <sum>, %select_n3A_285 masked %reduce_sum3A_287 : vector<16xi32>, vector<16xi1> -> vector<16xi32>
    %reduce_sum3A_289 = vector.extract %reduce_sum3A_288[15] : i32 from vector<16xi32>
    %select_n3A_290 = arith.select %and3A_284, %add3A_23, %broadcast_in_dim3A_24 : vector<16xi1>, vector<16xi32>
    %reduce_sum3A_291 = arith.constant true
    %reduce_sum3A_292 = vector.broadcast %reduce_sum3A_291 : i1 to vector<16xi1>
    %reduce_sum3A_293 = tpu.scan <sum>, %select_n3A_290 masked %reduce_sum3A_292 : vector<16xi32>, vector<16xi1> -> vector<16xi32>
    %reduce_sum3A_294 = vector.extract %reduce_sum3A_293[15] : i32 from vector<16xi32>
    %add3A_295 = arith.addi %reduce_sum3A_289, %reduce_sum3A_294 : i32
    %convert_element_type3A_296 = arith.extui %and3A_280 : vector<16xi1> to vector<16xi32>
    %reduce_sum3A_297 = arith.constant true
    %reduce_sum3A_298 = vector.broadcast %reduce_sum3A_297 : i1 to vector<16xi1>
    %reduce_sum3A_299 = tpu.scan <sum>, %convert_element_type3A_296 masked %reduce_sum3A_298 : vector<16xi32>, vector<16xi1> -> vector<16xi32>
    %reduce_sum3A_300 = vector.extract %reduce_sum3A_299[15] : i32 from vector<16xi32>
    %convert_element_type3A_301 = arith.extui %and3A_284 : vector<16xi1> to vector<16xi32>
    %reduce_sum3A_302 = arith.constant true
    %reduce_sum3A_303 = vector.broadcast %reduce_sum3A_302 : i1 to vector<16xi1>
    %reduce_sum3A_304 = tpu.scan <sum>, %convert_element_type3A_301 masked %reduce_sum3A_303 : vector<16xi32>, vector<16xi1> -> vector<16xi32>
    %reduce_sum3A_305 = vector.extract %reduce_sum3A_304[15] : i32 from vector<16xi32>
    %add3A_306 = arith.addi %reduce_sum3A_300, %reduce_sum3A_305 : i32
    %gt3A_307 = arith.constant 0 : i32
    %gt3A_308 = arith.cmpi sgt, %add3A_306, %gt3A_307 : i32
    %jit3A_309 = arith.constant 0.000000e+00 : f32
    %jit3A_310 = arith.constant -1.000000e+09 : f32
    %select_n3A_311 = arith.select %gt3A_308, %jit3A_309, %jit3A_310 : f32
    %eq3A_312 = arith.constant 6 : i32
    %eq3A_313 = vector.broadcast %eq3A_312 : i32 to vector<16xi32>
    %eq3A_314 = arith.cmpi eq, %iota3A, %eq3A_313 : vector<16xi32>
    %broadcast_in_dim3A_315 = vector.broadcast %add3A_295 : i32 to vector<16xi32>
    %select_n3A_316 = arith.select %eq3A_314, %broadcast_in_dim3A_315, %select_n3A_274 : vector<16xi1>, vector<16xi32>
    %broadcast_in_dim3A_317 = vector.broadcast %select_n3A_311 : f32 to vector<16xf32>
    %select_n3A_318 = arith.select %eq3A_314, %broadcast_in_dim3A_317, %select_n3A_276 : vector<16xi1>, vector<16xf32>
    %eq3A_319 = arith.constant 8 : i32
    %eq3A_320 = vector.broadcast %eq3A_319 : i32 to vector<16xi32>
    %eq3A_321 = arith.cmpi eq, %cumsum3A_10, %eq3A_320 : vector<16xi32>
    %and3A_322 = arith.andi %gt3A_5, %eq3A_321 : vector<16xi1>
    %eq3A_323 = arith.constant 8 : i32
    %eq3A_324 = vector.broadcast %eq3A_323 : i32 to vector<16xi32>
    %eq3A_325 = arith.cmpi eq, %add3A_20, %eq3A_324 : vector<16xi32>
    %and3A_326 = arith.andi %gt3A_8, %eq3A_325 : vector<16xi1>
    %select_n3A_327 = arith.select %and3A_322, %iota3A, %broadcast_in_dim3A_24 : vector<16xi1>, vector<16xi32>
    %reduce_sum3A_328 = arith.constant true
    %reduce_sum3A_329 = vector.broadcast %reduce_sum3A_328 : i1 to vector<16xi1>
    %reduce_sum3A_330 = tpu.scan <sum>, %select_n3A_327 masked %reduce_sum3A_329 : vector<16xi32>, vector<16xi1> -> vector<16xi32>
    %reduce_sum3A_331 = vector.extract %reduce_sum3A_330[15] : i32 from vector<16xi32>
    %select_n3A_332 = arith.select %and3A_326, %add3A_23, %broadcast_in_dim3A_24 : vector<16xi1>, vector<16xi32>
    %reduce_sum3A_333 = arith.constant true
    %reduce_sum3A_334 = vector.broadcast %reduce_sum3A_333 : i1 to vector<16xi1>
    %reduce_sum3A_335 = tpu.scan <sum>, %select_n3A_332 masked %reduce_sum3A_334 : vector<16xi32>, vector<16xi1> -> vector<16xi32>
    %reduce_sum3A_336 = vector.extract %reduce_sum3A_335[15] : i32 from vector<16xi32>
    %add3A_337 = arith.addi %reduce_sum3A_331, %reduce_sum3A_336 : i32
    %convert_element_type3A_338 = arith.extui %and3A_322 : vector<16xi1> to vector<16xi32>
    %reduce_sum3A_339 = arith.constant true
    %reduce_sum3A_340 = vector.broadcast %reduce_sum3A_339 : i1 to vector<16xi1>
    %reduce_sum3A_341 = tpu.scan <sum>, %convert_element_type3A_338 masked %reduce_sum3A_340 : vector<16xi32>, vector<16xi1> -> vector<16xi32>
    %reduce_sum3A_342 = vector.extract %reduce_sum3A_341[15] : i32 from vector<16xi32>
    %convert_element_type3A_343 = arith.extui %and3A_326 : vector<16xi1> to vector<16xi32>
    %reduce_sum3A_344 = arith.constant true
    %reduce_sum3A_345 = vector.broadcast %reduce_sum3A_344 : i1 to vector<16xi1>
    %reduce_sum3A_346 = tpu.scan <sum>, %convert_element_type3A_343 masked %reduce_sum3A_345 : vector<16xi32>, vector<16xi1> -> vector<16xi32>
    %reduce_sum3A_347 = vector.extract %reduce_sum3A_346[15] : i32 from vector<16xi32>
    %add3A_348 = arith.addi %reduce_sum3A_342, %reduce_sum3A_347 : i32
    %gt3A_349 = arith.constant 0 : i32
    %gt3A_350 = arith.cmpi sgt, %add3A_348, %gt3A_349 : i32
    %jit3A_351 = arith.constant 0.000000e+00 : f32
    %jit3A_352 = arith.constant -1.000000e+09 : f32
    %select_n3A_353 = arith.select %gt3A_350, %jit3A_351, %jit3A_352 : f32
    %eq3A_354 = arith.constant 7 : i32
    %eq3A_355 = vector.broadcast %eq3A_354 : i32 to vector<16xi32>
    %eq3A_356 = arith.cmpi eq, %iota3A, %eq3A_355 : vector<16xi32>
    %broadcast_in_dim3A_357 = vector.broadcast %add3A_337 : i32 to vector<16xi32>
    %select_n3A_358 = arith.select %eq3A_356, %broadcast_in_dim3A_357, %select_n3A_316 : vector<16xi1>, vector<16xi32>
    %broadcast_in_dim3A_359 = vector.broadcast %select_n3A_353 : f32 to vector<16xf32>
    %select_n3A_360 = arith.select %eq3A_356, %broadcast_in_dim3A_359, %select_n3A_318 : vector<16xi1>, vector<16xf32>
    %swap3A = arith.constant 0 : index
    %swap3A_361 = tpu.vector_load %arg6[%swap3A] {strides = array<i32>} : memref<16xi32, #tpu.memory_space<vmem>>, vector<16xi32>,
    tpu.vector_store %arg6[%swap3A], %select_n3A_358 {strides = array<i32>} : memref<16xi32, #tpu.memory_space<vmem>>, vector<16xi32>,
    %swap3A_362 = arith.constant 0 : index
    %swap3A_363 = tpu.vector_load %arg7[%swap3A_362] {strides = array<i32>} : memref<16xf32, #tpu.memory_space<vmem>>, vector<16xf32>,
    tpu.vector_store %arg7[%swap3A_362], %select_n3A_360 {strides = array<i32>} : memref<16xf32, #tpu.memory_space<vmem>>, vector<16xf32>,
    "tpu.region"() ({
      %run_scoped3A = tpu.sem_alloc : memref<!tpu.dma_semaphore, #tpu.memory_space<semaphore_mem>>
      %dma_start3A = arith.constant 0 : i32
      %dma_start3A_364 = tpu.memref_slice %arg3[%add3A, %dma_start3A] : memref<32x16xi32, #tpu.memory_space<hbm>> -> memref<1x16xi32, #tpu.memory_space<hbm>>
      %dma_start3A_365 = tpu.memref_squeeze %dma_start3A_364 : memref<1x16xi32, #tpu.memory_space<hbm>> -> memref<16xi32, #tpu.memory_space<hbm>>
      %dma_start3A_366 = arith.constant 0 : i32
      %dma_start3A_367 = tpu.memref_slice %arg3[%add3A, %dma_start3A_366] : memref<32x16xi32, #tpu.memory_space<hbm>> -> memref<1x16xi32, #tpu.memory_space<hbm>>
      %dma_start3A_368 = tpu.memref_squeeze %dma_start3A_367 : memref<1x16xi32, #tpu.memory_space<hbm>> -> memref<16xi32, #tpu.memory_space<hbm>>
      tpu.enqueue_dma source(%arg6 : memref<16xi32, #tpu.memory_space<vmem>>) target(%dma_start3A_368 : memref<16xi32, #tpu.memory_space<hbm>>) target_semaphore(%run_scoped3A : memref<!tpu.dma_semaphore, #tpu.memory_space<semaphore_mem>>)
      %dma_wait3A = arith.constant 0 : i32
      %dma_wait3A_369 = tpu.memref_slice %arg3[%add3A, %dma_wait3A] : memref<32x16xi32, #tpu.memory_space<hbm>> -> memref<1x16xi32, #tpu.memory_space<hbm>>
      %dma_wait3A_370 = tpu.memref_squeeze %dma_wait3A_369 : memref<1x16xi32, #tpu.memory_space<hbm>> -> memref<16xi32, #tpu.memory_space<hbm>>
      %dma_wait3A_371 = arith.constant 0 : i32
      %dma_wait3A_372 = tpu.memref_slice %arg3[%add3A, %dma_wait3A_371] : memref<32x16xi32, #tpu.memory_space<hbm>> -> memref<1x16xi32, #tpu.memory_space<hbm>>
      %dma_wait3A_373 = tpu.memref_squeeze %dma_wait3A_372 : memref<1x16xi32, #tpu.memory_space<hbm>> -> memref<16xi32, #tpu.memory_space<hbm>>
      tpu.wait_dma2 semaphore(%run_scoped3A : memref<!tpu.dma_semaphore, #tpu.memory_space<semaphore_mem>>) src(%arg6 : memref<16xi32, #tpu.memory_space<vmem>>) dst(%dma_wait3A_373 : memref<16xi32, #tpu.memory_space<hbm>>)
      tpu.yield
    }) : () -> ()
    "tpu.region"() ({
      %run_scoped3A = tpu.sem_alloc : memref<!tpu.dma_semaphore, #tpu.memory_space<semaphore_mem>>
      %dma_start3A = arith.constant 0 : i32
      %dma_start3A_364 = tpu.memref_slice %arg4[%add3A, %dma_start3A] : memref<32x16xf32, #tpu.memory_space<hbm>> -> memref<1x16xf32, #tpu.memory_space<hbm>>
      %dma_start3A_365 = tpu.memref_squeeze %dma_start3A_364 : memref<1x16xf32, #tpu.memory_space<hbm>> -> memref<16xf32, #tpu.memory_space<hbm>>
      %dma_start3A_366 = arith.constant 0 : i32
      %dma_start3A_367 = tpu.memref_slice %arg4[%add3A, %dma_start3A_366] : memref<32x16xf32, #tpu.memory_space<hbm>> -> memref<1x16xf32, #tpu.memory_space<hbm>>
      %dma_start3A_368 = tpu.memref_squeeze %dma_start3A_367 : memref<1x16xf32, #tpu.memory_space<hbm>> -> memref<16xf32, #tpu.memory_space<hbm>>
      tpu.enqueue_dma source(%arg7 : memref<16xf32, #tpu.memory_space<vmem>>) target(%dma_start3A_368 : memref<16xf32, #tpu.memory_space<hbm>>) target_semaphore(%run_scoped3A : memref<!tpu.dma_semaphore, #tpu.memory_space<semaphore_mem>>)
      %dma_wait3A = arith.constant 0 : i32
      %dma_wait3A_369 = tpu.memref_slice %arg4[%add3A, %dma_wait3A] : memref<32x16xf32, #tpu.memory_space<hbm>> -> memref<1x16xf32, #tpu.memory_space<hbm>>
      %dma_wait3A_370 = tpu.memref_squeeze %dma_wait3A_369 : memref<1x16xf32, #tpu.memory_space<hbm>> -> memref<16xf32, #tpu.memory_space<hbm>>
      %dma_wait3A_371 = arith.constant 0 : i32
      %dma_wait3A_372 = tpu.memref_slice %arg4[%add3A, %dma_wait3A_371] : memref<32x16xf32, #tpu.memory_space<hbm>> -> memref<1x16xf32, #tpu.memory_space<hbm>>
      %dma_wait3A_373 = tpu.memref_squeeze %dma_wait3A_372 : memref<1x16xf32, #tpu.memory_space<hbm>> -> memref<16xf32, #tpu.memory_space<hbm>>
      tpu.wait_dma2 semaphore(%run_scoped3A : memref<!tpu.dma_semaphore, #tpu.memory_space<semaphore_mem>>) src(%arg7 : memref<16xf32, #tpu.memory_space<vmem>>) dst(%dma_wait3A_373 : memref<16xf32, #tpu.memory_space<hbm>>)
      tpu.yield
    }) : () -> ()
    return
  }
}

module attributes {stable_mosaic.version = 14 : i64} {
  func.func @_attn_kernel(%arg0: i32, %arg1: memref<30x8xi32, #tpu.memory_space<smem>>, %arg2: memref<30x1x512xf32, #tpu.memory_space<vmem>>, %arg3: memref<1x2048x64xbf16, #tpu.memory_space<vmem>>, %arg4: memref<1x2048x64xbf16, #tpu.memory_space<vmem>>, %arg5: memref<1x2048x64xbf16, #tpu.memory_space<vmem>>, %arg6: memref<1x2048x64xf32, #tpu.memory_space<vmem>>, %arg7: memref<1920x512xf32, #tpu.memory_space<vmem>>, %arg8: memref<1920x512xbf16, #tpu.memory_space<vmem>>) attributes {dimension_semantics = [#tpu.dimension_semantics<arbitrary>], iteration_bounds = array<i64: 32>, scalar_prefetch = 0 : i64, scratch_operands = 2 : i64, tpu.core_type = #tpu.core_type<tc>, window_params = [{transform_indices = @transform_0, window_bounds = array<i64: 30, 8>}, {pipeline_mode = #tpu.pipeline_mode<synchronous>, transform_indices = @transform_1, window_bounds = array<i64: 30, 1, 512>}, {transform_indices = @transform_2, window_bounds = array<i64: 1, 2048, 64>}, {transform_indices = @transform_3, window_bounds = array<i64: 1, 2048, 64>}, {transform_indices = @transform_4, window_bounds = array<i64: 1, 2048, 64>}, {transform_indices = @transform_5, window_bounds = array<i64: 1, 2048, 64>}]} {
    %get3A = arith.constant 0 : index
    %get3A_0 = arith.constant 0 : index
    %get3A_1 = arith.constant 0 : index
    %get3A_2 = vector.load %arg3[%get3A, %get3A_0, %get3A_1] : memref<1x2048x64xbf16, #tpu.memory_space<vmem>>, vector<1x2048x64xbf16>
    %get3A_3 = vector.shape_cast %get3A_2 : vector<1x2048x64xbf16> to vector<2048x64xbf16>
    %get3A_4 = arith.constant 0 : index
    %get3A_5 = arith.constant 0 : index
    %get3A_6 = arith.constant 0 : index
    %get3A_7 = vector.load %arg4[%get3A_4, %get3A_5, %get3A_6] : memref<1x2048x64xbf16, #tpu.memory_space<vmem>>, vector<1x2048x64xbf16>
    %get3A_8 = vector.shape_cast %get3A_7 : vector<1x2048x64xbf16> to vector<2048x64xbf16>
    %get3A_9 = arith.constant 0 : index
    %get3A_10 = arith.constant 0 : index
    %get3A_11 = arith.constant 0 : index
    %get3A_12 = vector.load %arg5[%get3A_9, %get3A_10, %get3A_11] : memref<1x2048x64xbf16, #tpu.memory_space<vmem>>, vector<1x2048x64xbf16>
    %get3A_13 = vector.shape_cast %get3A_12 : vector<1x2048x64xbf16> to vector<2048x64xbf16>
    %slice3A = vector.extract_strided_slice %get3A_3 {offsets = [0, 0], sizes = [64, 64], strides = [1, 1]} : vector<2048x64xbf16> to vector<64x64xbf16>
    %slice3A_14 = vector.extract_strided_slice %get3A_3 {offsets = [1984, 0], sizes = [64, 64], strides = [1, 1]} : vector<2048x64xbf16> to vector<64x64xbf16>
    %concatenate3A = tpu.concatenate %slice3A, %slice3A_14 in 0 : vector<64x64xbf16>, vector<64x64xbf16> -> vector<128x64xbf16>
    %dot_general3A = arith.constant dense<0.000000e+00> : vector<128x2048xf32>
    %dot_general3A_15 = tpu.matmul %concatenate3A, %get3A_8, %dot_general3A {dimension_numbers = #tpu.dot_dimension_numbers<[1], [1], [0], [0], [0, 0, 1, 0], [], []>, transpose_lhs_hint = false} : vector<128x64xbf16>, vector<2048x64xbf16>, vector<128x2048xf32> -> vector<128x2048xf32>
    %exp3A = math.exp %dot_general3A_15 : vector<128x2048xf32>
    %reduce_sum3A = arith.constant dense<0.000000e+00> : vector<128xf32>
    %reduce_sum3A_16 = vector.multi_reduction <add>, %exp3A, %reduce_sum3A [1] : vector<128x2048xf32> to vector<128xf32>
    %broadcast_in_dim3A = vector.shape_cast %reduce_sum3A_16 : vector<128xf32> to vector<128x1xf32>
    %div3A = vector.broadcast %broadcast_in_dim3A : vector<128x1xf32> to vector<128x2048xf32>
    %div3A_17 = arith.divf %exp3A, %div3A : vector<128x2048xf32>
    %convert_element_type3A = arith.truncf %div3A_17 : vector<128x2048xf32> to vector<128x2048xbf16>
    %dot_general3A_18 = arith.constant dense<0.000000e+00> : vector<128x64xf32>
    %dot_general3A_19 = tpu.matmul %convert_element_type3A, %get3A_13, %dot_general3A_18 {dimension_numbers = #tpu.dot_dimension_numbers<[1], [0], [0], [1], [0, 0, 1, 1], [], []>, transpose_lhs_hint = false} : vector<128x2048xbf16>, vector<2048x64xbf16>, vector<128x64xf32> -> vector<128x64xf32>
    %slice3A_20 = vector.extract_strided_slice %dot_general3A_19 {offsets = [0, 0], sizes = [64, 64], strides = [1, 1]} : vector<128x64xf32> to vector<64x64xf32>
    %swap3A = arith.constant 0 : index
    %swap3A_21 = arith.constant 0 : index
    %swap3A_22 = arith.constant 0 : index
    %swap3A_23 = vector.load %arg6[%swap3A, %swap3A_21, %swap3A_22] : memref<1x2048x64xf32, #tpu.memory_space<vmem>>, vector<1x64x64xf32>
    %swap3A_24 = vector.shape_cast %swap3A_23 : vector<1x64x64xf32> to vector<64x64xf32>
    %swap3A_25 = vector.shape_cast %slice3A_20 : vector<64x64xf32> to vector<1x64x64xf32>
    tpu.vector_store %arg6[%swap3A, %swap3A_21, %swap3A_22], %swap3A_25 {strides = array<i32>} : memref<1x2048x64xf32, #tpu.memory_space<vmem>>, vector<1x64x64xf32>,
    %slice3A_26 = vector.extract_strided_slice %dot_general3A_19 {offsets = [64, 0], sizes = [64, 64], strides = [1, 1]} : vector<128x64xf32> to vector<64x64xf32>
    %swap3A_27 = arith.constant 0 : index
    %swap3A_28 = arith.constant 1984 : index
    %swap3A_29 = arith.constant 0 : index
    %swap3A_30 = vector.load %arg6[%swap3A_27, %swap3A_28, %swap3A_29] : memref<1x2048x64xf32, #tpu.memory_space<vmem>>, vector<1x64x64xf32>
    %swap3A_31 = vector.shape_cast %swap3A_30 : vector<1x64x64xf32> to vector<64x64xf32>
    %swap3A_32 = vector.shape_cast %slice3A_26 : vector<64x64xf32> to vector<1x64x64xf32>
    tpu.vector_store %arg6[%swap3A_27, %swap3A_28, %swap3A_29], %swap3A_32 {strides = array<i32>} : memref<1x2048x64xf32, #tpu.memory_space<vmem>>, vector<1x64x64xf32>,
    %slice3A_33 = vector.extract_strided_slice %get3A_3 {offsets = [64, 0], sizes = [64, 64], strides = [1, 1]} : vector<2048x64xbf16> to vector<64x64xbf16>
    %get3A_34 = arith.constant 0 : index
    %get3A_35 = arith.constant 0 : index
    %get3A_36 = memref.load %arg1[%get3A_34, %get3A_35] : memref<30x8xi32, #tpu.memory_space<smem>>
    %mul3A = arith.constant 64 : i32
    %mul3A_37 = arith.muli %get3A_36, %mul3A : i32
    %get3A_38 = arith.constant 0 : index
    %get3A_39 = arith.index_cast %mul3A_37 : i32 to index
    %get3A_40 = arith.constant 0 : index
    %get3A_41 = vector.load %arg4[%get3A_38, %get3A_39, %get3A_40] : memref<1x2048x64xbf16, #tpu.memory_space<vmem>>, vector<1x64x64xbf16>
    %get3A_42 = vector.shape_cast %get3A_41 : vector<1x64x64xbf16> to vector<64x64xbf16>
    %get3A_43 = arith.constant 0 : index
    %get3A_44 = arith.constant 1 : index
    %get3A_45 = memref.load %arg1[%get3A_43, %get3A_44] : memref<30x8xi32, #tpu.memory_space<smem>>
    %mul3A_46 = arith.constant 64 : i32
    %mul3A_47 = arith.muli %get3A_45, %mul3A_46 : i32
    %get3A_48 = arith.constant 0 : index
    %get3A_49 = arith.index_cast %mul3A_47 : i32 to index
    %get3A_50 = arith.constant 0 : index
    %get3A_51 = vector.load %arg4[%get3A_48, %get3A_49, %get3A_50] : memref<1x2048x64xbf16, #tpu.memory_space<vmem>>, vector<1x64x64xbf16>
    %get3A_52 = vector.shape_cast %get3A_51 : vector<1x64x64xbf16> to vector<64x64xbf16>
    %get3A_53 = arith.constant 0 : index
    %get3A_54 = arith.constant 2 : index
    %get3A_55 = memref.load %arg1[%get3A_53, %get3A_54] : memref<30x8xi32, #tpu.memory_space<smem>>
    %mul3A_56 = arith.constant 64 : i32
    %mul3A_57 = arith.muli %get3A_55, %mul3A_56 : i32
    %get3A_58 = arith.constant 0 : index
    %get3A_59 = arith.index_cast %mul3A_57 : i32 to index
    %get3A_60 = arith.constant 0 : index
    %get3A_61 = vector.load %arg4[%get3A_58, %get3A_59, %get3A_60] : memref<1x2048x64xbf16, #tpu.memory_space<vmem>>, vector<1x64x64xbf16>
    %get3A_62 = vector.shape_cast %get3A_61 : vector<1x64x64xbf16> to vector<64x64xbf16>
    %get3A_63 = arith.constant 0 : index
    %get3A_64 = arith.constant 3 : index
    %get3A_65 = memref.load %arg1[%get3A_63, %get3A_64] : memref<30x8xi32, #tpu.memory_space<smem>>
    %mul3A_66 = arith.constant 64 : i32
    %mul3A_67 = arith.muli %get3A_65, %mul3A_66 : i32
    %get3A_68 = arith.constant 0 : index
    %get3A_69 = arith.index_cast %mul3A_67 : i32 to index
    %get3A_70 = arith.constant 0 : index
    %get3A_71 = vector.load %arg4[%get3A_68, %get3A_69, %get3A_70] : memref<1x2048x64xbf16, #tpu.memory_space<vmem>>, vector<1x64x64xbf16>
    %get3A_72 = vector.shape_cast %get3A_71 : vector<1x64x64xbf16> to vector<64x64xbf16>
    %get3A_73 = arith.constant 0 : index
    %get3A_74 = arith.constant 4 : index
    %get3A_75 = memref.load %arg1[%get3A_73, %get3A_74] : memref<30x8xi32, #tpu.memory_space<smem>>
    %mul3A_76 = arith.constant 64 : i32
    %mul3A_77 = arith.muli %get3A_75, %mul3A_76 : i32
    %get3A_78 = arith.constant 0 : index
    %get3A_79 = arith.index_cast %mul3A_77 : i32 to index
    %get3A_80 = arith.constant 0 : index
    %get3A_81 = vector.load %arg4[%get3A_78, %get3A_79, %get3A_80] : memref<1x2048x64xbf16, #tpu.memory_space<vmem>>, vector<1x64x64xbf16>
    %get3A_82 = vector.shape_cast %get3A_81 : vector<1x64x64xbf16> to vector<64x64xbf16>
    %get3A_83 = arith.constant 0 : index
    %get3A_84 = arith.constant 5 : index
    %get3A_85 = memref.load %arg1[%get3A_83, %get3A_84] : memref<30x8xi32, #tpu.memory_space<smem>>
    %mul3A_86 = arith.constant 64 : i32
    %mul3A_87 = arith.muli %get3A_85, %mul3A_86 : i32
    %get3A_88 = arith.constant 0 : index
    %get3A_89 = arith.index_cast %mul3A_87 : i32 to index
    %get3A_90 = arith.constant 0 : index
    %get3A_91 = vector.load %arg4[%get3A_88, %get3A_89, %get3A_90] : memref<1x2048x64xbf16, #tpu.memory_space<vmem>>, vector<1x64x64xbf16>
    %get3A_92 = vector.shape_cast %get3A_91 : vector<1x64x64xbf16> to vector<64x64xbf16>
    %get3A_93 = arith.constant 0 : index
    %get3A_94 = arith.constant 6 : index
    %get3A_95 = memref.load %arg1[%get3A_93, %get3A_94] : memref<30x8xi32, #tpu.memory_space<smem>>
    %mul3A_96 = arith.constant 64 : i32
    %mul3A_97 = arith.muli %get3A_95, %mul3A_96 : i32
    %get3A_98 = arith.constant 0 : index
    %get3A_99 = arith.index_cast %mul3A_97 : i32 to index
    %get3A_100 = arith.constant 0 : index
    %get3A_101 = vector.load %arg4[%get3A_98, %get3A_99, %get3A_100] : memref<1x2048x64xbf16, #tpu.memory_space<vmem>>, vector<1x64x64xbf16>
    %get3A_102 = vector.shape_cast %get3A_101 : vector<1x64x64xbf16> to vector<64x64xbf16>
    %get3A_103 = arith.constant 0 : index
    %get3A_104 = arith.constant 7 : index
    %get3A_105 = memref.load %arg1[%get3A_103, %get3A_104] : memref<30x8xi32, #tpu.memory_space<smem>>
    %mul3A_106 = arith.constant 64 : i32
    %mul3A_107 = arith.muli %get3A_105, %mul3A_106 : i32
    %get3A_108 = arith.constant 0 : index
    %get3A_109 = arith.index_cast %mul3A_107 : i32 to index
    %get3A_110 = arith.constant 0 : index
    %get3A_111 = vector.load %arg4[%get3A_108, %get3A_109, %get3A_110] : memref<1x2048x64xbf16, #tpu.memory_space<vmem>>, vector<1x64x64xbf16>
    %get3A_112 = vector.shape_cast %get3A_111 : vector<1x64x64xbf16> to vector<64x64xbf16>
    %concatenate3A_113 = tpu.concatenate %get3A_42, %get3A_52, %get3A_62, %get3A_72, %get3A_82, %get3A_92, %get3A_102, %get3A_112 in 0 : vector<64x64xbf16>, vector<64x64xbf16>, vector<64x64xbf16>, vector<64x64xbf16>, vector<64x64xbf16>, vector<64x64xbf16>, vector<64x64xbf16>, vector<64x64xbf16> -> vector<512x64xbf16>
    %dot_general3A_114 = arith.constant dense<0.000000e+00> : vector<64x512xf32>
    %dot_general3A_115 = tpu.matmul %slice3A_33, %concatenate3A_113, %dot_general3A_114 {dimension_numbers = #tpu.dot_dimension_numbers<[1], [1], [0], [0], [0, 0, 1, 0], [], []>, transpose_lhs_hint = false} : vector<64x64xbf16>, vector<512x64xbf16>, vector<64x512xf32> -> vector<64x512xf32>
    %get3A_116 = arith.constant 0 : index
    %get3A_117 = arith.constant 0 : index
    %get3A_118 = arith.constant 0 : index
    %get3A_119 = vector.load %arg2[%get3A_116, %get3A_117, %get3A_118] : memref<30x1x512xf32, #tpu.memory_space<vmem>>, vector<1x1x512xf32>
    %get3A_120 = vector.shape_cast %get3A_119 : vector<1x1x512xf32> to vector<512xf32>
    %broadcast_in_dim3A_121 = vector.shape_cast %get3A_120 : vector<512xf32> to vector<1x512xf32>
    %add3A = vector.broadcast %broadcast_in_dim3A_121 : vector<1x512xf32> to vector<64x512xf32>
    %add3A_122 = arith.addf %dot_general3A_115, %add3A : vector<64x512xf32>
    %swap3A_123 = arith.constant 0 : index
    %swap3A_124 = arith.constant 0 : index
    %swap3A_125 = vector.load %arg7[%swap3A_123, %swap3A_124] : memref<1920x512xf32, #tpu.memory_space<vmem>>, vector<64x512xf32>
    tpu.vector_store %arg7[%swap3A_123, %swap3A_124], %add3A_122 {strides = array<i32>} : memref<1920x512xf32, #tpu.memory_space<vmem>>, vector<64x512xf32>,
    %slice3A_126 = vector.extract_strided_slice %get3A_3 {offsets = [128, 0], sizes = [64, 64], strides = [1, 1]} : vector<2048x64xbf16> to vector<64x64xbf16>
    %get3A_127 = arith.constant 1 : index
    %get3A_128 = arith.constant 0 : index
    %get3A_129 = memref.load %arg1[%get3A_127, %get3A_128] : memref<30x8xi32, #tpu.memory_space<smem>>
    %mul3A_130 = arith.constant 64 : i32
    %mul3A_131 = arith.muli %get3A_129, %mul3A_130 : i32
    %get3A_132 = arith.constant 0 : index
    %get3A_133 = arith.index_cast %mul3A_131 : i32 to index
    %get3A_134 = arith.constant 0 : index
    %get3A_135 = vector.load %arg4[%get3A_132, %get3A_133, %get3A_134] : memref<1x2048x64xbf16, #tpu.memory_space<vmem>>, vector<1x64x64xbf16>
    %get3A_136 = vector.shape_cast %get3A_135 : vector<1x64x64xbf16> to vector<64x64xbf16>
    %get3A_137 = arith.constant 1 : index
    %get3A_138 = arith.constant 1 : index
    %get3A_139 = memref.load %arg1[%get3A_137, %get3A_138] : memref<30x8xi32, #tpu.memory_space<smem>>
    %mul3A_140 = arith.constant 64 : i32
    %mul3A_141 = arith.muli %get3A_139, %mul3A_140 : i32
    %get3A_142 = arith.constant 0 : index
    %get3A_143 = arith.index_cast %mul3A_141 : i32 to index
    %get3A_144 = arith.constant 0 : index
    %get3A_145 = vector.load %arg4[%get3A_142, %get3A_143, %get3A_144] : memref<1x2048x64xbf16, #tpu.memory_space<vmem>>, vector<1x64x64xbf16>
    %get3A_146 = vector.shape_cast %get3A_145 : vector<1x64x64xbf16> to vector<64x64xbf16>
    %get3A_147 = arith.constant 1 : index
    %get3A_148 = arith.constant 2 : index
    %get3A_149 = memref.load %arg1[%get3A_147, %get3A_148] : memref<30x8xi32, #tpu.memory_space<smem>>
    %mul3A_150 = arith.constant 64 : i32
    %mul3A_151 = arith.muli %get3A_149, %mul3A_150 : i32
    %get3A_152 = arith.constant 0 : index
    %get3A_153 = arith.index_cast %mul3A_151 : i32 to index
    %get3A_154 = arith.constant 0 : index
    %get3A_155 = vector.load %arg4[%get3A_152, %get3A_153, %get3A_154] : memref<1x2048x64xbf16, #tpu.memory_space<vmem>>, vector<1x64x64xbf16>
    %get3A_156 = vector.shape_cast %get3A_155 : vector<1x64x64xbf16> to vector<64x64xbf16>
    %get3A_157 = arith.constant 1 : index
    %get3A_158 = arith.constant 3 : index
    %get3A_159 = memref.load %arg1[%get3A_157, %get3A_158] : memref<30x8xi32, #tpu.memory_space<smem>>
    %mul3A_160 = arith.constant 64 : i32
    %mul3A_161 = arith.muli %get3A_159, %mul3A_160 : i32
    %get3A_162 = arith.constant 0 : index
    %get3A_163 = arith.index_cast %mul3A_161 : i32 to index
    %get3A_164 = arith.constant 0 : index
    %get3A_165 = vector.load %arg4[%get3A_162, %get3A_163, %get3A_164] : memref<1x2048x64xbf16, #tpu.memory_space<vmem>>, vector<1x64x64xbf16>
    %get3A_166 = vector.shape_cast %get3A_165 : vector<1x64x64xbf16> to vector<64x64xbf16>
    %get3A_167 = arith.constant 1 : index
    %get3A_168 = arith.constant 4 : index
    %get3A_169 = memref.load %arg1[%get3A_167, %get3A_168] : memref<30x8xi32, #tpu.memory_space<smem>>
    %mul3A_170 = arith.constant 64 : i32
    %mul3A_171 = arith.muli %get3A_169, %mul3A_170 : i32
    %get3A_172 = arith.constant 0 : index
    %get3A_173 = arith.index_cast %mul3A_171 : i32 to index
    %get3A_174 = arith.constant 0 : index
    %get3A_175 = vector.load %arg4[%get3A_172, %get3A_173, %get3A_174] : memref<1x2048x64xbf16, #tpu.memory_space<vmem>>, vector<1x64x64xbf16>
    %get3A_176 = vector.shape_cast %get3A_175 : vector<1x64x64xbf16> to vector<64x64xbf16>
    %get3A_177 = arith.constant 1 : index
    %get3A_178 = arith.constant 5 : index
    %get3A_179 = memref.load %arg1[%get3A_177, %get3A_178] : memref<30x8xi32, #tpu.memory_space<smem>>
    %mul3A_180 = arith.constant 64 : i32
    %mul3A_181 = arith.muli %get3A_179, %mul3A_180 : i32
    %get3A_182 = arith.constant 0 : index
    %get3A_183 = arith.index_cast %mul3A_181 : i32 to index
    %get3A_184 = arith.constant 0 : index
    %get3A_185 = vector.load %arg4[%get3A_182, %get3A_183, %get3A_184] : memref<1x2048x64xbf16, #tpu.memory_space<vmem>>, vector<1x64x64xbf16>
    %get3A_186 = vector.shape_cast %get3A_185 : vector<1x64x64xbf16> to vector<64x64xbf16>
    %get3A_187 = arith.constant 1 : index
    %get3A_188 = arith.constant 6 : index
    %get3A_189 = memref.load %arg1[%get3A_187, %get3A_188] : memref<30x8xi32, #tpu.memory_space<smem>>
    %mul3A_190 = arith.constant 64 : i32
    %mul3A_191 = arith.muli %get3A_189, %mul3A_190 : i32
    %get3A_192 = arith.constant 0 : index
    %get3A_193 = arith.index_cast %mul3A_191 : i32 to index
    %get3A_194 = arith.constant 0 : index
    %get3A_195 = vector.load %arg4[%get3A_192, %get3A_193, %get3A_194] : memref<1x2048x64xbf16, #tpu.memory_space<vmem>>, vector<1x64x64xbf16>
    %get3A_196 = vector.shape_cast %get3A_195 : vector<1x64x64xbf16> to vector<64x64xbf16>
    %get3A_197 = arith.constant 1 : index
    %get3A_198 = arith.constant 7 : index
    %get3A_199 = memref.load %arg1[%get3A_197, %get3A_198] : memref<30x8xi32, #tpu.memory_space<smem>>
    %mul3A_200 = arith.constant 64 : i32
    %mul3A_201 = arith.muli %get3A_199, %mul3A_200 : i32
    %get3A_202 = arith.constant 0 : index
    %get3A_203 = arith.index_cast %mul3A_201 : i32 to index
    %get3A_204 = arith.constant 0 : index
    %get3A_205 = vector.load %arg4[%get3A_202, %get3A_203, %get3A_204] : memref<1x2048x64xbf16, #tpu.memory_space<vmem>>, vector<1x64x64xbf16>
    %get3A_206 = vector.shape_cast %get3A_205 : vector<1x64x64xbf16> to vector<64x64xbf16>
    %concatenate3A_207 = tpu.concatenate %get3A_136, %get3A_146, %get3A_156, %get3A_166, %get3A_176, %get3A_186, %get3A_196, %get3A_206 in 0 : vector<64x64xbf16>, vector<64x64xbf16>, vector<64x64xbf16>, vector<64x64xbf16>, vector<64x64xbf16>, vector<64x64xbf16>, vector<64x64xbf16>, vector<64x64xbf16> -> vector<512x64xbf16>
    %dot_general3A_208 = arith.constant dense<0.000000e+00> : vector<64x512xf32>
    %dot_general3A_209 = tpu.matmul %slice3A_126, %concatenate3A_207, %dot_general3A_208 {dimension_numbers = #tpu.dot_dimension_numbers<[1], [1], [0], [0], [0, 0, 1, 0], [], []>, transpose_lhs_hint = false} : vector<64x64xbf16>, vector<512x64xbf16>, vector<64x512xf32> -> vector<64x512xf32>
    %get3A_210 = arith.constant 1 : index
    %get3A_211 = arith.constant 0 : index
    %get3A_212 = arith.constant 0 : index
    %get3A_213 = vector.load %arg2[%get3A_210, %get3A_211, %get3A_212] : memref<30x1x512xf32, #tpu.memory_space<vmem>>, vector<1x1x512xf32>
    %get3A_214 = vector.shape_cast %get3A_213 : vector<1x1x512xf32> to vector<512xf32>
    %broadcast_in_dim3A_215 = vector.shape_cast %get3A_214 : vector<512xf32> to vector<1x512xf32>
    %add3A_216 = vector.broadcast %broadcast_in_dim3A_215 : vector<1x512xf32> to vector<64x512xf32>
    %add3A_217 = arith.addf %dot_general3A_209, %add3A_216 : vector<64x512xf32>
    %swap3A_218 = arith.constant 64 : index
    %swap3A_219 = arith.constant 0 : index
    %swap3A_220 = vector.load %arg7[%swap3A_218, %swap3A_219] : memref<1920x512xf32, #tpu.memory_space<vmem>>, vector<64x512xf32>
    tpu.vector_store %arg7[%swap3A_218, %swap3A_219], %add3A_217 {strides = array<i32>} : memref<1920x512xf32, #tpu.memory_space<vmem>>, vector<64x512xf32>,
    %slice3A_221 = vector.extract_strided_slice %get3A_3 {offsets = [192, 0], sizes = [64, 64], strides = [1, 1]} : vector<2048x64xbf16> to vector<64x64xbf16>
    %get3A_222 = arith.constant 2 : index
    %get3A_223 = arith.constant 0 : index
    %get3A_224 = memref.load %arg1[%get3A_222, %get3A_223] : memref<30x8xi32, #tpu.memory_space<smem>>
    %mul3A_225 = arith.constant 64 : i32
    %mul3A_226 = arith.muli %get3A_224, %mul3A_225 : i32
    %get3A_227 = arith.constant 0 : index
    %get3A_228 = arith.index_cast %mul3A_226 : i32 to index
    %get3A_229 = arith.constant 0 : index
    %get3A_230 = vector.load %arg4[%get3A_227, %get3A_228, %get3A_229] : memref<1x2048x64xbf16, #tpu.memory_space<vmem>>, vector<1x64x64xbf16>
    %get3A_231 = vector.shape_cast %get3A_230 : vector<1x64x64xbf16> to vector<64x64xbf16>
    %get3A_232 = arith.constant 2 : index
    %get3A_233 = arith.constant 1 : index
    %get3A_234 = memref.load %arg1[%get3A_232, %get3A_233] : memref<30x8xi32, #tpu.memory_space<smem>>
    %mul3A_235 = arith.constant 64 : i32
    %mul3A_236 = arith.muli %get3A_234, %mul3A_235 : i32
    %get3A_237 = arith.constant 0 : index
    %get3A_238 = arith.index_cast %mul3A_236 : i32 to index
    %get3A_239 = arith.constant 0 : index
    %get3A_240 = vector.load %arg4[%get3A_237, %get3A_238, %get3A_239] : memref<1x2048x64xbf16, #tpu.memory_space<vmem>>, vector<1x64x64xbf16>
    %get3A_241 = vector.shape_cast %get3A_240 : vector<1x64x64xbf16> to vector<64x64xbf16>
    %get3A_242 = arith.constant 2 : index
    %get3A_243 = arith.constant 2 : index
    %get3A_244 = memref.load %arg1[%get3A_242, %get3A_243] : memref<30x8xi32, #tpu.memory_space<smem>>
    %mul3A_245 = arith.constant 64 : i32
    %mul3A_246 = arith.muli %get3A_244, %mul3A_245 : i32
    %get3A_247 = arith.constant 0 : index
    %get3A_248 = arith.index_cast %mul3A_246 : i32 to index
    %get3A_249 = arith.constant 0 : index
    %get3A_250 = vector.load %arg4[%get3A_247, %get3A_248, %get3A_249] : memref<1x2048x64xbf16, #tpu.memory_space<vmem>>, vector<1x64x64xbf16>
    %get3A_251 = vector.shape_cast %get3A_250 : vector<1x64x64xbf16> to vector<64x64xbf16>
    %get3A_252 = arith.constant 2 : index
    %get3A_253 = arith.constant 3 : index
    %get3A_254 = memref.load %arg1[%get3A_252, %get3A_253] : memref<30x8xi32, #tpu.memory_space<smem>>
    %mul3A_255 = arith.constant 64 : i32
    %mul3A_256 = arith.muli %get3A_254, %mul3A_255 : i32
    %get3A_257 = arith.constant 0 : index
    %get3A_258 = arith.index_cast %mul3A_256 : i32 to index
    %get3A_259 = arith.constant 0 : index
    %get3A_260 = vector.load %arg4[%get3A_257, %get3A_258, %get3A_259] : memref<1x2048x64xbf16, #tpu.memory_space<vmem>>, vector<1x64x64xbf16>
    %get3A_261 = vector.shape_cast %get3A_260 : vector<1x64x64xbf16> to vector<64x64xbf16>
    %get3A_262 = arith.constant 2 : index
    %get3A_263 = arith.constant 4 : index
    %get3A_264 = memref.load %arg1[%get3A_262, %get3A_263] : memref<30x8xi32, #tpu.memory_space<smem>>
    %mul3A_265 = arith.constant 64 : i32
    %mul3A_266 = arith.muli %get3A_264, %mul3A_265 : i32
    %get3A_267 = arith.constant 0 : index
    %get3A_268 = arith.index_cast %mul3A_266 : i32 to index
    %get3A_269 = arith.constant 0 : index
    %get3A_270 = vector.load %arg4[%get3A_267, %get3A_268, %get3A_269] : memref<1x2048x64xbf16, #tpu.memory_space<vmem>>, vector<1x64x64xbf16>
    %get3A_271 = vector.shape_cast %get3A_270 : vector<1x64x64xbf16> to vector<64x64xbf16>
    %get3A_272 = arith.constant 2 : index
    %get3A_273 = arith.constant 5 : index
    %get3A_274 = memref.load %arg1[%get3A_272, %get3A_273] : memref<30x8xi32, #tpu.memory_space<smem>>
    %mul3A_275 = arith.constant 64 : i32
    %mul3A_276 = arith.muli %get3A_274, %mul3A_275 : i32
    %get3A_277 = arith.constant 0 : index
    %get3A_278 = arith.index_cast %mul3A_276 : i32 to index
    %get3A_279 = arith.constant 0 : index
    %get3A_280 = vector.load %arg4[%get3A_277, %get3A_278, %get3A_279] : memref<1x2048x64xbf16, #tpu.memory_space<vmem>>, vector<1x64x64xbf16>
    %get3A_281 = vector.shape_cast %get3A_280 : vector<1x64x64xbf16> to vector<64x64xbf16>
    %get3A_282 = arith.constant 2 : index
    %get3A_283 = arith.constant 6 : index
    %get3A_284 = memref.load %arg1[%get3A_282, %get3A_283] : memref<30x8xi32, #tpu.memory_space<smem>>
    %mul3A_285 = arith.constant 64 : i32
    %mul3A_286 = arith.muli %get3A_284, %mul3A_285 : i32
    %get3A_287 = arith.constant 0 : index
    %get3A_288 = arith.index_cast %mul3A_286 : i32 to index
    %get3A_289 = arith.constant 0 : index
    %get3A_290 = vector.load %arg4[%get3A_287, %get3A_288, %get3A_289] : memref<1x2048x64xbf16, #tpu.memory_space<vmem>>, vector<1x64x64xbf16>
    %get3A_291 = vector.shape_cast %get3A_290 : vector<1x64x64xbf16> to vector<64x64xbf16>
    %get3A_292 = arith.constant 2 : index
    %get3A_293 = arith.constant 7 : index
    %get3A_294 = memref.load %arg1[%get3A_292, %get3A_293] : memref<30x8xi32, #tpu.memory_space<smem>>
    %mul3A_295 = arith.constant 64 : i32
    %mul3A_296 = arith.muli %get3A_294, %mul3A_295 : i32
    %get3A_297 = arith.constant 0 : index
    %get3A_298 = arith.index_cast %mul3A_296 : i32 to index
    %get3A_299 = arith.constant 0 : index
    %get3A_300 = vector.load %arg4[%get3A_297, %get3A_298, %get3A_299] : memref<1x2048x64xbf16, #tpu.memory_space<vmem>>, vector<1x64x64xbf16>
    %get3A_301 = vector.shape_cast %get3A_300 : vector<1x64x64xbf16> to vector<64x64xbf16>
    %concatenate3A_302 = tpu.concatenate %get3A_231, %get3A_241, %get3A_251, %get3A_261, %get3A_271, %get3A_281, %get3A_291, %get3A_301 in 0 : vector<64x64xbf16>, vector<64x64xbf16>, vector<64x64xbf16>, vector<64x64xbf16>, vector<64x64xbf16>, vector<64x64xbf16>, vector<64x64xbf16>, vector<64x64xbf16> -> vector<512x64xbf16>
    %dot_general3A_303 = arith.constant dense<0.000000e+00> : vector<64x512xf32>
    %dot_general3A_304 = tpu.matmul %slice3A_221, %concatenate3A_302, %dot_general3A_303 {dimension_numbers = #tpu.dot_dimension_numbers<[1], [1], [0], [0], [0, 0, 1, 0], [], []>, transpose_lhs_hint = false} : vector<64x64xbf16>, vector<512x64xbf16>, vector<64x512xf32> -> vector<64x512xf32>
    %get3A_305 = arith.constant 2 : index
    %get3A_306 = arith.constant 0 : index
    %get3A_307 = arith.constant 0 : index
    %get3A_308 = vector.load %arg2[%get3A_305, %get3A_306, %get3A_307] : memref<30x1x512xf32, #tpu.memory_space<vmem>>, vector<1x1x512xf32>
    %get3A_309 = vector.shape_cast %get3A_308 : vector<1x1x512xf32> to vector<512xf32>
    %broadcast_in_dim3A_310 = vector.shape_cast %get3A_309 : vector<512xf32> to vector<1x512xf32>
    %add3A_311 = vector.broadcast %broadcast_in_dim3A_310 : vector<1x512xf32> to vector<64x512xf32>
    %add3A_312 = arith.addf %dot_general3A_304, %add3A_311 : vector<64x512xf32>
    %swap3A_313 = arith.constant 128 : index
    %swap3A_314 = arith.constant 0 : index
    %swap3A_315 = vector.load %arg7[%swap3A_313, %swap3A_314] : memref<1920x512xf32, #tpu.memory_space<vmem>>, vector<64x512xf32>
    tpu.vector_store %arg7[%swap3A_313, %swap3A_314], %add3A_312 {strides = array<i32>} : memref<1920x512xf32, #tpu.memory_space<vmem>>, vector<64x512xf32>,
    %slice3A_316 = vector.extract_strided_slice %get3A_3 {offsets = [256, 0], sizes = [64, 64], strides = [1, 1]} : vector<2048x64xbf16> to vector<64x64xbf16>
    %get3A_317 = arith.constant 3 : index
    %get3A_318 = arith.constant 0 : index
    %get3A_319 = memref.load %arg1[%get3A_317, %get3A_318] : memref<30x8xi32, #tpu.memory_space<smem>>
    %mul3A_320 = arith.constant 64 : i32
    %mul3A_321 = arith.muli %get3A_319, %mul3A_320 : i32
    %get3A_322 = arith.constant 0 : index
    %get3A_323 = arith.index_cast %mul3A_321 : i32 to index
    %get3A_324 = arith.constant 0 : index
    %get3A_325 = vector.load %arg4[%get3A_322, %get3A_323, %get3A_324] : memref<1x2048x64xbf16, #tpu.memory_space<vmem>>, vector<1x64x64xbf16>
    %get3A_326 = vector.shape_cast %get3A_325 : vector<1x64x64xbf16> to vector<64x64xbf16>
    %get3A_327 = arith.constant 3 : index
    %get3A_328 = arith.constant 1 : index
    %get3A_329 = memref.load %arg1[%get3A_327, %get3A_328] : memref<30x8xi32, #tpu.memory_space<smem>>
    %mul3A_330 = arith.constant 64 : i32
    %mul3A_331 = arith.muli %get3A_329, %mul3A_330 : i32
    %get3A_332 = arith.constant 0 : index
    %get3A_333 = arith.index_cast %mul3A_331 : i32 to index
    %get3A_334 = arith.constant 0 : index
    %get3A_335 = vector.load %arg4[%get3A_332, %get3A_333, %get3A_334] : memref<1x2048x64xbf16, #tpu.memory_space<vmem>>, vector<1x64x64xbf16>
    %get3A_336 = vector.shape_cast %get3A_335 : vector<1x64x64xbf16> to vector<64x64xbf16>
    %get3A_337 = arith.constant 3 : index
    %get3A_338 = arith.constant 2 : index
    %get3A_339 = memref.load %arg1[%get3A_337, %get3A_338] : memref<30x8xi32, #tpu.memory_space<smem>>
    %mul3A_340 = arith.constant 64 : i32
    %mul3A_341 = arith.muli %get3A_339, %mul3A_340 : i32
    %get3A_342 = arith.constant 0 : index
    %get3A_343 = arith.index_cast %mul3A_341 : i32 to index
    %get3A_344 = arith.constant 0 : index
    %get3A_345 = vector.load %arg4[%get3A_342, %get3A_343, %get3A_344] : memref<1x2048x64xbf16, #tpu.memory_space<vmem>>, vector<1x64x64xbf16>
    %get3A_346 = vector.shape_cast %get3A_345 : vector<1x64x64xbf16> to vector<64x64xbf16>
    %get3A_347 = arith.constant 3 : index
    %get3A_348 = arith.constant 3 : index
    %get3A_349 = memref.load %arg1[%get3A_347, %get3A_348] : memref<30x8xi32, #tpu.memory_space<smem>>
    %mul3A_350 = arith.constant 64 : i32
    %mul3A_351 = arith.muli %get3A_349, %mul3A_350 : i32
    %get3A_352 = arith.constant 0 : index
    %get3A_353 = arith.index_cast %mul3A_351 : i32 to index
    %get3A_354 = arith.constant 0 : index
    %get3A_355 = vector.load %arg4[%get3A_352, %get3A_353, %get3A_354] : memref<1x2048x64xbf16, #tpu.memory_space<vmem>>, vector<1x64x64xbf16>
    %get3A_356 = vector.shape_cast %get3A_355 : vector<1x64x64xbf16> to vector<64x64xbf16>
    %get3A_357 = arith.constant 3 : index
    %get3A_358 = arith.constant 4 : index
    %get3A_359 = memref.load %arg1[%get3A_357, %get3A_358] : memref<30x8xi32, #tpu.memory_space<smem>>
    %mul3A_360 = arith.constant 64 : i32
    %mul3A_361 = arith.muli %get3A_359, %mul3A_360 : i32
    %get3A_362 = arith.constant 0 : index
    %get3A_363 = arith.index_cast %mul3A_361 : i32 to index
    %get3A_364 = arith.constant 0 : index
    %get3A_365 = vector.load %arg4[%get3A_362, %get3A_363, %get3A_364] : memref<1x2048x64xbf16, #tpu.memory_space<vmem>>, vector<1x64x64xbf16>
    %get3A_366 = vector.shape_cast %get3A_365 : vector<1x64x64xbf16> to vector<64x64xbf16>
    %get3A_367 = arith.constant 3 : index
    %get3A_368 = arith.constant 5 : index
    %get3A_369 = memref.load %arg1[%get3A_367, %get3A_368] : memref<30x8xi32, #tpu.memory_space<smem>>
    %mul3A_370 = arith.constant 64 : i32
    %mul3A_371 = arith.muli %get3A_369, %mul3A_370 : i32
    %get3A_372 = arith.constant 0 : index
    %get3A_373 = arith.index_cast %mul3A_371 : i32 to index
    %get3A_374 = arith.constant 0 : index
    %get3A_375 = vector.load %arg4[%get3A_372, %get3A_373, %get3A_374] : memref<1x2048x64xbf16, #tpu.memory_space<vmem>>, vector<1x64x64xbf16>
    %get3A_376 = vector.shape_cast %get3A_375 : vector<1x64x64xbf16> to vector<64x64xbf16>
    %get3A_377 = arith.constant 3 : index
    %get3A_378 = arith.constant 6 : index
    %get3A_379 = memref.load %arg1[%get3A_377, %get3A_378] : memref<30x8xi32, #tpu.memory_space<smem>>
    %mul3A_380 = arith.constant 64 : i32
    %mul3A_381 = arith.muli %get3A_379, %mul3A_380 : i32
    %get3A_382 = arith.constant 0 : index
    %get3A_383 = arith.index_cast %mul3A_381 : i32 to index
    %get3A_384 = arith.constant 0 : index
    %get3A_385 = vector.load %arg4[%get3A_382, %get3A_383, %get3A_384] : memref<1x2048x64xbf16, #tpu.memory_space<vmem>>, vector<1x64x64xbf16>
    %get3A_386 = vector.shape_cast %get3A_385 : vector<1x64x64xbf16> to vector<64x64xbf16>
    %get3A_387 = arith.constant 3 : index
    %get3A_388 = arith.constant 7 : index
    %get3A_389 = memref.load %arg1[%get3A_387, %get3A_388] : memref<30x8xi32, #tpu.memory_space<smem>>
    %mul3A_390 = arith.constant 64 : i32
    %mul3A_391 = arith.muli %get3A_389, %mul3A_390 : i32
    %get3A_392 = arith.constant 0 : index
    %get3A_393 = arith.index_cast %mul3A_391 : i32 to index
    %get3A_394 = arith.constant 0 : index
    %get3A_395 = vector.load %arg4[%get3A_392, %get3A_393, %get3A_394] : memref<1x2048x64xbf16, #tpu.memory_space<vmem>>, vector<1x64x64xbf16>
    %get3A_396 = vector.shape_cast %get3A_395 : vector<1x64x64xbf16> to vector<64x64xbf16>
    %concatenate3A_397 = tpu.concatenate %get3A_326, %get3A_336, %get3A_346, %get3A_356, %get3A_366, %get3A_376, %get3A_386, %get3A_396 in 0 : vector<64x64xbf16>, vector<64x64xbf16>, vector<64x64xbf16>, vector<64x64xbf16>, vector<64x64xbf16>, vector<64x64xbf16>, vector<64x64xbf16>, vector<64x64xbf16> -> vector<512x64xbf16>
    %dot_general3A_398 = arith.constant dense<0.000000e+00> : vector<64x512xf32>
    %dot_general3A_399 = tpu.matmul %slice3A_316, %concatenate3A_397, %dot_general3A_398 {dimension_numbers = #tpu.dot_dimension_numbers<[1], [1], [0], [0], [0, 0, 1, 0], [], []>, transpose_lhs_hint = false} : vector<64x64xbf16>, vector<512x64xbf16>, vector<64x512xf32> -> vector<64x512xf32>
    %get3A_400 = arith.constant 3 : index
    %get3A_401 = arith.constant 0 : index
    %get3A_402 = arith.constant 0 : index
    %get3A_403 = vector.load %arg2[%get3A_400, %get3A_401, %get3A_402] : memref<30x1x512xf32, #tpu.memory_space<vmem>>, vector<1x1x512xf32>
    %get3A_404 = vector.shape_cast %get3A_403 : vector<1x1x512xf32> to vector<512xf32>
    %broadcast_in_dim3A_405 = vector.shape_cast %get3A_404 : vector<512xf32> to vector<1x512xf32>
    %add3A_406 = vector.broadcast %broadcast_in_dim3A_405 : vector<1x512xf32> to vector<64x512xf32>
    %add3A_407 = arith.addf %dot_general3A_399, %add3A_406 : vector<64x512xf32>
    %swap3A_408 = arith.constant 192 : index
    %swap3A_409 = arith.constant 0 : index
    %swap3A_410 = vector.load %arg7[%swap3A_408, %swap3A_409] : memref<1920x512xf32, #tpu.memory_space<vmem>>, vector<64x512xf32>
    tpu.vector_store %arg7[%swap3A_408, %swap3A_409], %add3A_407 {strides = array<i32>} : memref<1920x512xf32, #tpu.memory_space<vmem>>, vector<64x512xf32>,
    %slice3A_411 = vector.extract_strided_slice %get3A_3 {offsets = [320, 0], sizes = [64, 64], strides = [1, 1]} : vector<2048x64xbf16> to vector<64x64xbf16>
    %get3A_412 = arith.constant 4 : index
    %get3A_413 = arith.constant 0 : index
    %get3A_414 = memref.load %arg1[%get3A_412, %get3A_413] : memref<30x8xi32, #tpu.memory_space<smem>>
    %mul3A_415 = arith.constant 64 : i32
    %mul3A_416 = arith.muli %get3A_414, %mul3A_415 : i32
    %get3A_417 = arith.constant 0 : index
    %get3A_418 = arith.index_cast %mul3A_416 : i32 to index
    %get3A_419 = arith.constant 0 : index
    %get3A_420 = vector.load %arg4[%get3A_417, %get3A_418, %get3A_419] : memref<1x2048x64xbf16, #tpu.memory_space<vmem>>, vector<1x64x64xbf16>
    %get3A_421 = vector.shape_cast %get3A_420 : vector<1x64x64xbf16> to vector<64x64xbf16>
    %get3A_422 = arith.constant 4 : index
    %get3A_423 = arith.constant 1 : index
    %get3A_424 = memref.load %arg1[%get3A_422, %get3A_423] : memref<30x8xi32, #tpu.memory_space<smem>>
    %mul3A_425 = arith.constant 64 : i32
    %mul3A_426 = arith.muli %get3A_424, %mul3A_425 : i32
    %get3A_427 = arith.constant 0 : index
    %get3A_428 = arith.index_cast %mul3A_426 : i32 to index
    %get3A_429 = arith.constant 0 : index
    %get3A_430 = vector.load %arg4[%get3A_427, %get3A_428, %get3A_429] : memref<1x2048x64xbf16, #tpu.memory_space<vmem>>, vector<1x64x64xbf16>
    %get3A_431 = vector.shape_cast %get3A_430 : vector<1x64x64xbf16> to vector<64x64xbf16>
    %get3A_432 = arith.constant 4 : index
    %get3A_433 = arith.constant 2 : index
    %get3A_434 = memref.load %arg1[%get3A_432, %get3A_433] : memref<30x8xi32, #tpu.memory_space<smem>>
    %mul3A_435 = arith.constant 64 : i32
    %mul3A_436 = arith.muli %get3A_434, %mul3A_435 : i32
    %get3A_437 = arith.constant 0 : index
    %get3A_438 = arith.index_cast %mul3A_436 : i32 to index
    %get3A_439 = arith.constant 0 : index
    %get3A_440 = vector.load %arg4[%get3A_437, %get3A_438, %get3A_439] : memref<1x2048x64xbf16, #tpu.memory_space<vmem>>, vector<1x64x64xbf16>
    %get3A_441 = vector.shape_cast %get3A_440 : vector<1x64x64xbf16> to vector<64x64xbf16>
    %get3A_442 = arith.constant 4 : index
    %get3A_443 = arith.constant 3 : index
    %get3A_444 = memref.load %arg1[%get3A_442, %get3A_443] : memref<30x8xi32, #tpu.memory_space<smem>>
    %mul3A_445 = arith.constant 64 : i32
    %mul3A_446 = arith.muli %get3A_444, %mul3A_445 : i32
    %get3A_447 = arith.constant 0 : index
    %get3A_448 = arith.index_cast %mul3A_446 : i32 to index
    %get3A_449 = arith.constant 0 : index
    %get3A_450 = vector.load %arg4[%get3A_447, %get3A_448, %get3A_449] : memref<1x2048x64xbf16, #tpu.memory_space<vmem>>, vector<1x64x64xbf16>
    %get3A_451 = vector.shape_cast %get3A_450 : vector<1x64x64xbf16> to vector<64x64xbf16>
    %get3A_452 = arith.constant 4 : index
    %get3A_453 = arith.constant 4 : index
    %get3A_454 = memref.load %arg1[%get3A_452, %get3A_453] : memref<30x8xi32, #tpu.memory_space<smem>>
    %mul3A_455 = arith.constant 64 : i32
    %mul3A_456 = arith.muli %get3A_454, %mul3A_455 : i32
    %get3A_457 = arith.constant 0 : index
    %get3A_458 = arith.index_cast %mul3A_456 : i32 to index
    %get3A_459 = arith.constant 0 : index
    %get3A_460 = vector.load %arg4[%get3A_457, %get3A_458, %get3A_459] : memref<1x2048x64xbf16, #tpu.memory_space<vmem>>, vector<1x64x64xbf16>
    %get3A_461 = vector.shape_cast %get3A_460 : vector<1x64x64xbf16> to vector<64x64xbf16>
    %get3A_462 = arith.constant 4 : index
    %get3A_463 = arith.constant 5 : index
    %get3A_464 = memref.load %arg1[%get3A_462, %get3A_463] : memref<30x8xi32, #tpu.memory_space<smem>>
    %mul3A_465 = arith.constant 64 : i32
    %mul3A_466 = arith.muli %get3A_464, %mul3A_465 : i32
    %get3A_467 = arith.constant 0 : index
    %get3A_468 = arith.index_cast %mul3A_466 : i32 to index
    %get3A_469 = arith.constant 0 : index
    %get3A_470 = vector.load %arg4[%get3A_467, %get3A_468, %get3A_469] : memref<1x2048x64xbf16, #tpu.memory_space<vmem>>, vector<1x64x64xbf16>
    %get3A_471 = vector.shape_cast %get3A_470 : vector<1x64x64xbf16> to vector<64x64xbf16>
    %get3A_472 = arith.constant 4 : index
    %get3A_473 = arith.constant 6 : index
    %get3A_474 = memref.load %arg1[%get3A_472, %get3A_473] : memref<30x8xi32, #tpu.memory_space<smem>>
    %mul3A_475 = arith.constant 64 : i32
    %mul3A_476 = arith.muli %get3A_474, %mul3A_475 : i32
    %get3A_477 = arith.constant 0 : index
    %get3A_478 = arith.index_cast %mul3A_476 : i32 to index
    %get3A_479 = arith.constant 0 : index
    %get3A_480 = vector.load %arg4[%get3A_477, %get3A_478, %get3A_479] : memref<1x2048x64xbf16, #tpu.memory_space<vmem>>, vector<1x64x64xbf16>
    %get3A_481 = vector.shape_cast %get3A_480 : vector<1x64x64xbf16> to vector<64x64xbf16>
    %get3A_482 = arith.constant 4 : index
    %get3A_483 = arith.constant 7 : index
    %get3A_484 = memref.load %arg1[%get3A_482, %get3A_483] : memref<30x8xi32, #tpu.memory_space<smem>>
    %mul3A_485 = arith.constant 64 : i32
    %mul3A_486 = arith.muli %get3A_484, %mul3A_485 : i32
    %get3A_487 = arith.constant 0 : index
    %get3A_488 = arith.index_cast %mul3A_486 : i32 to index
    %get3A_489 = arith.constant 0 : index
    %get3A_490 = vector.load %arg4[%get3A_487, %get3A_488, %get3A_489] : memref<1x2048x64xbf16, #tpu.memory_space<vmem>>, vector<1x64x64xbf16>
    %get3A_491 = vector.shape_cast %get3A_490 : vector<1x64x64xbf16> to vector<64x64xbf16>
    %concatenate3A_492 = tpu.concatenate %get3A_421, %get3A_431, %get3A_441, %get3A_451, %get3A_461, %get3A_471, %get3A_481, %get3A_491 in 0 : vector<64x64xbf16>, vector<64x64xbf16>, vector<64x64xbf16>, vector<64x64xbf16>, vector<64x64xbf16>, vector<64x64xbf16>, vector<64x64xbf16>, vector<64x64xbf16> -> vector<512x64xbf16>
    %dot_general3A_493 = arith.constant dense<0.000000e+00> : vector<64x512xf32>
    %dot_general3A_494 = tpu.matmul %slice3A_411, %concatenate3A_492, %dot_general3A_493 {dimension_numbers = #tpu.dot_dimension_numbers<[1], [1], [0], [0], [0, 0, 1, 0], [], []>, transpose_lhs_hint = false} : vector<64x64xbf16>, vector<512x64xbf16>, vector<64x512xf32> -> vector<64x512xf32>
    %get3A_495 = arith.constant 4 : index
    %get3A_496 = arith.constant 0 : index
    %get3A_497 = arith.constant 0 : index
    %get3A_498 = vector.load %arg2[%get3A_495, %get3A_496, %get3A_497] : memref<30x1x512xf32, #tpu.memory_space<vmem>>, vector<1x1x512xf32>
    %get3A_499 = vector.shape_cast %get3A_498 : vector<1x1x512xf32> to vector<512xf32>
    %broadcast_in_dim3A_500 = vector.shape_cast %get3A_499 : vector<512xf32> to vector<1x512xf32>
    %add3A_501 = vector.broadcast %broadcast_in_dim3A_500 : vector<1x512xf32> to vector<64x512xf32>
    %add3A_502 = arith.addf %dot_general3A_494, %add3A_501 : vector<64x512xf32>
    %swap3A_503 = arith.constant 256 : index
    %swap3A_504 = arith.constant 0 : index
    %swap3A_505 = vector.load %arg7[%swap3A_503, %swap3A_504] : memref<1920x512xf32, #tpu.memory_space<vmem>>, vector<64x512xf32>
    tpu.vector_store %arg7[%swap3A_503, %swap3A_504], %add3A_502 {strides = array<i32>} : memref<1920x512xf32, #tpu.memory_space<vmem>>, vector<64x512xf32>,
    %slice3A_506 = vector.extract_strided_slice %get3A_3 {offsets = [384, 0], sizes = [64, 64], strides = [1, 1]} : vector<2048x64xbf16> to vector<64x64xbf16>
    %get3A_507 = arith.constant 5 : index
    %get3A_508 = arith.constant 0 : index
    %get3A_509 = memref.load %arg1[%get3A_507, %get3A_508] : memref<30x8xi32, #tpu.memory_space<smem>>
    %mul3A_510 = arith.constant 64 : i32
    %mul3A_511 = arith.muli %get3A_509, %mul3A_510 : i32
    %get3A_512 = arith.constant 0 : index
    %get3A_513 = arith.index_cast %mul3A_511 : i32 to index
    %get3A_514 = arith.constant 0 : index
    %get3A_515 = vector.load %arg4[%get3A_512, %get3A_513, %get3A_514] : memref<1x2048x64xbf16, #tpu.memory_space<vmem>>, vector<1x64x64xbf16>
    %get3A_516 = vector.shape_cast %get3A_515 : vector<1x64x64xbf16> to vector<64x64xbf16>
    %get3A_517 = arith.constant 5 : index
    %get3A_518 = arith.constant 1 : index
    %get3A_519 = memref.load %arg1[%get3A_517, %get3A_518] : memref<30x8xi32, #tpu.memory_space<smem>>
    %mul3A_520 = arith.constant 64 : i32
    %mul3A_521 = arith.muli %get3A_519, %mul3A_520 : i32
    %get3A_522 = arith.constant 0 : index
    %get3A_523 = arith.index_cast %mul3A_521 : i32 to index
    %get3A_524 = arith.constant 0 : index
    %get3A_525 = vector.load %arg4[%get3A_522, %get3A_523, %get3A_524] : memref<1x2048x64xbf16, #tpu.memory_space<vmem>>, vector<1x64x64xbf16>
    %get3A_526 = vector.shape_cast %get3A_525 : vector<1x64x64xbf16> to vector<64x64xbf16>
    %get3A_527 = arith.constant 5 : index
    %get3A_528 = arith.constant 2 : index
    %get3A_529 = memref.load %arg1[%get3A_527, %get3A_528] : memref<30x8xi32, #tpu.memory_space<smem>>
    %mul3A_530 = arith.constant 64 : i32
    %mul3A_531 = arith.muli %get3A_529, %mul3A_530 : i32
    %get3A_532 = arith.constant 0 : index
    %get3A_533 = arith.index_cast %mul3A_531 : i32 to index
    %get3A_534 = arith.constant 0 : index
    %get3A_535 = vector.load %arg4[%get3A_532, %get3A_533, %get3A_534] : memref<1x2048x64xbf16, #tpu.memory_space<vmem>>, vector<1x64x64xbf16>
    %get3A_536 = vector.shape_cast %get3A_535 : vector<1x64x64xbf16> to vector<64x64xbf16>
    %get3A_537 = arith.constant 5 : index
    %get3A_538 = arith.constant 3 : index
    %get3A_539 = memref.load %arg1[%get3A_537, %get3A_538] : memref<30x8xi32, #tpu.memory_space<smem>>
    %mul3A_540 = arith.constant 64 : i32
    %mul3A_541 = arith.muli %get3A_539, %mul3A_540 : i32
    %get3A_542 = arith.constant 0 : index
    %get3A_543 = arith.index_cast %mul3A_541 : i32 to index
    %get3A_544 = arith.constant 0 : index
    %get3A_545 = vector.load %arg4[%get3A_542, %get3A_543, %get3A_544] : memref<1x2048x64xbf16, #tpu.memory_space<vmem>>, vector<1x64x64xbf16>
    %get3A_546 = vector.shape_cast %get3A_545 : vector<1x64x64xbf16> to vector<64x64xbf16>
    %get3A_547 = arith.constant 5 : index
    %get3A_548 = arith.constant 4 : index
    %get3A_549 = memref.load %arg1[%get3A_547, %get3A_548] : memref<30x8xi32, #tpu.memory_space<smem>>
    %mul3A_550 = arith.constant 64 : i32
    %mul3A_551 = arith.muli %get3A_549, %mul3A_550 : i32
    %get3A_552 = arith.constant 0 : index
    %get3A_553 = arith.index_cast %mul3A_551 : i32 to index
    %get3A_554 = arith.constant 0 : index
    %get3A_555 = vector.load %arg4[%get3A_552, %get3A_553, %get3A_554] : memref<1x2048x64xbf16, #tpu.memory_space<vmem>>, vector<1x64x64xbf16>
    %get3A_556 = vector.shape_cast %get3A_555 : vector<1x64x64xbf16> to vector<64x64xbf16>
    %get3A_557 = arith.constant 5 : index
    %get3A_558 = arith.constant 5 : index
    %get3A_559 = memref.load %arg1[%get3A_557, %get3A_558] : memref<30x8xi32, #tpu.memory_space<smem>>
    %mul3A_560 = arith.constant 64 : i32
    %mul3A_561 = arith.muli %get3A_559, %mul3A_560 : i32
    %get3A_562 = arith.constant 0 : index
    %get3A_563 = arith.index_cast %mul3A_561 : i32 to index
    %get3A_564 = arith.constant 0 : index
    %get3A_565 = vector.load %arg4[%get3A_562, %get3A_563, %get3A_564] : memref<1x2048x64xbf16, #tpu.memory_space<vmem>>, vector<1x64x64xbf16>
    %get3A_566 = vector.shape_cast %get3A_565 : vector<1x64x64xbf16> to vector<64x64xbf16>
    %get3A_567 = arith.constant 5 : index
    %get3A_568 = arith.constant 6 : index
    %get3A_569 = memref.load %arg1[%get3A_567, %get3A_568] : memref<30x8xi32, #tpu.memory_space<smem>>
    %mul3A_570 = arith.constant 64 : i32
    %mul3A_571 = arith.muli %get3A_569, %mul3A_570 : i32
    %get3A_572 = arith.constant 0 : index
    %get3A_573 = arith.index_cast %mul3A_571 : i32 to index
    %get3A_574 = arith.constant 0 : index
    %get3A_575 = vector.load %arg4[%get3A_572, %get3A_573, %get3A_574] : memref<1x2048x64xbf16, #tpu.memory_space<vmem>>, vector<1x64x64xbf16>
    %get3A_576 = vector.shape_cast %get3A_575 : vector<1x64x64xbf16> to vector<64x64xbf16>
    %get3A_577 = arith.constant 5 : index
    %get3A_578 = arith.constant 7 : index
    %get3A_579 = memref.load %arg1[%get3A_577, %get3A_578] : memref<30x8xi32, #tpu.memory_space<smem>>
    %mul3A_580 = arith.constant 64 : i32
    %mul3A_581 = arith.muli %get3A_579, %mul3A_580 : i32
    %get3A_582 = arith.constant 0 : index
    %get3A_583 = arith.index_cast %mul3A_581 : i32 to index
    %get3A_584 = arith.constant 0 : index
    %get3A_585 = vector.load %arg4[%get3A_582, %get3A_583, %get3A_584] : memref<1x2048x64xbf16, #tpu.memory_space<vmem>>, vector<1x64x64xbf16>
    %get3A_586 = vector.shape_cast %get3A_585 : vector<1x64x64xbf16> to vector<64x64xbf16>
    %concatenate3A_587 = tpu.concatenate %get3A_516, %get3A_526, %get3A_536, %get3A_546, %get3A_556, %get3A_566, %get3A_576, %get3A_586 in 0 : vector<64x64xbf16>, vector<64x64xbf16>, vector<64x64xbf16>, vector<64x64xbf16>, vector<64x64xbf16>, vector<64x64xbf16>, vector<64x64xbf16>, vector<64x64xbf16> -> vector<512x64xbf16>
    %dot_general3A_588 = arith.constant dense<0.000000e+00> : vector<64x512xf32>
    %dot_general3A_589 = tpu.matmul %slice3A_506, %concatenate3A_587, %dot_general3A_588 {dimension_numbers = #tpu.dot_dimension_numbers<[1], [1], [0], [0], [0, 0, 1, 0], [], []>, transpose_lhs_hint = false} : vector<64x64xbf16>, vector<512x64xbf16>, vector<64x512xf32> -> vector<64x512xf32>
    %get3A_590 = arith.constant 5 : index
    %get3A_591 = arith.constant 0 : index
    %get3A_592 = arith.constant 0 : index
    %get3A_593 = vector.load %arg2[%get3A_590, %get3A_591, %get3A_592] : memref<30x1x512xf32, #tpu.memory_space<vmem>>, vector<1x1x512xf32>
    %get3A_594 = vector.shape_cast %get3A_593 : vector<1x1x512xf32> to vector<512xf32>
    %broadcast_in_dim3A_595 = vector.shape_cast %get3A_594 : vector<512xf32> to vector<1x512xf32>
    %add3A_596 = vector.broadcast %broadcast_in_dim3A_595 : vector<1x512xf32> to vector<64x512xf32>
    %add3A_597 = arith.addf %dot_general3A_589, %add3A_596 : vector<64x512xf32>
    %swap3A_598 = arith.constant 320 : index
    %swap3A_599 = arith.constant 0 : index
    %swap3A_600 = vector.load %arg7[%swap3A_598, %swap3A_599] : memref<1920x512xf32, #tpu.memory_space<vmem>>, vector<64x512xf32>
    tpu.vector_store %arg7[%swap3A_598, %swap3A_599], %add3A_597 {strides = array<i32>} : memref<1920x512xf32, #tpu.memory_space<vmem>>, vector<64x512xf32>,
    %slice3A_601 = vector.extract_strided_slice %get3A_3 {offsets = [448, 0], sizes = [64, 64], strides = [1, 1]} : vector<2048x64xbf16> to vector<64x64xbf16>
    %get3A_602 = arith.constant 6 : index
    %get3A_603 = arith.constant 0 : index
    %get3A_604 = memref.load %arg1[%get3A_602, %get3A_603] : memref<30x8xi32, #tpu.memory_space<smem>>
    %mul3A_605 = arith.constant 64 : i32
    %mul3A_606 = arith.muli %get3A_604, %mul3A_605 : i32
    %get3A_607 = arith.constant 0 : index
    %get3A_608 = arith.index_cast %mul3A_606 : i32 to index
    %get3A_609 = arith.constant 0 : index
    %get3A_610 = vector.load %arg4[%get3A_607, %get3A_608, %get3A_609] : memref<1x2048x64xbf16, #tpu.memory_space<vmem>>, vector<1x64x64xbf16>
    %get3A_611 = vector.shape_cast %get3A_610 : vector<1x64x64xbf16> to vector<64x64xbf16>
    %get3A_612 = arith.constant 6 : index
    %get3A_613 = arith.constant 1 : index
    %get3A_614 = memref.load %arg1[%get3A_612, %get3A_613] : memref<30x8xi32, #tpu.memory_space<smem>>
    %mul3A_615 = arith.constant 64 : i32
    %mul3A_616 = arith.muli %get3A_614, %mul3A_615 : i32
    %get3A_617 = arith.constant 0 : index
    %get3A_618 = arith.index_cast %mul3A_616 : i32 to index
    %get3A_619 = arith.constant 0 : index
    %get3A_620 = vector.load %arg4[%get3A_617, %get3A_618, %get3A_619] : memref<1x2048x64xbf16, #tpu.memory_space<vmem>>, vector<1x64x64xbf16>
    %get3A_621 = vector.shape_cast %get3A_620 : vector<1x64x64xbf16> to vector<64x64xbf16>
    %get3A_622 = arith.constant 6 : index
    %get3A_623 = arith.constant 2 : index
    %get3A_624 = memref.load %arg1[%get3A_622, %get3A_623] : memref<30x8xi32, #tpu.memory_space<smem>>
    %mul3A_625 = arith.constant 64 : i32
    %mul3A_626 = arith.muli %get3A_624, %mul3A_625 : i32
    %get3A_627 = arith.constant 0 : index
    %get3A_628 = arith.index_cast %mul3A_626 : i32 to index
    %get3A_629 = arith.constant 0 : index
    %get3A_630 = vector.load %arg4[%get3A_627, %get3A_628, %get3A_629] : memref<1x2048x64xbf16, #tpu.memory_space<vmem>>, vector<1x64x64xbf16>
    %get3A_631 = vector.shape_cast %get3A_630 : vector<1x64x64xbf16> to vector<64x64xbf16>
    %get3A_632 = arith.constant 6 : index
    %get3A_633 = arith.constant 3 : index
    %get3A_634 = memref.load %arg1[%get3A_632, %get3A_633] : memref<30x8xi32, #tpu.memory_space<smem>>
    %mul3A_635 = arith.constant 64 : i32
    %mul3A_636 = arith.muli %get3A_634, %mul3A_635 : i32
    %get3A_637 = arith.constant 0 : index
    %get3A_638 = arith.index_cast %mul3A_636 : i32 to index
    %get3A_639 = arith.constant 0 : index
    %get3A_640 = vector.load %arg4[%get3A_637, %get3A_638, %get3A_639] : memref<1x2048x64xbf16, #tpu.memory_space<vmem>>, vector<1x64x64xbf16>
    %get3A_641 = vector.shape_cast %get3A_640 : vector<1x64x64xbf16> to vector<64x64xbf16>
    %get3A_642 = arith.constant 6 : index
    %get3A_643 = arith.constant 4 : index
    %get3A_644 = memref.load %arg1[%get3A_642, %get3A_643] : memref<30x8xi32, #tpu.memory_space<smem>>
    %mul3A_645 = arith.constant 64 : i32
    %mul3A_646 = arith.muli %get3A_644, %mul3A_645 : i32
    %get3A_647 = arith.constant 0 : index
    %get3A_648 = arith.index_cast %mul3A_646 : i32 to index
    %get3A_649 = arith.constant 0 : index
    %get3A_650 = vector.load %arg4[%get3A_647, %get3A_648, %get3A_649] : memref<1x2048x64xbf16, #tpu.memory_space<vmem>>, vector<1x64x64xbf16>
    %get3A_651 = vector.shape_cast %get3A_650 : vector<1x64x64xbf16> to vector<64x64xbf16>
    %get3A_652 = arith.constant 6 : index
    %get3A_653 = arith.constant 5 : index
    %get3A_654 = memref.load %arg1[%get3A_652, %get3A_653] : memref<30x8xi32, #tpu.memory_space<smem>>
    %mul3A_655 = arith.constant 64 : i32
    %mul3A_656 = arith.muli %get3A_654, %mul3A_655 : i32
    %get3A_657 = arith.constant 0 : index
    %get3A_658 = arith.index_cast %mul3A_656 : i32 to index
    %get3A_659 = arith.constant 0 : index
    %get3A_660 = vector.load %arg4[%get3A_657, %get3A_658, %get3A_659] : memref<1x2048x64xbf16, #tpu.memory_space<vmem>>, vector<1x64x64xbf16>
    %get3A_661 = vector.shape_cast %get3A_660 : vector<1x64x64xbf16> to vector<64x64xbf16>
    %get3A_662 = arith.constant 6 : index
    %get3A_663 = arith.constant 6 : index
    %get3A_664 = memref.load %arg1[%get3A_662, %get3A_663] : memref<30x8xi32, #tpu.memory_space<smem>>
    %mul3A_665 = arith.constant 64 : i32
    %mul3A_666 = arith.muli %get3A_664, %mul3A_665 : i32
    %get3A_667 = arith.constant 0 : index
    %get3A_668 = arith.index_cast %mul3A_666 : i32 to index
    %get3A_669 = arith.constant 0 : index
    %get3A_670 = vector.load %arg4[%get3A_667, %get3A_668, %get3A_669] : memref<1x2048x64xbf16, #tpu.memory_space<vmem>>, vector<1x64x64xbf16>
    %get3A_671 = vector.shape_cast %get3A_670 : vector<1x64x64xbf16> to vector<64x64xbf16>
    %get3A_672 = arith.constant 6 : index
    %get3A_673 = arith.constant 7 : index
    %get3A_674 = memref.load %arg1[%get3A_672, %get3A_673] : memref<30x8xi32, #tpu.memory_space<smem>>
    %mul3A_675 = arith.constant 64 : i32
    %mul3A_676 = arith.muli %get3A_674, %mul3A_675 : i32
    %get3A_677 = arith.constant 0 : index
    %get3A_678 = arith.index_cast %mul3A_676 : i32 to index
    %get3A_679 = arith.constant 0 : index
    %get3A_680 = vector.load %arg4[%get3A_677, %get3A_678, %get3A_679] : memref<1x2048x64xbf16, #tpu.memory_space<vmem>>, vector<1x64x64xbf16>
    %get3A_681 = vector.shape_cast %get3A_680 : vector<1x64x64xbf16> to vector<64x64xbf16>
    %concatenate3A_682 = tpu.concatenate %get3A_611, %get3A_621, %get3A_631, %get3A_641, %get3A_651, %get3A_661, %get3A_671, %get3A_681 in 0 : vector<64x64xbf16>, vector<64x64xbf16>, vector<64x64xbf16>, vector<64x64xbf16>, vector<64x64xbf16>, vector<64x64xbf16>, vector<64x64xbf16>, vector<64x64xbf16> -> vector<512x64xbf16>
    %dot_general3A_683 = arith.constant dense<0.000000e+00> : vector<64x512xf32>
    %dot_general3A_684 = tpu.matmul %slice3A_601, %concatenate3A_682, %dot_general3A_683 {dimension_numbers = #tpu.dot_dimension_numbers<[1], [1], [0], [0], [0, 0, 1, 0], [], []>, transpose_lhs_hint = false} : vector<64x64xbf16>, vector<512x64xbf16>, vector<64x512xf32> -> vector<64x512xf32>
    %get3A_685 = arith.constant 6 : index
    %get3A_686 = arith.constant 0 : index
    %get3A_687 = arith.constant 0 : index
    %get3A_688 = vector.load %arg2[%get3A_685, %get3A_686, %get3A_687] : memref<30x1x512xf32, #tpu.memory_space<vmem>>, vector<1x1x512xf32>
    %get3A_689 = vector.shape_cast %get3A_688 : vector<1x1x512xf32> to vector<512xf32>
    %broadcast_in_dim3A_690 = vector.shape_cast %get3A_689 : vector<512xf32> to vector<1x512xf32>
    %add3A_691 = vector.broadcast %broadcast_in_dim3A_690 : vector<1x512xf32> to vector<64x512xf32>
    %add3A_692 = arith.addf %dot_general3A_684, %add3A_691 : vector<64x512xf32>
    %swap3A_693 = arith.constant 384 : index
    %swap3A_694 = arith.constant 0 : index
    %swap3A_695 = vector.load %arg7[%swap3A_693, %swap3A_694] : memref<1920x512xf32, #tpu.memory_space<vmem>>, vector<64x512xf32>
    tpu.vector_store %arg7[%swap3A_693, %swap3A_694], %add3A_692 {strides = array<i32>} : memref<1920x512xf32, #tpu.memory_space<vmem>>, vector<64x512xf32>,
    %slice3A_696 = vector.extract_strided_slice %get3A_3 {offsets = [512, 0], sizes = [64, 64], strides = [1, 1]} : vector<2048x64xbf16> to vector<64x64xbf16>
    %get3A_697 = arith.constant 7 : index
    %get3A_698 = arith.constant 0 : index
    %get3A_699 = memref.load %arg1[%get3A_697, %get3A_698] : memref<30x8xi32, #tpu.memory_space<smem>>
    %mul3A_700 = arith.constant 64 : i32
    %mul3A_701 = arith.muli %get3A_699, %mul3A_700 : i32
    %get3A_702 = arith.constant 0 : index
    %get3A_703 = arith.index_cast %mul3A_701 : i32 to index
    %get3A_704 = arith.constant 0 : index
    %get3A_705 = vector.load %arg4[%get3A_702, %get3A_703, %get3A_704] : memref<1x2048x64xbf16, #tpu.memory_space<vmem>>, vector<1x64x64xbf16>
    %get3A_706 = vector.shape_cast %get3A_705 : vector<1x64x64xbf16> to vector<64x64xbf16>
    %get3A_707 = arith.constant 7 : index
    %get3A_708 = arith.constant 1 : index
    %get3A_709 = memref.load %arg1[%get3A_707, %get3A_708] : memref<30x8xi32, #tpu.memory_space<smem>>
    %mul3A_710 = arith.constant 64 : i32
    %mul3A_711 = arith.muli %get3A_709, %mul3A_710 : i32
    %get3A_712 = arith.constant 0 : index
    %get3A_713 = arith.index_cast %mul3A_711 : i32 to index
    %get3A_714 = arith.constant 0 : index
    %get3A_715 = vector.load %arg4[%get3A_712, %get3A_713, %get3A_714] : memref<1x2048x64xbf16, #tpu.memory_space<vmem>>, vector<1x64x64xbf16>
    %get3A_716 = vector.shape_cast %get3A_715 : vector<1x64x64xbf16> to vector<64x64xbf16>
    %get3A_717 = arith.constant 7 : index
    %get3A_718 = arith.constant 2 : index
    %get3A_719 = memref.load %arg1[%get3A_717, %get3A_718] : memref<30x8xi32, #tpu.memory_space<smem>>
    %mul3A_720 = arith.constant 64 : i32
    %mul3A_721 = arith.muli %get3A_719, %mul3A_720 : i32
    %get3A_722 = arith.constant 0 : index
    %get3A_723 = arith.index_cast %mul3A_721 : i32 to index
    %get3A_724 = arith.constant 0 : index
    %get3A_725 = vector.load %arg4[%get3A_722, %get3A_723, %get3A_724] : memref<1x2048x64xbf16, #tpu.memory_space<vmem>>, vector<1x64x64xbf16>
    %get3A_726 = vector.shape_cast %get3A_725 : vector<1x64x64xbf16> to vector<64x64xbf16>
    %get3A_727 = arith.constant 7 : index
    %get3A_728 = arith.constant 3 : index
    %get3A_729 = memref.load %arg1[%get3A_727, %get3A_728] : memref<30x8xi32, #tpu.memory_space<smem>>
    %mul3A_730 = arith.constant 64 : i32
    %mul3A_731 = arith.muli %get3A_729, %mul3A_730 : i32
    %get3A_732 = arith.constant 0 : index
    %get3A_733 = arith.index_cast %mul3A_731 : i32 to index
    %get3A_734 = arith.constant 0 : index
    %get3A_735 = vector.load %arg4[%get3A_732, %get3A_733, %get3A_734] : memref<1x2048x64xbf16, #tpu.memory_space<vmem>>, vector<1x64x64xbf16>
    %get3A_736 = vector.shape_cast %get3A_735 : vector<1x64x64xbf16> to vector<64x64xbf16>
    %get3A_737 = arith.constant 7 : index
    %get3A_738 = arith.constant 4 : index
    %get3A_739 = memref.load %arg1[%get3A_737, %get3A_738] : memref<30x8xi32, #tpu.memory_space<smem>>
    %mul3A_740 = arith.constant 64 : i32
    %mul3A_741 = arith.muli %get3A_739, %mul3A_740 : i32
    %get3A_742 = arith.constant 0 : index
    %get3A_743 = arith.index_cast %mul3A_741 : i32 to index
    %get3A_744 = arith.constant 0 : index
    %get3A_745 = vector.load %arg4[%get3A_742, %get3A_743, %get3A_744] : memref<1x2048x64xbf16, #tpu.memory_space<vmem>>, vector<1x64x64xbf16>
    %get3A_746 = vector.shape_cast %get3A_745 : vector<1x64x64xbf16> to vector<64x64xbf16>
    %get3A_747 = arith.constant 7 : index
    %get3A_748 = arith.constant 5 : index
    %get3A_749 = memref.load %arg1[%get3A_747, %get3A_748] : memref<30x8xi32, #tpu.memory_space<smem>>
    %mul3A_750 = arith.constant 64 : i32
    %mul3A_751 = arith.muli %get3A_749, %mul3A_750 : i32
    %get3A_752 = arith.constant 0 : index
    %get3A_753 = arith.index_cast %mul3A_751 : i32 to index
    %get3A_754 = arith.constant 0 : index
    %get3A_755 = vector.load %arg4[%get3A_752, %get3A_753, %get3A_754] : memref<1x2048x64xbf16, #tpu.memory_space<vmem>>, vector<1x64x64xbf16>
    %get3A_756 = vector.shape_cast %get3A_755 : vector<1x64x64xbf16> to vector<64x64xbf16>
    %get3A_757 = arith.constant 7 : index
    %get3A_758 = arith.constant 6 : index
    %get3A_759 = memref.load %arg1[%get3A_757, %get3A_758] : memref<30x8xi32, #tpu.memory_space<smem>>
    %mul3A_760 = arith.constant 64 : i32
    %mul3A_761 = arith.muli %get3A_759, %mul3A_760 : i32
    %get3A_762 = arith.constant 0 : index
    %get3A_763 = arith.index_cast %mul3A_761 : i32 to index
    %get3A_764 = arith.constant 0 : index
    %get3A_765 = vector.load %arg4[%get3A_762, %get3A_763, %get3A_764] : memref<1x2048x64xbf16, #tpu.memory_space<vmem>>, vector<1x64x64xbf16>
    %get3A_766 = vector.shape_cast %get3A_765 : vector<1x64x64xbf16> to vector<64x64xbf16>
    %get3A_767 = arith.constant 7 : index
    %get3A_768 = arith.constant 7 : index
    %get3A_769 = memref.load %arg1[%get3A_767, %get3A_768] : memref<30x8xi32, #tpu.memory_space<smem>>
    %mul3A_770 = arith.constant 64 : i32
    %mul3A_771 = arith.muli %get3A_769, %mul3A_770 : i32
    %get3A_772 = arith.constant 0 : index
    %get3A_773 = arith.index_cast %mul3A_771 : i32 to index
    %get3A_774 = arith.constant 0 : index
    %get3A_775 = vector.load %arg4[%get3A_772, %get3A_773, %get3A_774] : memref<1x2048x64xbf16, #tpu.memory_space<vmem>>, vector<1x64x64xbf16>
    %get3A_776 = vector.shape_cast %get3A_775 : vector<1x64x64xbf16> to vector<64x64xbf16>
    %concatenate3A_777 = tpu.concatenate %get3A_706, %get3A_716, %get3A_726, %get3A_736, %get3A_746, %get3A_756, %get3A_766, %get3A_776 in 0 : vector<64x64xbf16>, vector<64x64xbf16>, vector<64x64xbf16>, vector<64x64xbf16>, vector<64x64xbf16>, vector<64x64xbf16>, vector<64x64xbf16>, vector<64x64xbf16> -> vector<512x64xbf16>
    %dot_general3A_778 = arith.constant dense<0.000000e+00> : vector<64x512xf32>
    %dot_general3A_779 = tpu.matmul %slice3A_696, %concatenate3A_777, %dot_general3A_778 {dimension_numbers = #tpu.dot_dimension_numbers<[1], [1], [0], [0], [0, 0, 1, 0], [], []>, transpose_lhs_hint = false} : vector<64x64xbf16>, vector<512x64xbf16>, vector<64x512xf32> -> vector<64x512xf32>
    %get3A_780 = arith.constant 7 : index
    %get3A_781 = arith.constant 0 : index
    %get3A_782 = arith.constant 0 : index
    %get3A_783 = vector.load %arg2[%get3A_780, %get3A_781, %get3A_782] : memref<30x1x512xf32, #tpu.memory_space<vmem>>, vector<1x1x512xf32>
    %get3A_784 = vector.shape_cast %get3A_783 : vector<1x1x512xf32> to vector<512xf32>
    %broadcast_in_dim3A_785 = vector.shape_cast %get3A_784 : vector<512xf32> to vector<1x512xf32>
    %add3A_786 = vector.broadcast %broadcast_in_dim3A_785 : vector<1x512xf32> to vector<64x512xf32>
    %add3A_787 = arith.addf %dot_general3A_779, %add3A_786 : vector<64x512xf32>
    %swap3A_788 = arith.constant 448 : index
    %swap3A_789 = arith.constant 0 : index
    %swap3A_790 = vector.load %arg7[%swap3A_788, %swap3A_789] : memref<1920x512xf32, #tpu.memory_space<vmem>>, vector<64x512xf32>
    tpu.vector_store %arg7[%swap3A_788, %swap3A_789], %add3A_787 {strides = array<i32>} : memref<1920x512xf32, #tpu.memory_space<vmem>>, vector<64x512xf32>,
    %slice3A_791 = vector.extract_strided_slice %get3A_3 {offsets = [576, 0], sizes = [64, 64], strides = [1, 1]} : vector<2048x64xbf16> to vector<64x64xbf16>
    %get3A_792 = arith.constant 8 : index
    %get3A_793 = arith.constant 0 : index
    %get3A_794 = memref.load %arg1[%get3A_792, %get3A_793] : memref<30x8xi32, #tpu.memory_space<smem>>
    %mul3A_795 = arith.constant 64 : i32
    %mul3A_796 = arith.muli %get3A_794, %mul3A_795 : i32
    %get3A_797 = arith.constant 0 : index
    %get3A_798 = arith.index_cast %mul3A_796 : i32 to index
    %get3A_799 = arith.constant 0 : index
    %get3A_800 = vector.load %arg4[%get3A_797, %get3A_798, %get3A_799] : memref<1x2048x64xbf16, #tpu.memory_space<vmem>>, vector<1x64x64xbf16>
    %get3A_801 = vector.shape_cast %get3A_800 : vector<1x64x64xbf16> to vector<64x64xbf16>
    %get3A_802 = arith.constant 8 : index
    %get3A_803 = arith.constant 1 : index
    %get3A_804 = memref.load %arg1[%get3A_802, %get3A_803] : memref<30x8xi32, #tpu.memory_space<smem>>
    %mul3A_805 = arith.constant 64 : i32
    %mul3A_806 = arith.muli %get3A_804, %mul3A_805 : i32
    %get3A_807 = arith.constant 0 : index
    %get3A_808 = arith.index_cast %mul3A_806 : i32 to index
    %get3A_809 = arith.constant 0 : index
    %get3A_810 = vector.load %arg4[%get3A_807, %get3A_808, %get3A_809] : memref<1x2048x64xbf16, #tpu.memory_space<vmem>>, vector<1x64x64xbf16>
    %get3A_811 = vector.shape_cast %get3A_810 : vector<1x64x64xbf16> to vector<64x64xbf16>
    %get3A_812 = arith.constant 8 : index
    %get3A_813 = arith.constant 2 : index
    %get3A_814 = memref.load %arg1[%get3A_812, %get3A_813] : memref<30x8xi32, #tpu.memory_space<smem>>
    %mul3A_815 = arith.constant 64 : i32
    %mul3A_816 = arith.muli %get3A_814, %mul3A_815 : i32
    %get3A_817 = arith.constant 0 : index
    %get3A_818 = arith.index_cast %mul3A_816 : i32 to index
    %get3A_819 = arith.constant 0 : index
    %get3A_820 = vector.load %arg4[%get3A_817, %get3A_818, %get3A_819] : memref<1x2048x64xbf16, #tpu.memory_space<vmem>>, vector<1x64x64xbf16>
    %get3A_821 = vector.shape_cast %get3A_820 : vector<1x64x64xbf16> to vector<64x64xbf16>
    %get3A_822 = arith.constant 8 : index
    %get3A_823 = arith.constant 3 : index
    %get3A_824 = memref.load %arg1[%get3A_822, %get3A_823] : memref<30x8xi32, #tpu.memory_space<smem>>
    %mul3A_825 = arith.constant 64 : i32
    %mul3A_826 = arith.muli %get3A_824, %mul3A_825 : i32
    %get3A_827 = arith.constant 0 : index
    %get3A_828 = arith.index_cast %mul3A_826 : i32 to index
    %get3A_829 = arith.constant 0 : index
    %get3A_830 = vector.load %arg4[%get3A_827, %get3A_828, %get3A_829] : memref<1x2048x64xbf16, #tpu.memory_space<vmem>>, vector<1x64x64xbf16>
    %get3A_831 = vector.shape_cast %get3A_830 : vector<1x64x64xbf16> to vector<64x64xbf16>
    %get3A_832 = arith.constant 8 : index
    %get3A_833 = arith.constant 4 : index
    %get3A_834 = memref.load %arg1[%get3A_832, %get3A_833] : memref<30x8xi32, #tpu.memory_space<smem>>
    %mul3A_835 = arith.constant 64 : i32
    %mul3A_836 = arith.muli %get3A_834, %mul3A_835 : i32
    %get3A_837 = arith.constant 0 : index
    %get3A_838 = arith.index_cast %mul3A_836 : i32 to index
    %get3A_839 = arith.constant 0 : index
    %get3A_840 = vector.load %arg4[%get3A_837, %get3A_838, %get3A_839] : memref<1x2048x64xbf16, #tpu.memory_space<vmem>>, vector<1x64x64xbf16>
    %get3A_841 = vector.shape_cast %get3A_840 : vector<1x64x64xbf16> to vector<64x64xbf16>
    %get3A_842 = arith.constant 8 : index
    %get3A_843 = arith.constant 5 : index
    %get3A_844 = memref.load %arg1[%get3A_842, %get3A_843] : memref<30x8xi32, #tpu.memory_space<smem>>
    %mul3A_845 = arith.constant 64 : i32
    %mul3A_846 = arith.muli %get3A_844, %mul3A_845 : i32
    %get3A_847 = arith.constant 0 : index
    %get3A_848 = arith.index_cast %mul3A_846 : i32 to index
    %get3A_849 = arith.constant 0 : index
    %get3A_850 = vector.load %arg4[%get3A_847, %get3A_848, %get3A_849] : memref<1x2048x64xbf16, #tpu.memory_space<vmem>>, vector<1x64x64xbf16>
    %get3A_851 = vector.shape_cast %get3A_850 : vector<1x64x64xbf16> to vector<64x64xbf16>
    %get3A_852 = arith.constant 8 : index
    %get3A_853 = arith.constant 6 : index
    %get3A_854 = memref.load %arg1[%get3A_852, %get3A_853] : memref<30x8xi32, #tpu.memory_space<smem>>
    %mul3A_855 = arith.constant 64 : i32
    %mul3A_856 = arith.muli %get3A_854, %mul3A_855 : i32
    %get3A_857 = arith.constant 0 : index
    %get3A_858 = arith.index_cast %mul3A_856 : i32 to index
    %get3A_859 = arith.constant 0 : index
    %get3A_860 = vector.load %arg4[%get3A_857, %get3A_858, %get3A_859] : memref<1x2048x64xbf16, #tpu.memory_space<vmem>>, vector<1x64x64xbf16>
    %get3A_861 = vector.shape_cast %get3A_860 : vector<1x64x64xbf16> to vector<64x64xbf16>
    %get3A_862 = arith.constant 8 : index
    %get3A_863 = arith.constant 7 : index
    %get3A_864 = memref.load %arg1[%get3A_862, %get3A_863] : memref<30x8xi32, #tpu.memory_space<smem>>
    %mul3A_865 = arith.constant 64 : i32
    %mul3A_866 = arith.muli %get3A_864, %mul3A_865 : i32
    %get3A_867 = arith.constant 0 : index
    %get3A_868 = arith.index_cast %mul3A_866 : i32 to index
    %get3A_869 = arith.constant 0 : index
    %get3A_870 = vector.load %arg4[%get3A_867, %get3A_868, %get3A_869] : memref<1x2048x64xbf16, #tpu.memory_space<vmem>>, vector<1x64x64xbf16>
    %get3A_871 = vector.shape_cast %get3A_870 : vector<1x64x64xbf16> to vector<64x64xbf16>
    %concatenate3A_872 = tpu.concatenate %get3A_801, %get3A_811, %get3A_821, %get3A_831, %get3A_841, %get3A_851, %get3A_861, %get3A_871 in 0 : vector<64x64xbf16>, vector<64x64xbf16>, vector<64x64xbf16>, vector<64x64xbf16>, vector<64x64xbf16>, vector<64x64xbf16>, vector<64x64xbf16>, vector<64x64xbf16> -> vector<512x64xbf16>
    %dot_general3A_873 = arith.constant dense<0.000000e+00> : vector<64x512xf32>
    %dot_general3A_874 = tpu.matmul %slice3A_791, %concatenate3A_872, %dot_general3A_873 {dimension_numbers = #tpu.dot_dimension_numbers<[1], [1], [0], [0], [0, 0, 1, 0], [], []>, transpose_lhs_hint = false} : vector<64x64xbf16>, vector<512x64xbf16>, vector<64x512xf32> -> vector<64x512xf32>
    %get3A_875 = arith.constant 8 : index
    %get3A_876 = arith.constant 0 : index
    %get3A_877 = arith.constant 0 : index
    %get3A_878 = vector.load %arg2[%get3A_875, %get3A_876, %get3A_877] : memref<30x1x512xf32, #tpu.memory_space<vmem>>, vector<1x1x512xf32>
    %get3A_879 = vector.shape_cast %get3A_878 : vector<1x1x512xf32> to vector<512xf32>
    %broadcast_in_dim3A_880 = vector.shape_cast %get3A_879 : vector<512xf32> to vector<1x512xf32>
    %add3A_881 = vector.broadcast %broadcast_in_dim3A_880 : vector<1x512xf32> to vector<64x512xf32>
    %add3A_882 = arith.addf %dot_general3A_874, %add3A_881 : vector<64x512xf32>
    %swap3A_883 = arith.constant 512 : index
    %swap3A_884 = arith.constant 0 : index
    %swap3A_885 = vector.load %arg7[%swap3A_883, %swap3A_884] : memref<1920x512xf32, #tpu.memory_space<vmem>>, vector<64x512xf32>
    tpu.vector_store %arg7[%swap3A_883, %swap3A_884], %add3A_882 {strides = array<i32>} : memref<1920x512xf32, #tpu.memory_space<vmem>>, vector<64x512xf32>,
    %slice3A_886 = vector.extract_strided_slice %get3A_3 {offsets = [640, 0], sizes = [64, 64], strides = [1, 1]} : vector<2048x64xbf16> to vector<64x64xbf16>
    %get3A_887 = arith.constant 9 : index
    %get3A_888 = arith.constant 0 : index
    %get3A_889 = memref.load %arg1[%get3A_887, %get3A_888] : memref<30x8xi32, #tpu.memory_space<smem>>
    %mul3A_890 = arith.constant 64 : i32
    %mul3A_891 = arith.muli %get3A_889, %mul3A_890 : i32
    %get3A_892 = arith.constant 0 : index
    %get3A_893 = arith.index_cast %mul3A_891 : i32 to index
    %get3A_894 = arith.constant 0 : index
    %get3A_895 = vector.load %arg4[%get3A_892, %get3A_893, %get3A_894] : memref<1x2048x64xbf16, #tpu.memory_space<vmem>>, vector<1x64x64xbf16>
    %get3A_896 = vector.shape_cast %get3A_895 : vector<1x64x64xbf16> to vector<64x64xbf16>
    %get3A_897 = arith.constant 9 : index
    %get3A_898 = arith.constant 1 : index
    %get3A_899 = memref.load %arg1[%get3A_897, %get3A_898] : memref<30x8xi32, #tpu.memory_space<smem>>
    %mul3A_900 = arith.constant 64 : i32
    %mul3A_901 = arith.muli %get3A_899, %mul3A_900 : i32
    %get3A_902 = arith.constant 0 : index
    %get3A_903 = arith.index_cast %mul3A_901 : i32 to index
    %get3A_904 = arith.constant 0 : index
    %get3A_905 = vector.load %arg4[%get3A_902, %get3A_903, %get3A_904] : memref<1x2048x64xbf16, #tpu.memory_space<vmem>>, vector<1x64x64xbf16>
    %get3A_906 = vector.shape_cast %get3A_905 : vector<1x64x64xbf16> to vector<64x64xbf16>
    %get3A_907 = arith.constant 9 : index
    %get3A_908 = arith.constant 2 : index
    %get3A_909 = memref.load %arg1[%get3A_907, %get3A_908] : memref<30x8xi32, #tpu.memory_space<smem>>
    %mul3A_910 = arith.constant 64 : i32
    %mul3A_911 = arith.muli %get3A_909, %mul3A_910 : i32
    %get3A_912 = arith.constant 0 : index
    %get3A_913 = arith.index_cast %mul3A_911 : i32 to index
    %get3A_914 = arith.constant 0 : index
    %get3A_915 = vector.load %arg4[%get3A_912, %get3A_913, %get3A_914] : memref<1x2048x64xbf16, #tpu.memory_space<vmem>>, vector<1x64x64xbf16>
    %get3A_916 = vector.shape_cast %get3A_915 : vector<1x64x64xbf16> to vector<64x64xbf16>
    %get3A_917 = arith.constant 9 : index
    %get3A_918 = arith.constant 3 : index
    %get3A_919 = memref.load %arg1[%get3A_917, %get3A_918] : memref<30x8xi32, #tpu.memory_space<smem>>
    %mul3A_920 = arith.constant 64 : i32
    %mul3A_921 = arith.muli %get3A_919, %mul3A_920 : i32
    %get3A_922 = arith.constant 0 : index
    %get3A_923 = arith.index_cast %mul3A_921 : i32 to index
    %get3A_924 = arith.constant 0 : index
    %get3A_925 = vector.load %arg4[%get3A_922, %get3A_923, %get3A_924] : memref<1x2048x64xbf16, #tpu.memory_space<vmem>>, vector<1x64x64xbf16>
    %get3A_926 = vector.shape_cast %get3A_925 : vector<1x64x64xbf16> to vector<64x64xbf16>
    %get3A_927 = arith.constant 9 : index
    %get3A_928 = arith.constant 4 : index
    %get3A_929 = memref.load %arg1[%get3A_927, %get3A_928] : memref<30x8xi32, #tpu.memory_space<smem>>
    %mul3A_930 = arith.constant 64 : i32
    %mul3A_931 = arith.muli %get3A_929, %mul3A_930 : i32
    %get3A_932 = arith.constant 0 : index
    %get3A_933 = arith.index_cast %mul3A_931 : i32 to index
    %get3A_934 = arith.constant 0 : index
    %get3A_935 = vector.load %arg4[%get3A_932, %get3A_933, %get3A_934] : memref<1x2048x64xbf16, #tpu.memory_space<vmem>>, vector<1x64x64xbf16>
    %get3A_936 = vector.shape_cast %get3A_935 : vector<1x64x64xbf16> to vector<64x64xbf16>
    %get3A_937 = arith.constant 9 : index
    %get3A_938 = arith.constant 5 : index
    %get3A_939 = memref.load %arg1[%get3A_937, %get3A_938] : memref<30x8xi32, #tpu.memory_space<smem>>
    %mul3A_940 = arith.constant 64 : i32
    %mul3A_941 = arith.muli %get3A_939, %mul3A_940 : i32
    %get3A_942 = arith.constant 0 : index
    %get3A_943 = arith.index_cast %mul3A_941 : i32 to index
    %get3A_944 = arith.constant 0 : index
    %get3A_945 = vector.load %arg4[%get3A_942, %get3A_943, %get3A_944] : memref<1x2048x64xbf16, #tpu.memory_space<vmem>>, vector<1x64x64xbf16>
    %get3A_946 = vector.shape_cast %get3A_945 : vector<1x64x64xbf16> to vector<64x64xbf16>
    %get3A_947 = arith.constant 9 : index
    %get3A_948 = arith.constant 6 : index
    %get3A_949 = memref.load %arg1[%get3A_947, %get3A_948] : memref<30x8xi32, #tpu.memory_space<smem>>
    %mul3A_950 = arith.constant 64 : i32
    %mul3A_951 = arith.muli %get3A_949, %mul3A_950 : i32
    %get3A_952 = arith.constant 0 : index
    %get3A_953 = arith.index_cast %mul3A_951 : i32 to index
    %get3A_954 = arith.constant 0 : index
    %get3A_955 = vector.load %arg4[%get3A_952, %get3A_953, %get3A_954] : memref<1x2048x64xbf16, #tpu.memory_space<vmem>>, vector<1x64x64xbf16>
    %get3A_956 = vector.shape_cast %get3A_955 : vector<1x64x64xbf16> to vector<64x64xbf16>
    %get3A_957 = arith.constant 9 : index
    %get3A_958 = arith.constant 7 : index
    %get3A_959 = memref.load %arg1[%get3A_957, %get3A_958] : memref<30x8xi32, #tpu.memory_space<smem>>
    %mul3A_960 = arith.constant 64 : i32
    %mul3A_961 = arith.muli %get3A_959, %mul3A_960 : i32
    %get3A_962 = arith.constant 0 : index
    %get3A_963 = arith.index_cast %mul3A_961 : i32 to index
    %get3A_964 = arith.constant 0 : index
    %get3A_965 = vector.load %arg4[%get3A_962, %get3A_963, %get3A_964] : memref<1x2048x64xbf16, #tpu.memory_space<vmem>>, vector<1x64x64xbf16>
    %get3A_966 = vector.shape_cast %get3A_965 : vector<1x64x64xbf16> to vector<64x64xbf16>
    %concatenate3A_967 = tpu.concatenate %get3A_896, %get3A_906, %get3A_916, %get3A_926, %get3A_936, %get3A_946, %get3A_956, %get3A_966 in 0 : vector<64x64xbf16>, vector<64x64xbf16>, vector<64x64xbf16>, vector<64x64xbf16>, vector<64x64xbf16>, vector<64x64xbf16>, vector<64x64xbf16>, vector<64x64xbf16> -> vector<512x64xbf16>
    %dot_general3A_968 = arith.constant dense<0.000000e+00> : vector<64x512xf32>
    %dot_general3A_969 = tpu.matmul %slice3A_886, %concatenate3A_967, %dot_general3A_968 {dimension_numbers = #tpu.dot_dimension_numbers<[1], [1], [0], [0], [0, 0, 1, 0], [], []>, transpose_lhs_hint = false} : vector<64x64xbf16>, vector<512x64xbf16>, vector<64x512xf32> -> vector<64x512xf32>
    %get3A_970 = arith.constant 9 : index
    %get3A_971 = arith.constant 0 : index
    %get3A_972 = arith.constant 0 : index
    %get3A_973 = vector.load %arg2[%get3A_970, %get3A_971, %get3A_972] : memref<30x1x512xf32, #tpu.memory_space<vmem>>, vector<1x1x512xf32>
    %get3A_974 = vector.shape_cast %get3A_973 : vector<1x1x512xf32> to vector<512xf32>
    %broadcast_in_dim3A_975 = vector.shape_cast %get3A_974 : vector<512xf32> to vector<1x512xf32>
    %add3A_976 = vector.broadcast %broadcast_in_dim3A_975 : vector<1x512xf32> to vector<64x512xf32>
    %add3A_977 = arith.addf %dot_general3A_969, %add3A_976 : vector<64x512xf32>
    %swap3A_978 = arith.constant 576 : index
    %swap3A_979 = arith.constant 0 : index
    %swap3A_980 = vector.load %arg7[%swap3A_978, %swap3A_979] : memref<1920x512xf32, #tpu.memory_space<vmem>>, vector<64x512xf32>
    tpu.vector_store %arg7[%swap3A_978, %swap3A_979], %add3A_977 {strides = array<i32>} : memref<1920x512xf32, #tpu.memory_space<vmem>>, vector<64x512xf32>,
    %slice3A_981 = vector.extract_strided_slice %get3A_3 {offsets = [704, 0], sizes = [64, 64], strides = [1, 1]} : vector<2048x64xbf16> to vector<64x64xbf16>
    %get3A_982 = arith.constant 10 : index
    %get3A_983 = arith.constant 0 : index
    %get3A_984 = memref.load %arg1[%get3A_982, %get3A_983] : memref<30x8xi32, #tpu.memory_space<smem>>
    %mul3A_985 = arith.constant 64 : i32
    %mul3A_986 = arith.muli %get3A_984, %mul3A_985 : i32
    %get3A_987 = arith.constant 0 : index
    %get3A_988 = arith.index_cast %mul3A_986 : i32 to index
    %get3A_989 = arith.constant 0 : index
    %get3A_990 = vector.load %arg4[%get3A_987, %get3A_988, %get3A_989] : memref<1x2048x64xbf16, #tpu.memory_space<vmem>>, vector<1x64x64xbf16>
    %get3A_991 = vector.shape_cast %get3A_990 : vector<1x64x64xbf16> to vector<64x64xbf16>
    %get3A_992 = arith.constant 10 : index
    %get3A_993 = arith.constant 1 : index
    %get3A_994 = memref.load %arg1[%get3A_992, %get3A_993] : memref<30x8xi32, #tpu.memory_space<smem>>
    %mul3A_995 = arith.constant 64 : i32
    %mul3A_996 = arith.muli %get3A_994, %mul3A_995 : i32
    %get3A_997 = arith.constant 0 : index
    %get3A_998 = arith.index_cast %mul3A_996 : i32 to index
    %get3A_999 = arith.constant 0 : index
    %get3A_1000 = vector.load %arg4[%get3A_997, %get3A_998, %get3A_999] : memref<1x2048x64xbf16, #tpu.memory_space<vmem>>, vector<1x64x64xbf16>
    %get3A_1001 = vector.shape_cast %get3A_1000 : vector<1x64x64xbf16> to vector<64x64xbf16>
    %get3A_1002 = arith.constant 10 : index
    %get3A_1003 = arith.constant 2 : index
    %get3A_1004 = memref.load %arg1[%get3A_1002, %get3A_1003] : memref<30x8xi32, #tpu.memory_space<smem>>
    %mul3A_1005 = arith.constant 64 : i32
    %mul3A_1006 = arith.muli %get3A_1004, %mul3A_1005 : i32
    %get3A_1007 = arith.constant 0 : index
    %get3A_1008 = arith.index_cast %mul3A_1006 : i32 to index
    %get3A_1009 = arith.constant 0 : index
    %get3A_1010 = vector.load %arg4[%get3A_1007, %get3A_1008, %get3A_1009] : memref<1x2048x64xbf16, #tpu.memory_space<vmem>>, vector<1x64x64xbf16>
    %get3A_1011 = vector.shape_cast %get3A_1010 : vector<1x64x64xbf16> to vector<64x64xbf16>
    %get3A_1012 = arith.constant 10 : index
    %get3A_1013 = arith.constant 3 : index
    %get3A_1014 = memref.load %arg1[%get3A_1012, %get3A_1013] : memref<30x8xi32, #tpu.memory_space<smem>>
    %mul3A_1015 = arith.constant 64 : i32
    %mul3A_1016 = arith.muli %get3A_1014, %mul3A_1015 : i32
    %get3A_1017 = arith.constant 0 : index
    %get3A_1018 = arith.index_cast %mul3A_1016 : i32 to index
    %get3A_1019 = arith.constant 0 : index
    %get3A_1020 = vector.load %arg4[%get3A_1017, %get3A_1018, %get3A_1019] : memref<1x2048x64xbf16, #tpu.memory_space<vmem>>, vector<1x64x64xbf16>
    %get3A_1021 = vector.shape_cast %get3A_1020 : vector<1x64x64xbf16> to vector<64x64xbf16>
    %get3A_1022 = arith.constant 10 : index
    %get3A_1023 = arith.constant 4 : index
    %get3A_1024 = memref.load %arg1[%get3A_1022, %get3A_1023] : memref<30x8xi32, #tpu.memory_space<smem>>
    %mul3A_1025 = arith.constant 64 : i32
    %mul3A_1026 = arith.muli %get3A_1024, %mul3A_1025 : i32
    %get3A_1027 = arith.constant 0 : index
    %get3A_1028 = arith.index_cast %mul3A_1026 : i32 to index
    %get3A_1029 = arith.constant 0 : index
    %get3A_1030 = vector.load %arg4[%get3A_1027, %get3A_1028, %get3A_1029] : memref<1x2048x64xbf16, #tpu.memory_space<vmem>>, vector<1x64x64xbf16>
    %get3A_1031 = vector.shape_cast %get3A_1030 : vector<1x64x64xbf16> to vector<64x64xbf16>
    %get3A_1032 = arith.constant 10 : index
    %get3A_1033 = arith.constant 5 : index
    %get3A_1034 = memref.load %arg1[%get3A_1032, %get3A_1033] : memref<30x8xi32, #tpu.memory_space<smem>>
    %mul3A_1035 = arith.constant 64 : i32
    %mul3A_1036 = arith.muli %get3A_1034, %mul3A_1035 : i32
    %get3A_1037 = arith.constant 0 : index
    %get3A_1038 = arith.index_cast %mul3A_1036 : i32 to index
    %get3A_1039 = arith.constant 0 : index
    %get3A_1040 = vector.load %arg4[%get3A_1037, %get3A_1038, %get3A_1039] : memref<1x2048x64xbf16, #tpu.memory_space<vmem>>, vector<1x64x64xbf16>
    %get3A_1041 = vector.shape_cast %get3A_1040 : vector<1x64x64xbf16> to vector<64x64xbf16>
    %get3A_1042 = arith.constant 10 : index
    %get3A_1043 = arith.constant 6 : index
    %get3A_1044 = memref.load %arg1[%get3A_1042, %get3A_1043] : memref<30x8xi32, #tpu.memory_space<smem>>
    %mul3A_1045 = arith.constant 64 : i32
    %mul3A_1046 = arith.muli %get3A_1044, %mul3A_1045 : i32
    %get3A_1047 = arith.constant 0 : index
    %get3A_1048 = arith.index_cast %mul3A_1046 : i32 to index
    %get3A_1049 = arith.constant 0 : index
    %get3A_1050 = vector.load %arg4[%get3A_1047, %get3A_1048, %get3A_1049] : memref<1x2048x64xbf16, #tpu.memory_space<vmem>>, vector<1x64x64xbf16>
    %get3A_1051 = vector.shape_cast %get3A_1050 : vector<1x64x64xbf16> to vector<64x64xbf16>
    %get3A_1052 = arith.constant 10 : index
    %get3A_1053 = arith.constant 7 : index
    %get3A_1054 = memref.load %arg1[%get3A_1052, %get3A_1053] : memref<30x8xi32, #tpu.memory_space<smem>>
    %mul3A_1055 = arith.constant 64 : i32
    %mul3A_1056 = arith.muli %get3A_1054, %mul3A_1055 : i32
    %get3A_1057 = arith.constant 0 : index
    %get3A_1058 = arith.index_cast %mul3A_1056 : i32 to index
    %get3A_1059 = arith.constant 0 : index
    %get3A_1060 = vector.load %arg4[%get3A_1057, %get3A_1058, %get3A_1059] : memref<1x2048x64xbf16, #tpu.memory_space<vmem>>, vector<1x64x64xbf16>
    %get3A_1061 = vector.shape_cast %get3A_1060 : vector<1x64x64xbf16> to vector<64x64xbf16>
    %concatenate3A_1062 = tpu.concatenate %get3A_991, %get3A_1001, %get3A_1011, %get3A_1021, %get3A_1031, %get3A_1041, %get3A_1051, %get3A_1061 in 0 : vector<64x64xbf16>, vector<64x64xbf16>, vector<64x64xbf16>, vector<64x64xbf16>, vector<64x64xbf16>, vector<64x64xbf16>, vector<64x64xbf16>, vector<64x64xbf16> -> vector<512x64xbf16>
    %dot_general3A_1063 = arith.constant dense<0.000000e+00> : vector<64x512xf32>
    %dot_general3A_1064 = tpu.matmul %slice3A_981, %concatenate3A_1062, %dot_general3A_1063 {dimension_numbers = #tpu.dot_dimension_numbers<[1], [1], [0], [0], [0, 0, 1, 0], [], []>, transpose_lhs_hint = false} : vector<64x64xbf16>, vector<512x64xbf16>, vector<64x512xf32> -> vector<64x512xf32>
    %get3A_1065 = arith.constant 10 : index
    %get3A_1066 = arith.constant 0 : index
    %get3A_1067 = arith.constant 0 : index
    %get3A_1068 = vector.load %arg2[%get3A_1065, %get3A_1066, %get3A_1067] : memref<30x1x512xf32, #tpu.memory_space<vmem>>, vector<1x1x512xf32>
    %get3A_1069 = vector.shape_cast %get3A_1068 : vector<1x1x512xf32> to vector<512xf32>
    %broadcast_in_dim3A_1070 = vector.shape_cast %get3A_1069 : vector<512xf32> to vector<1x512xf32>
    %add3A_1071 = vector.broadcast %broadcast_in_dim3A_1070 : vector<1x512xf32> to vector<64x512xf32>
    %add3A_1072 = arith.addf %dot_general3A_1064, %add3A_1071 : vector<64x512xf32>
    %swap3A_1073 = arith.constant 640 : index
    %swap3A_1074 = arith.constant 0 : index
    %swap3A_1075 = vector.load %arg7[%swap3A_1073, %swap3A_1074] : memref<1920x512xf32, #tpu.memory_space<vmem>>, vector<64x512xf32>
    tpu.vector_store %arg7[%swap3A_1073, %swap3A_1074], %add3A_1072 {strides = array<i32>} : memref<1920x512xf32, #tpu.memory_space<vmem>>, vector<64x512xf32>,
    %slice3A_1076 = vector.extract_strided_slice %get3A_3 {offsets = [768, 0], sizes = [64, 64], strides = [1, 1]} : vector<2048x64xbf16> to vector<64x64xbf16>
    %get3A_1077 = arith.constant 11 : index
    %get3A_1078 = arith.constant 0 : index
    %get3A_1079 = memref.load %arg1[%get3A_1077, %get3A_1078] : memref<30x8xi32, #tpu.memory_space<smem>>
    %mul3A_1080 = arith.constant 64 : i32
    %mul3A_1081 = arith.muli %get3A_1079, %mul3A_1080 : i32
    %get3A_1082 = arith.constant 0 : index
    %get3A_1083 = arith.index_cast %mul3A_1081 : i32 to index
    %get3A_1084 = arith.constant 0 : index
    %get3A_1085 = vector.load %arg4[%get3A_1082, %get3A_1083, %get3A_1084] : memref<1x2048x64xbf16, #tpu.memory_space<vmem>>, vector<1x64x64xbf16>
    %get3A_1086 = vector.shape_cast %get3A_1085 : vector<1x64x64xbf16> to vector<64x64xbf16>
    %get3A_1087 = arith.constant 11 : index
    %get3A_1088 = arith.constant 1 : index
    %get3A_1089 = memref.load %arg1[%get3A_1087, %get3A_1088] : memref<30x8xi32, #tpu.memory_space<smem>>
    %mul3A_1090 = arith.constant 64 : i32
    %mul3A_1091 = arith.muli %get3A_1089, %mul3A_1090 : i32
    %get3A_1092 = arith.constant 0 : index
    %get3A_1093 = arith.index_cast %mul3A_1091 : i32 to index
    %get3A_1094 = arith.constant 0 : index
    %get3A_1095 = vector.load %arg4[%get3A_1092, %get3A_1093, %get3A_1094] : memref<1x2048x64xbf16, #tpu.memory_space<vmem>>, vector<1x64x64xbf16>
    %get3A_1096 = vector.shape_cast %get3A_1095 : vector<1x64x64xbf16> to vector<64x64xbf16>
    %get3A_1097 = arith.constant 11 : index
    %get3A_1098 = arith.constant 2 : index
    %get3A_1099 = memref.load %arg1[%get3A_1097, %get3A_1098] : memref<30x8xi32, #tpu.memory_space<smem>>
    %mul3A_1100 = arith.constant 64 : i32
    %mul3A_1101 = arith.muli %get3A_1099, %mul3A_1100 : i32
    %get3A_1102 = arith.constant 0 : index
    %get3A_1103 = arith.index_cast %mul3A_1101 : i32 to index
    %get3A_1104 = arith.constant 0 : index
    %get3A_1105 = vector.load %arg4[%get3A_1102, %get3A_1103, %get3A_1104] : memref<1x2048x64xbf16, #tpu.memory_space<vmem>>, vector<1x64x64xbf16>
    %get3A_1106 = vector.shape_cast %get3A_1105 : vector<1x64x64xbf16> to vector<64x64xbf16>
    %get3A_1107 = arith.constant 11 : index
    %get3A_1108 = arith.constant 3 : index
    %get3A_1109 = memref.load %arg1[%get3A_1107, %get3A_1108] : memref<30x8xi32, #tpu.memory_space<smem>>
    %mul3A_1110 = arith.constant 64 : i32
    %mul3A_1111 = arith.muli %get3A_1109, %mul3A_1110 : i32
    %get3A_1112 = arith.constant 0 : index
    %get3A_1113 = arith.index_cast %mul3A_1111 : i32 to index
    %get3A_1114 = arith.constant 0 : index
    %get3A_1115 = vector.load %arg4[%get3A_1112, %get3A_1113, %get3A_1114] : memref<1x2048x64xbf16, #tpu.memory_space<vmem>>, vector<1x64x64xbf16>
    %get3A_1116 = vector.shape_cast %get3A_1115 : vector<1x64x64xbf16> to vector<64x64xbf16>
    %get3A_1117 = arith.constant 11 : index
    %get3A_1118 = arith.constant 4 : index
    %get3A_1119 = memref.load %arg1[%get3A_1117, %get3A_1118] : memref<30x8xi32, #tpu.memory_space<smem>>
    %mul3A_1120 = arith.constant 64 : i32
    %mul3A_1121 = arith.muli %get3A_1119, %mul3A_1120 : i32
    %get3A_1122 = arith.constant 0 : index
    %get3A_1123 = arith.index_cast %mul3A_1121 : i32 to index
    %get3A_1124 = arith.constant 0 : index
    %get3A_1125 = vector.load %arg4[%get3A_1122, %get3A_1123, %get3A_1124] : memref<1x2048x64xbf16, #tpu.memory_space<vmem>>, vector<1x64x64xbf16>
    %get3A_1126 = vector.shape_cast %get3A_1125 : vector<1x64x64xbf16> to vector<64x64xbf16>
    %get3A_1127 = arith.constant 11 : index
    %get3A_1128 = arith.constant 5 : index
    %get3A_1129 = memref.load %arg1[%get3A_1127, %get3A_1128] : memref<30x8xi32, #tpu.memory_space<smem>>
    %mul3A_1130 = arith.constant 64 : i32
    %mul3A_1131 = arith.muli %get3A_1129, %mul3A_1130 : i32
    %get3A_1132 = arith.constant 0 : index
    %get3A_1133 = arith.index_cast %mul3A_1131 : i32 to index
    %get3A_1134 = arith.constant 0 : index
    %get3A_1135 = vector.load %arg4[%get3A_1132, %get3A_1133, %get3A_1134] : memref<1x2048x64xbf16, #tpu.memory_space<vmem>>, vector<1x64x64xbf16>
    %get3A_1136 = vector.shape_cast %get3A_1135 : vector<1x64x64xbf16> to vector<64x64xbf16>
    %get3A_1137 = arith.constant 11 : index
    %get3A_1138 = arith.constant 6 : index
    %get3A_1139 = memref.load %arg1[%get3A_1137, %get3A_1138] : memref<30x8xi32, #tpu.memory_space<smem>>
    %mul3A_1140 = arith.constant 64 : i32
    %mul3A_1141 = arith.muli %get3A_1139, %mul3A_1140 : i32
    %get3A_1142 = arith.constant 0 : index
    %get3A_1143 = arith.index_cast %mul3A_1141 : i32 to index
    %get3A_1144 = arith.constant 0 : index
    %get3A_1145 = vector.load %arg4[%get3A_1142, %get3A_1143, %get3A_1144] : memref<1x2048x64xbf16, #tpu.memory_space<vmem>>, vector<1x64x64xbf16>
    %get3A_1146 = vector.shape_cast %get3A_1145 : vector<1x64x64xbf16> to vector<64x64xbf16>
    %get3A_1147 = arith.constant 11 : index
    %get3A_1148 = arith.constant 7 : index
    %get3A_1149 = memref.load %arg1[%get3A_1147, %get3A_1148] : memref<30x8xi32, #tpu.memory_space<smem>>
    %mul3A_1150 = arith.constant 64 : i32
    %mul3A_1151 = arith.muli %get3A_1149, %mul3A_1150 : i32
    %get3A_1152 = arith.constant 0 : index
    %get3A_1153 = arith.index_cast %mul3A_1151 : i32 to index
    %get3A_1154 = arith.constant 0 : index
    %get3A_1155 = vector.load %arg4[%get3A_1152, %get3A_1153, %get3A_1154] : memref<1x2048x64xbf16, #tpu.memory_space<vmem>>, vector<1x64x64xbf16>
    %get3A_1156 = vector.shape_cast %get3A_1155 : vector<1x64x64xbf16> to vector<64x64xbf16>
    %concatenate3A_1157 = tpu.concatenate %get3A_1086, %get3A_1096, %get3A_1106, %get3A_1116, %get3A_1126, %get3A_1136, %get3A_1146, %get3A_1156 in 0 : vector<64x64xbf16>, vector<64x64xbf16>, vector<64x64xbf16>, vector<64x64xbf16>, vector<64x64xbf16>, vector<64x64xbf16>, vector<64x64xbf16>, vector<64x64xbf16> -> vector<512x64xbf16>
    %dot_general3A_1158 = arith.constant dense<0.000000e+00> : vector<64x512xf32>
    %dot_general3A_1159 = tpu.matmul %slice3A_1076, %concatenate3A_1157, %dot_general3A_1158 {dimension_numbers = #tpu.dot_dimension_numbers<[1], [1], [0], [0], [0, 0, 1, 0], [], []>, transpose_lhs_hint = false} : vector<64x64xbf16>, vector<512x64xbf16>, vector<64x512xf32> -> vector<64x512xf32>
    %get3A_1160 = arith.constant 11 : index
    %get3A_1161 = arith.constant 0 : index
    %get3A_1162 = arith.constant 0 : index
    %get3A_1163 = vector.load %arg2[%get3A_1160, %get3A_1161, %get3A_1162] : memref<30x1x512xf32, #tpu.memory_space<vmem>>, vector<1x1x512xf32>
    %get3A_1164 = vector.shape_cast %get3A_1163 : vector<1x1x512xf32> to vector<512xf32>
    %broadcast_in_dim3A_1165 = vector.shape_cast %get3A_1164 : vector<512xf32> to vector<1x512xf32>
    %add3A_1166 = vector.broadcast %broadcast_in_dim3A_1165 : vector<1x512xf32> to vector<64x512xf32>
    %add3A_1167 = arith.addf %dot_general3A_1159, %add3A_1166 : vector<64x512xf32>
    %swap3A_1168 = arith.constant 704 : index
    %swap3A_1169 = arith.constant 0 : index
    %swap3A_1170 = vector.load %arg7[%swap3A_1168, %swap3A_1169] : memref<1920x512xf32, #tpu.memory_space<vmem>>, vector<64x512xf32>
    tpu.vector_store %arg7[%swap3A_1168, %swap3A_1169], %add3A_1167 {strides = array<i32>} : memref<1920x512xf32, #tpu.memory_space<vmem>>, vector<64x512xf32>,
    %slice3A_1171 = vector.extract_strided_slice %get3A_3 {offsets = [832, 0], sizes = [64, 64], strides = [1, 1]} : vector<2048x64xbf16> to vector<64x64xbf16>
    %get3A_1172 = arith.constant 12 : index
    %get3A_1173 = arith.constant 0 : index
    %get3A_1174 = memref.load %arg1[%get3A_1172, %get3A_1173] : memref<30x8xi32, #tpu.memory_space<smem>>
    %mul3A_1175 = arith.constant 64 : i32
    %mul3A_1176 = arith.muli %get3A_1174, %mul3A_1175 : i32
    %get3A_1177 = arith.constant 0 : index
    %get3A_1178 = arith.index_cast %mul3A_1176 : i32 to index
    %get3A_1179 = arith.constant 0 : index
    %get3A_1180 = vector.load %arg4[%get3A_1177, %get3A_1178, %get3A_1179] : memref<1x2048x64xbf16, #tpu.memory_space<vmem>>, vector<1x64x64xbf16>
    %get3A_1181 = vector.shape_cast %get3A_1180 : vector<1x64x64xbf16> to vector<64x64xbf16>
    %get3A_1182 = arith.constant 12 : index
    %get3A_1183 = arith.constant 1 : index
    %get3A_1184 = memref.load %arg1[%get3A_1182, %get3A_1183] : memref<30x8xi32, #tpu.memory_space<smem>>
    %mul3A_1185 = arith.constant 64 : i32
    %mul3A_1186 = arith.muli %get3A_1184, %mul3A_1185 : i32
    %get3A_1187 = arith.constant 0 : index
    %get3A_1188 = arith.index_cast %mul3A_1186 : i32 to index
    %get3A_1189 = arith.constant 0 : index
    %get3A_1190 = vector.load %arg4[%get3A_1187, %get3A_1188, %get3A_1189] : memref<1x2048x64xbf16, #tpu.memory_space<vmem>>, vector<1x64x64xbf16>
    %get3A_1191 = vector.shape_cast %get3A_1190 : vector<1x64x64xbf16> to vector<64x64xbf16>
    %get3A_1192 = arith.constant 12 : index
    %get3A_1193 = arith.constant 2 : index
    %get3A_1194 = memref.load %arg1[%get3A_1192, %get3A_1193] : memref<30x8xi32, #tpu.memory_space<smem>>
    %mul3A_1195 = arith.constant 64 : i32
    %mul3A_1196 = arith.muli %get3A_1194, %mul3A_1195 : i32
    %get3A_1197 = arith.constant 0 : index
    %get3A_1198 = arith.index_cast %mul3A_1196 : i32 to index
    %get3A_1199 = arith.constant 0 : index
    %get3A_1200 = vector.load %arg4[%get3A_1197, %get3A_1198, %get3A_1199] : memref<1x2048x64xbf16, #tpu.memory_space<vmem>>, vector<1x64x64xbf16>
    %get3A_1201 = vector.shape_cast %get3A_1200 : vector<1x64x64xbf16> to vector<64x64xbf16>
    %get3A_1202 = arith.constant 12 : index
    %get3A_1203 = arith.constant 3 : index
    %get3A_1204 = memref.load %arg1[%get3A_1202, %get3A_1203] : memref<30x8xi32, #tpu.memory_space<smem>>
    %mul3A_1205 = arith.constant 64 : i32
    %mul3A_1206 = arith.muli %get3A_1204, %mul3A_1205 : i32
    %get3A_1207 = arith.constant 0 : index
    %get3A_1208 = arith.index_cast %mul3A_1206 : i32 to index
    %get3A_1209 = arith.constant 0 : index
    %get3A_1210 = vector.load %arg4[%get3A_1207, %get3A_1208, %get3A_1209] : memref<1x2048x64xbf16, #tpu.memory_space<vmem>>, vector<1x64x64xbf16>
    %get3A_1211 = vector.shape_cast %get3A_1210 : vector<1x64x64xbf16> to vector<64x64xbf16>
    %get3A_1212 = arith.constant 12 : index
    %get3A_1213 = arith.constant 4 : index
    %get3A_1214 = memref.load %arg1[%get3A_1212, %get3A_1213] : memref<30x8xi32, #tpu.memory_space<smem>>
    %mul3A_1215 = arith.constant 64 : i32
    %mul3A_1216 = arith.muli %get3A_1214, %mul3A_1215 : i32
    %get3A_1217 = arith.constant 0 : index
    %get3A_1218 = arith.index_cast %mul3A_1216 : i32 to index
    %get3A_1219 = arith.constant 0 : index
    %get3A_1220 = vector.load %arg4[%get3A_1217, %get3A_1218, %get3A_1219] : memref<1x2048x64xbf16, #tpu.memory_space<vmem>>, vector<1x64x64xbf16>
    %get3A_1221 = vector.shape_cast %get3A_1220 : vector<1x64x64xbf16> to vector<64x64xbf16>
    %get3A_1222 = arith.constant 12 : index
    %get3A_1223 = arith.constant 5 : index
    %get3A_1224 = memref.load %arg1[%get3A_1222, %get3A_1223] : memref<30x8xi32, #tpu.memory_space<smem>>
    %mul3A_1225 = arith.constant 64 : i32
    %mul3A_1226 = arith.muli %get3A_1224, %mul3A_1225 : i32
    %get3A_1227 = arith.constant 0 : index
    %get3A_1228 = arith.index_cast %mul3A_1226 : i32 to index
    %get3A_1229 = arith.constant 0 : index
    %get3A_1230 = vector.load %arg4[%get3A_1227, %get3A_1228, %get3A_1229] : memref<1x2048x64xbf16, #tpu.memory_space<vmem>>, vector<1x64x64xbf16>
    %get3A_1231 = vector.shape_cast %get3A_1230 : vector<1x64x64xbf16> to vector<64x64xbf16>
    %get3A_1232 = arith.constant 12 : index
    %get3A_1233 = arith.constant 6 : index
    %get3A_1234 = memref.load %arg1[%get3A_1232, %get3A_1233] : memref<30x8xi32, #tpu.memory_space<smem>>
    %mul3A_1235 = arith.constant 64 : i32
    %mul3A_1236 = arith.muli %get3A_1234, %mul3A_1235 : i32
    %get3A_1237 = arith.constant 0 : index
    %get3A_1238 = arith.index_cast %mul3A_1236 : i32 to index
    %get3A_1239 = arith.constant 0 : index
    %get3A_1240 = vector.load %arg4[%get3A_1237, %get3A_1238, %get3A_1239] : memref<1x2048x64xbf16, #tpu.memory_space<vmem>>, vector<1x64x64xbf16>
    %get3A_1241 = vector.shape_cast %get3A_1240 : vector<1x64x64xbf16> to vector<64x64xbf16>
    %get3A_1242 = arith.constant 12 : index
    %get3A_1243 = arith.constant 7 : index
    %get3A_1244 = memref.load %arg1[%get3A_1242, %get3A_1243] : memref<30x8xi32, #tpu.memory_space<smem>>
    %mul3A_1245 = arith.constant 64 : i32
    %mul3A_1246 = arith.muli %get3A_1244, %mul3A_1245 : i32
    %get3A_1247 = arith.constant 0 : index
    %get3A_1248 = arith.index_cast %mul3A_1246 : i32 to index
    %get3A_1249 = arith.constant 0 : index
    %get3A_1250 = vector.load %arg4[%get3A_1247, %get3A_1248, %get3A_1249] : memref<1x2048x64xbf16, #tpu.memory_space<vmem>>, vector<1x64x64xbf16>
    %get3A_1251 = vector.shape_cast %get3A_1250 : vector<1x64x64xbf16> to vector<64x64xbf16>
    %concatenate3A_1252 = tpu.concatenate %get3A_1181, %get3A_1191, %get3A_1201, %get3A_1211, %get3A_1221, %get3A_1231, %get3A_1241, %get3A_1251 in 0 : vector<64x64xbf16>, vector<64x64xbf16>, vector<64x64xbf16>, vector<64x64xbf16>, vector<64x64xbf16>, vector<64x64xbf16>, vector<64x64xbf16>, vector<64x64xbf16> -> vector<512x64xbf16>
    %dot_general3A_1253 = arith.constant dense<0.000000e+00> : vector<64x512xf32>
    %dot_general3A_1254 = tpu.matmul %slice3A_1171, %concatenate3A_1252, %dot_general3A_1253 {dimension_numbers = #tpu.dot_dimension_numbers<[1], [1], [0], [0], [0, 0, 1, 0], [], []>, transpose_lhs_hint = false} : vector<64x64xbf16>, vector<512x64xbf16>, vector<64x512xf32> -> vector<64x512xf32>
    %get3A_1255 = arith.constant 12 : index
    %get3A_1256 = arith.constant 0 : index
    %get3A_1257 = arith.constant 0 : index
    %get3A_1258 = vector.load %arg2[%get3A_1255, %get3A_1256, %get3A_1257] : memref<30x1x512xf32, #tpu.memory_space<vmem>>, vector<1x1x512xf32>
    %get3A_1259 = vector.shape_cast %get3A_1258 : vector<1x1x512xf32> to vector<512xf32>
    %broadcast_in_dim3A_1260 = vector.shape_cast %get3A_1259 : vector<512xf32> to vector<1x512xf32>
    %add3A_1261 = vector.broadcast %broadcast_in_dim3A_1260 : vector<1x512xf32> to vector<64x512xf32>
    %add3A_1262 = arith.addf %dot_general3A_1254, %add3A_1261 : vector<64x512xf32>
    %swap3A_1263 = arith.constant 768 : index
    %swap3A_1264 = arith.constant 0 : index
    %swap3A_1265 = vector.load %arg7[%swap3A_1263, %swap3A_1264] : memref<1920x512xf32, #tpu.memory_space<vmem>>, vector<64x512xf32>
    tpu.vector_store %arg7[%swap3A_1263, %swap3A_1264], %add3A_1262 {strides = array<i32>} : memref<1920x512xf32, #tpu.memory_space<vmem>>, vector<64x512xf32>,
    %slice3A_1266 = vector.extract_strided_slice %get3A_3 {offsets = [896, 0], sizes = [64, 64], strides = [1, 1]} : vector<2048x64xbf16> to vector<64x64xbf16>
    %get3A_1267 = arith.constant 13 : index
    %get3A_1268 = arith.constant 0 : index
    %get3A_1269 = memref.load %arg1[%get3A_1267, %get3A_1268] : memref<30x8xi32, #tpu.memory_space<smem>>
    %mul3A_1270 = arith.constant 64 : i32
    %mul3A_1271 = arith.muli %get3A_1269, %mul3A_1270 : i32
    %get3A_1272 = arith.constant 0 : index
    %get3A_1273 = arith.index_cast %mul3A_1271 : i32 to index
    %get3A_1274 = arith.constant 0 : index
    %get3A_1275 = vector.load %arg4[%get3A_1272, %get3A_1273, %get3A_1274] : memref<1x2048x64xbf16, #tpu.memory_space<vmem>>, vector<1x64x64xbf16>
    %get3A_1276 = vector.shape_cast %get3A_1275 : vector<1x64x64xbf16> to vector<64x64xbf16>
    %get3A_1277 = arith.constant 13 : index
    %get3A_1278 = arith.constant 1 : index
    %get3A_1279 = memref.load %arg1[%get3A_1277, %get3A_1278] : memref<30x8xi32, #tpu.memory_space<smem>>
    %mul3A_1280 = arith.constant 64 : i32
    %mul3A_1281 = arith.muli %get3A_1279, %mul3A_1280 : i32
    %get3A_1282 = arith.constant 0 : index
    %get3A_1283 = arith.index_cast %mul3A_1281 : i32 to index
    %get3A_1284 = arith.constant 0 : index
    %get3A_1285 = vector.load %arg4[%get3A_1282, %get3A_1283, %get3A_1284] : memref<1x2048x64xbf16, #tpu.memory_space<vmem>>, vector<1x64x64xbf16>
    %get3A_1286 = vector.shape_cast %get3A_1285 : vector<1x64x64xbf16> to vector<64x64xbf16>
    %get3A_1287 = arith.constant 13 : index
    %get3A_1288 = arith.constant 2 : index
    %get3A_1289 = memref.load %arg1[%get3A_1287, %get3A_1288] : memref<30x8xi32, #tpu.memory_space<smem>>
    %mul3A_1290 = arith.constant 64 : i32
    %mul3A_1291 = arith.muli %get3A_1289, %mul3A_1290 : i32
    %get3A_1292 = arith.constant 0 : index
    %get3A_1293 = arith.index_cast %mul3A_1291 : i32 to index
    %get3A_1294 = arith.constant 0 : index
    %get3A_1295 = vector.load %arg4[%get3A_1292, %get3A_1293, %get3A_1294] : memref<1x2048x64xbf16, #tpu.memory_space<vmem>>, vector<1x64x64xbf16>
    %get3A_1296 = vector.shape_cast %get3A_1295 : vector<1x64x64xbf16> to vector<64x64xbf16>
    %get3A_1297 = arith.constant 13 : index
    %get3A_1298 = arith.constant 3 : index
    %get3A_1299 = memref.load %arg1[%get3A_1297, %get3A_1298] : memref<30x8xi32, #tpu.memory_space<smem>>
    %mul3A_1300 = arith.constant 64 : i32
    %mul3A_1301 = arith.muli %get3A_1299, %mul3A_1300 : i32
    %get3A_1302 = arith.constant 0 : index
    %get3A_1303 = arith.index_cast %mul3A_1301 : i32 to index
    %get3A_1304 = arith.constant 0 : index
    %get3A_1305 = vector.load %arg4[%get3A_1302, %get3A_1303, %get3A_1304] : memref<1x2048x64xbf16, #tpu.memory_space<vmem>>, vector<1x64x64xbf16>
    %get3A_1306 = vector.shape_cast %get3A_1305 : vector<1x64x64xbf16> to vector<64x64xbf16>
    %get3A_1307 = arith.constant 13 : index
    %get3A_1308 = arith.constant 4 : index
    %get3A_1309 = memref.load %arg1[%get3A_1307, %get3A_1308] : memref<30x8xi32, #tpu.memory_space<smem>>
    %mul3A_1310 = arith.constant 64 : i32
    %mul3A_1311 = arith.muli %get3A_1309, %mul3A_1310 : i32
    %get3A_1312 = arith.constant 0 : index
    %get3A_1313 = arith.index_cast %mul3A_1311 : i32 to index
    %get3A_1314 = arith.constant 0 : index
    %get3A_1315 = vector.load %arg4[%get3A_1312, %get3A_1313, %get3A_1314] : memref<1x2048x64xbf16, #tpu.memory_space<vmem>>, vector<1x64x64xbf16>
    %get3A_1316 = vector.shape_cast %get3A_1315 : vector<1x64x64xbf16> to vector<64x64xbf16>
    %get3A_1317 = arith.constant 13 : index
    %get3A_1318 = arith.constant 5 : index
    %get3A_1319 = memref.load %arg1[%get3A_1317, %get3A_1318] : memref<30x8xi32, #tpu.memory_space<smem>>
    %mul3A_1320 = arith.constant 64 : i32
    %mul3A_1321 = arith.muli %get3A_1319, %mul3A_1320 : i32
    %get3A_1322 = arith.constant 0 : index
    %get3A_1323 = arith.index_cast %mul3A_1321 : i32 to index
    %get3A_1324 = arith.constant 0 : index
    %get3A_1325 = vector.load %arg4[%get3A_1322, %get3A_1323, %get3A_1324] : memref<1x2048x64xbf16, #tpu.memory_space<vmem>>, vector<1x64x64xbf16>
    %get3A_1326 = vector.shape_cast %get3A_1325 : vector<1x64x64xbf16> to vector<64x64xbf16>
    %get3A_1327 = arith.constant 13 : index
    %get3A_1328 = arith.constant 6 : index
    %get3A_1329 = memref.load %arg1[%get3A_1327, %get3A_1328] : memref<30x8xi32, #tpu.memory_space<smem>>
    %mul3A_1330 = arith.constant 64 : i32
    %mul3A_1331 = arith.muli %get3A_1329, %mul3A_1330 : i32
    %get3A_1332 = arith.constant 0 : index
    %get3A_1333 = arith.index_cast %mul3A_1331 : i32 to index
    %get3A_1334 = arith.constant 0 : index
    %get3A_1335 = vector.load %arg4[%get3A_1332, %get3A_1333, %get3A_1334] : memref<1x2048x64xbf16, #tpu.memory_space<vmem>>, vector<1x64x64xbf16>
    %get3A_1336 = vector.shape_cast %get3A_1335 : vector<1x64x64xbf16> to vector<64x64xbf16>
    %get3A_1337 = arith.constant 13 : index
    %get3A_1338 = arith.constant 7 : index
    %get3A_1339 = memref.load %arg1[%get3A_1337, %get3A_1338] : memref<30x8xi32, #tpu.memory_space<smem>>
    %mul3A_1340 = arith.constant 64 : i32
    %mul3A_1341 = arith.muli %get3A_1339, %mul3A_1340 : i32
    %get3A_1342 = arith.constant 0 : index
    %get3A_1343 = arith.index_cast %mul3A_1341 : i32 to index
    %get3A_1344 = arith.constant 0 : index
    %get3A_1345 = vector.load %arg4[%get3A_1342, %get3A_1343, %get3A_1344] : memref<1x2048x64xbf16, #tpu.memory_space<vmem>>, vector<1x64x64xbf16>
    %get3A_1346 = vector.shape_cast %get3A_1345 : vector<1x64x64xbf16> to vector<64x64xbf16>
    %concatenate3A_1347 = tpu.concatenate %get3A_1276, %get3A_1286, %get3A_1296, %get3A_1306, %get3A_1316, %get3A_1326, %get3A_1336, %get3A_1346 in 0 : vector<64x64xbf16>, vector<64x64xbf16>, vector<64x64xbf16>, vector<64x64xbf16>, vector<64x64xbf16>, vector<64x64xbf16>, vector<64x64xbf16>, vector<64x64xbf16> -> vector<512x64xbf16>
    %dot_general3A_1348 = arith.constant dense<0.000000e+00> : vector<64x512xf32>
    %dot_general3A_1349 = tpu.matmul %slice3A_1266, %concatenate3A_1347, %dot_general3A_1348 {dimension_numbers = #tpu.dot_dimension_numbers<[1], [1], [0], [0], [0, 0, 1, 0], [], []>, transpose_lhs_hint = false} : vector<64x64xbf16>, vector<512x64xbf16>, vector<64x512xf32> -> vector<64x512xf32>
    %get3A_1350 = arith.constant 13 : index
    %get3A_1351 = arith.constant 0 : index
    %get3A_1352 = arith.constant 0 : index
    %get3A_1353 = vector.load %arg2[%get3A_1350, %get3A_1351, %get3A_1352] : memref<30x1x512xf32, #tpu.memory_space<vmem>>, vector<1x1x512xf32>
    %get3A_1354 = vector.shape_cast %get3A_1353 : vector<1x1x512xf32> to vector<512xf32>
    %broadcast_in_dim3A_1355 = vector.shape_cast %get3A_1354 : vector<512xf32> to vector<1x512xf32>
    %add3A_1356 = vector.broadcast %broadcast_in_dim3A_1355 : vector<1x512xf32> to vector<64x512xf32>
    %add3A_1357 = arith.addf %dot_general3A_1349, %add3A_1356 : vector<64x512xf32>
    %swap3A_1358 = arith.constant 832 : index
    %swap3A_1359 = arith.constant 0 : index
    %swap3A_1360 = vector.load %arg7[%swap3A_1358, %swap3A_1359] : memref<1920x512xf32, #tpu.memory_space<vmem>>, vector<64x512xf32>
    tpu.vector_store %arg7[%swap3A_1358, %swap3A_1359], %add3A_1357 {strides = array<i32>} : memref<1920x512xf32, #tpu.memory_space<vmem>>, vector<64x512xf32>,
    %slice3A_1361 = vector.extract_strided_slice %get3A_3 {offsets = [960, 0], sizes = [64, 64], strides = [1, 1]} : vector<2048x64xbf16> to vector<64x64xbf16>
    %get3A_1362 = arith.constant 14 : index
    %get3A_1363 = arith.constant 0 : index
    %get3A_1364 = memref.load %arg1[%get3A_1362, %get3A_1363] : memref<30x8xi32, #tpu.memory_space<smem>>
    %mul3A_1365 = arith.constant 64 : i32
    %mul3A_1366 = arith.muli %get3A_1364, %mul3A_1365 : i32
    %get3A_1367 = arith.constant 0 : index
    %get3A_1368 = arith.index_cast %mul3A_1366 : i32 to index
    %get3A_1369 = arith.constant 0 : index
    %get3A_1370 = vector.load %arg4[%get3A_1367, %get3A_1368, %get3A_1369] : memref<1x2048x64xbf16, #tpu.memory_space<vmem>>, vector<1x64x64xbf16>
    %get3A_1371 = vector.shape_cast %get3A_1370 : vector<1x64x64xbf16> to vector<64x64xbf16>
    %get3A_1372 = arith.constant 14 : index
    %get3A_1373 = arith.constant 1 : index
    %get3A_1374 = memref.load %arg1[%get3A_1372, %get3A_1373] : memref<30x8xi32, #tpu.memory_space<smem>>
    %mul3A_1375 = arith.constant 64 : i32
    %mul3A_1376 = arith.muli %get3A_1374, %mul3A_1375 : i32
    %get3A_1377 = arith.constant 0 : index
    %get3A_1378 = arith.index_cast %mul3A_1376 : i32 to index
    %get3A_1379 = arith.constant 0 : index
    %get3A_1380 = vector.load %arg4[%get3A_1377, %get3A_1378, %get3A_1379] : memref<1x2048x64xbf16, #tpu.memory_space<vmem>>, vector<1x64x64xbf16>
    %get3A_1381 = vector.shape_cast %get3A_1380 : vector<1x64x64xbf16> to vector<64x64xbf16>
    %get3A_1382 = arith.constant 14 : index
    %get3A_1383 = arith.constant 2 : index
    %get3A_1384 = memref.load %arg1[%get3A_1382, %get3A_1383] : memref<30x8xi32, #tpu.memory_space<smem>>
    %mul3A_1385 = arith.constant 64 : i32
    %mul3A_1386 = arith.muli %get3A_1384, %mul3A_1385 : i32
    %get3A_1387 = arith.constant 0 : index
    %get3A_1388 = arith.index_cast %mul3A_1386 : i32 to index
    %get3A_1389 = arith.constant 0 : index
    %get3A_1390 = vector.load %arg4[%get3A_1387, %get3A_1388, %get3A_1389] : memref<1x2048x64xbf16, #tpu.memory_space<vmem>>, vector<1x64x64xbf16>
    %get3A_1391 = vector.shape_cast %get3A_1390 : vector<1x64x64xbf16> to vector<64x64xbf16>
    %get3A_1392 = arith.constant 14 : index
    %get3A_1393 = arith.constant 3 : index
    %get3A_1394 = memref.load %arg1[%get3A_1392, %get3A_1393] : memref<30x8xi32, #tpu.memory_space<smem>>
    %mul3A_1395 = arith.constant 64 : i32
    %mul3A_1396 = arith.muli %get3A_1394, %mul3A_1395 : i32
    %get3A_1397 = arith.constant 0 : index
    %get3A_1398 = arith.index_cast %mul3A_1396 : i32 to index
    %get3A_1399 = arith.constant 0 : index
    %get3A_1400 = vector.load %arg4[%get3A_1397, %get3A_1398, %get3A_1399] : memref<1x2048x64xbf16, #tpu.memory_space<vmem>>, vector<1x64x64xbf16>
    %get3A_1401 = vector.shape_cast %get3A_1400 : vector<1x64x64xbf16> to vector<64x64xbf16>
    %get3A_1402 = arith.constant 14 : index
    %get3A_1403 = arith.constant 4 : index
    %get3A_1404 = memref.load %arg1[%get3A_1402, %get3A_1403] : memref<30x8xi32, #tpu.memory_space<smem>>
    %mul3A_1405 = arith.constant 64 : i32
    %mul3A_1406 = arith.muli %get3A_1404, %mul3A_1405 : i32
    %get3A_1407 = arith.constant 0 : index
    %get3A_1408 = arith.index_cast %mul3A_1406 : i32 to index
    %get3A_1409 = arith.constant 0 : index
    %get3A_1410 = vector.load %arg4[%get3A_1407, %get3A_1408, %get3A_1409] : memref<1x2048x64xbf16, #tpu.memory_space<vmem>>, vector<1x64x64xbf16>
    %get3A_1411 = vector.shape_cast %get3A_1410 : vector<1x64x64xbf16> to vector<64x64xbf16>
    %get3A_1412 = arith.constant 14 : index
    %get3A_1413 = arith.constant 5 : index
    %get3A_1414 = memref.load %arg1[%get3A_1412, %get3A_1413] : memref<30x8xi32, #tpu.memory_space<smem>>
    %mul3A_1415 = arith.constant 64 : i32
    %mul3A_1416 = arith.muli %get3A_1414, %mul3A_1415 : i32
    %get3A_1417 = arith.constant 0 : index
    %get3A_1418 = arith.index_cast %mul3A_1416 : i32 to index
    %get3A_1419 = arith.constant 0 : index
    %get3A_1420 = vector.load %arg4[%get3A_1417, %get3A_1418, %get3A_1419] : memref<1x2048x64xbf16, #tpu.memory_space<vmem>>, vector<1x64x64xbf16>
    %get3A_1421 = vector.shape_cast %get3A_1420 : vector<1x64x64xbf16> to vector<64x64xbf16>
    %get3A_1422 = arith.constant 14 : index
    %get3A_1423 = arith.constant 6 : index
    %get3A_1424 = memref.load %arg1[%get3A_1422, %get3A_1423] : memref<30x8xi32, #tpu.memory_space<smem>>
    %mul3A_1425 = arith.constant 64 : i32
    %mul3A_1426 = arith.muli %get3A_1424, %mul3A_1425 : i32
    %get3A_1427 = arith.constant 0 : index
    %get3A_1428 = arith.index_cast %mul3A_1426 : i32 to index
    %get3A_1429 = arith.constant 0 : index
    %get3A_1430 = vector.load %arg4[%get3A_1427, %get3A_1428, %get3A_1429] : memref<1x2048x64xbf16, #tpu.memory_space<vmem>>, vector<1x64x64xbf16>
    %get3A_1431 = vector.shape_cast %get3A_1430 : vector<1x64x64xbf16> to vector<64x64xbf16>
    %get3A_1432 = arith.constant 14 : index
    %get3A_1433 = arith.constant 7 : index
    %get3A_1434 = memref.load %arg1[%get3A_1432, %get3A_1433] : memref<30x8xi32, #tpu.memory_space<smem>>
    %mul3A_1435 = arith.constant 64 : i32
    %mul3A_1436 = arith.muli %get3A_1434, %mul3A_1435 : i32
    %get3A_1437 = arith.constant 0 : index
    %get3A_1438 = arith.index_cast %mul3A_1436 : i32 to index
    %get3A_1439 = arith.constant 0 : index
    %get3A_1440 = vector.load %arg4[%get3A_1437, %get3A_1438, %get3A_1439] : memref<1x2048x64xbf16, #tpu.memory_space<vmem>>, vector<1x64x64xbf16>
    %get3A_1441 = vector.shape_cast %get3A_1440 : vector<1x64x64xbf16> to vector<64x64xbf16>
    %concatenate3A_1442 = tpu.concatenate %get3A_1371, %get3A_1381, %get3A_1391, %get3A_1401, %get3A_1411, %get3A_1421, %get3A_1431, %get3A_1441 in 0 : vector<64x64xbf16>, vector<64x64xbf16>, vector<64x64xbf16>, vector<64x64xbf16>, vector<64x64xbf16>, vector<64x64xbf16>, vector<64x64xbf16>, vector<64x64xbf16> -> vector<512x64xbf16>
    %dot_general3A_1443 = arith.constant dense<0.000000e+00> : vector<64x512xf32>
    %dot_general3A_1444 = tpu.matmul %slice3A_1361, %concatenate3A_1442, %dot_general3A_1443 {dimension_numbers = #tpu.dot_dimension_numbers<[1], [1], [0], [0], [0, 0, 1, 0], [], []>, transpose_lhs_hint = false} : vector<64x64xbf16>, vector<512x64xbf16>, vector<64x512xf32> -> vector<64x512xf32>
    %get3A_1445 = arith.constant 14 : index
    %get3A_1446 = arith.constant 0 : index
    %get3A_1447 = arith.constant 0 : index
    %get3A_1448 = vector.load %arg2[%get3A_1445, %get3A_1446, %get3A_1447] : memref<30x1x512xf32, #tpu.memory_space<vmem>>, vector<1x1x512xf32>
    %get3A_1449 = vector.shape_cast %get3A_1448 : vector<1x1x512xf32> to vector<512xf32>
    %broadcast_in_dim3A_1450 = vector.shape_cast %get3A_1449 : vector<512xf32> to vector<1x512xf32>
    %add3A_1451 = vector.broadcast %broadcast_in_dim3A_1450 : vector<1x512xf32> to vector<64x512xf32>
    %add3A_1452 = arith.addf %dot_general3A_1444, %add3A_1451 : vector<64x512xf32>
    %swap3A_1453 = arith.constant 896 : index
    %swap3A_1454 = arith.constant 0 : index
    %swap3A_1455 = vector.load %arg7[%swap3A_1453, %swap3A_1454] : memref<1920x512xf32, #tpu.memory_space<vmem>>, vector<64x512xf32>
    tpu.vector_store %arg7[%swap3A_1453, %swap3A_1454], %add3A_1452 {strides = array<i32>} : memref<1920x512xf32, #tpu.memory_space<vmem>>, vector<64x512xf32>,
    %slice3A_1456 = vector.extract_strided_slice %get3A_3 {offsets = [1024, 0], sizes = [64, 64], strides = [1, 1]} : vector<2048x64xbf16> to vector<64x64xbf16>
    %get3A_1457 = arith.constant 15 : index
    %get3A_1458 = arith.constant 0 : index
    %get3A_1459 = memref.load %arg1[%get3A_1457, %get3A_1458] : memref<30x8xi32, #tpu.memory_space<smem>>
    %mul3A_1460 = arith.constant 64 : i32
    %mul3A_1461 = arith.muli %get3A_1459, %mul3A_1460 : i32
    %get3A_1462 = arith.constant 0 : index
    %get3A_1463 = arith.index_cast %mul3A_1461 : i32 to index
    %get3A_1464 = arith.constant 0 : index
    %get3A_1465 = vector.load %arg4[%get3A_1462, %get3A_1463, %get3A_1464] : memref<1x2048x64xbf16, #tpu.memory_space<vmem>>, vector<1x64x64xbf16>
    %get3A_1466 = vector.shape_cast %get3A_1465 : vector<1x64x64xbf16> to vector<64x64xbf16>
    %get3A_1467 = arith.constant 15 : index
    %get3A_1468 = arith.constant 1 : index
    %get3A_1469 = memref.load %arg1[%get3A_1467, %get3A_1468] : memref<30x8xi32, #tpu.memory_space<smem>>
    %mul3A_1470 = arith.constant 64 : i32
    %mul3A_1471 = arith.muli %get3A_1469, %mul3A_1470 : i32
    %get3A_1472 = arith.constant 0 : index
    %get3A_1473 = arith.index_cast %mul3A_1471 : i32 to index
    %get3A_1474 = arith.constant 0 : index
    %get3A_1475 = vector.load %arg4[%get3A_1472, %get3A_1473, %get3A_1474] : memref<1x2048x64xbf16, #tpu.memory_space<vmem>>, vector<1x64x64xbf16>
    %get3A_1476 = vector.shape_cast %get3A_1475 : vector<1x64x64xbf16> to vector<64x64xbf16>
    %get3A_1477 = arith.constant 15 : index
    %get3A_1478 = arith.constant 2 : index
    %get3A_1479 = memref.load %arg1[%get3A_1477, %get3A_1478] : memref<30x8xi32, #tpu.memory_space<smem>>
    %mul3A_1480 = arith.constant 64 : i32
    %mul3A_1481 = arith.muli %get3A_1479, %mul3A_1480 : i32
    %get3A_1482 = arith.constant 0 : index
    %get3A_1483 = arith.index_cast %mul3A_1481 : i32 to index
    %get3A_1484 = arith.constant 0 : index
    %get3A_1485 = vector.load %arg4[%get3A_1482, %get3A_1483, %get3A_1484] : memref<1x2048x64xbf16, #tpu.memory_space<vmem>>, vector<1x64x64xbf16>
    %get3A_1486 = vector.shape_cast %get3A_1485 : vector<1x64x64xbf16> to vector<64x64xbf16>
    %get3A_1487 = arith.constant 15 : index
    %get3A_1488 = arith.constant 3 : index
    %get3A_1489 = memref.load %arg1[%get3A_1487, %get3A_1488] : memref<30x8xi32, #tpu.memory_space<smem>>
    %mul3A_1490 = arith.constant 64 : i32
    %mul3A_1491 = arith.muli %get3A_1489, %mul3A_1490 : i32
    %get3A_1492 = arith.constant 0 : index
    %get3A_1493 = arith.index_cast %mul3A_1491 : i32 to index
    %get3A_1494 = arith.constant 0 : index
    %get3A_1495 = vector.load %arg4[%get3A_1492, %get3A_1493, %get3A_1494] : memref<1x2048x64xbf16, #tpu.memory_space<vmem>>, vector<1x64x64xbf16>
    %get3A_1496 = vector.shape_cast %get3A_1495 : vector<1x64x64xbf16> to vector<64x64xbf16>
    %get3A_1497 = arith.constant 15 : index
    %get3A_1498 = arith.constant 4 : index
    %get3A_1499 = memref.load %arg1[%get3A_1497, %get3A_1498] : memref<30x8xi32, #tpu.memory_space<smem>>
    %mul3A_1500 = arith.constant 64 : i32
    %mul3A_1501 = arith.muli %get3A_1499, %mul3A_1500 : i32
    %get3A_1502 = arith.constant 0 : index
    %get3A_1503 = arith.index_cast %mul3A_1501 : i32 to index
    %get3A_1504 = arith.constant 0 : index
    %get3A_1505 = vector.load %arg4[%get3A_1502, %get3A_1503, %get3A_1504] : memref<1x2048x64xbf16, #tpu.memory_space<vmem>>, vector<1x64x64xbf16>
    %get3A_1506 = vector.shape_cast %get3A_1505 : vector<1x64x64xbf16> to vector<64x64xbf16>
    %get3A_1507 = arith.constant 15 : index
    %get3A_1508 = arith.constant 5 : index
    %get3A_1509 = memref.load %arg1[%get3A_1507, %get3A_1508] : memref<30x8xi32, #tpu.memory_space<smem>>
    %mul3A_1510 = arith.constant 64 : i32
    %mul3A_1511 = arith.muli %get3A_1509, %mul3A_1510 : i32
    %get3A_1512 = arith.constant 0 : index
    %get3A_1513 = arith.index_cast %mul3A_1511 : i32 to index
    %get3A_1514 = arith.constant 0 : index
    %get3A_1515 = vector.load %arg4[%get3A_1512, %get3A_1513, %get3A_1514] : memref<1x2048x64xbf16, #tpu.memory_space<vmem>>, vector<1x64x64xbf16>
    %get3A_1516 = vector.shape_cast %get3A_1515 : vector<1x64x64xbf16> to vector<64x64xbf16>
    %get3A_1517 = arith.constant 15 : index
    %get3A_1518 = arith.constant 6 : index
    %get3A_1519 = memref.load %arg1[%get3A_1517, %get3A_1518] : memref<30x8xi32, #tpu.memory_space<smem>>
    %mul3A_1520 = arith.constant 64 : i32
    %mul3A_1521 = arith.muli %get3A_1519, %mul3A_1520 : i32
    %get3A_1522 = arith.constant 0 : index
    %get3A_1523 = arith.index_cast %mul3A_1521 : i32 to index
    %get3A_1524 = arith.constant 0 : index
    %get3A_1525 = vector.load %arg4[%get3A_1522, %get3A_1523, %get3A_1524] : memref<1x2048x64xbf16, #tpu.memory_space<vmem>>, vector<1x64x64xbf16>
    %get3A_1526 = vector.shape_cast %get3A_1525 : vector<1x64x64xbf16> to vector<64x64xbf16>
    %get3A_1527 = arith.constant 15 : index
    %get3A_1528 = arith.constant 7 : index
    %get3A_1529 = memref.load %arg1[%get3A_1527, %get3A_1528] : memref<30x8xi32, #tpu.memory_space<smem>>
    %mul3A_1530 = arith.constant 64 : i32
    %mul3A_1531 = arith.muli %get3A_1529, %mul3A_1530 : i32
    %get3A_1532 = arith.constant 0 : index
    %get3A_1533 = arith.index_cast %mul3A_1531 : i32 to index
    %get3A_1534 = arith.constant 0 : index
    %get3A_1535 = vector.load %arg4[%get3A_1532, %get3A_1533, %get3A_1534] : memref<1x2048x64xbf16, #tpu.memory_space<vmem>>, vector<1x64x64xbf16>
    %get3A_1536 = vector.shape_cast %get3A_1535 : vector<1x64x64xbf16> to vector<64x64xbf16>
    %concatenate3A_1537 = tpu.concatenate %get3A_1466, %get3A_1476, %get3A_1486, %get3A_1496, %get3A_1506, %get3A_1516, %get3A_1526, %get3A_1536 in 0 : vector<64x64xbf16>, vector<64x64xbf16>, vector<64x64xbf16>, vector<64x64xbf16>, vector<64x64xbf16>, vector<64x64xbf16>, vector<64x64xbf16>, vector<64x64xbf16> -> vector<512x64xbf16>
    %dot_general3A_1538 = arith.constant dense<0.000000e+00> : vector<64x512xf32>
    %dot_general3A_1539 = tpu.matmul %slice3A_1456, %concatenate3A_1537, %dot_general3A_1538 {dimension_numbers = #tpu.dot_dimension_numbers<[1], [1], [0], [0], [0, 0, 1, 0], [], []>, transpose_lhs_hint = false} : vector<64x64xbf16>, vector<512x64xbf16>, vector<64x512xf32> -> vector<64x512xf32>
    %get3A_1540 = arith.constant 15 : index
    %get3A_1541 = arith.constant 0 : index
    %get3A_1542 = arith.constant 0 : index
    %get3A_1543 = vector.load %arg2[%get3A_1540, %get3A_1541, %get3A_1542] : memref<30x1x512xf32, #tpu.memory_space<vmem>>, vector<1x1x512xf32>
    %get3A_1544 = vector.shape_cast %get3A_1543 : vector<1x1x512xf32> to vector<512xf32>
    %broadcast_in_dim3A_1545 = vector.shape_cast %get3A_1544 : vector<512xf32> to vector<1x512xf32>
    %add3A_1546 = vector.broadcast %broadcast_in_dim3A_1545 : vector<1x512xf32> to vector<64x512xf32>
    %add3A_1547 = arith.addf %dot_general3A_1539, %add3A_1546 : vector<64x512xf32>
    %swap3A_1548 = arith.constant 960 : index
    %swap3A_1549 = arith.constant 0 : index
    %swap3A_1550 = vector.load %arg7[%swap3A_1548, %swap3A_1549] : memref<1920x512xf32, #tpu.memory_space<vmem>>, vector<64x512xf32>
    tpu.vector_store %arg7[%swap3A_1548, %swap3A_1549], %add3A_1547 {strides = array<i32>} : memref<1920x512xf32, #tpu.memory_space<vmem>>, vector<64x512xf32>,
    %slice3A_1551 = vector.extract_strided_slice %get3A_3 {offsets = [1088, 0], sizes = [64, 64], strides = [1, 1]} : vector<2048x64xbf16> to vector<64x64xbf16>
    %get3A_1552 = arith.constant 16 : index
    %get3A_1553 = arith.constant 0 : index
    %get3A_1554 = memref.load %arg1[%get3A_1552, %get3A_1553] : memref<30x8xi32, #tpu.memory_space<smem>>
    %mul3A_1555 = arith.constant 64 : i32
    %mul3A_1556 = arith.muli %get3A_1554, %mul3A_1555 : i32
    %get3A_1557 = arith.constant 0 : index
    %get3A_1558 = arith.index_cast %mul3A_1556 : i32 to index
    %get3A_1559 = arith.constant 0 : index
    %get3A_1560 = vector.load %arg4[%get3A_1557, %get3A_1558, %get3A_1559] : memref<1x2048x64xbf16, #tpu.memory_space<vmem>>, vector<1x64x64xbf16>
    %get3A_1561 = vector.shape_cast %get3A_1560 : vector<1x64x64xbf16> to vector<64x64xbf16>
    %get3A_1562 = arith.constant 16 : index
    %get3A_1563 = arith.constant 1 : index
    %get3A_1564 = memref.load %arg1[%get3A_1562, %get3A_1563] : memref<30x8xi32, #tpu.memory_space<smem>>
    %mul3A_1565 = arith.constant 64 : i32
    %mul3A_1566 = arith.muli %get3A_1564, %mul3A_1565 : i32
    %get3A_1567 = arith.constant 0 : index
    %get3A_1568 = arith.index_cast %mul3A_1566 : i32 to index
    %get3A_1569 = arith.constant 0 : index
    %get3A_1570 = vector.load %arg4[%get3A_1567, %get3A_1568, %get3A_1569] : memref<1x2048x64xbf16, #tpu.memory_space<vmem>>, vector<1x64x64xbf16>
    %get3A_1571 = vector.shape_cast %get3A_1570 : vector<1x64x64xbf16> to vector<64x64xbf16>
    %get3A_1572 = arith.constant 16 : index
    %get3A_1573 = arith.constant 2 : index
    %get3A_1574 = memref.load %arg1[%get3A_1572, %get3A_1573] : memref<30x8xi32, #tpu.memory_space<smem>>
    %mul3A_1575 = arith.constant 64 : i32
    %mul3A_1576 = arith.muli %get3A_1574, %mul3A_1575 : i32
    %get3A_1577 = arith.constant 0 : index
    %get3A_1578 = arith.index_cast %mul3A_1576 : i32 to index
    %get3A_1579 = arith.constant 0 : index
    %get3A_1580 = vector.load %arg4[%get3A_1577, %get3A_1578, %get3A_1579] : memref<1x2048x64xbf16, #tpu.memory_space<vmem>>, vector<1x64x64xbf16>
    %get3A_1581 = vector.shape_cast %get3A_1580 : vector<1x64x64xbf16> to vector<64x64xbf16>
    %get3A_1582 = arith.constant 16 : index
    %get3A_1583 = arith.constant 3 : index
    %get3A_1584 = memref.load %arg1[%get3A_1582, %get3A_1583] : memref<30x8xi32, #tpu.memory_space<smem>>
    %mul3A_1585 = arith.constant 64 : i32
    %mul3A_1586 = arith.muli %get3A_1584, %mul3A_1585 : i32
    %get3A_1587 = arith.constant 0 : index
    %get3A_1588 = arith.index_cast %mul3A_1586 : i32 to index
    %get3A_1589 = arith.constant 0 : index
    %get3A_1590 = vector.load %arg4[%get3A_1587, %get3A_1588, %get3A_1589] : memref<1x2048x64xbf16, #tpu.memory_space<vmem>>, vector<1x64x64xbf16>
    %get3A_1591 = vector.shape_cast %get3A_1590 : vector<1x64x64xbf16> to vector<64x64xbf16>
    %get3A_1592 = arith.constant 16 : index
    %get3A_1593 = arith.constant 4 : index
    %get3A_1594 = memref.load %arg1[%get3A_1592, %get3A_1593] : memref<30x8xi32, #tpu.memory_space<smem>>
    %mul3A_1595 = arith.constant 64 : i32
    %mul3A_1596 = arith.muli %get3A_1594, %mul3A_1595 : i32
    %get3A_1597 = arith.constant 0 : index
    %get3A_1598 = arith.index_cast %mul3A_1596 : i32 to index
    %get3A_1599 = arith.constant 0 : index
    %get3A_1600 = vector.load %arg4[%get3A_1597, %get3A_1598, %get3A_1599] : memref<1x2048x64xbf16, #tpu.memory_space<vmem>>, vector<1x64x64xbf16>
    %get3A_1601 = vector.shape_cast %get3A_1600 : vector<1x64x64xbf16> to vector<64x64xbf16>
    %get3A_1602 = arith.constant 16 : index
    %get3A_1603 = arith.constant 5 : index
    %get3A_1604 = memref.load %arg1[%get3A_1602, %get3A_1603] : memref<30x8xi32, #tpu.memory_space<smem>>
    %mul3A_1605 = arith.constant 64 : i32
    %mul3A_1606 = arith.muli %get3A_1604, %mul3A_1605 : i32
    %get3A_1607 = arith.constant 0 : index
    %get3A_1608 = arith.index_cast %mul3A_1606 : i32 to index
    %get3A_1609 = arith.constant 0 : index
    %get3A_1610 = vector.load %arg4[%get3A_1607, %get3A_1608, %get3A_1609] : memref<1x2048x64xbf16, #tpu.memory_space<vmem>>, vector<1x64x64xbf16>
    %get3A_1611 = vector.shape_cast %get3A_1610 : vector<1x64x64xbf16> to vector<64x64xbf16>
    %get3A_1612 = arith.constant 16 : index
    %get3A_1613 = arith.constant 6 : index
    %get3A_1614 = memref.load %arg1[%get3A_1612, %get3A_1613] : memref<30x8xi32, #tpu.memory_space<smem>>
    %mul3A_1615 = arith.constant 64 : i32
    %mul3A_1616 = arith.muli %get3A_1614, %mul3A_1615 : i32
    %get3A_1617 = arith.constant 0 : index
    %get3A_1618 = arith.index_cast %mul3A_1616 : i32 to index
    %get3A_1619 = arith.constant 0 : index
    %get3A_1620 = vector.load %arg4[%get3A_1617, %get3A_1618, %get3A_1619] : memref<1x2048x64xbf16, #tpu.memory_space<vmem>>, vector<1x64x64xbf16>
    %get3A_1621 = vector.shape_cast %get3A_1620 : vector<1x64x64xbf16> to vector<64x64xbf16>
    %get3A_1622 = arith.constant 16 : index
    %get3A_1623 = arith.constant 7 : index
    %get3A_1624 = memref.load %arg1[%get3A_1622, %get3A_1623] : memref<30x8xi32, #tpu.memory_space<smem>>
    %mul3A_1625 = arith.constant 64 : i32
    %mul3A_1626 = arith.muli %get3A_1624, %mul3A_1625 : i32
    %get3A_1627 = arith.constant 0 : index
    %get3A_1628 = arith.index_cast %mul3A_1626 : i32 to index
    %get3A_1629 = arith.constant 0 : index
    %get3A_1630 = vector.load %arg4[%get3A_1627, %get3A_1628, %get3A_1629] : memref<1x2048x64xbf16, #tpu.memory_space<vmem>>, vector<1x64x64xbf16>
    %get3A_1631 = vector.shape_cast %get3A_1630 : vector<1x64x64xbf16> to vector<64x64xbf16>
    %concatenate3A_1632 = tpu.concatenate %get3A_1561, %get3A_1571, %get3A_1581, %get3A_1591, %get3A_1601, %get3A_1611, %get3A_1621, %get3A_1631 in 0 : vector<64x64xbf16>, vector<64x64xbf16>, vector<64x64xbf16>, vector<64x64xbf16>, vector<64x64xbf16>, vector<64x64xbf16>, vector<64x64xbf16>, vector<64x64xbf16> -> vector<512x64xbf16>
    %dot_general3A_1633 = arith.constant dense<0.000000e+00> : vector<64x512xf32>
    %dot_general3A_1634 = tpu.matmul %slice3A_1551, %concatenate3A_1632, %dot_general3A_1633 {dimension_numbers = #tpu.dot_dimension_numbers<[1], [1], [0], [0], [0, 0, 1, 0], [], []>, transpose_lhs_hint = false} : vector<64x64xbf16>, vector<512x64xbf16>, vector<64x512xf32> -> vector<64x512xf32>
    %get3A_1635 = arith.constant 16 : index
    %get3A_1636 = arith.constant 0 : index
    %get3A_1637 = arith.constant 0 : index
    %get3A_1638 = vector.load %arg2[%get3A_1635, %get3A_1636, %get3A_1637] : memref<30x1x512xf32, #tpu.memory_space<vmem>>, vector<1x1x512xf32>
    %get3A_1639 = vector.shape_cast %get3A_1638 : vector<1x1x512xf32> to vector<512xf32>
    %broadcast_in_dim3A_1640 = vector.shape_cast %get3A_1639 : vector<512xf32> to vector<1x512xf32>
    %add3A_1641 = vector.broadcast %broadcast_in_dim3A_1640 : vector<1x512xf32> to vector<64x512xf32>
    %add3A_1642 = arith.addf %dot_general3A_1634, %add3A_1641 : vector<64x512xf32>
    %swap3A_1643 = arith.constant 1024 : index
    %swap3A_1644 = arith.constant 0 : index
    %swap3A_1645 = vector.load %arg7[%swap3A_1643, %swap3A_1644] : memref<1920x512xf32, #tpu.memory_space<vmem>>, vector<64x512xf32>
    tpu.vector_store %arg7[%swap3A_1643, %swap3A_1644], %add3A_1642 {strides = array<i32>} : memref<1920x512xf32, #tpu.memory_space<vmem>>, vector<64x512xf32>,
    %slice3A_1646 = vector.extract_strided_slice %get3A_3 {offsets = [1152, 0], sizes = [64, 64], strides = [1, 1]} : vector<2048x64xbf16> to vector<64x64xbf16>
    %get3A_1647 = arith.constant 17 : index
    %get3A_1648 = arith.constant 0 : index
    %get3A_1649 = memref.load %arg1[%get3A_1647, %get3A_1648] : memref<30x8xi32, #tpu.memory_space<smem>>
    %mul3A_1650 = arith.constant 64 : i32
    %mul3A_1651 = arith.muli %get3A_1649, %mul3A_1650 : i32
    %get3A_1652 = arith.constant 0 : index
    %get3A_1653 = arith.index_cast %mul3A_1651 : i32 to index
    %get3A_1654 = arith.constant 0 : index
    %get3A_1655 = vector.load %arg4[%get3A_1652, %get3A_1653, %get3A_1654] : memref<1x2048x64xbf16, #tpu.memory_space<vmem>>, vector<1x64x64xbf16>
    %get3A_1656 = vector.shape_cast %get3A_1655 : vector<1x64x64xbf16> to vector<64x64xbf16>
    %get3A_1657 = arith.constant 17 : index
    %get3A_1658 = arith.constant 1 : index
    %get3A_1659 = memref.load %arg1[%get3A_1657, %get3A_1658] : memref<30x8xi32, #tpu.memory_space<smem>>
    %mul3A_1660 = arith.constant 64 : i32
    %mul3A_1661 = arith.muli %get3A_1659, %mul3A_1660 : i32
    %get3A_1662 = arith.constant 0 : index
    %get3A_1663 = arith.index_cast %mul3A_1661 : i32 to index
    %get3A_1664 = arith.constant 0 : index
    %get3A_1665 = vector.load %arg4[%get3A_1662, %get3A_1663, %get3A_1664] : memref<1x2048x64xbf16, #tpu.memory_space<vmem>>, vector<1x64x64xbf16>
    %get3A_1666 = vector.shape_cast %get3A_1665 : vector<1x64x64xbf16> to vector<64x64xbf16>
    %get3A_1667 = arith.constant 17 : index
    %get3A_1668 = arith.constant 2 : index
    %get3A_1669 = memref.load %arg1[%get3A_1667, %get3A_1668] : memref<30x8xi32, #tpu.memory_space<smem>>
    %mul3A_1670 = arith.constant 64 : i32
    %mul3A_1671 = arith.muli %get3A_1669, %mul3A_1670 : i32
    %get3A_1672 = arith.constant 0 : index
    %get3A_1673 = arith.index_cast %mul3A_1671 : i32 to index
    %get3A_1674 = arith.constant 0 : index
    %get3A_1675 = vector.load %arg4[%get3A_1672, %get3A_1673, %get3A_1674] : memref<1x2048x64xbf16, #tpu.memory_space<vmem>>, vector<1x64x64xbf16>
    %get3A_1676 = vector.shape_cast %get3A_1675 : vector<1x64x64xbf16> to vector<64x64xbf16>
    %get3A_1677 = arith.constant 17 : index
    %get3A_1678 = arith.constant 3 : index
    %get3A_1679 = memref.load %arg1[%get3A_1677, %get3A_1678] : memref<30x8xi32, #tpu.memory_space<smem>>
    %mul3A_1680 = arith.constant 64 : i32
    %mul3A_1681 = arith.muli %get3A_1679, %mul3A_1680 : i32
    %get3A_1682 = arith.constant 0 : index
    %get3A_1683 = arith.index_cast %mul3A_1681 : i32 to index
    %get3A_1684 = arith.constant 0 : index
    %get3A_1685 = vector.load %arg4[%get3A_1682, %get3A_1683, %get3A_1684] : memref<1x2048x64xbf16, #tpu.memory_space<vmem>>, vector<1x64x64xbf16>
    %get3A_1686 = vector.shape_cast %get3A_1685 : vector<1x64x64xbf16> to vector<64x64xbf16>
    %get3A_1687 = arith.constant 17 : index
    %get3A_1688 = arith.constant 4 : index
    %get3A_1689 = memref.load %arg1[%get3A_1687, %get3A_1688] : memref<30x8xi32, #tpu.memory_space<smem>>
    %mul3A_1690 = arith.constant 64 : i32
    %mul3A_1691 = arith.muli %get3A_1689, %mul3A_1690 : i32
    %get3A_1692 = arith.constant 0 : index
    %get3A_1693 = arith.index_cast %mul3A_1691 : i32 to index
    %get3A_1694 = arith.constant 0 : index
    %get3A_1695 = vector.load %arg4[%get3A_1692, %get3A_1693, %get3A_1694] : memref<1x2048x64xbf16, #tpu.memory_space<vmem>>, vector<1x64x64xbf16>
    %get3A_1696 = vector.shape_cast %get3A_1695 : vector<1x64x64xbf16> to vector<64x64xbf16>
    %get3A_1697 = arith.constant 17 : index
    %get3A_1698 = arith.constant 5 : index
    %get3A_1699 = memref.load %arg1[%get3A_1697, %get3A_1698] : memref<30x8xi32, #tpu.memory_space<smem>>
    %mul3A_1700 = arith.constant 64 : i32
    %mul3A_1701 = arith.muli %get3A_1699, %mul3A_1700 : i32
    %get3A_1702 = arith.constant 0 : index
    %get3A_1703 = arith.index_cast %mul3A_1701 : i32 to index
    %get3A_1704 = arith.constant 0 : index
    %get3A_1705 = vector.load %arg4[%get3A_1702, %get3A_1703, %get3A_1704] : memref<1x2048x64xbf16, #tpu.memory_space<vmem>>, vector<1x64x64xbf16>
    %get3A_1706 = vector.shape_cast %get3A_1705 : vector<1x64x64xbf16> to vector<64x64xbf16>
    %get3A_1707 = arith.constant 17 : index
    %get3A_1708 = arith.constant 6 : index
    %get3A_1709 = memref.load %arg1[%get3A_1707, %get3A_1708] : memref<30x8xi32, #tpu.memory_space<smem>>
    %mul3A_1710 = arith.constant 64 : i32
    %mul3A_1711 = arith.muli %get3A_1709, %mul3A_1710 : i32
    %get3A_1712 = arith.constant 0 : index
    %get3A_1713 = arith.index_cast %mul3A_1711 : i32 to index
    %get3A_1714 = arith.constant 0 : index
    %get3A_1715 = vector.load %arg4[%get3A_1712, %get3A_1713, %get3A_1714] : memref<1x2048x64xbf16, #tpu.memory_space<vmem>>, vector<1x64x64xbf16>
    %get3A_1716 = vector.shape_cast %get3A_1715 : vector<1x64x64xbf16> to vector<64x64xbf16>
    %get3A_1717 = arith.constant 17 : index
    %get3A_1718 = arith.constant 7 : index
    %get3A_1719 = memref.load %arg1[%get3A_1717, %get3A_1718] : memref<30x8xi32, #tpu.memory_space<smem>>
    %mul3A_1720 = arith.constant 64 : i32
    %mul3A_1721 = arith.muli %get3A_1719, %mul3A_1720 : i32
    %get3A_1722 = arith.constant 0 : index
    %get3A_1723 = arith.index_cast %mul3A_1721 : i32 to index
    %get3A_1724 = arith.constant 0 : index
    %get3A_1725 = vector.load %arg4[%get3A_1722, %get3A_1723, %get3A_1724] : memref<1x2048x64xbf16, #tpu.memory_space<vmem>>, vector<1x64x64xbf16>
    %get3A_1726 = vector.shape_cast %get3A_1725 : vector<1x64x64xbf16> to vector<64x64xbf16>
    %concatenate3A_1727 = tpu.concatenate %get3A_1656, %get3A_1666, %get3A_1676, %get3A_1686, %get3A_1696, %get3A_1706, %get3A_1716, %get3A_1726 in 0 : vector<64x64xbf16>, vector<64x64xbf16>, vector<64x64xbf16>, vector<64x64xbf16>, vector<64x64xbf16>, vector<64x64xbf16>, vector<64x64xbf16>, vector<64x64xbf16> -> vector<512x64xbf16>
    %dot_general3A_1728 = arith.constant dense<0.000000e+00> : vector<64x512xf32>
    %dot_general3A_1729 = tpu.matmul %slice3A_1646, %concatenate3A_1727, %dot_general3A_1728 {dimension_numbers = #tpu.dot_dimension_numbers<[1], [1], [0], [0], [0, 0, 1, 0], [], []>, transpose_lhs_hint = false} : vector<64x64xbf16>, vector<512x64xbf16>, vector<64x512xf32> -> vector<64x512xf32>
    %get3A_1730 = arith.constant 17 : index
    %get3A_1731 = arith.constant 0 : index
    %get3A_1732 = arith.constant 0 : index
    %get3A_1733 = vector.load %arg2[%get3A_1730, %get3A_1731, %get3A_1732] : memref<30x1x512xf32, #tpu.memory_space<vmem>>, vector<1x1x512xf32>
    %get3A_1734 = vector.shape_cast %get3A_1733 : vector<1x1x512xf32> to vector<512xf32>
    %broadcast_in_dim3A_1735 = vector.shape_cast %get3A_1734 : vector<512xf32> to vector<1x512xf32>
    %add3A_1736 = vector.broadcast %broadcast_in_dim3A_1735 : vector<1x512xf32> to vector<64x512xf32>
    %add3A_1737 = arith.addf %dot_general3A_1729, %add3A_1736 : vector<64x512xf32>
    %swap3A_1738 = arith.constant 1088 : index
    %swap3A_1739 = arith.constant 0 : index
    %swap3A_1740 = vector.load %arg7[%swap3A_1738, %swap3A_1739] : memref<1920x512xf32, #tpu.memory_space<vmem>>, vector<64x512xf32>
    tpu.vector_store %arg7[%swap3A_1738, %swap3A_1739], %add3A_1737 {strides = array<i32>} : memref<1920x512xf32, #tpu.memory_space<vmem>>, vector<64x512xf32>,
    %slice3A_1741 = vector.extract_strided_slice %get3A_3 {offsets = [1216, 0], sizes = [64, 64], strides = [1, 1]} : vector<2048x64xbf16> to vector<64x64xbf16>
    %get3A_1742 = arith.constant 18 : index
    %get3A_1743 = arith.constant 0 : index
    %get3A_1744 = memref.load %arg1[%get3A_1742, %get3A_1743] : memref<30x8xi32, #tpu.memory_space<smem>>
    %mul3A_1745 = arith.constant 64 : i32
    %mul3A_1746 = arith.muli %get3A_1744, %mul3A_1745 : i32
    %get3A_1747 = arith.constant 0 : index
    %get3A_1748 = arith.index_cast %mul3A_1746 : i32 to index
    %get3A_1749 = arith.constant 0 : index
    %get3A_1750 = vector.load %arg4[%get3A_1747, %get3A_1748, %get3A_1749] : memref<1x2048x64xbf16, #tpu.memory_space<vmem>>, vector<1x64x64xbf16>
    %get3A_1751 = vector.shape_cast %get3A_1750 : vector<1x64x64xbf16> to vector<64x64xbf16>
    %get3A_1752 = arith.constant 18 : index
    %get3A_1753 = arith.constant 1 : index
    %get3A_1754 = memref.load %arg1[%get3A_1752, %get3A_1753] : memref<30x8xi32, #tpu.memory_space<smem>>
    %mul3A_1755 = arith.constant 64 : i32
    %mul3A_1756 = arith.muli %get3A_1754, %mul3A_1755 : i32
    %get3A_1757 = arith.constant 0 : index
    %get3A_1758 = arith.index_cast %mul3A_1756 : i32 to index
    %get3A_1759 = arith.constant 0 : index
    %get3A_1760 = vector.load %arg4[%get3A_1757, %get3A_1758, %get3A_1759] : memref<1x2048x64xbf16, #tpu.memory_space<vmem>>, vector<1x64x64xbf16>
    %get3A_1761 = vector.shape_cast %get3A_1760 : vector<1x64x64xbf16> to vector<64x64xbf16>
    %get3A_1762 = arith.constant 18 : index
    %get3A_1763 = arith.constant 2 : index
    %get3A_1764 = memref.load %arg1[%get3A_1762, %get3A_1763] : memref<30x8xi32, #tpu.memory_space<smem>>
    %mul3A_1765 = arith.constant 64 : i32
    %mul3A_1766 = arith.muli %get3A_1764, %mul3A_1765 : i32
    %get3A_1767 = arith.constant 0 : index
    %get3A_1768 = arith.index_cast %mul3A_1766 : i32 to index
    %get3A_1769 = arith.constant 0 : index
    %get3A_1770 = vector.load %arg4[%get3A_1767, %get3A_1768, %get3A_1769] : memref<1x2048x64xbf16, #tpu.memory_space<vmem>>, vector<1x64x64xbf16>
    %get3A_1771 = vector.shape_cast %get3A_1770 : vector<1x64x64xbf16> to vector<64x64xbf16>
    %get3A_1772 = arith.constant 18 : index
    %get3A_1773 = arith.constant 3 : index
    %get3A_1774 = memref.load %arg1[%get3A_1772, %get3A_1773] : memref<30x8xi32, #tpu.memory_space<smem>>
    %mul3A_1775 = arith.constant 64 : i32
    %mul3A_1776 = arith.muli %get3A_1774, %mul3A_1775 : i32
    %get3A_1777 = arith.constant 0 : index
    %get3A_1778 = arith.index_cast %mul3A_1776 : i32 to index
    %get3A_1779 = arith.constant 0 : index
    %get3A_1780 = vector.load %arg4[%get3A_1777, %get3A_1778, %get3A_1779] : memref<1x2048x64xbf16, #tpu.memory_space<vmem>>, vector<1x64x64xbf16>
    %get3A_1781 = vector.shape_cast %get3A_1780 : vector<1x64x64xbf16> to vector<64x64xbf16>
    %get3A_1782 = arith.constant 18 : index
    %get3A_1783 = arith.constant 4 : index
    %get3A_1784 = memref.load %arg1[%get3A_1782, %get3A_1783] : memref<30x8xi32, #tpu.memory_space<smem>>
    %mul3A_1785 = arith.constant 64 : i32
    %mul3A_1786 = arith.muli %get3A_1784, %mul3A_1785 : i32
    %get3A_1787 = arith.constant 0 : index
    %get3A_1788 = arith.index_cast %mul3A_1786 : i32 to index
    %get3A_1789 = arith.constant 0 : index
    %get3A_1790 = vector.load %arg4[%get3A_1787, %get3A_1788, %get3A_1789] : memref<1x2048x64xbf16, #tpu.memory_space<vmem>>, vector<1x64x64xbf16>
    %get3A_1791 = vector.shape_cast %get3A_1790 : vector<1x64x64xbf16> to vector<64x64xbf16>
    %get3A_1792 = arith.constant 18 : index
    %get3A_1793 = arith.constant 5 : index
    %get3A_1794 = memref.load %arg1[%get3A_1792, %get3A_1793] : memref<30x8xi32, #tpu.memory_space<smem>>
    %mul3A_1795 = arith.constant 64 : i32
    %mul3A_1796 = arith.muli %get3A_1794, %mul3A_1795 : i32
    %get3A_1797 = arith.constant 0 : index
    %get3A_1798 = arith.index_cast %mul3A_1796 : i32 to index
    %get3A_1799 = arith.constant 0 : index
    %get3A_1800 = vector.load %arg4[%get3A_1797, %get3A_1798, %get3A_1799] : memref<1x2048x64xbf16, #tpu.memory_space<vmem>>, vector<1x64x64xbf16>
    %get3A_1801 = vector.shape_cast %get3A_1800 : vector<1x64x64xbf16> to vector<64x64xbf16>
    %get3A_1802 = arith.constant 18 : index
    %get3A_1803 = arith.constant 6 : index
    %get3A_1804 = memref.load %arg1[%get3A_1802, %get3A_1803] : memref<30x8xi32, #tpu.memory_space<smem>>
    %mul3A_1805 = arith.constant 64 : i32
    %mul3A_1806 = arith.muli %get3A_1804, %mul3A_1805 : i32
    %get3A_1807 = arith.constant 0 : index
    %get3A_1808 = arith.index_cast %mul3A_1806 : i32 to index
    %get3A_1809 = arith.constant 0 : index
    %get3A_1810 = vector.load %arg4[%get3A_1807, %get3A_1808, %get3A_1809] : memref<1x2048x64xbf16, #tpu.memory_space<vmem>>, vector<1x64x64xbf16>
    %get3A_1811 = vector.shape_cast %get3A_1810 : vector<1x64x64xbf16> to vector<64x64xbf16>
    %get3A_1812 = arith.constant 18 : index
    %get3A_1813 = arith.constant 7 : index
    %get3A_1814 = memref.load %arg1[%get3A_1812, %get3A_1813] : memref<30x8xi32, #tpu.memory_space<smem>>
    %mul3A_1815 = arith.constant 64 : i32
    %mul3A_1816 = arith.muli %get3A_1814, %mul3A_1815 : i32
    %get3A_1817 = arith.constant 0 : index
    %get3A_1818 = arith.index_cast %mul3A_1816 : i32 to index
    %get3A_1819 = arith.constant 0 : index
    %get3A_1820 = vector.load %arg4[%get3A_1817, %get3A_1818, %get3A_1819] : memref<1x2048x64xbf16, #tpu.memory_space<vmem>>, vector<1x64x64xbf16>
    %get3A_1821 = vector.shape_cast %get3A_1820 : vector<1x64x64xbf16> to vector<64x64xbf16>
    %concatenate3A_1822 = tpu.concatenate %get3A_1751, %get3A_1761, %get3A_1771, %get3A_1781, %get3A_1791, %get3A_1801, %get3A_1811, %get3A_1821 in 0 : vector<64x64xbf16>, vector<64x64xbf16>, vector<64x64xbf16>, vector<64x64xbf16>, vector<64x64xbf16>, vector<64x64xbf16>, vector<64x64xbf16>, vector<64x64xbf16> -> vector<512x64xbf16>
    %dot_general3A_1823 = arith.constant dense<0.000000e+00> : vector<64x512xf32>
    %dot_general3A_1824 = tpu.matmul %slice3A_1741, %concatenate3A_1822, %dot_general3A_1823 {dimension_numbers = #tpu.dot_dimension_numbers<[1], [1], [0], [0], [0, 0, 1, 0], [], []>, transpose_lhs_hint = false} : vector<64x64xbf16>, vector<512x64xbf16>, vector<64x512xf32> -> vector<64x512xf32>
    %get3A_1825 = arith.constant 18 : index
    %get3A_1826 = arith.constant 0 : index
    %get3A_1827 = arith.constant 0 : index
    %get3A_1828 = vector.load %arg2[%get3A_1825, %get3A_1826, %get3A_1827] : memref<30x1x512xf32, #tpu.memory_space<vmem>>, vector<1x1x512xf32>
    %get3A_1829 = vector.shape_cast %get3A_1828 : vector<1x1x512xf32> to vector<512xf32>
    %broadcast_in_dim3A_1830 = vector.shape_cast %get3A_1829 : vector<512xf32> to vector<1x512xf32>
    %add3A_1831 = vector.broadcast %broadcast_in_dim3A_1830 : vector<1x512xf32> to vector<64x512xf32>
    %add3A_1832 = arith.addf %dot_general3A_1824, %add3A_1831 : vector<64x512xf32>
    %swap3A_1833 = arith.constant 1152 : index
    %swap3A_1834 = arith.constant 0 : index
    %swap3A_1835 = vector.load %arg7[%swap3A_1833, %swap3A_1834] : memref<1920x512xf32, #tpu.memory_space<vmem>>, vector<64x512xf32>
    tpu.vector_store %arg7[%swap3A_1833, %swap3A_1834], %add3A_1832 {strides = array<i32>} : memref<1920x512xf32, #tpu.memory_space<vmem>>, vector<64x512xf32>,
    %slice3A_1836 = vector.extract_strided_slice %get3A_3 {offsets = [1280, 0], sizes = [64, 64], strides = [1, 1]} : vector<2048x64xbf16> to vector<64x64xbf16>
    %get3A_1837 = arith.constant 19 : index
    %get3A_1838 = arith.constant 0 : index
    %get3A_1839 = memref.load %arg1[%get3A_1837, %get3A_1838] : memref<30x8xi32, #tpu.memory_space<smem>>
    %mul3A_1840 = arith.constant 64 : i32
    %mul3A_1841 = arith.muli %get3A_1839, %mul3A_1840 : i32
    %get3A_1842 = arith.constant 0 : index
    %get3A_1843 = arith.index_cast %mul3A_1841 : i32 to index
    %get3A_1844 = arith.constant 0 : index
    %get3A_1845 = vector.load %arg4[%get3A_1842, %get3A_1843, %get3A_1844] : memref<1x2048x64xbf16, #tpu.memory_space<vmem>>, vector<1x64x64xbf16>
    %get3A_1846 = vector.shape_cast %get3A_1845 : vector<1x64x64xbf16> to vector<64x64xbf16>
    %get3A_1847 = arith.constant 19 : index
    %get3A_1848 = arith.constant 1 : index
    %get3A_1849 = memref.load %arg1[%get3A_1847, %get3A_1848] : memref<30x8xi32, #tpu.memory_space<smem>>
    %mul3A_1850 = arith.constant 64 : i32
    %mul3A_1851 = arith.muli %get3A_1849, %mul3A_1850 : i32
    %get3A_1852 = arith.constant 0 : index
    %get3A_1853 = arith.index_cast %mul3A_1851 : i32 to index
    %get3A_1854 = arith.constant 0 : index
    %get3A_1855 = vector.load %arg4[%get3A_1852, %get3A_1853, %get3A_1854] : memref<1x2048x64xbf16, #tpu.memory_space<vmem>>, vector<1x64x64xbf16>
    %get3A_1856 = vector.shape_cast %get3A_1855 : vector<1x64x64xbf16> to vector<64x64xbf16>
    %get3A_1857 = arith.constant 19 : index
    %get3A_1858 = arith.constant 2 : index
    %get3A_1859 = memref.load %arg1[%get3A_1857, %get3A_1858] : memref<30x8xi32, #tpu.memory_space<smem>>
    %mul3A_1860 = arith.constant 64 : i32
    %mul3A_1861 = arith.muli %get3A_1859, %mul3A_1860 : i32
    %get3A_1862 = arith.constant 0 : index
    %get3A_1863 = arith.index_cast %mul3A_1861 : i32 to index
    %get3A_1864 = arith.constant 0 : index
    %get3A_1865 = vector.load %arg4[%get3A_1862, %get3A_1863, %get3A_1864] : memref<1x2048x64xbf16, #tpu.memory_space<vmem>>, vector<1x64x64xbf16>
    %get3A_1866 = vector.shape_cast %get3A_1865 : vector<1x64x64xbf16> to vector<64x64xbf16>
    %get3A_1867 = arith.constant 19 : index
    %get3A_1868 = arith.constant 3 : index
    %get3A_1869 = memref.load %arg1[%get3A_1867, %get3A_1868] : memref<30x8xi32, #tpu.memory_space<smem>>
    %mul3A_1870 = arith.constant 64 : i32
    %mul3A_1871 = arith.muli %get3A_1869, %mul3A_1870 : i32
    %get3A_1872 = arith.constant 0 : index
    %get3A_1873 = arith.index_cast %mul3A_1871 : i32 to index
    %get3A_1874 = arith.constant 0 : index
    %get3A_1875 = vector.load %arg4[%get3A_1872, %get3A_1873, %get3A_1874] : memref<1x2048x64xbf16, #tpu.memory_space<vmem>>, vector<1x64x64xbf16>
    %get3A_1876 = vector.shape_cast %get3A_1875 : vector<1x64x64xbf16> to vector<64x64xbf16>
    %get3A_1877 = arith.constant 19 : index
    %get3A_1878 = arith.constant 4 : index
    %get3A_1879 = memref.load %arg1[%get3A_1877, %get3A_1878] : memref<30x8xi32, #tpu.memory_space<smem>>
    %mul3A_1880 = arith.constant 64 : i32
    %mul3A_1881 = arith.muli %get3A_1879, %mul3A_1880 : i32
    %get3A_1882 = arith.constant 0 : index
    %get3A_1883 = arith.index_cast %mul3A_1881 : i32 to index
    %get3A_1884 = arith.constant 0 : index
    %get3A_1885 = vector.load %arg4[%get3A_1882, %get3A_1883, %get3A_1884] : memref<1x2048x64xbf16, #tpu.memory_space<vmem>>, vector<1x64x64xbf16>
    %get3A_1886 = vector.shape_cast %get3A_1885 : vector<1x64x64xbf16> to vector<64x64xbf16>
    %get3A_1887 = arith.constant 19 : index
    %get3A_1888 = arith.constant 5 : index
    %get3A_1889 = memref.load %arg1[%get3A_1887, %get3A_1888] : memref<30x8xi32, #tpu.memory_space<smem>>
    %mul3A_1890 = arith.constant 64 : i32
    %mul3A_1891 = arith.muli %get3A_1889, %mul3A_1890 : i32
    %get3A_1892 = arith.constant 0 : index
    %get3A_1893 = arith.index_cast %mul3A_1891 : i32 to index
    %get3A_1894 = arith.constant 0 : index
    %get3A_1895 = vector.load %arg4[%get3A_1892, %get3A_1893, %get3A_1894] : memref<1x2048x64xbf16, #tpu.memory_space<vmem>>, vector<1x64x64xbf16>
    %get3A_1896 = vector.shape_cast %get3A_1895 : vector<1x64x64xbf16> to vector<64x64xbf16>
    %get3A_1897 = arith.constant 19 : index
    %get3A_1898 = arith.constant 6 : index
    %get3A_1899 = memref.load %arg1[%get3A_1897, %get3A_1898] : memref<30x8xi32, #tpu.memory_space<smem>>
    %mul3A_1900 = arith.constant 64 : i32
    %mul3A_1901 = arith.muli %get3A_1899, %mul3A_1900 : i32
    %get3A_1902 = arith.constant 0 : index
    %get3A_1903 = arith.index_cast %mul3A_1901 : i32 to index
    %get3A_1904 = arith.constant 0 : index
    %get3A_1905 = vector.load %arg4[%get3A_1902, %get3A_1903, %get3A_1904] : memref<1x2048x64xbf16, #tpu.memory_space<vmem>>, vector<1x64x64xbf16>
    %get3A_1906 = vector.shape_cast %get3A_1905 : vector<1x64x64xbf16> to vector<64x64xbf16>
    %get3A_1907 = arith.constant 19 : index
    %get3A_1908 = arith.constant 7 : index
    %get3A_1909 = memref.load %arg1[%get3A_1907, %get3A_1908] : memref<30x8xi32, #tpu.memory_space<smem>>
    %mul3A_1910 = arith.constant 64 : i32
    %mul3A_1911 = arith.muli %get3A_1909, %mul3A_1910 : i32
    %get3A_1912 = arith.constant 0 : index
    %get3A_1913 = arith.index_cast %mul3A_1911 : i32 to index
    %get3A_1914 = arith.constant 0 : index
    %get3A_1915 = vector.load %arg4[%get3A_1912, %get3A_1913, %get3A_1914] : memref<1x2048x64xbf16, #tpu.memory_space<vmem>>, vector<1x64x64xbf16>
    %get3A_1916 = vector.shape_cast %get3A_1915 : vector<1x64x64xbf16> to vector<64x64xbf16>
    %concatenate3A_1917 = tpu.concatenate %get3A_1846, %get3A_1856, %get3A_1866, %get3A_1876, %get3A_1886, %get3A_1896, %get3A_1906, %get3A_1916 in 0 : vector<64x64xbf16>, vector<64x64xbf16>, vector<64x64xbf16>, vector<64x64xbf16>, vector<64x64xbf16>, vector<64x64xbf16>, vector<64x64xbf16>, vector<64x64xbf16> -> vector<512x64xbf16>
    %dot_general3A_1918 = arith.constant dense<0.000000e+00> : vector<64x512xf32>
    %dot_general3A_1919 = tpu.matmul %slice3A_1836, %concatenate3A_1917, %dot_general3A_1918 {dimension_numbers = #tpu.dot_dimension_numbers<[1], [1], [0], [0], [0, 0, 1, 0], [], []>, transpose_lhs_hint = false} : vector<64x64xbf16>, vector<512x64xbf16>, vector<64x512xf32> -> vector<64x512xf32>
    %get3A_1920 = arith.constant 19 : index
    %get3A_1921 = arith.constant 0 : index
    %get3A_1922 = arith.constant 0 : index
    %get3A_1923 = vector.load %arg2[%get3A_1920, %get3A_1921, %get3A_1922] : memref<30x1x512xf32, #tpu.memory_space<vmem>>, vector<1x1x512xf32>
    %get3A_1924 = vector.shape_cast %get3A_1923 : vector<1x1x512xf32> to vector<512xf32>
    %broadcast_in_dim3A_1925 = vector.shape_cast %get3A_1924 : vector<512xf32> to vector<1x512xf32>
    %add3A_1926 = vector.broadcast %broadcast_in_dim3A_1925 : vector<1x512xf32> to vector<64x512xf32>
    %add3A_1927 = arith.addf %dot_general3A_1919, %add3A_1926 : vector<64x512xf32>
    %swap3A_1928 = arith.constant 1216 : index
    %swap3A_1929 = arith.constant 0 : index
    %swap3A_1930 = vector.load %arg7[%swap3A_1928, %swap3A_1929] : memref<1920x512xf32, #tpu.memory_space<vmem>>, vector<64x512xf32>
    tpu.vector_store %arg7[%swap3A_1928, %swap3A_1929], %add3A_1927 {strides = array<i32>} : memref<1920x512xf32, #tpu.memory_space<vmem>>, vector<64x512xf32>,
    %slice3A_1931 = vector.extract_strided_slice %get3A_3 {offsets = [1344, 0], sizes = [64, 64], strides = [1, 1]} : vector<2048x64xbf16> to vector<64x64xbf16>
    %get3A_1932 = arith.constant 20 : index
    %get3A_1933 = arith.constant 0 : index
    %get3A_1934 = memref.load %arg1[%get3A_1932, %get3A_1933] : memref<30x8xi32, #tpu.memory_space<smem>>
    %mul3A_1935 = arith.constant 64 : i32
    %mul3A_1936 = arith.muli %get3A_1934, %mul3A_1935 : i32
    %get3A_1937 = arith.constant 0 : index
    %get3A_1938 = arith.index_cast %mul3A_1936 : i32 to index
    %get3A_1939 = arith.constant 0 : index
    %get3A_1940 = vector.load %arg4[%get3A_1937, %get3A_1938, %get3A_1939] : memref<1x2048x64xbf16, #tpu.memory_space<vmem>>, vector<1x64x64xbf16>
    %get3A_1941 = vector.shape_cast %get3A_1940 : vector<1x64x64xbf16> to vector<64x64xbf16>
    %get3A_1942 = arith.constant 20 : index
    %get3A_1943 = arith.constant 1 : index
    %get3A_1944 = memref.load %arg1[%get3A_1942, %get3A_1943] : memref<30x8xi32, #tpu.memory_space<smem>>
    %mul3A_1945 = arith.constant 64 : i32
    %mul3A_1946 = arith.muli %get3A_1944, %mul3A_1945 : i32
    %get3A_1947 = arith.constant 0 : index
    %get3A_1948 = arith.index_cast %mul3A_1946 : i32 to index
    %get3A_1949 = arith.constant 0 : index
    %get3A_1950 = vector.load %arg4[%get3A_1947, %get3A_1948, %get3A_1949] : memref<1x2048x64xbf16, #tpu.memory_space<vmem>>, vector<1x64x64xbf16>
    %get3A_1951 = vector.shape_cast %get3A_1950 : vector<1x64x64xbf16> to vector<64x64xbf16>
    %get3A_1952 = arith.constant 20 : index
    %get3A_1953 = arith.constant 2 : index
    %get3A_1954 = memref.load %arg1[%get3A_1952, %get3A_1953] : memref<30x8xi32, #tpu.memory_space<smem>>
    %mul3A_1955 = arith.constant 64 : i32
    %mul3A_1956 = arith.muli %get3A_1954, %mul3A_1955 : i32
    %get3A_1957 = arith.constant 0 : index
    %get3A_1958 = arith.index_cast %mul3A_1956 : i32 to index
    %get3A_1959 = arith.constant 0 : index
    %get3A_1960 = vector.load %arg4[%get3A_1957, %get3A_1958, %get3A_1959] : memref<1x2048x64xbf16, #tpu.memory_space<vmem>>, vector<1x64x64xbf16>
    %get3A_1961 = vector.shape_cast %get3A_1960 : vector<1x64x64xbf16> to vector<64x64xbf16>
    %get3A_1962 = arith.constant 20 : index
    %get3A_1963 = arith.constant 3 : index
    %get3A_1964 = memref.load %arg1[%get3A_1962, %get3A_1963] : memref<30x8xi32, #tpu.memory_space<smem>>
    %mul3A_1965 = arith.constant 64 : i32
    %mul3A_1966 = arith.muli %get3A_1964, %mul3A_1965 : i32
    %get3A_1967 = arith.constant 0 : index
    %get3A_1968 = arith.index_cast %mul3A_1966 : i32 to index
    %get3A_1969 = arith.constant 0 : index
    %get3A_1970 = vector.load %arg4[%get3A_1967, %get3A_1968, %get3A_1969] : memref<1x2048x64xbf16, #tpu.memory_space<vmem>>, vector<1x64x64xbf16>
    %get3A_1971 = vector.shape_cast %get3A_1970 : vector<1x64x64xbf16> to vector<64x64xbf16>
    %get3A_1972 = arith.constant 20 : index
    %get3A_1973 = arith.constant 4 : index
    %get3A_1974 = memref.load %arg1[%get3A_1972, %get3A_1973] : memref<30x8xi32, #tpu.memory_space<smem>>
    %mul3A_1975 = arith.constant 64 : i32
    %mul3A_1976 = arith.muli %get3A_1974, %mul3A_1975 : i32
    %get3A_1977 = arith.constant 0 : index
    %get3A_1978 = arith.index_cast %mul3A_1976 : i32 to index
    %get3A_1979 = arith.constant 0 : index
    %get3A_1980 = vector.load %arg4[%get3A_1977, %get3A_1978, %get3A_1979] : memref<1x2048x64xbf16, #tpu.memory_space<vmem>>, vector<1x64x64xbf16>
    %get3A_1981 = vector.shape_cast %get3A_1980 : vector<1x64x64xbf16> to vector<64x64xbf16>
    %get3A_1982 = arith.constant 20 : index
    %get3A_1983 = arith.constant 5 : index
    %get3A_1984 = memref.load %arg1[%get3A_1982, %get3A_1983] : memref<30x8xi32, #tpu.memory_space<smem>>
    %mul3A_1985 = arith.constant 64 : i32
    %mul3A_1986 = arith.muli %get3A_1984, %mul3A_1985 : i32
    %get3A_1987 = arith.constant 0 : index
    %get3A_1988 = arith.index_cast %mul3A_1986 : i32 to index
    %get3A_1989 = arith.constant 0 : index
    %get3A_1990 = vector.load %arg4[%get3A_1987, %get3A_1988, %get3A_1989] : memref<1x2048x64xbf16, #tpu.memory_space<vmem>>, vector<1x64x64xbf16>
    %get3A_1991 = vector.shape_cast %get3A_1990 : vector<1x64x64xbf16> to vector<64x64xbf16>
    %get3A_1992 = arith.constant 20 : index
    %get3A_1993 = arith.constant 6 : index
    %get3A_1994 = memref.load %arg1[%get3A_1992, %get3A_1993] : memref<30x8xi32, #tpu.memory_space<smem>>
    %mul3A_1995 = arith.constant 64 : i32
    %mul3A_1996 = arith.muli %get3A_1994, %mul3A_1995 : i32
    %get3A_1997 = arith.constant 0 : index
    %get3A_1998 = arith.index_cast %mul3A_1996 : i32 to index
    %get3A_1999 = arith.constant 0 : index
    %get3A_2000 = vector.load %arg4[%get3A_1997, %get3A_1998, %get3A_1999] : memref<1x2048x64xbf16, #tpu.memory_space<vmem>>, vector<1x64x64xbf16>
    %get3A_2001 = vector.shape_cast %get3A_2000 : vector<1x64x64xbf16> to vector<64x64xbf16>
    %get3A_2002 = arith.constant 20 : index
    %get3A_2003 = arith.constant 7 : index
    %get3A_2004 = memref.load %arg1[%get3A_2002, %get3A_2003] : memref<30x8xi32, #tpu.memory_space<smem>>
    %mul3A_2005 = arith.constant 64 : i32
    %mul3A_2006 = arith.muli %get3A_2004, %mul3A_2005 : i32
    %get3A_2007 = arith.constant 0 : index
    %get3A_2008 = arith.index_cast %mul3A_2006 : i32 to index
    %get3A_2009 = arith.constant 0 : index
    %get3A_2010 = vector.load %arg4[%get3A_2007, %get3A_2008, %get3A_2009] : memref<1x2048x64xbf16, #tpu.memory_space<vmem>>, vector<1x64x64xbf16>
    %get3A_2011 = vector.shape_cast %get3A_2010 : vector<1x64x64xbf16> to vector<64x64xbf16>
    %concatenate3A_2012 = tpu.concatenate %get3A_1941, %get3A_1951, %get3A_1961, %get3A_1971, %get3A_1981, %get3A_1991, %get3A_2001, %get3A_2011 in 0 : vector<64x64xbf16>, vector<64x64xbf16>, vector<64x64xbf16>, vector<64x64xbf16>, vector<64x64xbf16>, vector<64x64xbf16>, vector<64x64xbf16>, vector<64x64xbf16> -> vector<512x64xbf16>
    %dot_general3A_2013 = arith.constant dense<0.000000e+00> : vector<64x512xf32>
    %dot_general3A_2014 = tpu.matmul %slice3A_1931, %concatenate3A_2012, %dot_general3A_2013 {dimension_numbers = #tpu.dot_dimension_numbers<[1], [1], [0], [0], [0, 0, 1, 0], [], []>, transpose_lhs_hint = false} : vector<64x64xbf16>, vector<512x64xbf16>, vector<64x512xf32> -> vector<64x512xf32>
    %get3A_2015 = arith.constant 20 : index
    %get3A_2016 = arith.constant 0 : index
    %get3A_2017 = arith.constant 0 : index
    %get3A_2018 = vector.load %arg2[%get3A_2015, %get3A_2016, %get3A_2017] : memref<30x1x512xf32, #tpu.memory_space<vmem>>, vector<1x1x512xf32>
    %get3A_2019 = vector.shape_cast %get3A_2018 : vector<1x1x512xf32> to vector<512xf32>
    %broadcast_in_dim3A_2020 = vector.shape_cast %get3A_2019 : vector<512xf32> to vector<1x512xf32>
    %add3A_2021 = vector.broadcast %broadcast_in_dim3A_2020 : vector<1x512xf32> to vector<64x512xf32>
    %add3A_2022 = arith.addf %dot_general3A_2014, %add3A_2021 : vector<64x512xf32>
    %swap3A_2023 = arith.constant 1280 : index
    %swap3A_2024 = arith.constant 0 : index
    %swap3A_2025 = vector.load %arg7[%swap3A_2023, %swap3A_2024] : memref<1920x512xf32, #tpu.memory_space<vmem>>, vector<64x512xf32>
    tpu.vector_store %arg7[%swap3A_2023, %swap3A_2024], %add3A_2022 {strides = array<i32>} : memref<1920x512xf32, #tpu.memory_space<vmem>>, vector<64x512xf32>,
    %slice3A_2026 = vector.extract_strided_slice %get3A_3 {offsets = [1408, 0], sizes = [64, 64], strides = [1, 1]} : vector<2048x64xbf16> to vector<64x64xbf16>
    %get3A_2027 = arith.constant 21 : index
    %get3A_2028 = arith.constant 0 : index
    %get3A_2029 = memref.load %arg1[%get3A_2027, %get3A_2028] : memref<30x8xi32, #tpu.memory_space<smem>>
    %mul3A_2030 = arith.constant 64 : i32
    %mul3A_2031 = arith.muli %get3A_2029, %mul3A_2030 : i32
    %get3A_2032 = arith.constant 0 : index
    %get3A_2033 = arith.index_cast %mul3A_2031 : i32 to index
    %get3A_2034 = arith.constant 0 : index
    %get3A_2035 = vector.load %arg4[%get3A_2032, %get3A_2033, %get3A_2034] : memref<1x2048x64xbf16, #tpu.memory_space<vmem>>, vector<1x64x64xbf16>
    %get3A_2036 = vector.shape_cast %get3A_2035 : vector<1x64x64xbf16> to vector<64x64xbf16>
    %get3A_2037 = arith.constant 21 : index
    %get3A_2038 = arith.constant 1 : index
    %get3A_2039 = memref.load %arg1[%get3A_2037, %get3A_2038] : memref<30x8xi32, #tpu.memory_space<smem>>
    %mul3A_2040 = arith.constant 64 : i32
    %mul3A_2041 = arith.muli %get3A_2039, %mul3A_2040 : i32
    %get3A_2042 = arith.constant 0 : index
    %get3A_2043 = arith.index_cast %mul3A_2041 : i32 to index
    %get3A_2044 = arith.constant 0 : index
    %get3A_2045 = vector.load %arg4[%get3A_2042, %get3A_2043, %get3A_2044] : memref<1x2048x64xbf16, #tpu.memory_space<vmem>>, vector<1x64x64xbf16>
    %get3A_2046 = vector.shape_cast %get3A_2045 : vector<1x64x64xbf16> to vector<64x64xbf16>
    %get3A_2047 = arith.constant 21 : index
    %get3A_2048 = arith.constant 2 : index
    %get3A_2049 = memref.load %arg1[%get3A_2047, %get3A_2048] : memref<30x8xi32, #tpu.memory_space<smem>>
    %mul3A_2050 = arith.constant 64 : i32
    %mul3A_2051 = arith.muli %get3A_2049, %mul3A_2050 : i32
    %get3A_2052 = arith.constant 0 : index
    %get3A_2053 = arith.index_cast %mul3A_2051 : i32 to index
    %get3A_2054 = arith.constant 0 : index
    %get3A_2055 = vector.load %arg4[%get3A_2052, %get3A_2053, %get3A_2054] : memref<1x2048x64xbf16, #tpu.memory_space<vmem>>, vector<1x64x64xbf16>
    %get3A_2056 = vector.shape_cast %get3A_2055 : vector<1x64x64xbf16> to vector<64x64xbf16>
    %get3A_2057 = arith.constant 21 : index
    %get3A_2058 = arith.constant 3 : index
    %get3A_2059 = memref.load %arg1[%get3A_2057, %get3A_2058] : memref<30x8xi32, #tpu.memory_space<smem>>
    %mul3A_2060 = arith.constant 64 : i32
    %mul3A_2061 = arith.muli %get3A_2059, %mul3A_2060 : i32
    %get3A_2062 = arith.constant 0 : index
    %get3A_2063 = arith.index_cast %mul3A_2061 : i32 to index
    %get3A_2064 = arith.constant 0 : index
    %get3A_2065 = vector.load %arg4[%get3A_2062, %get3A_2063, %get3A_2064] : memref<1x2048x64xbf16, #tpu.memory_space<vmem>>, vector<1x64x64xbf16>
    %get3A_2066 = vector.shape_cast %get3A_2065 : vector<1x64x64xbf16> to vector<64x64xbf16>
    %get3A_2067 = arith.constant 21 : index
    %get3A_2068 = arith.constant 4 : index
    %get3A_2069 = memref.load %arg1[%get3A_2067, %get3A_2068] : memref<30x8xi32, #tpu.memory_space<smem>>
    %mul3A_2070 = arith.constant 64 : i32
    %mul3A_2071 = arith.muli %get3A_2069, %mul3A_2070 : i32
    %get3A_2072 = arith.constant 0 : index
    %get3A_2073 = arith.index_cast %mul3A_2071 : i32 to index
    %get3A_2074 = arith.constant 0 : index
    %get3A_2075 = vector.load %arg4[%get3A_2072, %get3A_2073, %get3A_2074] : memref<1x2048x64xbf16, #tpu.memory_space<vmem>>, vector<1x64x64xbf16>
    %get3A_2076 = vector.shape_cast %get3A_2075 : vector<1x64x64xbf16> to vector<64x64xbf16>
    %get3A_2077 = arith.constant 21 : index
    %get3A_2078 = arith.constant 5 : index
    %get3A_2079 = memref.load %arg1[%get3A_2077, %get3A_2078] : memref<30x8xi32, #tpu.memory_space<smem>>
    %mul3A_2080 = arith.constant 64 : i32
    %mul3A_2081 = arith.muli %get3A_2079, %mul3A_2080 : i32
    %get3A_2082 = arith.constant 0 : index
    %get3A_2083 = arith.index_cast %mul3A_2081 : i32 to index
    %get3A_2084 = arith.constant 0 : index
    %get3A_2085 = vector.load %arg4[%get3A_2082, %get3A_2083, %get3A_2084] : memref<1x2048x64xbf16, #tpu.memory_space<vmem>>, vector<1x64x64xbf16>
    %get3A_2086 = vector.shape_cast %get3A_2085 : vector<1x64x64xbf16> to vector<64x64xbf16>
    %get3A_2087 = arith.constant 21 : index
    %get3A_2088 = arith.constant 6 : index
    %get3A_2089 = memref.load %arg1[%get3A_2087, %get3A_2088] : memref<30x8xi32, #tpu.memory_space<smem>>
    %mul3A_2090 = arith.constant 64 : i32
    %mul3A_2091 = arith.muli %get3A_2089, %mul3A_2090 : i32
    %get3A_2092 = arith.constant 0 : index
    %get3A_2093 = arith.index_cast %mul3A_2091 : i32 to index
    %get3A_2094 = arith.constant 0 : index
    %get3A_2095 = vector.load %arg4[%get3A_2092, %get3A_2093, %get3A_2094] : memref<1x2048x64xbf16, #tpu.memory_space<vmem>>, vector<1x64x64xbf16>
    %get3A_2096 = vector.shape_cast %get3A_2095 : vector<1x64x64xbf16> to vector<64x64xbf16>
    %get3A_2097 = arith.constant 21 : index
    %get3A_2098 = arith.constant 7 : index
    %get3A_2099 = memref.load %arg1[%get3A_2097, %get3A_2098] : memref<30x8xi32, #tpu.memory_space<smem>>
    %mul3A_2100 = arith.constant 64 : i32
    %mul3A_2101 = arith.muli %get3A_2099, %mul3A_2100 : i32
    %get3A_2102 = arith.constant 0 : index
    %get3A_2103 = arith.index_cast %mul3A_2101 : i32 to index
    %get3A_2104 = arith.constant 0 : index
    %get3A_2105 = vector.load %arg4[%get3A_2102, %get3A_2103, %get3A_2104] : memref<1x2048x64xbf16, #tpu.memory_space<vmem>>, vector<1x64x64xbf16>
    %get3A_2106 = vector.shape_cast %get3A_2105 : vector<1x64x64xbf16> to vector<64x64xbf16>
    %concatenate3A_2107 = tpu.concatenate %get3A_2036, %get3A_2046, %get3A_2056, %get3A_2066, %get3A_2076, %get3A_2086, %get3A_2096, %get3A_2106 in 0 : vector<64x64xbf16>, vector<64x64xbf16>, vector<64x64xbf16>, vector<64x64xbf16>, vector<64x64xbf16>, vector<64x64xbf16>, vector<64x64xbf16>, vector<64x64xbf16> -> vector<512x64xbf16>
    %dot_general3A_2108 = arith.constant dense<0.000000e+00> : vector<64x512xf32>
    %dot_general3A_2109 = tpu.matmul %slice3A_2026, %concatenate3A_2107, %dot_general3A_2108 {dimension_numbers = #tpu.dot_dimension_numbers<[1], [1], [0], [0], [0, 0, 1, 0], [], []>, transpose_lhs_hint = false} : vector<64x64xbf16>, vector<512x64xbf16>, vector<64x512xf32> -> vector<64x512xf32>
    %get3A_2110 = arith.constant 21 : index
    %get3A_2111 = arith.constant 0 : index
    %get3A_2112 = arith.constant 0 : index
    %get3A_2113 = vector.load %arg2[%get3A_2110, %get3A_2111, %get3A_2112] : memref<30x1x512xf32, #tpu.memory_space<vmem>>, vector<1x1x512xf32>
    %get3A_2114 = vector.shape_cast %get3A_2113 : vector<1x1x512xf32> to vector<512xf32>
    %broadcast_in_dim3A_2115 = vector.shape_cast %get3A_2114 : vector<512xf32> to vector<1x512xf32>
    %add3A_2116 = vector.broadcast %broadcast_in_dim3A_2115 : vector<1x512xf32> to vector<64x512xf32>
    %add3A_2117 = arith.addf %dot_general3A_2109, %add3A_2116 : vector<64x512xf32>
    %swap3A_2118 = arith.constant 1344 : index
    %swap3A_2119 = arith.constant 0 : index
    %swap3A_2120 = vector.load %arg7[%swap3A_2118, %swap3A_2119] : memref<1920x512xf32, #tpu.memory_space<vmem>>, vector<64x512xf32>
    tpu.vector_store %arg7[%swap3A_2118, %swap3A_2119], %add3A_2117 {strides = array<i32>} : memref<1920x512xf32, #tpu.memory_space<vmem>>, vector<64x512xf32>,
    %slice3A_2121 = vector.extract_strided_slice %get3A_3 {offsets = [1472, 0], sizes = [64, 64], strides = [1, 1]} : vector<2048x64xbf16> to vector<64x64xbf16>
    %get3A_2122 = arith.constant 22 : index
    %get3A_2123 = arith.constant 0 : index
    %get3A_2124 = memref.load %arg1[%get3A_2122, %get3A_2123] : memref<30x8xi32, #tpu.memory_space<smem>>
    %mul3A_2125 = arith.constant 64 : i32
    %mul3A_2126 = arith.muli %get3A_2124, %mul3A_2125 : i32
    %get3A_2127 = arith.constant 0 : index
    %get3A_2128 = arith.index_cast %mul3A_2126 : i32 to index
    %get3A_2129 = arith.constant 0 : index
    %get3A_2130 = vector.load %arg4[%get3A_2127, %get3A_2128, %get3A_2129] : memref<1x2048x64xbf16, #tpu.memory_space<vmem>>, vector<1x64x64xbf16>
    %get3A_2131 = vector.shape_cast %get3A_2130 : vector<1x64x64xbf16> to vector<64x64xbf16>
    %get3A_2132 = arith.constant 22 : index
    %get3A_2133 = arith.constant 1 : index
    %get3A_2134 = memref.load %arg1[%get3A_2132, %get3A_2133] : memref<30x8xi32, #tpu.memory_space<smem>>
    %mul3A_2135 = arith.constant 64 : i32
    %mul3A_2136 = arith.muli %get3A_2134, %mul3A_2135 : i32
    %get3A_2137 = arith.constant 0 : index
    %get3A_2138 = arith.index_cast %mul3A_2136 : i32 to index
    %get3A_2139 = arith.constant 0 : index
    %get3A_2140 = vector.load %arg4[%get3A_2137, %get3A_2138, %get3A_2139] : memref<1x2048x64xbf16, #tpu.memory_space<vmem>>, vector<1x64x64xbf16>
    %get3A_2141 = vector.shape_cast %get3A_2140 : vector<1x64x64xbf16> to vector<64x64xbf16>
    %get3A_2142 = arith.constant 22 : index
    %get3A_2143 = arith.constant 2 : index
    %get3A_2144 = memref.load %arg1[%get3A_2142, %get3A_2143] : memref<30x8xi32, #tpu.memory_space<smem>>
    %mul3A_2145 = arith.constant 64 : i32
    %mul3A_2146 = arith.muli %get3A_2144, %mul3A_2145 : i32
    %get3A_2147 = arith.constant 0 : index
    %get3A_2148 = arith.index_cast %mul3A_2146 : i32 to index
    %get3A_2149 = arith.constant 0 : index
    %get3A_2150 = vector.load %arg4[%get3A_2147, %get3A_2148, %get3A_2149] : memref<1x2048x64xbf16, #tpu.memory_space<vmem>>, vector<1x64x64xbf16>
    %get3A_2151 = vector.shape_cast %get3A_2150 : vector<1x64x64xbf16> to vector<64x64xbf16>
    %get3A_2152 = arith.constant 22 : index
    %get3A_2153 = arith.constant 3 : index
    %get3A_2154 = memref.load %arg1[%get3A_2152, %get3A_2153] : memref<30x8xi32, #tpu.memory_space<smem>>
    %mul3A_2155 = arith.constant 64 : i32
    %mul3A_2156 = arith.muli %get3A_2154, %mul3A_2155 : i32
    %get3A_2157 = arith.constant 0 : index
    %get3A_2158 = arith.index_cast %mul3A_2156 : i32 to index
    %get3A_2159 = arith.constant 0 : index
    %get3A_2160 = vector.load %arg4[%get3A_2157, %get3A_2158, %get3A_2159] : memref<1x2048x64xbf16, #tpu.memory_space<vmem>>, vector<1x64x64xbf16>
    %get3A_2161 = vector.shape_cast %get3A_2160 : vector<1x64x64xbf16> to vector<64x64xbf16>
    %get3A_2162 = arith.constant 22 : index
    %get3A_2163 = arith.constant 4 : index
    %get3A_2164 = memref.load %arg1[%get3A_2162, %get3A_2163] : memref<30x8xi32, #tpu.memory_space<smem>>
    %mul3A_2165 = arith.constant 64 : i32
    %mul3A_2166 = arith.muli %get3A_2164, %mul3A_2165 : i32
    %get3A_2167 = arith.constant 0 : index
    %get3A_2168 = arith.index_cast %mul3A_2166 : i32 to index
    %get3A_2169 = arith.constant 0 : index
    %get3A_2170 = vector.load %arg4[%get3A_2167, %get3A_2168, %get3A_2169] : memref<1x2048x64xbf16, #tpu.memory_space<vmem>>, vector<1x64x64xbf16>
    %get3A_2171 = vector.shape_cast %get3A_2170 : vector<1x64x64xbf16> to vector<64x64xbf16>
    %get3A_2172 = arith.constant 22 : index
    %get3A_2173 = arith.constant 5 : index
    %get3A_2174 = memref.load %arg1[%get3A_2172, %get3A_2173] : memref<30x8xi32, #tpu.memory_space<smem>>
    %mul3A_2175 = arith.constant 64 : i32
    %mul3A_2176 = arith.muli %get3A_2174, %mul3A_2175 : i32
    %get3A_2177 = arith.constant 0 : index
    %get3A_2178 = arith.index_cast %mul3A_2176 : i32 to index
    %get3A_2179 = arith.constant 0 : index
    %get3A_2180 = vector.load %arg4[%get3A_2177, %get3A_2178, %get3A_2179] : memref<1x2048x64xbf16, #tpu.memory_space<vmem>>, vector<1x64x64xbf16>
    %get3A_2181 = vector.shape_cast %get3A_2180 : vector<1x64x64xbf16> to vector<64x64xbf16>
    %get3A_2182 = arith.constant 22 : index
    %get3A_2183 = arith.constant 6 : index
    %get3A_2184 = memref.load %arg1[%get3A_2182, %get3A_2183] : memref<30x8xi32, #tpu.memory_space<smem>>
    %mul3A_2185 = arith.constant 64 : i32
    %mul3A_2186 = arith.muli %get3A_2184, %mul3A_2185 : i32
    %get3A_2187 = arith.constant 0 : index
    %get3A_2188 = arith.index_cast %mul3A_2186 : i32 to index
    %get3A_2189 = arith.constant 0 : index
    %get3A_2190 = vector.load %arg4[%get3A_2187, %get3A_2188, %get3A_2189] : memref<1x2048x64xbf16, #tpu.memory_space<vmem>>, vector<1x64x64xbf16>
    %get3A_2191 = vector.shape_cast %get3A_2190 : vector<1x64x64xbf16> to vector<64x64xbf16>
    %get3A_2192 = arith.constant 22 : index
    %get3A_2193 = arith.constant 7 : index
    %get3A_2194 = memref.load %arg1[%get3A_2192, %get3A_2193] : memref<30x8xi32, #tpu.memory_space<smem>>
    %mul3A_2195 = arith.constant 64 : i32
    %mul3A_2196 = arith.muli %get3A_2194, %mul3A_2195 : i32
    %get3A_2197 = arith.constant 0 : index
    %get3A_2198 = arith.index_cast %mul3A_2196 : i32 to index
    %get3A_2199 = arith.constant 0 : index
    %get3A_2200 = vector.load %arg4[%get3A_2197, %get3A_2198, %get3A_2199] : memref<1x2048x64xbf16, #tpu.memory_space<vmem>>, vector<1x64x64xbf16>
    %get3A_2201 = vector.shape_cast %get3A_2200 : vector<1x64x64xbf16> to vector<64x64xbf16>
    %concatenate3A_2202 = tpu.concatenate %get3A_2131, %get3A_2141, %get3A_2151, %get3A_2161, %get3A_2171, %get3A_2181, %get3A_2191, %get3A_2201 in 0 : vector<64x64xbf16>, vector<64x64xbf16>, vector<64x64xbf16>, vector<64x64xbf16>, vector<64x64xbf16>, vector<64x64xbf16>, vector<64x64xbf16>, vector<64x64xbf16> -> vector<512x64xbf16>
    %dot_general3A_2203 = arith.constant dense<0.000000e+00> : vector<64x512xf32>
    %dot_general3A_2204 = tpu.matmul %slice3A_2121, %concatenate3A_2202, %dot_general3A_2203 {dimension_numbers = #tpu.dot_dimension_numbers<[1], [1], [0], [0], [0, 0, 1, 0], [], []>, transpose_lhs_hint = false} : vector<64x64xbf16>, vector<512x64xbf16>, vector<64x512xf32> -> vector<64x512xf32>
    %get3A_2205 = arith.constant 22 : index
    %get3A_2206 = arith.constant 0 : index
    %get3A_2207 = arith.constant 0 : index
    %get3A_2208 = vector.load %arg2[%get3A_2205, %get3A_2206, %get3A_2207] : memref<30x1x512xf32, #tpu.memory_space<vmem>>, vector<1x1x512xf32>
    %get3A_2209 = vector.shape_cast %get3A_2208 : vector<1x1x512xf32> to vector<512xf32>
    %broadcast_in_dim3A_2210 = vector.shape_cast %get3A_2209 : vector<512xf32> to vector<1x512xf32>
    %add3A_2211 = vector.broadcast %broadcast_in_dim3A_2210 : vector<1x512xf32> to vector<64x512xf32>
    %add3A_2212 = arith.addf %dot_general3A_2204, %add3A_2211 : vector<64x512xf32>
    %swap3A_2213 = arith.constant 1408 : index
    %swap3A_2214 = arith.constant 0 : index
    %swap3A_2215 = vector.load %arg7[%swap3A_2213, %swap3A_2214] : memref<1920x512xf32, #tpu.memory_space<vmem>>, vector<64x512xf32>
    tpu.vector_store %arg7[%swap3A_2213, %swap3A_2214], %add3A_2212 {strides = array<i32>} : memref<1920x512xf32, #tpu.memory_space<vmem>>, vector<64x512xf32>,
    %slice3A_2216 = vector.extract_strided_slice %get3A_3 {offsets = [1536, 0], sizes = [64, 64], strides = [1, 1]} : vector<2048x64xbf16> to vector<64x64xbf16>
    %get3A_2217 = arith.constant 23 : index
    %get3A_2218 = arith.constant 0 : index
    %get3A_2219 = memref.load %arg1[%get3A_2217, %get3A_2218] : memref<30x8xi32, #tpu.memory_space<smem>>
    %mul3A_2220 = arith.constant 64 : i32
    %mul3A_2221 = arith.muli %get3A_2219, %mul3A_2220 : i32
    %get3A_2222 = arith.constant 0 : index
    %get3A_2223 = arith.index_cast %mul3A_2221 : i32 to index
    %get3A_2224 = arith.constant 0 : index
    %get3A_2225 = vector.load %arg4[%get3A_2222, %get3A_2223, %get3A_2224] : memref<1x2048x64xbf16, #tpu.memory_space<vmem>>, vector<1x64x64xbf16>
    %get3A_2226 = vector.shape_cast %get3A_2225 : vector<1x64x64xbf16> to vector<64x64xbf16>
    %get3A_2227 = arith.constant 23 : index
    %get3A_2228 = arith.constant 1 : index
    %get3A_2229 = memref.load %arg1[%get3A_2227, %get3A_2228] : memref<30x8xi32, #tpu.memory_space<smem>>
    %mul3A_2230 = arith.constant 64 : i32
    %mul3A_2231 = arith.muli %get3A_2229, %mul3A_2230 : i32
    %get3A_2232 = arith.constant 0 : index
    %get3A_2233 = arith.index_cast %mul3A_2231 : i32 to index
    %get3A_2234 = arith.constant 0 : index
    %get3A_2235 = vector.load %arg4[%get3A_2232, %get3A_2233, %get3A_2234] : memref<1x2048x64xbf16, #tpu.memory_space<vmem>>, vector<1x64x64xbf16>
    %get3A_2236 = vector.shape_cast %get3A_2235 : vector<1x64x64xbf16> to vector<64x64xbf16>
    %get3A_2237 = arith.constant 23 : index
    %get3A_2238 = arith.constant 2 : index
    %get3A_2239 = memref.load %arg1[%get3A_2237, %get3A_2238] : memref<30x8xi32, #tpu.memory_space<smem>>
    %mul3A_2240 = arith.constant 64 : i32
    %mul3A_2241 = arith.muli %get3A_2239, %mul3A_2240 : i32
    %get3A_2242 = arith.constant 0 : index
    %get3A_2243 = arith.index_cast %mul3A_2241 : i32 to index
    %get3A_2244 = arith.constant 0 : index
    %get3A_2245 = vector.load %arg4[%get3A_2242, %get3A_2243, %get3A_2244] : memref<1x2048x64xbf16, #tpu.memory_space<vmem>>, vector<1x64x64xbf16>
    %get3A_2246 = vector.shape_cast %get3A_2245 : vector<1x64x64xbf16> to vector<64x64xbf16>
    %get3A_2247 = arith.constant 23 : index
    %get3A_2248 = arith.constant 3 : index
    %get3A_2249 = memref.load %arg1[%get3A_2247, %get3A_2248] : memref<30x8xi32, #tpu.memory_space<smem>>
    %mul3A_2250 = arith.constant 64 : i32
    %mul3A_2251 = arith.muli %get3A_2249, %mul3A_2250 : i32
    %get3A_2252 = arith.constant 0 : index
    %get3A_2253 = arith.index_cast %mul3A_2251 : i32 to index
    %get3A_2254 = arith.constant 0 : index
    %get3A_2255 = vector.load %arg4[%get3A_2252, %get3A_2253, %get3A_2254] : memref<1x2048x64xbf16, #tpu.memory_space<vmem>>, vector<1x64x64xbf16>
    %get3A_2256 = vector.shape_cast %get3A_2255 : vector<1x64x64xbf16> to vector<64x64xbf16>
    %get3A_2257 = arith.constant 23 : index
    %get3A_2258 = arith.constant 4 : index
    %get3A_2259 = memref.load %arg1[%get3A_2257, %get3A_2258] : memref<30x8xi32, #tpu.memory_space<smem>>
    %mul3A_2260 = arith.constant 64 : i32
    %mul3A_2261 = arith.muli %get3A_2259, %mul3A_2260 : i32
    %get3A_2262 = arith.constant 0 : index
    %get3A_2263 = arith.index_cast %mul3A_2261 : i32 to index
    %get3A_2264 = arith.constant 0 : index
    %get3A_2265 = vector.load %arg4[%get3A_2262, %get3A_2263, %get3A_2264] : memref<1x2048x64xbf16, #tpu.memory_space<vmem>>, vector<1x64x64xbf16>
    %get3A_2266 = vector.shape_cast %get3A_2265 : vector<1x64x64xbf16> to vector<64x64xbf16>
    %get3A_2267 = arith.constant 23 : index
    %get3A_2268 = arith.constant 5 : index
    %get3A_2269 = memref.load %arg1[%get3A_2267, %get3A_2268] : memref<30x8xi32, #tpu.memory_space<smem>>
    %mul3A_2270 = arith.constant 64 : i32
    %mul3A_2271 = arith.muli %get3A_2269, %mul3A_2270 : i32
    %get3A_2272 = arith.constant 0 : index
    %get3A_2273 = arith.index_cast %mul3A_2271 : i32 to index
    %get3A_2274 = arith.constant 0 : index
    %get3A_2275 = vector.load %arg4[%get3A_2272, %get3A_2273, %get3A_2274] : memref<1x2048x64xbf16, #tpu.memory_space<vmem>>, vector<1x64x64xbf16>
    %get3A_2276 = vector.shape_cast %get3A_2275 : vector<1x64x64xbf16> to vector<64x64xbf16>
    %get3A_2277 = arith.constant 23 : index
    %get3A_2278 = arith.constant 6 : index
    %get3A_2279 = memref.load %arg1[%get3A_2277, %get3A_2278] : memref<30x8xi32, #tpu.memory_space<smem>>
    %mul3A_2280 = arith.constant 64 : i32
    %mul3A_2281 = arith.muli %get3A_2279, %mul3A_2280 : i32
    %get3A_2282 = arith.constant 0 : index
    %get3A_2283 = arith.index_cast %mul3A_2281 : i32 to index
    %get3A_2284 = arith.constant 0 : index
    %get3A_2285 = vector.load %arg4[%get3A_2282, %get3A_2283, %get3A_2284] : memref<1x2048x64xbf16, #tpu.memory_space<vmem>>, vector<1x64x64xbf16>
    %get3A_2286 = vector.shape_cast %get3A_2285 : vector<1x64x64xbf16> to vector<64x64xbf16>
    %get3A_2287 = arith.constant 23 : index
    %get3A_2288 = arith.constant 7 : index
    %get3A_2289 = memref.load %arg1[%get3A_2287, %get3A_2288] : memref<30x8xi32, #tpu.memory_space<smem>>
    %mul3A_2290 = arith.constant 64 : i32
    %mul3A_2291 = arith.muli %get3A_2289, %mul3A_2290 : i32
    %get3A_2292 = arith.constant 0 : index
    %get3A_2293 = arith.index_cast %mul3A_2291 : i32 to index
    %get3A_2294 = arith.constant 0 : index
    %get3A_2295 = vector.load %arg4[%get3A_2292, %get3A_2293, %get3A_2294] : memref<1x2048x64xbf16, #tpu.memory_space<vmem>>, vector<1x64x64xbf16>
    %get3A_2296 = vector.shape_cast %get3A_2295 : vector<1x64x64xbf16> to vector<64x64xbf16>
    %concatenate3A_2297 = tpu.concatenate %get3A_2226, %get3A_2236, %get3A_2246, %get3A_2256, %get3A_2266, %get3A_2276, %get3A_2286, %get3A_2296 in 0 : vector<64x64xbf16>, vector<64x64xbf16>, vector<64x64xbf16>, vector<64x64xbf16>, vector<64x64xbf16>, vector<64x64xbf16>, vector<64x64xbf16>, vector<64x64xbf16> -> vector<512x64xbf16>
    %dot_general3A_2298 = arith.constant dense<0.000000e+00> : vector<64x512xf32>
    %dot_general3A_2299 = tpu.matmul %slice3A_2216, %concatenate3A_2297, %dot_general3A_2298 {dimension_numbers = #tpu.dot_dimension_numbers<[1], [1], [0], [0], [0, 0, 1, 0], [], []>, transpose_lhs_hint = false} : vector<64x64xbf16>, vector<512x64xbf16>, vector<64x512xf32> -> vector<64x512xf32>
    %get3A_2300 = arith.constant 23 : index
    %get3A_2301 = arith.constant 0 : index
    %get3A_2302 = arith.constant 0 : index
    %get3A_2303 = vector.load %arg2[%get3A_2300, %get3A_2301, %get3A_2302] : memref<30x1x512xf32, #tpu.memory_space<vmem>>, vector<1x1x512xf32>
    %get3A_2304 = vector.shape_cast %get3A_2303 : vector<1x1x512xf32> to vector<512xf32>
    %broadcast_in_dim3A_2305 = vector.shape_cast %get3A_2304 : vector<512xf32> to vector<1x512xf32>
    %add3A_2306 = vector.broadcast %broadcast_in_dim3A_2305 : vector<1x512xf32> to vector<64x512xf32>
    %add3A_2307 = arith.addf %dot_general3A_2299, %add3A_2306 : vector<64x512xf32>
    %swap3A_2308 = arith.constant 1472 : index
    %swap3A_2309 = arith.constant 0 : index
    %swap3A_2310 = vector.load %arg7[%swap3A_2308, %swap3A_2309] : memref<1920x512xf32, #tpu.memory_space<vmem>>, vector<64x512xf32>
    tpu.vector_store %arg7[%swap3A_2308, %swap3A_2309], %add3A_2307 {strides = array<i32>} : memref<1920x512xf32, #tpu.memory_space<vmem>>, vector<64x512xf32>,
    %slice3A_2311 = vector.extract_strided_slice %get3A_3 {offsets = [1600, 0], sizes = [64, 64], strides = [1, 1]} : vector<2048x64xbf16> to vector<64x64xbf16>
    %get3A_2312 = arith.constant 24 : index
    %get3A_2313 = arith.constant 0 : index
    %get3A_2314 = memref.load %arg1[%get3A_2312, %get3A_2313] : memref<30x8xi32, #tpu.memory_space<smem>>
    %mul3A_2315 = arith.constant 64 : i32
    %mul3A_2316 = arith.muli %get3A_2314, %mul3A_2315 : i32
    %get3A_2317 = arith.constant 0 : index
    %get3A_2318 = arith.index_cast %mul3A_2316 : i32 to index
    %get3A_2319 = arith.constant 0 : index
    %get3A_2320 = vector.load %arg4[%get3A_2317, %get3A_2318, %get3A_2319] : memref<1x2048x64xbf16, #tpu.memory_space<vmem>>, vector<1x64x64xbf16>
    %get3A_2321 = vector.shape_cast %get3A_2320 : vector<1x64x64xbf16> to vector<64x64xbf16>
    %get3A_2322 = arith.constant 24 : index
    %get3A_2323 = arith.constant 1 : index
    %get3A_2324 = memref.load %arg1[%get3A_2322, %get3A_2323] : memref<30x8xi32, #tpu.memory_space<smem>>
    %mul3A_2325 = arith.constant 64 : i32
    %mul3A_2326 = arith.muli %get3A_2324, %mul3A_2325 : i32
    %get3A_2327 = arith.constant 0 : index
    %get3A_2328 = arith.index_cast %mul3A_2326 : i32 to index
    %get3A_2329 = arith.constant 0 : index
    %get3A_2330 = vector.load %arg4[%get3A_2327, %get3A_2328, %get3A_2329] : memref<1x2048x64xbf16, #tpu.memory_space<vmem>>, vector<1x64x64xbf16>
    %get3A_2331 = vector.shape_cast %get3A_2330 : vector<1x64x64xbf16> to vector<64x64xbf16>
    %get3A_2332 = arith.constant 24 : index
    %get3A_2333 = arith.constant 2 : index
    %get3A_2334 = memref.load %arg1[%get3A_2332, %get3A_2333] : memref<30x8xi32, #tpu.memory_space<smem>>
    %mul3A_2335 = arith.constant 64 : i32
    %mul3A_2336 = arith.muli %get3A_2334, %mul3A_2335 : i32
    %get3A_2337 = arith.constant 0 : index
    %get3A_2338 = arith.index_cast %mul3A_2336 : i32 to index
    %get3A_2339 = arith.constant 0 : index
    %get3A_2340 = vector.load %arg4[%get3A_2337, %get3A_2338, %get3A_2339] : memref<1x2048x64xbf16, #tpu.memory_space<vmem>>, vector<1x64x64xbf16>
    %get3A_2341 = vector.shape_cast %get3A_2340 : vector<1x64x64xbf16> to vector<64x64xbf16>
    %get3A_2342 = arith.constant 24 : index
    %get3A_2343 = arith.constant 3 : index
    %get3A_2344 = memref.load %arg1[%get3A_2342, %get3A_2343] : memref<30x8xi32, #tpu.memory_space<smem>>
    %mul3A_2345 = arith.constant 64 : i32
    %mul3A_2346 = arith.muli %get3A_2344, %mul3A_2345 : i32
    %get3A_2347 = arith.constant 0 : index
    %get3A_2348 = arith.index_cast %mul3A_2346 : i32 to index
    %get3A_2349 = arith.constant 0 : index
    %get3A_2350 = vector.load %arg4[%get3A_2347, %get3A_2348, %get3A_2349] : memref<1x2048x64xbf16, #tpu.memory_space<vmem>>, vector<1x64x64xbf16>
    %get3A_2351 = vector.shape_cast %get3A_2350 : vector<1x64x64xbf16> to vector<64x64xbf16>
    %get3A_2352 = arith.constant 24 : index
    %get3A_2353 = arith.constant 4 : index
    %get3A_2354 = memref.load %arg1[%get3A_2352, %get3A_2353] : memref<30x8xi32, #tpu.memory_space<smem>>
    %mul3A_2355 = arith.constant 64 : i32
    %mul3A_2356 = arith.muli %get3A_2354, %mul3A_2355 : i32
    %get3A_2357 = arith.constant 0 : index
    %get3A_2358 = arith.index_cast %mul3A_2356 : i32 to index
    %get3A_2359 = arith.constant 0 : index
    %get3A_2360 = vector.load %arg4[%get3A_2357, %get3A_2358, %get3A_2359] : memref<1x2048x64xbf16, #tpu.memory_space<vmem>>, vector<1x64x64xbf16>
    %get3A_2361 = vector.shape_cast %get3A_2360 : vector<1x64x64xbf16> to vector<64x64xbf16>
    %get3A_2362 = arith.constant 24 : index
    %get3A_2363 = arith.constant 5 : index
    %get3A_2364 = memref.load %arg1[%get3A_2362, %get3A_2363] : memref<30x8xi32, #tpu.memory_space<smem>>
    %mul3A_2365 = arith.constant 64 : i32
    %mul3A_2366 = arith.muli %get3A_2364, %mul3A_2365 : i32
    %get3A_2367 = arith.constant 0 : index
    %get3A_2368 = arith.index_cast %mul3A_2366 : i32 to index
    %get3A_2369 = arith.constant 0 : index
    %get3A_2370 = vector.load %arg4[%get3A_2367, %get3A_2368, %get3A_2369] : memref<1x2048x64xbf16, #tpu.memory_space<vmem>>, vector<1x64x64xbf16>
    %get3A_2371 = vector.shape_cast %get3A_2370 : vector<1x64x64xbf16> to vector<64x64xbf16>
    %get3A_2372 = arith.constant 24 : index
    %get3A_2373 = arith.constant 6 : index
    %get3A_2374 = memref.load %arg1[%get3A_2372, %get3A_2373] : memref<30x8xi32, #tpu.memory_space<smem>>
    %mul3A_2375 = arith.constant 64 : i32
    %mul3A_2376 = arith.muli %get3A_2374, %mul3A_2375 : i32
    %get3A_2377 = arith.constant 0 : index
    %get3A_2378 = arith.index_cast %mul3A_2376 : i32 to index
    %get3A_2379 = arith.constant 0 : index
    %get3A_2380 = vector.load %arg4[%get3A_2377, %get3A_2378, %get3A_2379] : memref<1x2048x64xbf16, #tpu.memory_space<vmem>>, vector<1x64x64xbf16>
    %get3A_2381 = vector.shape_cast %get3A_2380 : vector<1x64x64xbf16> to vector<64x64xbf16>
    %get3A_2382 = arith.constant 24 : index
    %get3A_2383 = arith.constant 7 : index
    %get3A_2384 = memref.load %arg1[%get3A_2382, %get3A_2383] : memref<30x8xi32, #tpu.memory_space<smem>>
    %mul3A_2385 = arith.constant 64 : i32
    %mul3A_2386 = arith.muli %get3A_2384, %mul3A_2385 : i32
    %get3A_2387 = arith.constant 0 : index
    %get3A_2388 = arith.index_cast %mul3A_2386 : i32 to index
    %get3A_2389 = arith.constant 0 : index
    %get3A_2390 = vector.load %arg4[%get3A_2387, %get3A_2388, %get3A_2389] : memref<1x2048x64xbf16, #tpu.memory_space<vmem>>, vector<1x64x64xbf16>
    %get3A_2391 = vector.shape_cast %get3A_2390 : vector<1x64x64xbf16> to vector<64x64xbf16>
    %concatenate3A_2392 = tpu.concatenate %get3A_2321, %get3A_2331, %get3A_2341, %get3A_2351, %get3A_2361, %get3A_2371, %get3A_2381, %get3A_2391 in 0 : vector<64x64xbf16>, vector<64x64xbf16>, vector<64x64xbf16>, vector<64x64xbf16>, vector<64x64xbf16>, vector<64x64xbf16>, vector<64x64xbf16>, vector<64x64xbf16> -> vector<512x64xbf16>
    %dot_general3A_2393 = arith.constant dense<0.000000e+00> : vector<64x512xf32>
    %dot_general3A_2394 = tpu.matmul %slice3A_2311, %concatenate3A_2392, %dot_general3A_2393 {dimension_numbers = #tpu.dot_dimension_numbers<[1], [1], [0], [0], [0, 0, 1, 0], [], []>, transpose_lhs_hint = false} : vector<64x64xbf16>, vector<512x64xbf16>, vector<64x512xf32> -> vector<64x512xf32>
    %get3A_2395 = arith.constant 24 : index
    %get3A_2396 = arith.constant 0 : index
    %get3A_2397 = arith.constant 0 : index
    %get3A_2398 = vector.load %arg2[%get3A_2395, %get3A_2396, %get3A_2397] : memref<30x1x512xf32, #tpu.memory_space<vmem>>, vector<1x1x512xf32>
    %get3A_2399 = vector.shape_cast %get3A_2398 : vector<1x1x512xf32> to vector<512xf32>
    %broadcast_in_dim3A_2400 = vector.shape_cast %get3A_2399 : vector<512xf32> to vector<1x512xf32>
    %add3A_2401 = vector.broadcast %broadcast_in_dim3A_2400 : vector<1x512xf32> to vector<64x512xf32>
    %add3A_2402 = arith.addf %dot_general3A_2394, %add3A_2401 : vector<64x512xf32>
    %swap3A_2403 = arith.constant 1536 : index
    %swap3A_2404 = arith.constant 0 : index
    %swap3A_2405 = vector.load %arg7[%swap3A_2403, %swap3A_2404] : memref<1920x512xf32, #tpu.memory_space<vmem>>, vector<64x512xf32>
    tpu.vector_store %arg7[%swap3A_2403, %swap3A_2404], %add3A_2402 {strides = array<i32>} : memref<1920x512xf32, #tpu.memory_space<vmem>>, vector<64x512xf32>,
    %slice3A_2406 = vector.extract_strided_slice %get3A_3 {offsets = [1664, 0], sizes = [64, 64], strides = [1, 1]} : vector<2048x64xbf16> to vector<64x64xbf16>
    %get3A_2407 = arith.constant 25 : index
    %get3A_2408 = arith.constant 0 : index
    %get3A_2409 = memref.load %arg1[%get3A_2407, %get3A_2408] : memref<30x8xi32, #tpu.memory_space<smem>>
    %mul3A_2410 = arith.constant 64 : i32
    %mul3A_2411 = arith.muli %get3A_2409, %mul3A_2410 : i32
    %get3A_2412 = arith.constant 0 : index
    %get3A_2413 = arith.index_cast %mul3A_2411 : i32 to index
    %get3A_2414 = arith.constant 0 : index
    %get3A_2415 = vector.load %arg4[%get3A_2412, %get3A_2413, %get3A_2414] : memref<1x2048x64xbf16, #tpu.memory_space<vmem>>, vector<1x64x64xbf16>
    %get3A_2416 = vector.shape_cast %get3A_2415 : vector<1x64x64xbf16> to vector<64x64xbf16>
    %get3A_2417 = arith.constant 25 : index
    %get3A_2418 = arith.constant 1 : index
    %get3A_2419 = memref.load %arg1[%get3A_2417, %get3A_2418] : memref<30x8xi32, #tpu.memory_space<smem>>
    %mul3A_2420 = arith.constant 64 : i32
    %mul3A_2421 = arith.muli %get3A_2419, %mul3A_2420 : i32
    %get3A_2422 = arith.constant 0 : index
    %get3A_2423 = arith.index_cast %mul3A_2421 : i32 to index
    %get3A_2424 = arith.constant 0 : index
    %get3A_2425 = vector.load %arg4[%get3A_2422, %get3A_2423, %get3A_2424] : memref<1x2048x64xbf16, #tpu.memory_space<vmem>>, vector<1x64x64xbf16>
    %get3A_2426 = vector.shape_cast %get3A_2425 : vector<1x64x64xbf16> to vector<64x64xbf16>
    %get3A_2427 = arith.constant 25 : index
    %get3A_2428 = arith.constant 2 : index
    %get3A_2429 = memref.load %arg1[%get3A_2427, %get3A_2428] : memref<30x8xi32, #tpu.memory_space<smem>>
    %mul3A_2430 = arith.constant 64 : i32
    %mul3A_2431 = arith.muli %get3A_2429, %mul3A_2430 : i32
    %get3A_2432 = arith.constant 0 : index
    %get3A_2433 = arith.index_cast %mul3A_2431 : i32 to index
    %get3A_2434 = arith.constant 0 : index
    %get3A_2435 = vector.load %arg4[%get3A_2432, %get3A_2433, %get3A_2434] : memref<1x2048x64xbf16, #tpu.memory_space<vmem>>, vector<1x64x64xbf16>
    %get3A_2436 = vector.shape_cast %get3A_2435 : vector<1x64x64xbf16> to vector<64x64xbf16>
    %get3A_2437 = arith.constant 25 : index
    %get3A_2438 = arith.constant 3 : index
    %get3A_2439 = memref.load %arg1[%get3A_2437, %get3A_2438] : memref<30x8xi32, #tpu.memory_space<smem>>
    %mul3A_2440 = arith.constant 64 : i32
    %mul3A_2441 = arith.muli %get3A_2439, %mul3A_2440 : i32
    %get3A_2442 = arith.constant 0 : index
    %get3A_2443 = arith.index_cast %mul3A_2441 : i32 to index
    %get3A_2444 = arith.constant 0 : index
    %get3A_2445 = vector.load %arg4[%get3A_2442, %get3A_2443, %get3A_2444] : memref<1x2048x64xbf16, #tpu.memory_space<vmem>>, vector<1x64x64xbf16>
    %get3A_2446 = vector.shape_cast %get3A_2445 : vector<1x64x64xbf16> to vector<64x64xbf16>
    %get3A_2447 = arith.constant 25 : index
    %get3A_2448 = arith.constant 4 : index
    %get3A_2449 = memref.load %arg1[%get3A_2447, %get3A_2448] : memref<30x8xi32, #tpu.memory_space<smem>>
    %mul3A_2450 = arith.constant 64 : i32
    %mul3A_2451 = arith.muli %get3A_2449, %mul3A_2450 : i32
    %get3A_2452 = arith.constant 0 : index
    %get3A_2453 = arith.index_cast %mul3A_2451 : i32 to index
    %get3A_2454 = arith.constant 0 : index
    %get3A_2455 = vector.load %arg4[%get3A_2452, %get3A_2453, %get3A_2454] : memref<1x2048x64xbf16, #tpu.memory_space<vmem>>, vector<1x64x64xbf16>
    %get3A_2456 = vector.shape_cast %get3A_2455 : vector<1x64x64xbf16> to vector<64x64xbf16>
    %get3A_2457 = arith.constant 25 : index
    %get3A_2458 = arith.constant 5 : index
    %get3A_2459 = memref.load %arg1[%get3A_2457, %get3A_2458] : memref<30x8xi32, #tpu.memory_space<smem>>
    %mul3A_2460 = arith.constant 64 : i32
    %mul3A_2461 = arith.muli %get3A_2459, %mul3A_2460 : i32
    %get3A_2462 = arith.constant 0 : index
    %get3A_2463 = arith.index_cast %mul3A_2461 : i32 to index
    %get3A_2464 = arith.constant 0 : index
    %get3A_2465 = vector.load %arg4[%get3A_2462, %get3A_2463, %get3A_2464] : memref<1x2048x64xbf16, #tpu.memory_space<vmem>>, vector<1x64x64xbf16>
    %get3A_2466 = vector.shape_cast %get3A_2465 : vector<1x64x64xbf16> to vector<64x64xbf16>
    %get3A_2467 = arith.constant 25 : index
    %get3A_2468 = arith.constant 6 : index
    %get3A_2469 = memref.load %arg1[%get3A_2467, %get3A_2468] : memref<30x8xi32, #tpu.memory_space<smem>>
    %mul3A_2470 = arith.constant 64 : i32
    %mul3A_2471 = arith.muli %get3A_2469, %mul3A_2470 : i32
    %get3A_2472 = arith.constant 0 : index
    %get3A_2473 = arith.index_cast %mul3A_2471 : i32 to index
    %get3A_2474 = arith.constant 0 : index
    %get3A_2475 = vector.load %arg4[%get3A_2472, %get3A_2473, %get3A_2474] : memref<1x2048x64xbf16, #tpu.memory_space<vmem>>, vector<1x64x64xbf16>
    %get3A_2476 = vector.shape_cast %get3A_2475 : vector<1x64x64xbf16> to vector<64x64xbf16>
    %get3A_2477 = arith.constant 25 : index
    %get3A_2478 = arith.constant 7 : index
    %get3A_2479 = memref.load %arg1[%get3A_2477, %get3A_2478] : memref<30x8xi32, #tpu.memory_space<smem>>
    %mul3A_2480 = arith.constant 64 : i32
    %mul3A_2481 = arith.muli %get3A_2479, %mul3A_2480 : i32
    %get3A_2482 = arith.constant 0 : index
    %get3A_2483 = arith.index_cast %mul3A_2481 : i32 to index
    %get3A_2484 = arith.constant 0 : index
    %get3A_2485 = vector.load %arg4[%get3A_2482, %get3A_2483, %get3A_2484] : memref<1x2048x64xbf16, #tpu.memory_space<vmem>>, vector<1x64x64xbf16>
    %get3A_2486 = vector.shape_cast %get3A_2485 : vector<1x64x64xbf16> to vector<64x64xbf16>
    %concatenate3A_2487 = tpu.concatenate %get3A_2416, %get3A_2426, %get3A_2436, %get3A_2446, %get3A_2456, %get3A_2466, %get3A_2476, %get3A_2486 in 0 : vector<64x64xbf16>, vector<64x64xbf16>, vector<64x64xbf16>, vector<64x64xbf16>, vector<64x64xbf16>, vector<64x64xbf16>, vector<64x64xbf16>, vector<64x64xbf16> -> vector<512x64xbf16>
    %dot_general3A_2488 = arith.constant dense<0.000000e+00> : vector<64x512xf32>
    %dot_general3A_2489 = tpu.matmul %slice3A_2406, %concatenate3A_2487, %dot_general3A_2488 {dimension_numbers = #tpu.dot_dimension_numbers<[1], [1], [0], [0], [0, 0, 1, 0], [], []>, transpose_lhs_hint = false} : vector<64x64xbf16>, vector<512x64xbf16>, vector<64x512xf32> -> vector<64x512xf32>
    %get3A_2490 = arith.constant 25 : index
    %get3A_2491 = arith.constant 0 : index
    %get3A_2492 = arith.constant 0 : index
    %get3A_2493 = vector.load %arg2[%get3A_2490, %get3A_2491, %get3A_2492] : memref<30x1x512xf32, #tpu.memory_space<vmem>>, vector<1x1x512xf32>
    %get3A_2494 = vector.shape_cast %get3A_2493 : vector<1x1x512xf32> to vector<512xf32>
    %broadcast_in_dim3A_2495 = vector.shape_cast %get3A_2494 : vector<512xf32> to vector<1x512xf32>
    %add3A_2496 = vector.broadcast %broadcast_in_dim3A_2495 : vector<1x512xf32> to vector<64x512xf32>
    %add3A_2497 = arith.addf %dot_general3A_2489, %add3A_2496 : vector<64x512xf32>
    %swap3A_2498 = arith.constant 1600 : index
    %swap3A_2499 = arith.constant 0 : index
    %swap3A_2500 = vector.load %arg7[%swap3A_2498, %swap3A_2499] : memref<1920x512xf32, #tpu.memory_space<vmem>>, vector<64x512xf32>
    tpu.vector_store %arg7[%swap3A_2498, %swap3A_2499], %add3A_2497 {strides = array<i32>} : memref<1920x512xf32, #tpu.memory_space<vmem>>, vector<64x512xf32>,
    %slice3A_2501 = vector.extract_strided_slice %get3A_3 {offsets = [1728, 0], sizes = [64, 64], strides = [1, 1]} : vector<2048x64xbf16> to vector<64x64xbf16>
    %get3A_2502 = arith.constant 26 : index
    %get3A_2503 = arith.constant 0 : index
    %get3A_2504 = memref.load %arg1[%get3A_2502, %get3A_2503] : memref<30x8xi32, #tpu.memory_space<smem>>
    %mul3A_2505 = arith.constant 64 : i32
    %mul3A_2506 = arith.muli %get3A_2504, %mul3A_2505 : i32
    %get3A_2507 = arith.constant 0 : index
    %get3A_2508 = arith.index_cast %mul3A_2506 : i32 to index
    %get3A_2509 = arith.constant 0 : index
    %get3A_2510 = vector.load %arg4[%get3A_2507, %get3A_2508, %get3A_2509] : memref<1x2048x64xbf16, #tpu.memory_space<vmem>>, vector<1x64x64xbf16>
    %get3A_2511 = vector.shape_cast %get3A_2510 : vector<1x64x64xbf16> to vector<64x64xbf16>
    %get3A_2512 = arith.constant 26 : index
    %get3A_2513 = arith.constant 1 : index
    %get3A_2514 = memref.load %arg1[%get3A_2512, %get3A_2513] : memref<30x8xi32, #tpu.memory_space<smem>>
    %mul3A_2515 = arith.constant 64 : i32
    %mul3A_2516 = arith.muli %get3A_2514, %mul3A_2515 : i32
    %get3A_2517 = arith.constant 0 : index
    %get3A_2518 = arith.index_cast %mul3A_2516 : i32 to index
    %get3A_2519 = arith.constant 0 : index
    %get3A_2520 = vector.load %arg4[%get3A_2517, %get3A_2518, %get3A_2519] : memref<1x2048x64xbf16, #tpu.memory_space<vmem>>, vector<1x64x64xbf16>
    %get3A_2521 = vector.shape_cast %get3A_2520 : vector<1x64x64xbf16> to vector<64x64xbf16>
    %get3A_2522 = arith.constant 26 : index
    %get3A_2523 = arith.constant 2 : index
    %get3A_2524 = memref.load %arg1[%get3A_2522, %get3A_2523] : memref<30x8xi32, #tpu.memory_space<smem>>
    %mul3A_2525 = arith.constant 64 : i32
    %mul3A_2526 = arith.muli %get3A_2524, %mul3A_2525 : i32
    %get3A_2527 = arith.constant 0 : index
    %get3A_2528 = arith.index_cast %mul3A_2526 : i32 to index
    %get3A_2529 = arith.constant 0 : index
    %get3A_2530 = vector.load %arg4[%get3A_2527, %get3A_2528, %get3A_2529] : memref<1x2048x64xbf16, #tpu.memory_space<vmem>>, vector<1x64x64xbf16>
    %get3A_2531 = vector.shape_cast %get3A_2530 : vector<1x64x64xbf16> to vector<64x64xbf16>
    %get3A_2532 = arith.constant 26 : index
    %get3A_2533 = arith.constant 3 : index
    %get3A_2534 = memref.load %arg1[%get3A_2532, %get3A_2533] : memref<30x8xi32, #tpu.memory_space<smem>>
    %mul3A_2535 = arith.constant 64 : i32
    %mul3A_2536 = arith.muli %get3A_2534, %mul3A_2535 : i32
    %get3A_2537 = arith.constant 0 : index
    %get3A_2538 = arith.index_cast %mul3A_2536 : i32 to index
    %get3A_2539 = arith.constant 0 : index
    %get3A_2540 = vector.load %arg4[%get3A_2537, %get3A_2538, %get3A_2539] : memref<1x2048x64xbf16, #tpu.memory_space<vmem>>, vector<1x64x64xbf16>
    %get3A_2541 = vector.shape_cast %get3A_2540 : vector<1x64x64xbf16> to vector<64x64xbf16>
    %get3A_2542 = arith.constant 26 : index
    %get3A_2543 = arith.constant 4 : index
    %get3A_2544 = memref.load %arg1[%get3A_2542, %get3A_2543] : memref<30x8xi32, #tpu.memory_space<smem>>
    %mul3A_2545 = arith.constant 64 : i32
    %mul3A_2546 = arith.muli %get3A_2544, %mul3A_2545 : i32
    %get3A_2547 = arith.constant 0 : index
    %get3A_2548 = arith.index_cast %mul3A_2546 : i32 to index
    %get3A_2549 = arith.constant 0 : index
    %get3A_2550 = vector.load %arg4[%get3A_2547, %get3A_2548, %get3A_2549] : memref<1x2048x64xbf16, #tpu.memory_space<vmem>>, vector<1x64x64xbf16>
    %get3A_2551 = vector.shape_cast %get3A_2550 : vector<1x64x64xbf16> to vector<64x64xbf16>
    %get3A_2552 = arith.constant 26 : index
    %get3A_2553 = arith.constant 5 : index
    %get3A_2554 = memref.load %arg1[%get3A_2552, %get3A_2553] : memref<30x8xi32, #tpu.memory_space<smem>>
    %mul3A_2555 = arith.constant 64 : i32
    %mul3A_2556 = arith.muli %get3A_2554, %mul3A_2555 : i32
    %get3A_2557 = arith.constant 0 : index
    %get3A_2558 = arith.index_cast %mul3A_2556 : i32 to index
    %get3A_2559 = arith.constant 0 : index
    %get3A_2560 = vector.load %arg4[%get3A_2557, %get3A_2558, %get3A_2559] : memref<1x2048x64xbf16, #tpu.memory_space<vmem>>, vector<1x64x64xbf16>
    %get3A_2561 = vector.shape_cast %get3A_2560 : vector<1x64x64xbf16> to vector<64x64xbf16>
    %get3A_2562 = arith.constant 26 : index
    %get3A_2563 = arith.constant 6 : index
    %get3A_2564 = memref.load %arg1[%get3A_2562, %get3A_2563] : memref<30x8xi32, #tpu.memory_space<smem>>
    %mul3A_2565 = arith.constant 64 : i32
    %mul3A_2566 = arith.muli %get3A_2564, %mul3A_2565 : i32
    %get3A_2567 = arith.constant 0 : index
    %get3A_2568 = arith.index_cast %mul3A_2566 : i32 to index
    %get3A_2569 = arith.constant 0 : index
    %get3A_2570 = vector.load %arg4[%get3A_2567, %get3A_2568, %get3A_2569] : memref<1x2048x64xbf16, #tpu.memory_space<vmem>>, vector<1x64x64xbf16>
    %get3A_2571 = vector.shape_cast %get3A_2570 : vector<1x64x64xbf16> to vector<64x64xbf16>
    %get3A_2572 = arith.constant 26 : index
    %get3A_2573 = arith.constant 7 : index
    %get3A_2574 = memref.load %arg1[%get3A_2572, %get3A_2573] : memref<30x8xi32, #tpu.memory_space<smem>>
    %mul3A_2575 = arith.constant 64 : i32
    %mul3A_2576 = arith.muli %get3A_2574, %mul3A_2575 : i32
    %get3A_2577 = arith.constant 0 : index
    %get3A_2578 = arith.index_cast %mul3A_2576 : i32 to index
    %get3A_2579 = arith.constant 0 : index
    %get3A_2580 = vector.load %arg4[%get3A_2577, %get3A_2578, %get3A_2579] : memref<1x2048x64xbf16, #tpu.memory_space<vmem>>, vector<1x64x64xbf16>
    %get3A_2581 = vector.shape_cast %get3A_2580 : vector<1x64x64xbf16> to vector<64x64xbf16>
    %concatenate3A_2582 = tpu.concatenate %get3A_2511, %get3A_2521, %get3A_2531, %get3A_2541, %get3A_2551, %get3A_2561, %get3A_2571, %get3A_2581 in 0 : vector<64x64xbf16>, vector<64x64xbf16>, vector<64x64xbf16>, vector<64x64xbf16>, vector<64x64xbf16>, vector<64x64xbf16>, vector<64x64xbf16>, vector<64x64xbf16> -> vector<512x64xbf16>
    %dot_general3A_2583 = arith.constant dense<0.000000e+00> : vector<64x512xf32>
    %dot_general3A_2584 = tpu.matmul %slice3A_2501, %concatenate3A_2582, %dot_general3A_2583 {dimension_numbers = #tpu.dot_dimension_numbers<[1], [1], [0], [0], [0, 0, 1, 0], [], []>, transpose_lhs_hint = false} : vector<64x64xbf16>, vector<512x64xbf16>, vector<64x512xf32> -> vector<64x512xf32>
    %get3A_2585 = arith.constant 26 : index
    %get3A_2586 = arith.constant 0 : index
    %get3A_2587 = arith.constant 0 : index
    %get3A_2588 = vector.load %arg2[%get3A_2585, %get3A_2586, %get3A_2587] : memref<30x1x512xf32, #tpu.memory_space<vmem>>, vector<1x1x512xf32>
    %get3A_2589 = vector.shape_cast %get3A_2588 : vector<1x1x512xf32> to vector<512xf32>
    %broadcast_in_dim3A_2590 = vector.shape_cast %get3A_2589 : vector<512xf32> to vector<1x512xf32>
    %add3A_2591 = vector.broadcast %broadcast_in_dim3A_2590 : vector<1x512xf32> to vector<64x512xf32>
    %add3A_2592 = arith.addf %dot_general3A_2584, %add3A_2591 : vector<64x512xf32>
    %swap3A_2593 = arith.constant 1664 : index
    %swap3A_2594 = arith.constant 0 : index
    %swap3A_2595 = vector.load %arg7[%swap3A_2593, %swap3A_2594] : memref<1920x512xf32, #tpu.memory_space<vmem>>, vector<64x512xf32>
    tpu.vector_store %arg7[%swap3A_2593, %swap3A_2594], %add3A_2592 {strides = array<i32>} : memref<1920x512xf32, #tpu.memory_space<vmem>>, vector<64x512xf32>,
    %slice3A_2596 = vector.extract_strided_slice %get3A_3 {offsets = [1792, 0], sizes = [64, 64], strides = [1, 1]} : vector<2048x64xbf16> to vector<64x64xbf16>
    %get3A_2597 = arith.constant 27 : index
    %get3A_2598 = arith.constant 0 : index
    %get3A_2599 = memref.load %arg1[%get3A_2597, %get3A_2598] : memref<30x8xi32, #tpu.memory_space<smem>>
    %mul3A_2600 = arith.constant 64 : i32
    %mul3A_2601 = arith.muli %get3A_2599, %mul3A_2600 : i32
    %get3A_2602 = arith.constant 0 : index
    %get3A_2603 = arith.index_cast %mul3A_2601 : i32 to index
    %get3A_2604 = arith.constant 0 : index
    %get3A_2605 = vector.load %arg4[%get3A_2602, %get3A_2603, %get3A_2604] : memref<1x2048x64xbf16, #tpu.memory_space<vmem>>, vector<1x64x64xbf16>
    %get3A_2606 = vector.shape_cast %get3A_2605 : vector<1x64x64xbf16> to vector<64x64xbf16>
    %get3A_2607 = arith.constant 27 : index
    %get3A_2608 = arith.constant 1 : index
    %get3A_2609 = memref.load %arg1[%get3A_2607, %get3A_2608] : memref<30x8xi32, #tpu.memory_space<smem>>
    %mul3A_2610 = arith.constant 64 : i32
    %mul3A_2611 = arith.muli %get3A_2609, %mul3A_2610 : i32
    %get3A_2612 = arith.constant 0 : index
    %get3A_2613 = arith.index_cast %mul3A_2611 : i32 to index
    %get3A_2614 = arith.constant 0 : index
    %get3A_2615 = vector.load %arg4[%get3A_2612, %get3A_2613, %get3A_2614] : memref<1x2048x64xbf16, #tpu.memory_space<vmem>>, vector<1x64x64xbf16>
    %get3A_2616 = vector.shape_cast %get3A_2615 : vector<1x64x64xbf16> to vector<64x64xbf16>
    %get3A_2617 = arith.constant 27 : index
    %get3A_2618 = arith.constant 2 : index
    %get3A_2619 = memref.load %arg1[%get3A_2617, %get3A_2618] : memref<30x8xi32, #tpu.memory_space<smem>>
    %mul3A_2620 = arith.constant 64 : i32
    %mul3A_2621 = arith.muli %get3A_2619, %mul3A_2620 : i32
    %get3A_2622 = arith.constant 0 : index
    %get3A_2623 = arith.index_cast %mul3A_2621 : i32 to index
    %get3A_2624 = arith.constant 0 : index
    %get3A_2625 = vector.load %arg4[%get3A_2622, %get3A_2623, %get3A_2624] : memref<1x2048x64xbf16, #tpu.memory_space<vmem>>, vector<1x64x64xbf16>
    %get3A_2626 = vector.shape_cast %get3A_2625 : vector<1x64x64xbf16> to vector<64x64xbf16>
    %get3A_2627 = arith.constant 27 : index
    %get3A_2628 = arith.constant 3 : index
    %get3A_2629 = memref.load %arg1[%get3A_2627, %get3A_2628] : memref<30x8xi32, #tpu.memory_space<smem>>
    %mul3A_2630 = arith.constant 64 : i32
    %mul3A_2631 = arith.muli %get3A_2629, %mul3A_2630 : i32
    %get3A_2632 = arith.constant 0 : index
    %get3A_2633 = arith.index_cast %mul3A_2631 : i32 to index
    %get3A_2634 = arith.constant 0 : index
    %get3A_2635 = vector.load %arg4[%get3A_2632, %get3A_2633, %get3A_2634] : memref<1x2048x64xbf16, #tpu.memory_space<vmem>>, vector<1x64x64xbf16>
    %get3A_2636 = vector.shape_cast %get3A_2635 : vector<1x64x64xbf16> to vector<64x64xbf16>
    %get3A_2637 = arith.constant 27 : index
    %get3A_2638 = arith.constant 4 : index
    %get3A_2639 = memref.load %arg1[%get3A_2637, %get3A_2638] : memref<30x8xi32, #tpu.memory_space<smem>>
    %mul3A_2640 = arith.constant 64 : i32
    %mul3A_2641 = arith.muli %get3A_2639, %mul3A_2640 : i32
    %get3A_2642 = arith.constant 0 : index
    %get3A_2643 = arith.index_cast %mul3A_2641 : i32 to index
    %get3A_2644 = arith.constant 0 : index
    %get3A_2645 = vector.load %arg4[%get3A_2642, %get3A_2643, %get3A_2644] : memref<1x2048x64xbf16, #tpu.memory_space<vmem>>, vector<1x64x64xbf16>
    %get3A_2646 = vector.shape_cast %get3A_2645 : vector<1x64x64xbf16> to vector<64x64xbf16>
    %get3A_2647 = arith.constant 27 : index
    %get3A_2648 = arith.constant 5 : index
    %get3A_2649 = memref.load %arg1[%get3A_2647, %get3A_2648] : memref<30x8xi32, #tpu.memory_space<smem>>
    %mul3A_2650 = arith.constant 64 : i32
    %mul3A_2651 = arith.muli %get3A_2649, %mul3A_2650 : i32
    %get3A_2652 = arith.constant 0 : index
    %get3A_2653 = arith.index_cast %mul3A_2651 : i32 to index
    %get3A_2654 = arith.constant 0 : index
    %get3A_2655 = vector.load %arg4[%get3A_2652, %get3A_2653, %get3A_2654] : memref<1x2048x64xbf16, #tpu.memory_space<vmem>>, vector<1x64x64xbf16>
    %get3A_2656 = vector.shape_cast %get3A_2655 : vector<1x64x64xbf16> to vector<64x64xbf16>
    %get3A_2657 = arith.constant 27 : index
    %get3A_2658 = arith.constant 6 : index
    %get3A_2659 = memref.load %arg1[%get3A_2657, %get3A_2658] : memref<30x8xi32, #tpu.memory_space<smem>>
    %mul3A_2660 = arith.constant 64 : i32
    %mul3A_2661 = arith.muli %get3A_2659, %mul3A_2660 : i32
    %get3A_2662 = arith.constant 0 : index
    %get3A_2663 = arith.index_cast %mul3A_2661 : i32 to index
    %get3A_2664 = arith.constant 0 : index
    %get3A_2665 = vector.load %arg4[%get3A_2662, %get3A_2663, %get3A_2664] : memref<1x2048x64xbf16, #tpu.memory_space<vmem>>, vector<1x64x64xbf16>
    %get3A_2666 = vector.shape_cast %get3A_2665 : vector<1x64x64xbf16> to vector<64x64xbf16>
    %get3A_2667 = arith.constant 27 : index
    %get3A_2668 = arith.constant 7 : index
    %get3A_2669 = memref.load %arg1[%get3A_2667, %get3A_2668] : memref<30x8xi32, #tpu.memory_space<smem>>
    %mul3A_2670 = arith.constant 64 : i32
    %mul3A_2671 = arith.muli %get3A_2669, %mul3A_2670 : i32
    %get3A_2672 = arith.constant 0 : index
    %get3A_2673 = arith.index_cast %mul3A_2671 : i32 to index
    %get3A_2674 = arith.constant 0 : index
    %get3A_2675 = vector.load %arg4[%get3A_2672, %get3A_2673, %get3A_2674] : memref<1x2048x64xbf16, #tpu.memory_space<vmem>>, vector<1x64x64xbf16>
    %get3A_2676 = vector.shape_cast %get3A_2675 : vector<1x64x64xbf16> to vector<64x64xbf16>
    %concatenate3A_2677 = tpu.concatenate %get3A_2606, %get3A_2616, %get3A_2626, %get3A_2636, %get3A_2646, %get3A_2656, %get3A_2666, %get3A_2676 in 0 : vector<64x64xbf16>, vector<64x64xbf16>, vector<64x64xbf16>, vector<64x64xbf16>, vector<64x64xbf16>, vector<64x64xbf16>, vector<64x64xbf16>, vector<64x64xbf16> -> vector<512x64xbf16>
    %dot_general3A_2678 = arith.constant dense<0.000000e+00> : vector<64x512xf32>
    %dot_general3A_2679 = tpu.matmul %slice3A_2596, %concatenate3A_2677, %dot_general3A_2678 {dimension_numbers = #tpu.dot_dimension_numbers<[1], [1], [0], [0], [0, 0, 1, 0], [], []>, transpose_lhs_hint = false} : vector<64x64xbf16>, vector<512x64xbf16>, vector<64x512xf32> -> vector<64x512xf32>
    %get3A_2680 = arith.constant 27 : index
    %get3A_2681 = arith.constant 0 : index
    %get3A_2682 = arith.constant 0 : index
    %get3A_2683 = vector.load %arg2[%get3A_2680, %get3A_2681, %get3A_2682] : memref<30x1x512xf32, #tpu.memory_space<vmem>>, vector<1x1x512xf32>
    %get3A_2684 = vector.shape_cast %get3A_2683 : vector<1x1x512xf32> to vector<512xf32>
    %broadcast_in_dim3A_2685 = vector.shape_cast %get3A_2684 : vector<512xf32> to vector<1x512xf32>
    %add3A_2686 = vector.broadcast %broadcast_in_dim3A_2685 : vector<1x512xf32> to vector<64x512xf32>
    %add3A_2687 = arith.addf %dot_general3A_2679, %add3A_2686 : vector<64x512xf32>
    %swap3A_2688 = arith.constant 1728 : index
    %swap3A_2689 = arith.constant 0 : index
    %swap3A_2690 = vector.load %arg7[%swap3A_2688, %swap3A_2689] : memref<1920x512xf32, #tpu.memory_space<vmem>>, vector<64x512xf32>
    tpu.vector_store %arg7[%swap3A_2688, %swap3A_2689], %add3A_2687 {strides = array<i32>} : memref<1920x512xf32, #tpu.memory_space<vmem>>, vector<64x512xf32>,
    %slice3A_2691 = vector.extract_strided_slice %get3A_3 {offsets = [1856, 0], sizes = [64, 64], strides = [1, 1]} : vector<2048x64xbf16> to vector<64x64xbf16>
    %get3A_2692 = arith.constant 28 : index
    %get3A_2693 = arith.constant 0 : index
    %get3A_2694 = memref.load %arg1[%get3A_2692, %get3A_2693] : memref<30x8xi32, #tpu.memory_space<smem>>
    %mul3A_2695 = arith.constant 64 : i32
    %mul3A_2696 = arith.muli %get3A_2694, %mul3A_2695 : i32
    %get3A_2697 = arith.constant 0 : index
    %get3A_2698 = arith.index_cast %mul3A_2696 : i32 to index
    %get3A_2699 = arith.constant 0 : index
    %get3A_2700 = vector.load %arg4[%get3A_2697, %get3A_2698, %get3A_2699] : memref<1x2048x64xbf16, #tpu.memory_space<vmem>>, vector<1x64x64xbf16>
    %get3A_2701 = vector.shape_cast %get3A_2700 : vector<1x64x64xbf16> to vector<64x64xbf16>
    %get3A_2702 = arith.constant 28 : index
    %get3A_2703 = arith.constant 1 : index
    %get3A_2704 = memref.load %arg1[%get3A_2702, %get3A_2703] : memref<30x8xi32, #tpu.memory_space<smem>>
    %mul3A_2705 = arith.constant 64 : i32
    %mul3A_2706 = arith.muli %get3A_2704, %mul3A_2705 : i32
    %get3A_2707 = arith.constant 0 : index
    %get3A_2708 = arith.index_cast %mul3A_2706 : i32 to index
    %get3A_2709 = arith.constant 0 : index
    %get3A_2710 = vector.load %arg4[%get3A_2707, %get3A_2708, %get3A_2709] : memref<1x2048x64xbf16, #tpu.memory_space<vmem>>, vector<1x64x64xbf16>
    %get3A_2711 = vector.shape_cast %get3A_2710 : vector<1x64x64xbf16> to vector<64x64xbf16>
    %get3A_2712 = arith.constant 28 : index
    %get3A_2713 = arith.constant 2 : index
    %get3A_2714 = memref.load %arg1[%get3A_2712, %get3A_2713] : memref<30x8xi32, #tpu.memory_space<smem>>
    %mul3A_2715 = arith.constant 64 : i32
    %mul3A_2716 = arith.muli %get3A_2714, %mul3A_2715 : i32
    %get3A_2717 = arith.constant 0 : index
    %get3A_2718 = arith.index_cast %mul3A_2716 : i32 to index
    %get3A_2719 = arith.constant 0 : index
    %get3A_2720 = vector.load %arg4[%get3A_2717, %get3A_2718, %get3A_2719] : memref<1x2048x64xbf16, #tpu.memory_space<vmem>>, vector<1x64x64xbf16>
    %get3A_2721 = vector.shape_cast %get3A_2720 : vector<1x64x64xbf16> to vector<64x64xbf16>
    %get3A_2722 = arith.constant 28 : index
    %get3A_2723 = arith.constant 3 : index
    %get3A_2724 = memref.load %arg1[%get3A_2722, %get3A_2723] : memref<30x8xi32, #tpu.memory_space<smem>>
    %mul3A_2725 = arith.constant 64 : i32
    %mul3A_2726 = arith.muli %get3A_2724, %mul3A_2725 : i32
    %get3A_2727 = arith.constant 0 : index
    %get3A_2728 = arith.index_cast %mul3A_2726 : i32 to index
    %get3A_2729 = arith.constant 0 : index
    %get3A_2730 = vector.load %arg4[%get3A_2727, %get3A_2728, %get3A_2729] : memref<1x2048x64xbf16, #tpu.memory_space<vmem>>, vector<1x64x64xbf16>
    %get3A_2731 = vector.shape_cast %get3A_2730 : vector<1x64x64xbf16> to vector<64x64xbf16>
    %get3A_2732 = arith.constant 28 : index
    %get3A_2733 = arith.constant 4 : index
    %get3A_2734 = memref.load %arg1[%get3A_2732, %get3A_2733] : memref<30x8xi32, #tpu.memory_space<smem>>
    %mul3A_2735 = arith.constant 64 : i32
    %mul3A_2736 = arith.muli %get3A_2734, %mul3A_2735 : i32
    %get3A_2737 = arith.constant 0 : index
    %get3A_2738 = arith.index_cast %mul3A_2736 : i32 to index
    %get3A_2739 = arith.constant 0 : index
    %get3A_2740 = vector.load %arg4[%get3A_2737, %get3A_2738, %get3A_2739] : memref<1x2048x64xbf16, #tpu.memory_space<vmem>>, vector<1x64x64xbf16>
    %get3A_2741 = vector.shape_cast %get3A_2740 : vector<1x64x64xbf16> to vector<64x64xbf16>
    %get3A_2742 = arith.constant 28 : index
    %get3A_2743 = arith.constant 5 : index
    %get3A_2744 = memref.load %arg1[%get3A_2742, %get3A_2743] : memref<30x8xi32, #tpu.memory_space<smem>>
    %mul3A_2745 = arith.constant 64 : i32
    %mul3A_2746 = arith.muli %get3A_2744, %mul3A_2745 : i32
    %get3A_2747 = arith.constant 0 : index
    %get3A_2748 = arith.index_cast %mul3A_2746 : i32 to index
    %get3A_2749 = arith.constant 0 : index
    %get3A_2750 = vector.load %arg4[%get3A_2747, %get3A_2748, %get3A_2749] : memref<1x2048x64xbf16, #tpu.memory_space<vmem>>, vector<1x64x64xbf16>
    %get3A_2751 = vector.shape_cast %get3A_2750 : vector<1x64x64xbf16> to vector<64x64xbf16>
    %get3A_2752 = arith.constant 28 : index
    %get3A_2753 = arith.constant 6 : index
    %get3A_2754 = memref.load %arg1[%get3A_2752, %get3A_2753] : memref<30x8xi32, #tpu.memory_space<smem>>
    %mul3A_2755 = arith.constant 64 : i32
    %mul3A_2756 = arith.muli %get3A_2754, %mul3A_2755 : i32
    %get3A_2757 = arith.constant 0 : index
    %get3A_2758 = arith.index_cast %mul3A_2756 : i32 to index
    %get3A_2759 = arith.constant 0 : index
    %get3A_2760 = vector.load %arg4[%get3A_2757, %get3A_2758, %get3A_2759] : memref<1x2048x64xbf16, #tpu.memory_space<vmem>>, vector<1x64x64xbf16>
    %get3A_2761 = vector.shape_cast %get3A_2760 : vector<1x64x64xbf16> to vector<64x64xbf16>
    %get3A_2762 = arith.constant 28 : index
    %get3A_2763 = arith.constant 7 : index
    %get3A_2764 = memref.load %arg1[%get3A_2762, %get3A_2763] : memref<30x8xi32, #tpu.memory_space<smem>>
    %mul3A_2765 = arith.constant 64 : i32
    %mul3A_2766 = arith.muli %get3A_2764, %mul3A_2765 : i32
    %get3A_2767 = arith.constant 0 : index
    %get3A_2768 = arith.index_cast %mul3A_2766 : i32 to index
    %get3A_2769 = arith.constant 0 : index
    %get3A_2770 = vector.load %arg4[%get3A_2767, %get3A_2768, %get3A_2769] : memref<1x2048x64xbf16, #tpu.memory_space<vmem>>, vector<1x64x64xbf16>
    %get3A_2771 = vector.shape_cast %get3A_2770 : vector<1x64x64xbf16> to vector<64x64xbf16>
    %concatenate3A_2772 = tpu.concatenate %get3A_2701, %get3A_2711, %get3A_2721, %get3A_2731, %get3A_2741, %get3A_2751, %get3A_2761, %get3A_2771 in 0 : vector<64x64xbf16>, vector<64x64xbf16>, vector<64x64xbf16>, vector<64x64xbf16>, vector<64x64xbf16>, vector<64x64xbf16>, vector<64x64xbf16>, vector<64x64xbf16> -> vector<512x64xbf16>
    %dot_general3A_2773 = arith.constant dense<0.000000e+00> : vector<64x512xf32>
    %dot_general3A_2774 = tpu.matmul %slice3A_2691, %concatenate3A_2772, %dot_general3A_2773 {dimension_numbers = #tpu.dot_dimension_numbers<[1], [1], [0], [0], [0, 0, 1, 0], [], []>, transpose_lhs_hint = false} : vector<64x64xbf16>, vector<512x64xbf16>, vector<64x512xf32> -> vector<64x512xf32>
    %get3A_2775 = arith.constant 28 : index
    %get3A_2776 = arith.constant 0 : index
    %get3A_2777 = arith.constant 0 : index
    %get3A_2778 = vector.load %arg2[%get3A_2775, %get3A_2776, %get3A_2777] : memref<30x1x512xf32, #tpu.memory_space<vmem>>, vector<1x1x512xf32>
    %get3A_2779 = vector.shape_cast %get3A_2778 : vector<1x1x512xf32> to vector<512xf32>
    %broadcast_in_dim3A_2780 = vector.shape_cast %get3A_2779 : vector<512xf32> to vector<1x512xf32>
    %add3A_2781 = vector.broadcast %broadcast_in_dim3A_2780 : vector<1x512xf32> to vector<64x512xf32>
    %add3A_2782 = arith.addf %dot_general3A_2774, %add3A_2781 : vector<64x512xf32>
    %swap3A_2783 = arith.constant 1792 : index
    %swap3A_2784 = arith.constant 0 : index
    %swap3A_2785 = vector.load %arg7[%swap3A_2783, %swap3A_2784] : memref<1920x512xf32, #tpu.memory_space<vmem>>, vector<64x512xf32>
    tpu.vector_store %arg7[%swap3A_2783, %swap3A_2784], %add3A_2782 {strides = array<i32>} : memref<1920x512xf32, #tpu.memory_space<vmem>>, vector<64x512xf32>,
    %slice3A_2786 = vector.extract_strided_slice %get3A_3 {offsets = [1920, 0], sizes = [64, 64], strides = [1, 1]} : vector<2048x64xbf16> to vector<64x64xbf16>
    %get3A_2787 = arith.constant 29 : index
    %get3A_2788 = arith.constant 0 : index
    %get3A_2789 = memref.load %arg1[%get3A_2787, %get3A_2788] : memref<30x8xi32, #tpu.memory_space<smem>>
    %mul3A_2790 = arith.constant 64 : i32
    %mul3A_2791 = arith.muli %get3A_2789, %mul3A_2790 : i32
    %get3A_2792 = arith.constant 0 : index
    %get3A_2793 = arith.index_cast %mul3A_2791 : i32 to index
    %get3A_2794 = arith.constant 0 : index
    %get3A_2795 = vector.load %arg4[%get3A_2792, %get3A_2793, %get3A_2794] : memref<1x2048x64xbf16, #tpu.memory_space<vmem>>, vector<1x64x64xbf16>
    %get3A_2796 = vector.shape_cast %get3A_2795 : vector<1x64x64xbf16> to vector<64x64xbf16>
    %get3A_2797 = arith.constant 29 : index
    %get3A_2798 = arith.constant 1 : index
    %get3A_2799 = memref.load %arg1[%get3A_2797, %get3A_2798] : memref<30x8xi32, #tpu.memory_space<smem>>
    %mul3A_2800 = arith.constant 64 : i32
    %mul3A_2801 = arith.muli %get3A_2799, %mul3A_2800 : i32
    %get3A_2802 = arith.constant 0 : index
    %get3A_2803 = arith.index_cast %mul3A_2801 : i32 to index
    %get3A_2804 = arith.constant 0 : index
    %get3A_2805 = vector.load %arg4[%get3A_2802, %get3A_2803, %get3A_2804] : memref<1x2048x64xbf16, #tpu.memory_space<vmem>>, vector<1x64x64xbf16>
    %get3A_2806 = vector.shape_cast %get3A_2805 : vector<1x64x64xbf16> to vector<64x64xbf16>
    %get3A_2807 = arith.constant 29 : index
    %get3A_2808 = arith.constant 2 : index
    %get3A_2809 = memref.load %arg1[%get3A_2807, %get3A_2808] : memref<30x8xi32, #tpu.memory_space<smem>>
    %mul3A_2810 = arith.constant 64 : i32
    %mul3A_2811 = arith.muli %get3A_2809, %mul3A_2810 : i32
    %get3A_2812 = arith.constant 0 : index
    %get3A_2813 = arith.index_cast %mul3A_2811 : i32 to index
    %get3A_2814 = arith.constant 0 : index
    %get3A_2815 = vector.load %arg4[%get3A_2812, %get3A_2813, %get3A_2814] : memref<1x2048x64xbf16, #tpu.memory_space<vmem>>, vector<1x64x64xbf16>
    %get3A_2816 = vector.shape_cast %get3A_2815 : vector<1x64x64xbf16> to vector<64x64xbf16>
    %get3A_2817 = arith.constant 29 : index
    %get3A_2818 = arith.constant 3 : index
    %get3A_2819 = memref.load %arg1[%get3A_2817, %get3A_2818] : memref<30x8xi32, #tpu.memory_space<smem>>
    %mul3A_2820 = arith.constant 64 : i32
    %mul3A_2821 = arith.muli %get3A_2819, %mul3A_2820 : i32
    %get3A_2822 = arith.constant 0 : index
    %get3A_2823 = arith.index_cast %mul3A_2821 : i32 to index
    %get3A_2824 = arith.constant 0 : index
    %get3A_2825 = vector.load %arg4[%get3A_2822, %get3A_2823, %get3A_2824] : memref<1x2048x64xbf16, #tpu.memory_space<vmem>>, vector<1x64x64xbf16>
    %get3A_2826 = vector.shape_cast %get3A_2825 : vector<1x64x64xbf16> to vector<64x64xbf16>
    %get3A_2827 = arith.constant 29 : index
    %get3A_2828 = arith.constant 4 : index
    %get3A_2829 = memref.load %arg1[%get3A_2827, %get3A_2828] : memref<30x8xi32, #tpu.memory_space<smem>>
    %mul3A_2830 = arith.constant 64 : i32
    %mul3A_2831 = arith.muli %get3A_2829, %mul3A_2830 : i32
    %get3A_2832 = arith.constant 0 : index
    %get3A_2833 = arith.index_cast %mul3A_2831 : i32 to index
    %get3A_2834 = arith.constant 0 : index
    %get3A_2835 = vector.load %arg4[%get3A_2832, %get3A_2833, %get3A_2834] : memref<1x2048x64xbf16, #tpu.memory_space<vmem>>, vector<1x64x64xbf16>
    %get3A_2836 = vector.shape_cast %get3A_2835 : vector<1x64x64xbf16> to vector<64x64xbf16>
    %get3A_2837 = arith.constant 29 : index
    %get3A_2838 = arith.constant 5 : index
    %get3A_2839 = memref.load %arg1[%get3A_2837, %get3A_2838] : memref<30x8xi32, #tpu.memory_space<smem>>
    %mul3A_2840 = arith.constant 64 : i32
    %mul3A_2841 = arith.muli %get3A_2839, %mul3A_2840 : i32
    %get3A_2842 = arith.constant 0 : index
    %get3A_2843 = arith.index_cast %mul3A_2841 : i32 to index
    %get3A_2844 = arith.constant 0 : index
    %get3A_2845 = vector.load %arg4[%get3A_2842, %get3A_2843, %get3A_2844] : memref<1x2048x64xbf16, #tpu.memory_space<vmem>>, vector<1x64x64xbf16>
    %get3A_2846 = vector.shape_cast %get3A_2845 : vector<1x64x64xbf16> to vector<64x64xbf16>
    %get3A_2847 = arith.constant 29 : index
    %get3A_2848 = arith.constant 6 : index
    %get3A_2849 = memref.load %arg1[%get3A_2847, %get3A_2848] : memref<30x8xi32, #tpu.memory_space<smem>>
    %mul3A_2850 = arith.constant 64 : i32
    %mul3A_2851 = arith.muli %get3A_2849, %mul3A_2850 : i32
    %get3A_2852 = arith.constant 0 : index
    %get3A_2853 = arith.index_cast %mul3A_2851 : i32 to index
    %get3A_2854 = arith.constant 0 : index
    %get3A_2855 = vector.load %arg4[%get3A_2852, %get3A_2853, %get3A_2854] : memref<1x2048x64xbf16, #tpu.memory_space<vmem>>, vector<1x64x64xbf16>
    %get3A_2856 = vector.shape_cast %get3A_2855 : vector<1x64x64xbf16> to vector<64x64xbf16>
    %get3A_2857 = arith.constant 29 : index
    %get3A_2858 = arith.constant 7 : index
    %get3A_2859 = memref.load %arg1[%get3A_2857, %get3A_2858] : memref<30x8xi32, #tpu.memory_space<smem>>
    %mul3A_2860 = arith.constant 64 : i32
    %mul3A_2861 = arith.muli %get3A_2859, %mul3A_2860 : i32
    %get3A_2862 = arith.constant 0 : index
    %get3A_2863 = arith.index_cast %mul3A_2861 : i32 to index
    %get3A_2864 = arith.constant 0 : index
    %get3A_2865 = vector.load %arg4[%get3A_2862, %get3A_2863, %get3A_2864] : memref<1x2048x64xbf16, #tpu.memory_space<vmem>>, vector<1x64x64xbf16>
    %get3A_2866 = vector.shape_cast %get3A_2865 : vector<1x64x64xbf16> to vector<64x64xbf16>
    %concatenate3A_2867 = tpu.concatenate %get3A_2796, %get3A_2806, %get3A_2816, %get3A_2826, %get3A_2836, %get3A_2846, %get3A_2856, %get3A_2866 in 0 : vector<64x64xbf16>, vector<64x64xbf16>, vector<64x64xbf16>, vector<64x64xbf16>, vector<64x64xbf16>, vector<64x64xbf16>, vector<64x64xbf16>, vector<64x64xbf16> -> vector<512x64xbf16>
    %dot_general3A_2868 = arith.constant dense<0.000000e+00> : vector<64x512xf32>
    %dot_general3A_2869 = tpu.matmul %slice3A_2786, %concatenate3A_2867, %dot_general3A_2868 {dimension_numbers = #tpu.dot_dimension_numbers<[1], [1], [0], [0], [0, 0, 1, 0], [], []>, transpose_lhs_hint = false} : vector<64x64xbf16>, vector<512x64xbf16>, vector<64x512xf32> -> vector<64x512xf32>
    %get3A_2870 = arith.constant 29 : index
    %get3A_2871 = arith.constant 0 : index
    %get3A_2872 = arith.constant 0 : index
    %get3A_2873 = vector.load %arg2[%get3A_2870, %get3A_2871, %get3A_2872] : memref<30x1x512xf32, #tpu.memory_space<vmem>>, vector<1x1x512xf32>
    %get3A_2874 = vector.shape_cast %get3A_2873 : vector<1x1x512xf32> to vector<512xf32>
    %broadcast_in_dim3A_2875 = vector.shape_cast %get3A_2874 : vector<512xf32> to vector<1x512xf32>
    %add3A_2876 = vector.broadcast %broadcast_in_dim3A_2875 : vector<1x512xf32> to vector<64x512xf32>
    %add3A_2877 = arith.addf %dot_general3A_2869, %add3A_2876 : vector<64x512xf32>
    %swap3A_2878 = arith.constant 1856 : index
    %swap3A_2879 = arith.constant 0 : index
    %swap3A_2880 = vector.load %arg7[%swap3A_2878, %swap3A_2879] : memref<1920x512xf32, #tpu.memory_space<vmem>>, vector<64x512xf32>
    tpu.vector_store %arg7[%swap3A_2878, %swap3A_2879], %add3A_2877 {strides = array<i32>} : memref<1920x512xf32, #tpu.memory_space<vmem>>, vector<64x512xf32>,
    %get3A_2881 = arith.constant 0 : index
    %get3A_2882 = arith.constant 0 : index
    %get3A_2883 = vector.load %arg7[%get3A_2881, %get3A_2882] : memref<1920x512xf32, #tpu.memory_space<vmem>>, vector<128x512xf32>
    %exp3A_2884 = math.exp %get3A_2883 : vector<128x512xf32>
    %reduce_sum3A_2885 = arith.constant dense<0.000000e+00> : vector<128xf32>
    %reduce_sum3A_2886 = vector.multi_reduction <add>, %exp3A_2884, %reduce_sum3A_2885 [1] : vector<128x512xf32> to vector<128xf32>
    %broadcast_in_dim3A_2887 = vector.shape_cast %reduce_sum3A_2886 : vector<128xf32> to vector<128x1xf32>
    %div3A_2888 = vector.broadcast %broadcast_in_dim3A_2887 : vector<128x1xf32> to vector<128x512xf32>
    %div3A_2889 = arith.divf %exp3A_2884, %div3A_2888 : vector<128x512xf32>
    %convert_element_type3A_2890 = arith.truncf %div3A_2889 : vector<128x512xf32> to vector<128x512xbf16>
    %swap3A_2891 = arith.constant 0 : index
    %swap3A_2892 = arith.constant 0 : index
    %swap3A_2893 = vector.load %arg8[%swap3A_2891, %swap3A_2892] : memref<1920x512xbf16, #tpu.memory_space<vmem>>, vector<128x512xbf16>
    tpu.vector_store %arg8[%swap3A_2891, %swap3A_2892], %convert_element_type3A_2890 {strides = array<i32>} : memref<1920x512xbf16, #tpu.memory_space<vmem>>, vector<128x512xbf16>,
    %get3A_2894 = arith.constant 128 : index
    %get3A_2895 = arith.constant 0 : index
    %get3A_2896 = vector.load %arg7[%get3A_2894, %get3A_2895] : memref<1920x512xf32, #tpu.memory_space<vmem>>, vector<128x512xf32>
    %exp3A_2897 = math.exp %get3A_2896 : vector<128x512xf32>
    %reduce_sum3A_2898 = arith.constant dense<0.000000e+00> : vector<128xf32>
    %reduce_sum3A_2899 = vector.multi_reduction <add>, %exp3A_2897, %reduce_sum3A_2898 [1] : vector<128x512xf32> to vector<128xf32>
    %broadcast_in_dim3A_2900 = vector.shape_cast %reduce_sum3A_2899 : vector<128xf32> to vector<128x1xf32>
    %div3A_2901 = vector.broadcast %broadcast_in_dim3A_2900 : vector<128x1xf32> to vector<128x512xf32>
    %div3A_2902 = arith.divf %exp3A_2897, %div3A_2901 : vector<128x512xf32>
    %convert_element_type3A_2903 = arith.truncf %div3A_2902 : vector<128x512xf32> to vector<128x512xbf16>
    %swap3A_2904 = arith.constant 128 : index
    %swap3A_2905 = arith.constant 0 : index
    %swap3A_2906 = vector.load %arg8[%swap3A_2904, %swap3A_2905] : memref<1920x512xbf16, #tpu.memory_space<vmem>>, vector<128x512xbf16>
    tpu.vector_store %arg8[%swap3A_2904, %swap3A_2905], %convert_element_type3A_2903 {strides = array<i32>} : memref<1920x512xbf16, #tpu.memory_space<vmem>>, vector<128x512xbf16>,
    %get3A_2907 = arith.constant 256 : index
    %get3A_2908 = arith.constant 0 : index
    %get3A_2909 = vector.load %arg7[%get3A_2907, %get3A_2908] : memref<1920x512xf32, #tpu.memory_space<vmem>>, vector<128x512xf32>
    %exp3A_2910 = math.exp %get3A_2909 : vector<128x512xf32>
    %reduce_sum3A_2911 = arith.constant dense<0.000000e+00> : vector<128xf32>
    %reduce_sum3A_2912 = vector.multi_reduction <add>, %exp3A_2910, %reduce_sum3A_2911 [1] : vector<128x512xf32> to vector<128xf32>
    %broadcast_in_dim3A_2913 = vector.shape_cast %reduce_sum3A_2912 : vector<128xf32> to vector<128x1xf32>
    %div3A_2914 = vector.broadcast %broadcast_in_dim3A_2913 : vector<128x1xf32> to vector<128x512xf32>
    %div3A_2915 = arith.divf %exp3A_2910, %div3A_2914 : vector<128x512xf32>
    %convert_element_type3A_2916 = arith.truncf %div3A_2915 : vector<128x512xf32> to vector<128x512xbf16>
    %swap3A_2917 = arith.constant 256 : index
    %swap3A_2918 = arith.constant 0 : index
    %swap3A_2919 = vector.load %arg8[%swap3A_2917, %swap3A_2918] : memref<1920x512xbf16, #tpu.memory_space<vmem>>, vector<128x512xbf16>
    tpu.vector_store %arg8[%swap3A_2917, %swap3A_2918], %convert_element_type3A_2916 {strides = array<i32>} : memref<1920x512xbf16, #tpu.memory_space<vmem>>, vector<128x512xbf16>,
    %get3A_2920 = arith.constant 384 : index
    %get3A_2921 = arith.constant 0 : index
    %get3A_2922 = vector.load %arg7[%get3A_2920, %get3A_2921] : memref<1920x512xf32, #tpu.memory_space<vmem>>, vector<128x512xf32>
    %exp3A_2923 = math.exp %get3A_2922 : vector<128x512xf32>
    %reduce_sum3A_2924 = arith.constant dense<0.000000e+00> : vector<128xf32>
    %reduce_sum3A_2925 = vector.multi_reduction <add>, %exp3A_2923, %reduce_sum3A_2924 [1] : vector<128x512xf32> to vector<128xf32>
    %broadcast_in_dim3A_2926 = vector.shape_cast %reduce_sum3A_2925 : vector<128xf32> to vector<128x1xf32>
    %div3A_2927 = vector.broadcast %broadcast_in_dim3A_2926 : vector<128x1xf32> to vector<128x512xf32>
    %div3A_2928 = arith.divf %exp3A_2923, %div3A_2927 : vector<128x512xf32>
    %convert_element_type3A_2929 = arith.truncf %div3A_2928 : vector<128x512xf32> to vector<128x512xbf16>
    %swap3A_2930 = arith.constant 384 : index
    %swap3A_2931 = arith.constant 0 : index
    %swap3A_2932 = vector.load %arg8[%swap3A_2930, %swap3A_2931] : memref<1920x512xbf16, #tpu.memory_space<vmem>>, vector<128x512xbf16>
    tpu.vector_store %arg8[%swap3A_2930, %swap3A_2931], %convert_element_type3A_2929 {strides = array<i32>} : memref<1920x512xbf16, #tpu.memory_space<vmem>>, vector<128x512xbf16>,
    %get3A_2933 = arith.constant 512 : index
    %get3A_2934 = arith.constant 0 : index
    %get3A_2935 = vector.load %arg7[%get3A_2933, %get3A_2934] : memref<1920x512xf32, #tpu.memory_space<vmem>>, vector<128x512xf32>
    %exp3A_2936 = math.exp %get3A_2935 : vector<128x512xf32>
    %reduce_sum3A_2937 = arith.constant dense<0.000000e+00> : vector<128xf32>
    %reduce_sum3A_2938 = vector.multi_reduction <add>, %exp3A_2936, %reduce_sum3A_2937 [1] : vector<128x512xf32> to vector<128xf32>
    %broadcast_in_dim3A_2939 = vector.shape_cast %reduce_sum3A_2938 : vector<128xf32> to vector<128x1xf32>
    %div3A_2940 = vector.broadcast %broadcast_in_dim3A_2939 : vector<128x1xf32> to vector<128x512xf32>
    %div3A_2941 = arith.divf %exp3A_2936, %div3A_2940 : vector<128x512xf32>
    %convert_element_type3A_2942 = arith.truncf %div3A_2941 : vector<128x512xf32> to vector<128x512xbf16>
    %swap3A_2943 = arith.constant 512 : index
    %swap3A_2944 = arith.constant 0 : index
    %swap3A_2945 = vector.load %arg8[%swap3A_2943, %swap3A_2944] : memref<1920x512xbf16, #tpu.memory_space<vmem>>, vector<128x512xbf16>
    tpu.vector_store %arg8[%swap3A_2943, %swap3A_2944], %convert_element_type3A_2942 {strides = array<i32>} : memref<1920x512xbf16, #tpu.memory_space<vmem>>, vector<128x512xbf16>,
    %get3A_2946 = arith.constant 640 : index
    %get3A_2947 = arith.constant 0 : index
    %get3A_2948 = vector.load %arg7[%get3A_2946, %get3A_2947] : memref<1920x512xf32, #tpu.memory_space<vmem>>, vector<128x512xf32>
    %exp3A_2949 = math.exp %get3A_2948 : vector<128x512xf32>
    %reduce_sum3A_2950 = arith.constant dense<0.000000e+00> : vector<128xf32>
    %reduce_sum3A_2951 = vector.multi_reduction <add>, %exp3A_2949, %reduce_sum3A_2950 [1] : vector<128x512xf32> to vector<128xf32>
    %broadcast_in_dim3A_2952 = vector.shape_cast %reduce_sum3A_2951 : vector<128xf32> to vector<128x1xf32>
    %div3A_2953 = vector.broadcast %broadcast_in_dim3A_2952 : vector<128x1xf32> to vector<128x512xf32>
    %div3A_2954 = arith.divf %exp3A_2949, %div3A_2953 : vector<128x512xf32>
    %convert_element_type3A_2955 = arith.truncf %div3A_2954 : vector<128x512xf32> to vector<128x512xbf16>
    %swap3A_2956 = arith.constant 640 : index
    %swap3A_2957 = arith.constant 0 : index
    %swap3A_2958 = vector.load %arg8[%swap3A_2956, %swap3A_2957] : memref<1920x512xbf16, #tpu.memory_space<vmem>>, vector<128x512xbf16>
    tpu.vector_store %arg8[%swap3A_2956, %swap3A_2957], %convert_element_type3A_2955 {strides = array<i32>} : memref<1920x512xbf16, #tpu.memory_space<vmem>>, vector<128x512xbf16>,
    %get3A_2959 = arith.constant 768 : index
    %get3A_2960 = arith.constant 0 : index
    %get3A_2961 = vector.load %arg7[%get3A_2959, %get3A_2960] : memref<1920x512xf32, #tpu.memory_space<vmem>>, vector<128x512xf32>
    %exp3A_2962 = math.exp %get3A_2961 : vector<128x512xf32>
    %reduce_sum3A_2963 = arith.constant dense<0.000000e+00> : vector<128xf32>
    %reduce_sum3A_2964 = vector.multi_reduction <add>, %exp3A_2962, %reduce_sum3A_2963 [1] : vector<128x512xf32> to vector<128xf32>
    %broadcast_in_dim3A_2965 = vector.shape_cast %reduce_sum3A_2964 : vector<128xf32> to vector<128x1xf32>
    %div3A_2966 = vector.broadcast %broadcast_in_dim3A_2965 : vector<128x1xf32> to vector<128x512xf32>
    %div3A_2967 = arith.divf %exp3A_2962, %div3A_2966 : vector<128x512xf32>
    %convert_element_type3A_2968 = arith.truncf %div3A_2967 : vector<128x512xf32> to vector<128x512xbf16>
    %swap3A_2969 = arith.constant 768 : index
    %swap3A_2970 = arith.constant 0 : index
    %swap3A_2971 = vector.load %arg8[%swap3A_2969, %swap3A_2970] : memref<1920x512xbf16, #tpu.memory_space<vmem>>, vector<128x512xbf16>
    tpu.vector_store %arg8[%swap3A_2969, %swap3A_2970], %convert_element_type3A_2968 {strides = array<i32>} : memref<1920x512xbf16, #tpu.memory_space<vmem>>, vector<128x512xbf16>,
    %get3A_2972 = arith.constant 896 : index
    %get3A_2973 = arith.constant 0 : index
    %get3A_2974 = vector.load %arg7[%get3A_2972, %get3A_2973] : memref<1920x512xf32, #tpu.memory_space<vmem>>, vector<128x512xf32>
    %exp3A_2975 = math.exp %get3A_2974 : vector<128x512xf32>
    %reduce_sum3A_2976 = arith.constant dense<0.000000e+00> : vector<128xf32>
    %reduce_sum3A_2977 = vector.multi_reduction <add>, %exp3A_2975, %reduce_sum3A_2976 [1] : vector<128x512xf32> to vector<128xf32>
    %broadcast_in_dim3A_2978 = vector.shape_cast %reduce_sum3A_2977 : vector<128xf32> to vector<128x1xf32>
    %div3A_2979 = vector.broadcast %broadcast_in_dim3A_2978 : vector<128x1xf32> to vector<128x512xf32>
    %div3A_2980 = arith.divf %exp3A_2975, %div3A_2979 : vector<128x512xf32>
    %convert_element_type3A_2981 = arith.truncf %div3A_2980 : vector<128x512xf32> to vector<128x512xbf16>
    %swap3A_2982 = arith.constant 896 : index
    %swap3A_2983 = arith.constant 0 : index
    %swap3A_2984 = vector.load %arg8[%swap3A_2982, %swap3A_2983] : memref<1920x512xbf16, #tpu.memory_space<vmem>>, vector<128x512xbf16>
    tpu.vector_store %arg8[%swap3A_2982, %swap3A_2983], %convert_element_type3A_2981 {strides = array<i32>} : memref<1920x512xbf16, #tpu.memory_space<vmem>>, vector<128x512xbf16>,
    %get3A_2985 = arith.constant 1024 : index
    %get3A_2986 = arith.constant 0 : index
    %get3A_2987 = vector.load %arg7[%get3A_2985, %get3A_2986] : memref<1920x512xf32, #tpu.memory_space<vmem>>, vector<128x512xf32>
    %exp3A_2988 = math.exp %get3A_2987 : vector<128x512xf32>
    %reduce_sum3A_2989 = arith.constant dense<0.000000e+00> : vector<128xf32>
    %reduce_sum3A_2990 = vector.multi_reduction <add>, %exp3A_2988, %reduce_sum3A_2989 [1] : vector<128x512xf32> to vector<128xf32>
    %broadcast_in_dim3A_2991 = vector.shape_cast %reduce_sum3A_2990 : vector<128xf32> to vector<128x1xf32>
    %div3A_2992 = vector.broadcast %broadcast_in_dim3A_2991 : vector<128x1xf32> to vector<128x512xf32>
    %div3A_2993 = arith.divf %exp3A_2988, %div3A_2992 : vector<128x512xf32>
    %convert_element_type3A_2994 = arith.truncf %div3A_2993 : vector<128x512xf32> to vector<128x512xbf16>
    %swap3A_2995 = arith.constant 1024 : index
    %swap3A_2996 = arith.constant 0 : index
    %swap3A_2997 = vector.load %arg8[%swap3A_2995, %swap3A_2996] : memref<1920x512xbf16, #tpu.memory_space<vmem>>, vector<128x512xbf16>
    tpu.vector_store %arg8[%swap3A_2995, %swap3A_2996], %convert_element_type3A_2994 {strides = array<i32>} : memref<1920x512xbf16, #tpu.memory_space<vmem>>, vector<128x512xbf16>,
    %get3A_2998 = arith.constant 1152 : index
    %get3A_2999 = arith.constant 0 : index
    %get3A_3000 = vector.load %arg7[%get3A_2998, %get3A_2999] : memref<1920x512xf32, #tpu.memory_space<vmem>>, vector<128x512xf32>
    %exp3A_3001 = math.exp %get3A_3000 : vector<128x512xf32>
    %reduce_sum3A_3002 = arith.constant dense<0.000000e+00> : vector<128xf32>
    %reduce_sum3A_3003 = vector.multi_reduction <add>, %exp3A_3001, %reduce_sum3A_3002 [1] : vector<128x512xf32> to vector<128xf32>
    %broadcast_in_dim3A_3004 = vector.shape_cast %reduce_sum3A_3003 : vector<128xf32> to vector<128x1xf32>
    %div3A_3005 = vector.broadcast %broadcast_in_dim3A_3004 : vector<128x1xf32> to vector<128x512xf32>
    %div3A_3006 = arith.divf %exp3A_3001, %div3A_3005 : vector<128x512xf32>
    %convert_element_type3A_3007 = arith.truncf %div3A_3006 : vector<128x512xf32> to vector<128x512xbf16>
    %swap3A_3008 = arith.constant 1152 : index
    %swap3A_3009 = arith.constant 0 : index
    %swap3A_3010 = vector.load %arg8[%swap3A_3008, %swap3A_3009] : memref<1920x512xbf16, #tpu.memory_space<vmem>>, vector<128x512xbf16>
    tpu.vector_store %arg8[%swap3A_3008, %swap3A_3009], %convert_element_type3A_3007 {strides = array<i32>} : memref<1920x512xbf16, #tpu.memory_space<vmem>>, vector<128x512xbf16>,
    %get3A_3011 = arith.constant 1280 : index
    %get3A_3012 = arith.constant 0 : index
    %get3A_3013 = vector.load %arg7[%get3A_3011, %get3A_3012] : memref<1920x512xf32, #tpu.memory_space<vmem>>, vector<128x512xf32>
    %exp3A_3014 = math.exp %get3A_3013 : vector<128x512xf32>
    %reduce_sum3A_3015 = arith.constant dense<0.000000e+00> : vector<128xf32>
    %reduce_sum3A_3016 = vector.multi_reduction <add>, %exp3A_3014, %reduce_sum3A_3015 [1] : vector<128x512xf32> to vector<128xf32>
    %broadcast_in_dim3A_3017 = vector.shape_cast %reduce_sum3A_3016 : vector<128xf32> to vector<128x1xf32>
    %div3A_3018 = vector.broadcast %broadcast_in_dim3A_3017 : vector<128x1xf32> to vector<128x512xf32>
    %div3A_3019 = arith.divf %exp3A_3014, %div3A_3018 : vector<128x512xf32>
    %convert_element_type3A_3020 = arith.truncf %div3A_3019 : vector<128x512xf32> to vector<128x512xbf16>
    %swap3A_3021 = arith.constant 1280 : index
    %swap3A_3022 = arith.constant 0 : index
    %swap3A_3023 = vector.load %arg8[%swap3A_3021, %swap3A_3022] : memref<1920x512xbf16, #tpu.memory_space<vmem>>, vector<128x512xbf16>
    tpu.vector_store %arg8[%swap3A_3021, %swap3A_3022], %convert_element_type3A_3020 {strides = array<i32>} : memref<1920x512xbf16, #tpu.memory_space<vmem>>, vector<128x512xbf16>,
    %get3A_3024 = arith.constant 1408 : index
    %get3A_3025 = arith.constant 0 : index
    %get3A_3026 = vector.load %arg7[%get3A_3024, %get3A_3025] : memref<1920x512xf32, #tpu.memory_space<vmem>>, vector<128x512xf32>
    %exp3A_3027 = math.exp %get3A_3026 : vector<128x512xf32>
    %reduce_sum3A_3028 = arith.constant dense<0.000000e+00> : vector<128xf32>
    %reduce_sum3A_3029 = vector.multi_reduction <add>, %exp3A_3027, %reduce_sum3A_3028 [1] : vector<128x512xf32> to vector<128xf32>
    %broadcast_in_dim3A_3030 = vector.shape_cast %reduce_sum3A_3029 : vector<128xf32> to vector<128x1xf32>
    %div3A_3031 = vector.broadcast %broadcast_in_dim3A_3030 : vector<128x1xf32> to vector<128x512xf32>
    %div3A_3032 = arith.divf %exp3A_3027, %div3A_3031 : vector<128x512xf32>
    %convert_element_type3A_3033 = arith.truncf %div3A_3032 : vector<128x512xf32> to vector<128x512xbf16>
    %swap3A_3034 = arith.constant 1408 : index
    %swap3A_3035 = arith.constant 0 : index
    %swap3A_3036 = vector.load %arg8[%swap3A_3034, %swap3A_3035] : memref<1920x512xbf16, #tpu.memory_space<vmem>>, vector<128x512xbf16>
    tpu.vector_store %arg8[%swap3A_3034, %swap3A_3035], %convert_element_type3A_3033 {strides = array<i32>} : memref<1920x512xbf16, #tpu.memory_space<vmem>>, vector<128x512xbf16>,
    %get3A_3037 = arith.constant 1536 : index
    %get3A_3038 = arith.constant 0 : index
    %get3A_3039 = vector.load %arg7[%get3A_3037, %get3A_3038] : memref<1920x512xf32, #tpu.memory_space<vmem>>, vector<128x512xf32>
    %exp3A_3040 = math.exp %get3A_3039 : vector<128x512xf32>
    %reduce_sum3A_3041 = arith.constant dense<0.000000e+00> : vector<128xf32>
    %reduce_sum3A_3042 = vector.multi_reduction <add>, %exp3A_3040, %reduce_sum3A_3041 [1] : vector<128x512xf32> to vector<128xf32>
    %broadcast_in_dim3A_3043 = vector.shape_cast %reduce_sum3A_3042 : vector<128xf32> to vector<128x1xf32>
    %div3A_3044 = vector.broadcast %broadcast_in_dim3A_3043 : vector<128x1xf32> to vector<128x512xf32>
    %div3A_3045 = arith.divf %exp3A_3040, %div3A_3044 : vector<128x512xf32>
    %convert_element_type3A_3046 = arith.truncf %div3A_3045 : vector<128x512xf32> to vector<128x512xbf16>
    %swap3A_3047 = arith.constant 1536 : index
    %swap3A_3048 = arith.constant 0 : index
    %swap3A_3049 = vector.load %arg8[%swap3A_3047, %swap3A_3048] : memref<1920x512xbf16, #tpu.memory_space<vmem>>, vector<128x512xbf16>
    tpu.vector_store %arg8[%swap3A_3047, %swap3A_3048], %convert_element_type3A_3046 {strides = array<i32>} : memref<1920x512xbf16, #tpu.memory_space<vmem>>, vector<128x512xbf16>,
    %get3A_3050 = arith.constant 1664 : index
    %get3A_3051 = arith.constant 0 : index
    %get3A_3052 = vector.load %arg7[%get3A_3050, %get3A_3051] : memref<1920x512xf32, #tpu.memory_space<vmem>>, vector<128x512xf32>
    %exp3A_3053 = math.exp %get3A_3052 : vector<128x512xf32>
    %reduce_sum3A_3054 = arith.constant dense<0.000000e+00> : vector<128xf32>
    %reduce_sum3A_3055 = vector.multi_reduction <add>, %exp3A_3053, %reduce_sum3A_3054 [1] : vector<128x512xf32> to vector<128xf32>
    %broadcast_in_dim3A_3056 = vector.shape_cast %reduce_sum3A_3055 : vector<128xf32> to vector<128x1xf32>
    %div3A_3057 = vector.broadcast %broadcast_in_dim3A_3056 : vector<128x1xf32> to vector<128x512xf32>
    %div3A_3058 = arith.divf %exp3A_3053, %div3A_3057 : vector<128x512xf32>
    %convert_element_type3A_3059 = arith.truncf %div3A_3058 : vector<128x512xf32> to vector<128x512xbf16>
    %swap3A_3060 = arith.constant 1664 : index
    %swap3A_3061 = arith.constant 0 : index
    %swap3A_3062 = vector.load %arg8[%swap3A_3060, %swap3A_3061] : memref<1920x512xbf16, #tpu.memory_space<vmem>>, vector<128x512xbf16>
    tpu.vector_store %arg8[%swap3A_3060, %swap3A_3061], %convert_element_type3A_3059 {strides = array<i32>} : memref<1920x512xbf16, #tpu.memory_space<vmem>>, vector<128x512xbf16>,
    %get3A_3063 = arith.constant 1792 : index
    %get3A_3064 = arith.constant 0 : index
    %get3A_3065 = vector.load %arg7[%get3A_3063, %get3A_3064] : memref<1920x512xf32, #tpu.memory_space<vmem>>, vector<128x512xf32>
    %exp3A_3066 = math.exp %get3A_3065 : vector<128x512xf32>
    %reduce_sum3A_3067 = arith.constant dense<0.000000e+00> : vector<128xf32>
    %reduce_sum3A_3068 = vector.multi_reduction <add>, %exp3A_3066, %reduce_sum3A_3067 [1] : vector<128x512xf32> to vector<128xf32>
    %broadcast_in_dim3A_3069 = vector.shape_cast %reduce_sum3A_3068 : vector<128xf32> to vector<128x1xf32>
    %div3A_3070 = vector.broadcast %broadcast_in_dim3A_3069 : vector<128x1xf32> to vector<128x512xf32>
    %div3A_3071 = arith.divf %exp3A_3066, %div3A_3070 : vector<128x512xf32>
    %convert_element_type3A_3072 = arith.truncf %div3A_3071 : vector<128x512xf32> to vector<128x512xbf16>
    %swap3A_3073 = arith.constant 1792 : index
    %swap3A_3074 = arith.constant 0 : index
    %swap3A_3075 = vector.load %arg8[%swap3A_3073, %swap3A_3074] : memref<1920x512xbf16, #tpu.memory_space<vmem>>, vector<128x512xbf16>
    tpu.vector_store %arg8[%swap3A_3073, %swap3A_3074], %convert_element_type3A_3072 {strides = array<i32>} : memref<1920x512xbf16, #tpu.memory_space<vmem>>, vector<128x512xbf16>,
    %get3A_3076 = arith.constant 0 : index
    %get3A_3077 = arith.constant 0 : index
    %get3A_3078 = memref.load %arg1[%get3A_3076, %get3A_3077] : memref<30x8xi32, #tpu.memory_space<smem>>
    %mul3A_3079 = arith.constant 64 : i32
    %mul3A_3080 = arith.muli %get3A_3078, %mul3A_3079 : i32
    %get3A_3081 = arith.constant 0 : index
    %get3A_3082 = arith.index_cast %mul3A_3080 : i32 to index
    %get3A_3083 = arith.constant 0 : index
    %get3A_3084 = vector.load %arg5[%get3A_3081, %get3A_3082, %get3A_3083] : memref<1x2048x64xbf16, #tpu.memory_space<vmem>>, vector<1x64x64xbf16>
    %get3A_3085 = vector.shape_cast %get3A_3084 : vector<1x64x64xbf16> to vector<64x64xbf16>
    %get3A_3086 = arith.constant 0 : index
    %get3A_3087 = arith.constant 1 : index
    %get3A_3088 = memref.load %arg1[%get3A_3086, %get3A_3087] : memref<30x8xi32, #tpu.memory_space<smem>>
    %mul3A_3089 = arith.constant 64 : i32
    %mul3A_3090 = arith.muli %get3A_3088, %mul3A_3089 : i32
    %get3A_3091 = arith.constant 0 : index
    %get3A_3092 = arith.index_cast %mul3A_3090 : i32 to index
    %get3A_3093 = arith.constant 0 : index
    %get3A_3094 = vector.load %arg5[%get3A_3091, %get3A_3092, %get3A_3093] : memref<1x2048x64xbf16, #tpu.memory_space<vmem>>, vector<1x64x64xbf16>
    %get3A_3095 = vector.shape_cast %get3A_3094 : vector<1x64x64xbf16> to vector<64x64xbf16>
    %get3A_3096 = arith.constant 0 : index
    %get3A_3097 = arith.constant 2 : index
    %get3A_3098 = memref.load %arg1[%get3A_3096, %get3A_3097] : memref<30x8xi32, #tpu.memory_space<smem>>
    %mul3A_3099 = arith.constant 64 : i32
    %mul3A_3100 = arith.muli %get3A_3098, %mul3A_3099 : i32
    %get3A_3101 = arith.constant 0 : index
    %get3A_3102 = arith.index_cast %mul3A_3100 : i32 to index
    %get3A_3103 = arith.constant 0 : index
    %get3A_3104 = vector.load %arg5[%get3A_3101, %get3A_3102, %get3A_3103] : memref<1x2048x64xbf16, #tpu.memory_space<vmem>>, vector<1x64x64xbf16>
    %get3A_3105 = vector.shape_cast %get3A_3104 : vector<1x64x64xbf16> to vector<64x64xbf16>
    %get3A_3106 = arith.constant 0 : index
    %get3A_3107 = arith.constant 3 : index
    %get3A_3108 = memref.load %arg1[%get3A_3106, %get3A_3107] : memref<30x8xi32, #tpu.memory_space<smem>>
    %mul3A_3109 = arith.constant 64 : i32
    %mul3A_3110 = arith.muli %get3A_3108, %mul3A_3109 : i32
    %get3A_3111 = arith.constant 0 : index
    %get3A_3112 = arith.index_cast %mul3A_3110 : i32 to index
    %get3A_3113 = arith.constant 0 : index
    %get3A_3114 = vector.load %arg5[%get3A_3111, %get3A_3112, %get3A_3113] : memref<1x2048x64xbf16, #tpu.memory_space<vmem>>, vector<1x64x64xbf16>
    %get3A_3115 = vector.shape_cast %get3A_3114 : vector<1x64x64xbf16> to vector<64x64xbf16>
    %get3A_3116 = arith.constant 0 : index
    %get3A_3117 = arith.constant 4 : index
    %get3A_3118 = memref.load %arg1[%get3A_3116, %get3A_3117] : memref<30x8xi32, #tpu.memory_space<smem>>
    %mul3A_3119 = arith.constant 64 : i32
    %mul3A_3120 = arith.muli %get3A_3118, %mul3A_3119 : i32
    %get3A_3121 = arith.constant 0 : index
    %get3A_3122 = arith.index_cast %mul3A_3120 : i32 to index
    %get3A_3123 = arith.constant 0 : index
    %get3A_3124 = vector.load %arg5[%get3A_3121, %get3A_3122, %get3A_3123] : memref<1x2048x64xbf16, #tpu.memory_space<vmem>>, vector<1x64x64xbf16>
    %get3A_3125 = vector.shape_cast %get3A_3124 : vector<1x64x64xbf16> to vector<64x64xbf16>
    %get3A_3126 = arith.constant 0 : index
    %get3A_3127 = arith.constant 5 : index
    %get3A_3128 = memref.load %arg1[%get3A_3126, %get3A_3127] : memref<30x8xi32, #tpu.memory_space<smem>>
    %mul3A_3129 = arith.constant 64 : i32
    %mul3A_3130 = arith.muli %get3A_3128, %mul3A_3129 : i32
    %get3A_3131 = arith.constant 0 : index
    %get3A_3132 = arith.index_cast %mul3A_3130 : i32 to index
    %get3A_3133 = arith.constant 0 : index
    %get3A_3134 = vector.load %arg5[%get3A_3131, %get3A_3132, %get3A_3133] : memref<1x2048x64xbf16, #tpu.memory_space<vmem>>, vector<1x64x64xbf16>
    %get3A_3135 = vector.shape_cast %get3A_3134 : vector<1x64x64xbf16> to vector<64x64xbf16>
    %get3A_3136 = arith.constant 0 : index
    %get3A_3137 = arith.constant 6 : index
    %get3A_3138 = memref.load %arg1[%get3A_3136, %get3A_3137] : memref<30x8xi32, #tpu.memory_space<smem>>
    %mul3A_3139 = arith.constant 64 : i32
    %mul3A_3140 = arith.muli %get3A_3138, %mul3A_3139 : i32
    %get3A_3141 = arith.constant 0 : index
    %get3A_3142 = arith.index_cast %mul3A_3140 : i32 to index
    %get3A_3143 = arith.constant 0 : index
    %get3A_3144 = vector.load %arg5[%get3A_3141, %get3A_3142, %get3A_3143] : memref<1x2048x64xbf16, #tpu.memory_space<vmem>>, vector<1x64x64xbf16>
    %get3A_3145 = vector.shape_cast %get3A_3144 : vector<1x64x64xbf16> to vector<64x64xbf16>
    %get3A_3146 = arith.constant 0 : index
    %get3A_3147 = arith.constant 7 : index
    %get3A_3148 = memref.load %arg1[%get3A_3146, %get3A_3147] : memref<30x8xi32, #tpu.memory_space<smem>>
    %mul3A_3149 = arith.constant 64 : i32
    %mul3A_3150 = arith.muli %get3A_3148, %mul3A_3149 : i32
    %get3A_3151 = arith.constant 0 : index
    %get3A_3152 = arith.index_cast %mul3A_3150 : i32 to index
    %get3A_3153 = arith.constant 0 : index
    %get3A_3154 = vector.load %arg5[%get3A_3151, %get3A_3152, %get3A_3153] : memref<1x2048x64xbf16, #tpu.memory_space<vmem>>, vector<1x64x64xbf16>
    %get3A_3155 = vector.shape_cast %get3A_3154 : vector<1x64x64xbf16> to vector<64x64xbf16>
    %concatenate3A_3156 = tpu.concatenate %get3A_3085, %get3A_3095, %get3A_3105, %get3A_3115, %get3A_3125, %get3A_3135, %get3A_3145, %get3A_3155 in 0 : vector<64x64xbf16>, vector<64x64xbf16>, vector<64x64xbf16>, vector<64x64xbf16>, vector<64x64xbf16>, vector<64x64xbf16>, vector<64x64xbf16>, vector<64x64xbf16> -> vector<512x64xbf16>
    %get3A_3157 = arith.constant 0 : index
    %get3A_3158 = arith.constant 0 : index
    %get3A_3159 = vector.load %arg8[%get3A_3157, %get3A_3158] : memref<1920x512xbf16, #tpu.memory_space<vmem>>, vector<64x512xbf16>
    %dot_general3A_3160 = arith.constant dense<0.000000e+00> : vector<64x64xf32>
    %dot_general3A_3161 = tpu.matmul %get3A_3159, %concatenate3A_3156, %dot_general3A_3160 {dimension_numbers = #tpu.dot_dimension_numbers<[1], [0], [0], [1], [0, 0, 1, 1], [], []>, transpose_lhs_hint = false} : vector<64x512xbf16>, vector<512x64xbf16>, vector<64x64xf32> -> vector<64x64xf32>
    %swap3A_3162 = arith.constant 0 : index
    %swap3A_3163 = arith.constant 64 : index
    %swap3A_3164 = arith.constant 0 : index
    %swap3A_3165 = vector.load %arg6[%swap3A_3162, %swap3A_3163, %swap3A_3164] : memref<1x2048x64xf32, #tpu.memory_space<vmem>>, vector<1x64x64xf32>
    %swap3A_3166 = vector.shape_cast %swap3A_3165 : vector<1x64x64xf32> to vector<64x64xf32>
    %swap3A_3167 = vector.shape_cast %dot_general3A_3161 : vector<64x64xf32> to vector<1x64x64xf32>
    tpu.vector_store %arg6[%swap3A_3162, %swap3A_3163, %swap3A_3164], %swap3A_3167 {strides = array<i32>} : memref<1x2048x64xf32, #tpu.memory_space<vmem>>, vector<1x64x64xf32>,
    %get3A_3168 = arith.constant 1 : index
    %get3A_3169 = arith.constant 0 : index
    %get3A_3170 = memref.load %arg1[%get3A_3168, %get3A_3169] : memref<30x8xi32, #tpu.memory_space<smem>>
    %mul3A_3171 = arith.constant 64 : i32
    %mul3A_3172 = arith.muli %get3A_3170, %mul3A_3171 : i32
    %get3A_3173 = arith.constant 0 : index
    %get3A_3174 = arith.index_cast %mul3A_3172 : i32 to index
    %get3A_3175 = arith.constant 0 : index
    %get3A_3176 = vector.load %arg5[%get3A_3173, %get3A_3174, %get3A_3175] : memref<1x2048x64xbf16, #tpu.memory_space<vmem>>, vector<1x64x64xbf16>
    %get3A_3177 = vector.shape_cast %get3A_3176 : vector<1x64x64xbf16> to vector<64x64xbf16>
    %get3A_3178 = arith.constant 1 : index
    %get3A_3179 = arith.constant 1 : index
    %get3A_3180 = memref.load %arg1[%get3A_3178, %get3A_3179] : memref<30x8xi32, #tpu.memory_space<smem>>
    %mul3A_3181 = arith.constant 64 : i32
    %mul3A_3182 = arith.muli %get3A_3180, %mul3A_3181 : i32
    %get3A_3183 = arith.constant 0 : index
    %get3A_3184 = arith.index_cast %mul3A_3182 : i32 to index
    %get3A_3185 = arith.constant 0 : index
    %get3A_3186 = vector.load %arg5[%get3A_3183, %get3A_3184, %get3A_3185] : memref<1x2048x64xbf16, #tpu.memory_space<vmem>>, vector<1x64x64xbf16>
    %get3A_3187 = vector.shape_cast %get3A_3186 : vector<1x64x64xbf16> to vector<64x64xbf16>
    %get3A_3188 = arith.constant 1 : index
    %get3A_3189 = arith.constant 2 : index
    %get3A_3190 = memref.load %arg1[%get3A_3188, %get3A_3189] : memref<30x8xi32, #tpu.memory_space<smem>>
    %mul3A_3191 = arith.constant 64 : i32
    %mul3A_3192 = arith.muli %get3A_3190, %mul3A_3191 : i32
    %get3A_3193 = arith.constant 0 : index
    %get3A_3194 = arith.index_cast %mul3A_3192 : i32 to index
    %get3A_3195 = arith.constant 0 : index
    %get3A_3196 = vector.load %arg5[%get3A_3193, %get3A_3194, %get3A_3195] : memref<1x2048x64xbf16, #tpu.memory_space<vmem>>, vector<1x64x64xbf16>
    %get3A_3197 = vector.shape_cast %get3A_3196 : vector<1x64x64xbf16> to vector<64x64xbf16>
    %get3A_3198 = arith.constant 1 : index
    %get3A_3199 = arith.constant 3 : index
    %get3A_3200 = memref.load %arg1[%get3A_3198, %get3A_3199] : memref<30x8xi32, #tpu.memory_space<smem>>
    %mul3A_3201 = arith.constant 64 : i32
    %mul3A_3202 = arith.muli %get3A_3200, %mul3A_3201 : i32
    %get3A_3203 = arith.constant 0 : index
    %get3A_3204 = arith.index_cast %mul3A_3202 : i32 to index
    %get3A_3205 = arith.constant 0 : index
    %get3A_3206 = vector.load %arg5[%get3A_3203, %get3A_3204, %get3A_3205] : memref<1x2048x64xbf16, #tpu.memory_space<vmem>>, vector<1x64x64xbf16>
    %get3A_3207 = vector.shape_cast %get3A_3206 : vector<1x64x64xbf16> to vector<64x64xbf16>
    %get3A_3208 = arith.constant 1 : index
    %get3A_3209 = arith.constant 4 : index
    %get3A_3210 = memref.load %arg1[%get3A_3208, %get3A_3209] : memref<30x8xi32, #tpu.memory_space<smem>>
    %mul3A_3211 = arith.constant 64 : i32
    %mul3A_3212 = arith.muli %get3A_3210, %mul3A_3211 : i32
    %get3A_3213 = arith.constant 0 : index
    %get3A_3214 = arith.index_cast %mul3A_3212 : i32 to index
    %get3A_3215 = arith.constant 0 : index
    %get3A_3216 = vector.load %arg5[%get3A_3213, %get3A_3214, %get3A_3215] : memref<1x2048x64xbf16, #tpu.memory_space<vmem>>, vector<1x64x64xbf16>
    %get3A_3217 = vector.shape_cast %get3A_3216 : vector<1x64x64xbf16> to vector<64x64xbf16>
    %get3A_3218 = arith.constant 1 : index
    %get3A_3219 = arith.constant 5 : index
    %get3A_3220 = memref.load %arg1[%get3A_3218, %get3A_3219] : memref<30x8xi32, #tpu.memory_space<smem>>
    %mul3A_3221 = arith.constant 64 : i32
    %mul3A_3222 = arith.muli %get3A_3220, %mul3A_3221 : i32
    %get3A_3223 = arith.constant 0 : index
    %get3A_3224 = arith.index_cast %mul3A_3222 : i32 to index
    %get3A_3225 = arith.constant 0 : index
    %get3A_3226 = vector.load %arg5[%get3A_3223, %get3A_3224, %get3A_3225] : memref<1x2048x64xbf16, #tpu.memory_space<vmem>>, vector<1x64x64xbf16>
    %get3A_3227 = vector.shape_cast %get3A_3226 : vector<1x64x64xbf16> to vector<64x64xbf16>
    %get3A_3228 = arith.constant 1 : index
    %get3A_3229 = arith.constant 6 : index
    %get3A_3230 = memref.load %arg1[%get3A_3228, %get3A_3229] : memref<30x8xi32, #tpu.memory_space<smem>>
    %mul3A_3231 = arith.constant 64 : i32
    %mul3A_3232 = arith.muli %get3A_3230, %mul3A_3231 : i32
    %get3A_3233 = arith.constant 0 : index
    %get3A_3234 = arith.index_cast %mul3A_3232 : i32 to index
    %get3A_3235 = arith.constant 0 : index
    %get3A_3236 = vector.load %arg5[%get3A_3233, %get3A_3234, %get3A_3235] : memref<1x2048x64xbf16, #tpu.memory_space<vmem>>, vector<1x64x64xbf16>
    %get3A_3237 = vector.shape_cast %get3A_3236 : vector<1x64x64xbf16> to vector<64x64xbf16>
    %get3A_3238 = arith.constant 1 : index
    %get3A_3239 = arith.constant 7 : index
    %get3A_3240 = memref.load %arg1[%get3A_3238, %get3A_3239] : memref<30x8xi32, #tpu.memory_space<smem>>
    %mul3A_3241 = arith.constant 64 : i32
    %mul3A_3242 = arith.muli %get3A_3240, %mul3A_3241 : i32
    %get3A_3243 = arith.constant 0 : index
    %get3A_3244 = arith.index_cast %mul3A_3242 : i32 to index
    %get3A_3245 = arith.constant 0 : index
    %get3A_3246 = vector.load %arg5[%get3A_3243, %get3A_3244, %get3A_3245] : memref<1x2048x64xbf16, #tpu.memory_space<vmem>>, vector<1x64x64xbf16>
    %get3A_3247 = vector.shape_cast %get3A_3246 : vector<1x64x64xbf16> to vector<64x64xbf16>
    %concatenate3A_3248 = tpu.concatenate %get3A_3177, %get3A_3187, %get3A_3197, %get3A_3207, %get3A_3217, %get3A_3227, %get3A_3237, %get3A_3247 in 0 : vector<64x64xbf16>, vector<64x64xbf16>, vector<64x64xbf16>, vector<64x64xbf16>, vector<64x64xbf16>, vector<64x64xbf16>, vector<64x64xbf16>, vector<64x64xbf16> -> vector<512x64xbf16>
    %get3A_3249 = arith.constant 64 : index
    %get3A_3250 = arith.constant 0 : index
    %get3A_3251 = vector.load %arg8[%get3A_3249, %get3A_3250] : memref<1920x512xbf16, #tpu.memory_space<vmem>>, vector<64x512xbf16>
    %dot_general3A_3252 = arith.constant dense<0.000000e+00> : vector<64x64xf32>
    %dot_general3A_3253 = tpu.matmul %get3A_3251, %concatenate3A_3248, %dot_general3A_3252 {dimension_numbers = #tpu.dot_dimension_numbers<[1], [0], [0], [1], [0, 0, 1, 1], [], []>, transpose_lhs_hint = false} : vector<64x512xbf16>, vector<512x64xbf16>, vector<64x64xf32> -> vector<64x64xf32>
    %swap3A_3254 = arith.constant 0 : index
    %swap3A_3255 = arith.constant 128 : index
    %swap3A_3256 = arith.constant 0 : index
    %swap3A_3257 = vector.load %arg6[%swap3A_3254, %swap3A_3255, %swap3A_3256] : memref<1x2048x64xf32, #tpu.memory_space<vmem>>, vector<1x64x64xf32>
    %swap3A_3258 = vector.shape_cast %swap3A_3257 : vector<1x64x64xf32> to vector<64x64xf32>
    %swap3A_3259 = vector.shape_cast %dot_general3A_3253 : vector<64x64xf32> to vector<1x64x64xf32>
    tpu.vector_store %arg6[%swap3A_3254, %swap3A_3255, %swap3A_3256], %swap3A_3259 {strides = array<i32>} : memref<1x2048x64xf32, #tpu.memory_space<vmem>>, vector<1x64x64xf32>,
    %get3A_3260 = arith.constant 2 : index
    %get3A_3261 = arith.constant 0 : index
    %get3A_3262 = memref.load %arg1[%get3A_3260, %get3A_3261] : memref<30x8xi32, #tpu.memory_space<smem>>
    %mul3A_3263 = arith.constant 64 : i32
    %mul3A_3264 = arith.muli %get3A_3262, %mul3A_3263 : i32
    %get3A_3265 = arith.constant 0 : index
    %get3A_3266 = arith.index_cast %mul3A_3264 : i32 to index
    %get3A_3267 = arith.constant 0 : index
    %get3A_3268 = vector.load %arg5[%get3A_3265, %get3A_3266, %get3A_3267] : memref<1x2048x64xbf16, #tpu.memory_space<vmem>>, vector<1x64x64xbf16>
    %get3A_3269 = vector.shape_cast %get3A_3268 : vector<1x64x64xbf16> to vector<64x64xbf16>
    %get3A_3270 = arith.constant 2 : index
    %get3A_3271 = arith.constant 1 : index
    %get3A_3272 = memref.load %arg1[%get3A_3270, %get3A_3271] : memref<30x8xi32, #tpu.memory_space<smem>>
    %mul3A_3273 = arith.constant 64 : i32
    %mul3A_3274 = arith.muli %get3A_3272, %mul3A_3273 : i32
    %get3A_3275 = arith.constant 0 : index
    %get3A_3276 = arith.index_cast %mul3A_3274 : i32 to index
    %get3A_3277 = arith.constant 0 : index
    %get3A_3278 = vector.load %arg5[%get3A_3275, %get3A_3276, %get3A_3277] : memref<1x2048x64xbf16, #tpu.memory_space<vmem>>, vector<1x64x64xbf16>
    %get3A_3279 = vector.shape_cast %get3A_3278 : vector<1x64x64xbf16> to vector<64x64xbf16>
    %get3A_3280 = arith.constant 2 : index
    %get3A_3281 = arith.constant 2 : index
    %get3A_3282 = memref.load %arg1[%get3A_3280, %get3A_3281] : memref<30x8xi32, #tpu.memory_space<smem>>
    %mul3A_3283 = arith.constant 64 : i32
    %mul3A_3284 = arith.muli %get3A_3282, %mul3A_3283 : i32
    %get3A_3285 = arith.constant 0 : index
    %get3A_3286 = arith.index_cast %mul3A_3284 : i32 to index
    %get3A_3287 = arith.constant 0 : index
    %get3A_3288 = vector.load %arg5[%get3A_3285, %get3A_3286, %get3A_3287] : memref<1x2048x64xbf16, #tpu.memory_space<vmem>>, vector<1x64x64xbf16>
    %get3A_3289 = vector.shape_cast %get3A_3288 : vector<1x64x64xbf16> to vector<64x64xbf16>
    %get3A_3290 = arith.constant 2 : index
    %get3A_3291 = arith.constant 3 : index
    %get3A_3292 = memref.load %arg1[%get3A_3290, %get3A_3291] : memref<30x8xi32, #tpu.memory_space<smem>>
    %mul3A_3293 = arith.constant 64 : i32
    %mul3A_3294 = arith.muli %get3A_3292, %mul3A_3293 : i32
    %get3A_3295 = arith.constant 0 : index
    %get3A_3296 = arith.index_cast %mul3A_3294 : i32 to index
    %get3A_3297 = arith.constant 0 : index
    %get3A_3298 = vector.load %arg5[%get3A_3295, %get3A_3296, %get3A_3297] : memref<1x2048x64xbf16, #tpu.memory_space<vmem>>, vector<1x64x64xbf16>
    %get3A_3299 = vector.shape_cast %get3A_3298 : vector<1x64x64xbf16> to vector<64x64xbf16>
    %get3A_3300 = arith.constant 2 : index
    %get3A_3301 = arith.constant 4 : index
    %get3A_3302 = memref.load %arg1[%get3A_3300, %get3A_3301] : memref<30x8xi32, #tpu.memory_space<smem>>
    %mul3A_3303 = arith.constant 64 : i32
    %mul3A_3304 = arith.muli %get3A_3302, %mul3A_3303 : i32
    %get3A_3305 = arith.constant 0 : index
    %get3A_3306 = arith.index_cast %mul3A_3304 : i32 to index
    %get3A_3307 = arith.constant 0 : index
    %get3A_3308 = vector.load %arg5[%get3A_3305, %get3A_3306, %get3A_3307] : memref<1x2048x64xbf16, #tpu.memory_space<vmem>>, vector<1x64x64xbf16>
    %get3A_3309 = vector.shape_cast %get3A_3308 : vector<1x64x64xbf16> to vector<64x64xbf16>
    %get3A_3310 = arith.constant 2 : index
    %get3A_3311 = arith.constant 5 : index
    %get3A_3312 = memref.load %arg1[%get3A_3310, %get3A_3311] : memref<30x8xi32, #tpu.memory_space<smem>>
    %mul3A_3313 = arith.constant 64 : i32
    %mul3A_3314 = arith.muli %get3A_3312, %mul3A_3313 : i32
    %get3A_3315 = arith.constant 0 : index
    %get3A_3316 = arith.index_cast %mul3A_3314 : i32 to index
    %get3A_3317 = arith.constant 0 : index
    %get3A_3318 = vector.load %arg5[%get3A_3315, %get3A_3316, %get3A_3317] : memref<1x2048x64xbf16, #tpu.memory_space<vmem>>, vector<1x64x64xbf16>
    %get3A_3319 = vector.shape_cast %get3A_3318 : vector<1x64x64xbf16> to vector<64x64xbf16>
    %get3A_3320 = arith.constant 2 : index
    %get3A_3321 = arith.constant 6 : index
    %get3A_3322 = memref.load %arg1[%get3A_3320, %get3A_3321] : memref<30x8xi32, #tpu.memory_space<smem>>
    %mul3A_3323 = arith.constant 64 : i32
    %mul3A_3324 = arith.muli %get3A_3322, %mul3A_3323 : i32
    %get3A_3325 = arith.constant 0 : index
    %get3A_3326 = arith.index_cast %mul3A_3324 : i32 to index
    %get3A_3327 = arith.constant 0 : index
    %get3A_3328 = vector.load %arg5[%get3A_3325, %get3A_3326, %get3A_3327] : memref<1x2048x64xbf16, #tpu.memory_space<vmem>>, vector<1x64x64xbf16>
    %get3A_3329 = vector.shape_cast %get3A_3328 : vector<1x64x64xbf16> to vector<64x64xbf16>
    %get3A_3330 = arith.constant 2 : index
    %get3A_3331 = arith.constant 7 : index
    %get3A_3332 = memref.load %arg1[%get3A_3330, %get3A_3331] : memref<30x8xi32, #tpu.memory_space<smem>>
    %mul3A_3333 = arith.constant 64 : i32
    %mul3A_3334 = arith.muli %get3A_3332, %mul3A_3333 : i32
    %get3A_3335 = arith.constant 0 : index
    %get3A_3336 = arith.index_cast %mul3A_3334 : i32 to index
    %get3A_3337 = arith.constant 0 : index
    %get3A_3338 = vector.load %arg5[%get3A_3335, %get3A_3336, %get3A_3337] : memref<1x2048x64xbf16, #tpu.memory_space<vmem>>, vector<1x64x64xbf16>
    %get3A_3339 = vector.shape_cast %get3A_3338 : vector<1x64x64xbf16> to vector<64x64xbf16>
    %concatenate3A_3340 = tpu.concatenate %get3A_3269, %get3A_3279, %get3A_3289, %get3A_3299, %get3A_3309, %get3A_3319, %get3A_3329, %get3A_3339 in 0 : vector<64x64xbf16>, vector<64x64xbf16>, vector<64x64xbf16>, vector<64x64xbf16>, vector<64x64xbf16>, vector<64x64xbf16>, vector<64x64xbf16>, vector<64x64xbf16> -> vector<512x64xbf16>
    %get3A_3341 = arith.constant 128 : index
    %get3A_3342 = arith.constant 0 : index
    %get3A_3343 = vector.load %arg8[%get3A_3341, %get3A_3342] : memref<1920x512xbf16, #tpu.memory_space<vmem>>, vector<64x512xbf16>
    %dot_general3A_3344 = arith.constant dense<0.000000e+00> : vector<64x64xf32>
    %dot_general3A_3345 = tpu.matmul %get3A_3343, %concatenate3A_3340, %dot_general3A_3344 {dimension_numbers = #tpu.dot_dimension_numbers<[1], [0], [0], [1], [0, 0, 1, 1], [], []>, transpose_lhs_hint = false} : vector<64x512xbf16>, vector<512x64xbf16>, vector<64x64xf32> -> vector<64x64xf32>
    %swap3A_3346 = arith.constant 0 : index
    %swap3A_3347 = arith.constant 192 : index
    %swap3A_3348 = arith.constant 0 : index
    %swap3A_3349 = vector.load %arg6[%swap3A_3346, %swap3A_3347, %swap3A_3348] : memref<1x2048x64xf32, #tpu.memory_space<vmem>>, vector<1x64x64xf32>
    %swap3A_3350 = vector.shape_cast %swap3A_3349 : vector<1x64x64xf32> to vector<64x64xf32>
    %swap3A_3351 = vector.shape_cast %dot_general3A_3345 : vector<64x64xf32> to vector<1x64x64xf32>
    tpu.vector_store %arg6[%swap3A_3346, %swap3A_3347, %swap3A_3348], %swap3A_3351 {strides = array<i32>} : memref<1x2048x64xf32, #tpu.memory_space<vmem>>, vector<1x64x64xf32>,
    %get3A_3352 = arith.constant 3 : index
    %get3A_3353 = arith.constant 0 : index
    %get3A_3354 = memref.load %arg1[%get3A_3352, %get3A_3353] : memref<30x8xi32, #tpu.memory_space<smem>>
    %mul3A_3355 = arith.constant 64 : i32
    %mul3A_3356 = arith.muli %get3A_3354, %mul3A_3355 : i32
    %get3A_3357 = arith.constant 0 : index
    %get3A_3358 = arith.index_cast %mul3A_3356 : i32 to index
    %get3A_3359 = arith.constant 0 : index
    %get3A_3360 = vector.load %arg5[%get3A_3357, %get3A_3358, %get3A_3359] : memref<1x2048x64xbf16, #tpu.memory_space<vmem>>, vector<1x64x64xbf16>
    %get3A_3361 = vector.shape_cast %get3A_3360 : vector<1x64x64xbf16> to vector<64x64xbf16>
    %get3A_3362 = arith.constant 3 : index
    %get3A_3363 = arith.constant 1 : index
    %get3A_3364 = memref.load %arg1[%get3A_3362, %get3A_3363] : memref<30x8xi32, #tpu.memory_space<smem>>
    %mul3A_3365 = arith.constant 64 : i32
    %mul3A_3366 = arith.muli %get3A_3364, %mul3A_3365 : i32
    %get3A_3367 = arith.constant 0 : index
    %get3A_3368 = arith.index_cast %mul3A_3366 : i32 to index
    %get3A_3369 = arith.constant 0 : index
    %get3A_3370 = vector.load %arg5[%get3A_3367, %get3A_3368, %get3A_3369] : memref<1x2048x64xbf16, #tpu.memory_space<vmem>>, vector<1x64x64xbf16>
    %get3A_3371 = vector.shape_cast %get3A_3370 : vector<1x64x64xbf16> to vector<64x64xbf16>
    %get3A_3372 = arith.constant 3 : index
    %get3A_3373 = arith.constant 2 : index
    %get3A_3374 = memref.load %arg1[%get3A_3372, %get3A_3373] : memref<30x8xi32, #tpu.memory_space<smem>>
    %mul3A_3375 = arith.constant 64 : i32
    %mul3A_3376 = arith.muli %get3A_3374, %mul3A_3375 : i32
    %get3A_3377 = arith.constant 0 : index
    %get3A_3378 = arith.index_cast %mul3A_3376 : i32 to index
    %get3A_3379 = arith.constant 0 : index
    %get3A_3380 = vector.load %arg5[%get3A_3377, %get3A_3378, %get3A_3379] : memref<1x2048x64xbf16, #tpu.memory_space<vmem>>, vector<1x64x64xbf16>
    %get3A_3381 = vector.shape_cast %get3A_3380 : vector<1x64x64xbf16> to vector<64x64xbf16>
    %get3A_3382 = arith.constant 3 : index
    %get3A_3383 = arith.constant 3 : index
    %get3A_3384 = memref.load %arg1[%get3A_3382, %get3A_3383] : memref<30x8xi32, #tpu.memory_space<smem>>
    %mul3A_3385 = arith.constant 64 : i32
    %mul3A_3386 = arith.muli %get3A_3384, %mul3A_3385 : i32
    %get3A_3387 = arith.constant 0 : index
    %get3A_3388 = arith.index_cast %mul3A_3386 : i32 to index
    %get3A_3389 = arith.constant 0 : index
    %get3A_3390 = vector.load %arg5[%get3A_3387, %get3A_3388, %get3A_3389] : memref<1x2048x64xbf16, #tpu.memory_space<vmem>>, vector<1x64x64xbf16>
    %get3A_3391 = vector.shape_cast %get3A_3390 : vector<1x64x64xbf16> to vector<64x64xbf16>
    %get3A_3392 = arith.constant 3 : index
    %get3A_3393 = arith.constant 4 : index
    %get3A_3394 = memref.load %arg1[%get3A_3392, %get3A_3393] : memref<30x8xi32, #tpu.memory_space<smem>>
    %mul3A_3395 = arith.constant 64 : i32
    %mul3A_3396 = arith.muli %get3A_3394, %mul3A_3395 : i32
    %get3A_3397 = arith.constant 0 : index
    %get3A_3398 = arith.index_cast %mul3A_3396 : i32 to index
    %get3A_3399 = arith.constant 0 : index
    %get3A_3400 = vector.load %arg5[%get3A_3397, %get3A_3398, %get3A_3399] : memref<1x2048x64xbf16, #tpu.memory_space<vmem>>, vector<1x64x64xbf16>
    %get3A_3401 = vector.shape_cast %get3A_3400 : vector<1x64x64xbf16> to vector<64x64xbf16>
    %get3A_3402 = arith.constant 3 : index
    %get3A_3403 = arith.constant 5 : index
    %get3A_3404 = memref.load %arg1[%get3A_3402, %get3A_3403] : memref<30x8xi32, #tpu.memory_space<smem>>
    %mul3A_3405 = arith.constant 64 : i32
    %mul3A_3406 = arith.muli %get3A_3404, %mul3A_3405 : i32
    %get3A_3407 = arith.constant 0 : index
    %get3A_3408 = arith.index_cast %mul3A_3406 : i32 to index
    %get3A_3409 = arith.constant 0 : index
    %get3A_3410 = vector.load %arg5[%get3A_3407, %get3A_3408, %get3A_3409] : memref<1x2048x64xbf16, #tpu.memory_space<vmem>>, vector<1x64x64xbf16>
    %get3A_3411 = vector.shape_cast %get3A_3410 : vector<1x64x64xbf16> to vector<64x64xbf16>
    %get3A_3412 = arith.constant 3 : index
    %get3A_3413 = arith.constant 6 : index
    %get3A_3414 = memref.load %arg1[%get3A_3412, %get3A_3413] : memref<30x8xi32, #tpu.memory_space<smem>>
    %mul3A_3415 = arith.constant 64 : i32
    %mul3A_3416 = arith.muli %get3A_3414, %mul3A_3415 : i32
    %get3A_3417 = arith.constant 0 : index
    %get3A_3418 = arith.index_cast %mul3A_3416 : i32 to index
    %get3A_3419 = arith.constant 0 : index
    %get3A_3420 = vector.load %arg5[%get3A_3417, %get3A_3418, %get3A_3419] : memref<1x2048x64xbf16, #tpu.memory_space<vmem>>, vector<1x64x64xbf16>
    %get3A_3421 = vector.shape_cast %get3A_3420 : vector<1x64x64xbf16> to vector<64x64xbf16>
    %get3A_3422 = arith.constant 3 : index
    %get3A_3423 = arith.constant 7 : index
    %get3A_3424 = memref.load %arg1[%get3A_3422, %get3A_3423] : memref<30x8xi32, #tpu.memory_space<smem>>
    %mul3A_3425 = arith.constant 64 : i32
    %mul3A_3426 = arith.muli %get3A_3424, %mul3A_3425 : i32
    %get3A_3427 = arith.constant 0 : index
    %get3A_3428 = arith.index_cast %mul3A_3426 : i32 to index
    %get3A_3429 = arith.constant 0 : index
    %get3A_3430 = vector.load %arg5[%get3A_3427, %get3A_3428, %get3A_3429] : memref<1x2048x64xbf16, #tpu.memory_space<vmem>>, vector<1x64x64xbf16>
    %get3A_3431 = vector.shape_cast %get3A_3430 : vector<1x64x64xbf16> to vector<64x64xbf16>
    %concatenate3A_3432 = tpu.concatenate %get3A_3361, %get3A_3371, %get3A_3381, %get3A_3391, %get3A_3401, %get3A_3411, %get3A_3421, %get3A_3431 in 0 : vector<64x64xbf16>, vector<64x64xbf16>, vector<64x64xbf16>, vector<64x64xbf16>, vector<64x64xbf16>, vector<64x64xbf16>, vector<64x64xbf16>, vector<64x64xbf16> -> vector<512x64xbf16>
    %get3A_3433 = arith.constant 192 : index
    %get3A_3434 = arith.constant 0 : index
    %get3A_3435 = vector.load %arg8[%get3A_3433, %get3A_3434] : memref<1920x512xbf16, #tpu.memory_space<vmem>>, vector<64x512xbf16>
    %dot_general3A_3436 = arith.constant dense<0.000000e+00> : vector<64x64xf32>
    %dot_general3A_3437 = tpu.matmul %get3A_3435, %concatenate3A_3432, %dot_general3A_3436 {dimension_numbers = #tpu.dot_dimension_numbers<[1], [0], [0], [1], [0, 0, 1, 1], [], []>, transpose_lhs_hint = false} : vector<64x512xbf16>, vector<512x64xbf16>, vector<64x64xf32> -> vector<64x64xf32>
    %swap3A_3438 = arith.constant 0 : index
    %swap3A_3439 = arith.constant 256 : index
    %swap3A_3440 = arith.constant 0 : index
    %swap3A_3441 = vector.load %arg6[%swap3A_3438, %swap3A_3439, %swap3A_3440] : memref<1x2048x64xf32, #tpu.memory_space<vmem>>, vector<1x64x64xf32>
    %swap3A_3442 = vector.shape_cast %swap3A_3441 : vector<1x64x64xf32> to vector<64x64xf32>
    %swap3A_3443 = vector.shape_cast %dot_general3A_3437 : vector<64x64xf32> to vector<1x64x64xf32>
    tpu.vector_store %arg6[%swap3A_3438, %swap3A_3439, %swap3A_3440], %swap3A_3443 {strides = array<i32>} : memref<1x2048x64xf32, #tpu.memory_space<vmem>>, vector<1x64x64xf32>,
    %get3A_3444 = arith.constant 4 : index
    %get3A_3445 = arith.constant 0 : index
    %get3A_3446 = memref.load %arg1[%get3A_3444, %get3A_3445] : memref<30x8xi32, #tpu.memory_space<smem>>
    %mul3A_3447 = arith.constant 64 : i32
    %mul3A_3448 = arith.muli %get3A_3446, %mul3A_3447 : i32
    %get3A_3449 = arith.constant 0 : index
    %get3A_3450 = arith.index_cast %mul3A_3448 : i32 to index
    %get3A_3451 = arith.constant 0 : index
    %get3A_3452 = vector.load %arg5[%get3A_3449, %get3A_3450, %get3A_3451] : memref<1x2048x64xbf16, #tpu.memory_space<vmem>>, vector<1x64x64xbf16>
    %get3A_3453 = vector.shape_cast %get3A_3452 : vector<1x64x64xbf16> to vector<64x64xbf16>
    %get3A_3454 = arith.constant 4 : index
    %get3A_3455 = arith.constant 1 : index
    %get3A_3456 = memref.load %arg1[%get3A_3454, %get3A_3455] : memref<30x8xi32, #tpu.memory_space<smem>>
    %mul3A_3457 = arith.constant 64 : i32
    %mul3A_3458 = arith.muli %get3A_3456, %mul3A_3457 : i32
    %get3A_3459 = arith.constant 0 : index
    %get3A_3460 = arith.index_cast %mul3A_3458 : i32 to index
    %get3A_3461 = arith.constant 0 : index
    %get3A_3462 = vector.load %arg5[%get3A_3459, %get3A_3460, %get3A_3461] : memref<1x2048x64xbf16, #tpu.memory_space<vmem>>, vector<1x64x64xbf16>
    %get3A_3463 = vector.shape_cast %get3A_3462 : vector<1x64x64xbf16> to vector<64x64xbf16>
    %get3A_3464 = arith.constant 4 : index
    %get3A_3465 = arith.constant 2 : index
    %get3A_3466 = memref.load %arg1[%get3A_3464, %get3A_3465] : memref<30x8xi32, #tpu.memory_space<smem>>
    %mul3A_3467 = arith.constant 64 : i32
    %mul3A_3468 = arith.muli %get3A_3466, %mul3A_3467 : i32
    %get3A_3469 = arith.constant 0 : index
    %get3A_3470 = arith.index_cast %mul3A_3468 : i32 to index
    %get3A_3471 = arith.constant 0 : index
    %get3A_3472 = vector.load %arg5[%get3A_3469, %get3A_3470, %get3A_3471] : memref<1x2048x64xbf16, #tpu.memory_space<vmem>>, vector<1x64x64xbf16>
    %get3A_3473 = vector.shape_cast %get3A_3472 : vector<1x64x64xbf16> to vector<64x64xbf16>
    %get3A_3474 = arith.constant 4 : index
    %get3A_3475 = arith.constant 3 : index
    %get3A_3476 = memref.load %arg1[%get3A_3474, %get3A_3475] : memref<30x8xi32, #tpu.memory_space<smem>>
    %mul3A_3477 = arith.constant 64 : i32
    %mul3A_3478 = arith.muli %get3A_3476, %mul3A_3477 : i32
    %get3A_3479 = arith.constant 0 : index
    %get3A_3480 = arith.index_cast %mul3A_3478 : i32 to index
    %get3A_3481 = arith.constant 0 : index
    %get3A_3482 = vector.load %arg5[%get3A_3479, %get3A_3480, %get3A_3481] : memref<1x2048x64xbf16, #tpu.memory_space<vmem>>, vector<1x64x64xbf16>
    %get3A_3483 = vector.shape_cast %get3A_3482 : vector<1x64x64xbf16> to vector<64x64xbf16>
    %get3A_3484 = arith.constant 4 : index
    %get3A_3485 = arith.constant 4 : index
    %get3A_3486 = memref.load %arg1[%get3A_3484, %get3A_3485] : memref<30x8xi32, #tpu.memory_space<smem>>
    %mul3A_3487 = arith.constant 64 : i32
    %mul3A_3488 = arith.muli %get3A_3486, %mul3A_3487 : i32
    %get3A_3489 = arith.constant 0 : index
    %get3A_3490 = arith.index_cast %mul3A_3488 : i32 to index
    %get3A_3491 = arith.constant 0 : index
    %get3A_3492 = vector.load %arg5[%get3A_3489, %get3A_3490, %get3A_3491] : memref<1x2048x64xbf16, #tpu.memory_space<vmem>>, vector<1x64x64xbf16>
    %get3A_3493 = vector.shape_cast %get3A_3492 : vector<1x64x64xbf16> to vector<64x64xbf16>
    %get3A_3494 = arith.constant 4 : index
    %get3A_3495 = arith.constant 5 : index
    %get3A_3496 = memref.load %arg1[%get3A_3494, %get3A_3495] : memref<30x8xi32, #tpu.memory_space<smem>>
    %mul3A_3497 = arith.constant 64 : i32
    %mul3A_3498 = arith.muli %get3A_3496, %mul3A_3497 : i32
    %get3A_3499 = arith.constant 0 : index
    %get3A_3500 = arith.index_cast %mul3A_3498 : i32 to index
    %get3A_3501 = arith.constant 0 : index
    %get3A_3502 = vector.load %arg5[%get3A_3499, %get3A_3500, %get3A_3501] : memref<1x2048x64xbf16, #tpu.memory_space<vmem>>, vector<1x64x64xbf16>
    %get3A_3503 = vector.shape_cast %get3A_3502 : vector<1x64x64xbf16> to vector<64x64xbf16>
    %get3A_3504 = arith.constant 4 : index
    %get3A_3505 = arith.constant 6 : index
    %get3A_3506 = memref.load %arg1[%get3A_3504, %get3A_3505] : memref<30x8xi32, #tpu.memory_space<smem>>
    %mul3A_3507 = arith.constant 64 : i32
    %mul3A_3508 = arith.muli %get3A_3506, %mul3A_3507 : i32
    %get3A_3509 = arith.constant 0 : index
    %get3A_3510 = arith.index_cast %mul3A_3508 : i32 to index
    %get3A_3511 = arith.constant 0 : index
    %get3A_3512 = vector.load %arg5[%get3A_3509, %get3A_3510, %get3A_3511] : memref<1x2048x64xbf16, #tpu.memory_space<vmem>>, vector<1x64x64xbf16>
    %get3A_3513 = vector.shape_cast %get3A_3512 : vector<1x64x64xbf16> to vector<64x64xbf16>
    %get3A_3514 = arith.constant 4 : index
    %get3A_3515 = arith.constant 7 : index
    %get3A_3516 = memref.load %arg1[%get3A_3514, %get3A_3515] : memref<30x8xi32, #tpu.memory_space<smem>>
    %mul3A_3517 = arith.constant 64 : i32
    %mul3A_3518 = arith.muli %get3A_3516, %mul3A_3517 : i32
    %get3A_3519 = arith.constant 0 : index
    %get3A_3520 = arith.index_cast %mul3A_3518 : i32 to index
    %get3A_3521 = arith.constant 0 : index
    %get3A_3522 = vector.load %arg5[%get3A_3519, %get3A_3520, %get3A_3521] : memref<1x2048x64xbf16, #tpu.memory_space<vmem>>, vector<1x64x64xbf16>
    %get3A_3523 = vector.shape_cast %get3A_3522 : vector<1x64x64xbf16> to vector<64x64xbf16>
    %concatenate3A_3524 = tpu.concatenate %get3A_3453, %get3A_3463, %get3A_3473, %get3A_3483, %get3A_3493, %get3A_3503, %get3A_3513, %get3A_3523 in 0 : vector<64x64xbf16>, vector<64x64xbf16>, vector<64x64xbf16>, vector<64x64xbf16>, vector<64x64xbf16>, vector<64x64xbf16>, vector<64x64xbf16>, vector<64x64xbf16> -> vector<512x64xbf16>
    %get3A_3525 = arith.constant 256 : index
    %get3A_3526 = arith.constant 0 : index
    %get3A_3527 = vector.load %arg8[%get3A_3525, %get3A_3526] : memref<1920x512xbf16, #tpu.memory_space<vmem>>, vector<64x512xbf16>
    %dot_general3A_3528 = arith.constant dense<0.000000e+00> : vector<64x64xf32>
    %dot_general3A_3529 = tpu.matmul %get3A_3527, %concatenate3A_3524, %dot_general3A_3528 {dimension_numbers = #tpu.dot_dimension_numbers<[1], [0], [0], [1], [0, 0, 1, 1], [], []>, transpose_lhs_hint = false} : vector<64x512xbf16>, vector<512x64xbf16>, vector<64x64xf32> -> vector<64x64xf32>
    %swap3A_3530 = arith.constant 0 : index
    %swap3A_3531 = arith.constant 320 : index
    %swap3A_3532 = arith.constant 0 : index
    %swap3A_3533 = vector.load %arg6[%swap3A_3530, %swap3A_3531, %swap3A_3532] : memref<1x2048x64xf32, #tpu.memory_space<vmem>>, vector<1x64x64xf32>
    %swap3A_3534 = vector.shape_cast %swap3A_3533 : vector<1x64x64xf32> to vector<64x64xf32>
    %swap3A_3535 = vector.shape_cast %dot_general3A_3529 : vector<64x64xf32> to vector<1x64x64xf32>
    tpu.vector_store %arg6[%swap3A_3530, %swap3A_3531, %swap3A_3532], %swap3A_3535 {strides = array<i32>} : memref<1x2048x64xf32, #tpu.memory_space<vmem>>, vector<1x64x64xf32>,
    %get3A_3536 = arith.constant 5 : index
    %get3A_3537 = arith.constant 0 : index
    %get3A_3538 = memref.load %arg1[%get3A_3536, %get3A_3537] : memref<30x8xi32, #tpu.memory_space<smem>>
    %mul3A_3539 = arith.constant 64 : i32
    %mul3A_3540 = arith.muli %get3A_3538, %mul3A_3539 : i32
    %get3A_3541 = arith.constant 0 : index
    %get3A_3542 = arith.index_cast %mul3A_3540 : i32 to index
    %get3A_3543 = arith.constant 0 : index
    %get3A_3544 = vector.load %arg5[%get3A_3541, %get3A_3542, %get3A_3543] : memref<1x2048x64xbf16, #tpu.memory_space<vmem>>, vector<1x64x64xbf16>
    %get3A_3545 = vector.shape_cast %get3A_3544 : vector<1x64x64xbf16> to vector<64x64xbf16>
    %get3A_3546 = arith.constant 5 : index
    %get3A_3547 = arith.constant 1 : index
    %get3A_3548 = memref.load %arg1[%get3A_3546, %get3A_3547] : memref<30x8xi32, #tpu.memory_space<smem>>
    %mul3A_3549 = arith.constant 64 : i32
    %mul3A_3550 = arith.muli %get3A_3548, %mul3A_3549 : i32
    %get3A_3551 = arith.constant 0 : index
    %get3A_3552 = arith.index_cast %mul3A_3550 : i32 to index
    %get3A_3553 = arith.constant 0 : index
    %get3A_3554 = vector.load %arg5[%get3A_3551, %get3A_3552, %get3A_3553] : memref<1x2048x64xbf16, #tpu.memory_space<vmem>>, vector<1x64x64xbf16>
    %get3A_3555 = vector.shape_cast %get3A_3554 : vector<1x64x64xbf16> to vector<64x64xbf16>
    %get3A_3556 = arith.constant 5 : index
    %get3A_3557 = arith.constant 2 : index
    %get3A_3558 = memref.load %arg1[%get3A_3556, %get3A_3557] : memref<30x8xi32, #tpu.memory_space<smem>>
    %mul3A_3559 = arith.constant 64 : i32
    %mul3A_3560 = arith.muli %get3A_3558, %mul3A_3559 : i32
    %get3A_3561 = arith.constant 0 : index
    %get3A_3562 = arith.index_cast %mul3A_3560 : i32 to index
    %get3A_3563 = arith.constant 0 : index
    %get3A_3564 = vector.load %arg5[%get3A_3561, %get3A_3562, %get3A_3563] : memref<1x2048x64xbf16, #tpu.memory_space<vmem>>, vector<1x64x64xbf16>
    %get3A_3565 = vector.shape_cast %get3A_3564 : vector<1x64x64xbf16> to vector<64x64xbf16>
    %get3A_3566 = arith.constant 5 : index
    %get3A_3567 = arith.constant 3 : index
    %get3A_3568 = memref.load %arg1[%get3A_3566, %get3A_3567] : memref<30x8xi32, #tpu.memory_space<smem>>
    %mul3A_3569 = arith.constant 64 : i32
    %mul3A_3570 = arith.muli %get3A_3568, %mul3A_3569 : i32
    %get3A_3571 = arith.constant 0 : index
    %get3A_3572 = arith.index_cast %mul3A_3570 : i32 to index
    %get3A_3573 = arith.constant 0 : index
    %get3A_3574 = vector.load %arg5[%get3A_3571, %get3A_3572, %get3A_3573] : memref<1x2048x64xbf16, #tpu.memory_space<vmem>>, vector<1x64x64xbf16>
    %get3A_3575 = vector.shape_cast %get3A_3574 : vector<1x64x64xbf16> to vector<64x64xbf16>
    %get3A_3576 = arith.constant 5 : index
    %get3A_3577 = arith.constant 4 : index
    %get3A_3578 = memref.load %arg1[%get3A_3576, %get3A_3577] : memref<30x8xi32, #tpu.memory_space<smem>>
    %mul3A_3579 = arith.constant 64 : i32
    %mul3A_3580 = arith.muli %get3A_3578, %mul3A_3579 : i32
    %get3A_3581 = arith.constant 0 : index
    %get3A_3582 = arith.index_cast %mul3A_3580 : i32 to index
    %get3A_3583 = arith.constant 0 : index
    %get3A_3584 = vector.load %arg5[%get3A_3581, %get3A_3582, %get3A_3583] : memref<1x2048x64xbf16, #tpu.memory_space<vmem>>, vector<1x64x64xbf16>
    %get3A_3585 = vector.shape_cast %get3A_3584 : vector<1x64x64xbf16> to vector<64x64xbf16>
    %get3A_3586 = arith.constant 5 : index
    %get3A_3587 = arith.constant 5 : index
    %get3A_3588 = memref.load %arg1[%get3A_3586, %get3A_3587] : memref<30x8xi32, #tpu.memory_space<smem>>
    %mul3A_3589 = arith.constant 64 : i32
    %mul3A_3590 = arith.muli %get3A_3588, %mul3A_3589 : i32
    %get3A_3591 = arith.constant 0 : index
    %get3A_3592 = arith.index_cast %mul3A_3590 : i32 to index
    %get3A_3593 = arith.constant 0 : index
    %get3A_3594 = vector.load %arg5[%get3A_3591, %get3A_3592, %get3A_3593] : memref<1x2048x64xbf16, #tpu.memory_space<vmem>>, vector<1x64x64xbf16>
    %get3A_3595 = vector.shape_cast %get3A_3594 : vector<1x64x64xbf16> to vector<64x64xbf16>
    %get3A_3596 = arith.constant 5 : index
    %get3A_3597 = arith.constant 6 : index
    %get3A_3598 = memref.load %arg1[%get3A_3596, %get3A_3597] : memref<30x8xi32, #tpu.memory_space<smem>>
    %mul3A_3599 = arith.constant 64 : i32
    %mul3A_3600 = arith.muli %get3A_3598, %mul3A_3599 : i32
    %get3A_3601 = arith.constant 0 : index
    %get3A_3602 = arith.index_cast %mul3A_3600 : i32 to index
    %get3A_3603 = arith.constant 0 : index
    %get3A_3604 = vector.load %arg5[%get3A_3601, %get3A_3602, %get3A_3603] : memref<1x2048x64xbf16, #tpu.memory_space<vmem>>, vector<1x64x64xbf16>
    %get3A_3605 = vector.shape_cast %get3A_3604 : vector<1x64x64xbf16> to vector<64x64xbf16>
    %get3A_3606 = arith.constant 5 : index
    %get3A_3607 = arith.constant 7 : index
    %get3A_3608 = memref.load %arg1[%get3A_3606, %get3A_3607] : memref<30x8xi32, #tpu.memory_space<smem>>
    %mul3A_3609 = arith.constant 64 : i32
    %mul3A_3610 = arith.muli %get3A_3608, %mul3A_3609 : i32
    %get3A_3611 = arith.constant 0 : index
    %get3A_3612 = arith.index_cast %mul3A_3610 : i32 to index
    %get3A_3613 = arith.constant 0 : index
    %get3A_3614 = vector.load %arg5[%get3A_3611, %get3A_3612, %get3A_3613] : memref<1x2048x64xbf16, #tpu.memory_space<vmem>>, vector<1x64x64xbf16>
    %get3A_3615 = vector.shape_cast %get3A_3614 : vector<1x64x64xbf16> to vector<64x64xbf16>
    %concatenate3A_3616 = tpu.concatenate %get3A_3545, %get3A_3555, %get3A_3565, %get3A_3575, %get3A_3585, %get3A_3595, %get3A_3605, %get3A_3615 in 0 : vector<64x64xbf16>, vector<64x64xbf16>, vector<64x64xbf16>, vector<64x64xbf16>, vector<64x64xbf16>, vector<64x64xbf16>, vector<64x64xbf16>, vector<64x64xbf16> -> vector<512x64xbf16>
    %get3A_3617 = arith.constant 320 : index
    %get3A_3618 = arith.constant 0 : index
    %get3A_3619 = vector.load %arg8[%get3A_3617, %get3A_3618] : memref<1920x512xbf16, #tpu.memory_space<vmem>>, vector<64x512xbf16>
    %dot_general3A_3620 = arith.constant dense<0.000000e+00> : vector<64x64xf32>
    %dot_general3A_3621 = tpu.matmul %get3A_3619, %concatenate3A_3616, %dot_general3A_3620 {dimension_numbers = #tpu.dot_dimension_numbers<[1], [0], [0], [1], [0, 0, 1, 1], [], []>, transpose_lhs_hint = false} : vector<64x512xbf16>, vector<512x64xbf16>, vector<64x64xf32> -> vector<64x64xf32>
    %swap3A_3622 = arith.constant 0 : index
    %swap3A_3623 = arith.constant 384 : index
    %swap3A_3624 = arith.constant 0 : index
    %swap3A_3625 = vector.load %arg6[%swap3A_3622, %swap3A_3623, %swap3A_3624] : memref<1x2048x64xf32, #tpu.memory_space<vmem>>, vector<1x64x64xf32>
    %swap3A_3626 = vector.shape_cast %swap3A_3625 : vector<1x64x64xf32> to vector<64x64xf32>
    %swap3A_3627 = vector.shape_cast %dot_general3A_3621 : vector<64x64xf32> to vector<1x64x64xf32>
    tpu.vector_store %arg6[%swap3A_3622, %swap3A_3623, %swap3A_3624], %swap3A_3627 {strides = array<i32>} : memref<1x2048x64xf32, #tpu.memory_space<vmem>>, vector<1x64x64xf32>,
    %get3A_3628 = arith.constant 6 : index
    %get3A_3629 = arith.constant 0 : index
    %get3A_3630 = memref.load %arg1[%get3A_3628, %get3A_3629] : memref<30x8xi32, #tpu.memory_space<smem>>
    %mul3A_3631 = arith.constant 64 : i32
    %mul3A_3632 = arith.muli %get3A_3630, %mul3A_3631 : i32
    %get3A_3633 = arith.constant 0 : index
    %get3A_3634 = arith.index_cast %mul3A_3632 : i32 to index
    %get3A_3635 = arith.constant 0 : index
    %get3A_3636 = vector.load %arg5[%get3A_3633, %get3A_3634, %get3A_3635] : memref<1x2048x64xbf16, #tpu.memory_space<vmem>>, vector<1x64x64xbf16>
    %get3A_3637 = vector.shape_cast %get3A_3636 : vector<1x64x64xbf16> to vector<64x64xbf16>
    %get3A_3638 = arith.constant 6 : index
    %get3A_3639 = arith.constant 1 : index
    %get3A_3640 = memref.load %arg1[%get3A_3638, %get3A_3639] : memref<30x8xi32, #tpu.memory_space<smem>>
    %mul3A_3641 = arith.constant 64 : i32
    %mul3A_3642 = arith.muli %get3A_3640, %mul3A_3641 : i32
    %get3A_3643 = arith.constant 0 : index
    %get3A_3644 = arith.index_cast %mul3A_3642 : i32 to index
    %get3A_3645 = arith.constant 0 : index
    %get3A_3646 = vector.load %arg5[%get3A_3643, %get3A_3644, %get3A_3645] : memref<1x2048x64xbf16, #tpu.memory_space<vmem>>, vector<1x64x64xbf16>
    %get3A_3647 = vector.shape_cast %get3A_3646 : vector<1x64x64xbf16> to vector<64x64xbf16>
    %get3A_3648 = arith.constant 6 : index
    %get3A_3649 = arith.constant 2 : index
    %get3A_3650 = memref.load %arg1[%get3A_3648, %get3A_3649] : memref<30x8xi32, #tpu.memory_space<smem>>
    %mul3A_3651 = arith.constant 64 : i32
    %mul3A_3652 = arith.muli %get3A_3650, %mul3A_3651 : i32
    %get3A_3653 = arith.constant 0 : index
    %get3A_3654 = arith.index_cast %mul3A_3652 : i32 to index
    %get3A_3655 = arith.constant 0 : index
    %get3A_3656 = vector.load %arg5[%get3A_3653, %get3A_3654, %get3A_3655] : memref<1x2048x64xbf16, #tpu.memory_space<vmem>>, vector<1x64x64xbf16>
    %get3A_3657 = vector.shape_cast %get3A_3656 : vector<1x64x64xbf16> to vector<64x64xbf16>
    %get3A_3658 = arith.constant 6 : index
    %get3A_3659 = arith.constant 3 : index
    %get3A_3660 = memref.load %arg1[%get3A_3658, %get3A_3659] : memref<30x8xi32, #tpu.memory_space<smem>>
    %mul3A_3661 = arith.constant 64 : i32
    %mul3A_3662 = arith.muli %get3A_3660, %mul3A_3661 : i32
    %get3A_3663 = arith.constant 0 : index
    %get3A_3664 = arith.index_cast %mul3A_3662 : i32 to index
    %get3A_3665 = arith.constant 0 : index
    %get3A_3666 = vector.load %arg5[%get3A_3663, %get3A_3664, %get3A_3665] : memref<1x2048x64xbf16, #tpu.memory_space<vmem>>, vector<1x64x64xbf16>
    %get3A_3667 = vector.shape_cast %get3A_3666 : vector<1x64x64xbf16> to vector<64x64xbf16>
    %get3A_3668 = arith.constant 6 : index
    %get3A_3669 = arith.constant 4 : index
    %get3A_3670 = memref.load %arg1[%get3A_3668, %get3A_3669] : memref<30x8xi32, #tpu.memory_space<smem>>
    %mul3A_3671 = arith.constant 64 : i32
    %mul3A_3672 = arith.muli %get3A_3670, %mul3A_3671 : i32
    %get3A_3673 = arith.constant 0 : index
    %get3A_3674 = arith.index_cast %mul3A_3672 : i32 to index
    %get3A_3675 = arith.constant 0 : index
    %get3A_3676 = vector.load %arg5[%get3A_3673, %get3A_3674, %get3A_3675] : memref<1x2048x64xbf16, #tpu.memory_space<vmem>>, vector<1x64x64xbf16>
    %get3A_3677 = vector.shape_cast %get3A_3676 : vector<1x64x64xbf16> to vector<64x64xbf16>
    %get3A_3678 = arith.constant 6 : index
    %get3A_3679 = arith.constant 5 : index
    %get3A_3680 = memref.load %arg1[%get3A_3678, %get3A_3679] : memref<30x8xi32, #tpu.memory_space<smem>>
    %mul3A_3681 = arith.constant 64 : i32
    %mul3A_3682 = arith.muli %get3A_3680, %mul3A_3681 : i32
    %get3A_3683 = arith.constant 0 : index
    %get3A_3684 = arith.index_cast %mul3A_3682 : i32 to index
    %get3A_3685 = arith.constant 0 : index
    %get3A_3686 = vector.load %arg5[%get3A_3683, %get3A_3684, %get3A_3685] : memref<1x2048x64xbf16, #tpu.memory_space<vmem>>, vector<1x64x64xbf16>
    %get3A_3687 = vector.shape_cast %get3A_3686 : vector<1x64x64xbf16> to vector<64x64xbf16>
    %get3A_3688 = arith.constant 6 : index
    %get3A_3689 = arith.constant 6 : index
    %get3A_3690 = memref.load %arg1[%get3A_3688, %get3A_3689] : memref<30x8xi32, #tpu.memory_space<smem>>
    %mul3A_3691 = arith.constant 64 : i32
    %mul3A_3692 = arith.muli %get3A_3690, %mul3A_3691 : i32
    %get3A_3693 = arith.constant 0 : index
    %get3A_3694 = arith.index_cast %mul3A_3692 : i32 to index
    %get3A_3695 = arith.constant 0 : index
    %get3A_3696 = vector.load %arg5[%get3A_3693, %get3A_3694, %get3A_3695] : memref<1x2048x64xbf16, #tpu.memory_space<vmem>>, vector<1x64x64xbf16>
    %get3A_3697 = vector.shape_cast %get3A_3696 : vector<1x64x64xbf16> to vector<64x64xbf16>
    %get3A_3698 = arith.constant 6 : index
    %get3A_3699 = arith.constant 7 : index
    %get3A_3700 = memref.load %arg1[%get3A_3698, %get3A_3699] : memref<30x8xi32, #tpu.memory_space<smem>>
    %mul3A_3701 = arith.constant 64 : i32
    %mul3A_3702 = arith.muli %get3A_3700, %mul3A_3701 : i32
    %get3A_3703 = arith.constant 0 : index
    %get3A_3704 = arith.index_cast %mul3A_3702 : i32 to index
    %get3A_3705 = arith.constant 0 : index
    %get3A_3706 = vector.load %arg5[%get3A_3703, %get3A_3704, %get3A_3705] : memref<1x2048x64xbf16, #tpu.memory_space<vmem>>, vector<1x64x64xbf16>
    %get3A_3707 = vector.shape_cast %get3A_3706 : vector<1x64x64xbf16> to vector<64x64xbf16>
    %concatenate3A_3708 = tpu.concatenate %get3A_3637, %get3A_3647, %get3A_3657, %get3A_3667, %get3A_3677, %get3A_3687, %get3A_3697, %get3A_3707 in 0 : vector<64x64xbf16>, vector<64x64xbf16>, vector<64x64xbf16>, vector<64x64xbf16>, vector<64x64xbf16>, vector<64x64xbf16>, vector<64x64xbf16>, vector<64x64xbf16> -> vector<512x64xbf16>
    %get3A_3709 = arith.constant 384 : index
    %get3A_3710 = arith.constant 0 : index
    %get3A_3711 = vector.load %arg8[%get3A_3709, %get3A_3710] : memref<1920x512xbf16, #tpu.memory_space<vmem>>, vector<64x512xbf16>
    %dot_general3A_3712 = arith.constant dense<0.000000e+00> : vector<64x64xf32>
    %dot_general3A_3713 = tpu.matmul %get3A_3711, %concatenate3A_3708, %dot_general3A_3712 {dimension_numbers = #tpu.dot_dimension_numbers<[1], [0], [0], [1], [0, 0, 1, 1], [], []>, transpose_lhs_hint = false} : vector<64x512xbf16>, vector<512x64xbf16>, vector<64x64xf32> -> vector<64x64xf32>
    %swap3A_3714 = arith.constant 0 : index
    %swap3A_3715 = arith.constant 448 : index
    %swap3A_3716 = arith.constant 0 : index
    %swap3A_3717 = vector.load %arg6[%swap3A_3714, %swap3A_3715, %swap3A_3716] : memref<1x2048x64xf32, #tpu.memory_space<vmem>>, vector<1x64x64xf32>
    %swap3A_3718 = vector.shape_cast %swap3A_3717 : vector<1x64x64xf32> to vector<64x64xf32>
    %swap3A_3719 = vector.shape_cast %dot_general3A_3713 : vector<64x64xf32> to vector<1x64x64xf32>
    tpu.vector_store %arg6[%swap3A_3714, %swap3A_3715, %swap3A_3716], %swap3A_3719 {strides = array<i32>} : memref<1x2048x64xf32, #tpu.memory_space<vmem>>, vector<1x64x64xf32>,
    %get3A_3720 = arith.constant 7 : index
    %get3A_3721 = arith.constant 0 : index
    %get3A_3722 = memref.load %arg1[%get3A_3720, %get3A_3721] : memref<30x8xi32, #tpu.memory_space<smem>>
    %mul3A_3723 = arith.constant 64 : i32
    %mul3A_3724 = arith.muli %get3A_3722, %mul3A_3723 : i32
    %get3A_3725 = arith.constant 0 : index
    %get3A_3726 = arith.index_cast %mul3A_3724 : i32 to index
    %get3A_3727 = arith.constant 0 : index
    %get3A_3728 = vector.load %arg5[%get3A_3725, %get3A_3726, %get3A_3727] : memref<1x2048x64xbf16, #tpu.memory_space<vmem>>, vector<1x64x64xbf16>
    %get3A_3729 = vector.shape_cast %get3A_3728 : vector<1x64x64xbf16> to vector<64x64xbf16>
    %get3A_3730 = arith.constant 7 : index
    %get3A_3731 = arith.constant 1 : index
    %get3A_3732 = memref.load %arg1[%get3A_3730, %get3A_3731] : memref<30x8xi32, #tpu.memory_space<smem>>
    %mul3A_3733 = arith.constant 64 : i32
    %mul3A_3734 = arith.muli %get3A_3732, %mul3A_3733 : i32
    %get3A_3735 = arith.constant 0 : index
    %get3A_3736 = arith.index_cast %mul3A_3734 : i32 to index
    %get3A_3737 = arith.constant 0 : index
    %get3A_3738 = vector.load %arg5[%get3A_3735, %get3A_3736, %get3A_3737] : memref<1x2048x64xbf16, #tpu.memory_space<vmem>>, vector<1x64x64xbf16>
    %get3A_3739 = vector.shape_cast %get3A_3738 : vector<1x64x64xbf16> to vector<64x64xbf16>
    %get3A_3740 = arith.constant 7 : index
    %get3A_3741 = arith.constant 2 : index
    %get3A_3742 = memref.load %arg1[%get3A_3740, %get3A_3741] : memref<30x8xi32, #tpu.memory_space<smem>>
    %mul3A_3743 = arith.constant 64 : i32
    %mul3A_3744 = arith.muli %get3A_3742, %mul3A_3743 : i32
    %get3A_3745 = arith.constant 0 : index
    %get3A_3746 = arith.index_cast %mul3A_3744 : i32 to index
    %get3A_3747 = arith.constant 0 : index
    %get3A_3748 = vector.load %arg5[%get3A_3745, %get3A_3746, %get3A_3747] : memref<1x2048x64xbf16, #tpu.memory_space<vmem>>, vector<1x64x64xbf16>
    %get3A_3749 = vector.shape_cast %get3A_3748 : vector<1x64x64xbf16> to vector<64x64xbf16>
    %get3A_3750 = arith.constant 7 : index
    %get3A_3751 = arith.constant 3 : index
    %get3A_3752 = memref.load %arg1[%get3A_3750, %get3A_3751] : memref<30x8xi32, #tpu.memory_space<smem>>
    %mul3A_3753 = arith.constant 64 : i32
    %mul3A_3754 = arith.muli %get3A_3752, %mul3A_3753 : i32
    %get3A_3755 = arith.constant 0 : index
    %get3A_3756 = arith.index_cast %mul3A_3754 : i32 to index
    %get3A_3757 = arith.constant 0 : index
    %get3A_3758 = vector.load %arg5[%get3A_3755, %get3A_3756, %get3A_3757] : memref<1x2048x64xbf16, #tpu.memory_space<vmem>>, vector<1x64x64xbf16>
    %get3A_3759 = vector.shape_cast %get3A_3758 : vector<1x64x64xbf16> to vector<64x64xbf16>
    %get3A_3760 = arith.constant 7 : index
    %get3A_3761 = arith.constant 4 : index
    %get3A_3762 = memref.load %arg1[%get3A_3760, %get3A_3761] : memref<30x8xi32, #tpu.memory_space<smem>>
    %mul3A_3763 = arith.constant 64 : i32
    %mul3A_3764 = arith.muli %get3A_3762, %mul3A_3763 : i32
    %get3A_3765 = arith.constant 0 : index
    %get3A_3766 = arith.index_cast %mul3A_3764 : i32 to index
    %get3A_3767 = arith.constant 0 : index
    %get3A_3768 = vector.load %arg5[%get3A_3765, %get3A_3766, %get3A_3767] : memref<1x2048x64xbf16, #tpu.memory_space<vmem>>, vector<1x64x64xbf16>
    %get3A_3769 = vector.shape_cast %get3A_3768 : vector<1x64x64xbf16> to vector<64x64xbf16>
    %get3A_3770 = arith.constant 7 : index
    %get3A_3771 = arith.constant 5 : index
    %get3A_3772 = memref.load %arg1[%get3A_3770, %get3A_3771] : memref<30x8xi32, #tpu.memory_space<smem>>
    %mul3A_3773 = arith.constant 64 : i32
    %mul3A_3774 = arith.muli %get3A_3772, %mul3A_3773 : i32
    %get3A_3775 = arith.constant 0 : index
    %get3A_3776 = arith.index_cast %mul3A_3774 : i32 to index
    %get3A_3777 = arith.constant 0 : index
    %get3A_3778 = vector.load %arg5[%get3A_3775, %get3A_3776, %get3A_3777] : memref<1x2048x64xbf16, #tpu.memory_space<vmem>>, vector<1x64x64xbf16>
    %get3A_3779 = vector.shape_cast %get3A_3778 : vector<1x64x64xbf16> to vector<64x64xbf16>
    %get3A_3780 = arith.constant 7 : index
    %get3A_3781 = arith.constant 6 : index
    %get3A_3782 = memref.load %arg1[%get3A_3780, %get3A_3781] : memref<30x8xi32, #tpu.memory_space<smem>>
    %mul3A_3783 = arith.constant 64 : i32
    %mul3A_3784 = arith.muli %get3A_3782, %mul3A_3783 : i32
    %get3A_3785 = arith.constant 0 : index
    %get3A_3786 = arith.index_cast %mul3A_3784 : i32 to index
    %get3A_3787 = arith.constant 0 : index
    %get3A_3788 = vector.load %arg5[%get3A_3785, %get3A_3786, %get3A_3787] : memref<1x2048x64xbf16, #tpu.memory_space<vmem>>, vector<1x64x64xbf16>
    %get3A_3789 = vector.shape_cast %get3A_3788 : vector<1x64x64xbf16> to vector<64x64xbf16>
    %get3A_3790 = arith.constant 7 : index
    %get3A_3791 = arith.constant 7 : index
    %get3A_3792 = memref.load %arg1[%get3A_3790, %get3A_3791] : memref<30x8xi32, #tpu.memory_space<smem>>
    %mul3A_3793 = arith.constant 64 : i32
    %mul3A_3794 = arith.muli %get3A_3792, %mul3A_3793 : i32
    %get3A_3795 = arith.constant 0 : index
    %get3A_3796 = arith.index_cast %mul3A_3794 : i32 to index
    %get3A_3797 = arith.constant 0 : index
    %get3A_3798 = vector.load %arg5[%get3A_3795, %get3A_3796, %get3A_3797] : memref<1x2048x64xbf16, #tpu.memory_space<vmem>>, vector<1x64x64xbf16>
    %get3A_3799 = vector.shape_cast %get3A_3798 : vector<1x64x64xbf16> to vector<64x64xbf16>
    %concatenate3A_3800 = tpu.concatenate %get3A_3729, %get3A_3739, %get3A_3749, %get3A_3759, %get3A_3769, %get3A_3779, %get3A_3789, %get3A_3799 in 0 : vector<64x64xbf16>, vector<64x64xbf16>, vector<64x64xbf16>, vector<64x64xbf16>, vector<64x64xbf16>, vector<64x64xbf16>, vector<64x64xbf16>, vector<64x64xbf16> -> vector<512x64xbf16>
    %get3A_3801 = arith.constant 448 : index
    %get3A_3802 = arith.constant 0 : index
    %get3A_3803 = vector.load %arg8[%get3A_3801, %get3A_3802] : memref<1920x512xbf16, #tpu.memory_space<vmem>>, vector<64x512xbf16>
    %dot_general3A_3804 = arith.constant dense<0.000000e+00> : vector<64x64xf32>
    %dot_general3A_3805 = tpu.matmul %get3A_3803, %concatenate3A_3800, %dot_general3A_3804 {dimension_numbers = #tpu.dot_dimension_numbers<[1], [0], [0], [1], [0, 0, 1, 1], [], []>, transpose_lhs_hint = false} : vector<64x512xbf16>, vector<512x64xbf16>, vector<64x64xf32> -> vector<64x64xf32>
    %swap3A_3806 = arith.constant 0 : index
    %swap3A_3807 = arith.constant 512 : index
    %swap3A_3808 = arith.constant 0 : index
    %swap3A_3809 = vector.load %arg6[%swap3A_3806, %swap3A_3807, %swap3A_3808] : memref<1x2048x64xf32, #tpu.memory_space<vmem>>, vector<1x64x64xf32>
    %swap3A_3810 = vector.shape_cast %swap3A_3809 : vector<1x64x64xf32> to vector<64x64xf32>
    %swap3A_3811 = vector.shape_cast %dot_general3A_3805 : vector<64x64xf32> to vector<1x64x64xf32>
    tpu.vector_store %arg6[%swap3A_3806, %swap3A_3807, %swap3A_3808], %swap3A_3811 {strides = array<i32>} : memref<1x2048x64xf32, #tpu.memory_space<vmem>>, vector<1x64x64xf32>,
    %get3A_3812 = arith.constant 8 : index
    %get3A_3813 = arith.constant 0 : index
    %get3A_3814 = memref.load %arg1[%get3A_3812, %get3A_3813] : memref<30x8xi32, #tpu.memory_space<smem>>
    %mul3A_3815 = arith.constant 64 : i32
    %mul3A_3816 = arith.muli %get3A_3814, %mul3A_3815 : i32
    %get3A_3817 = arith.constant 0 : index
    %get3A_3818 = arith.index_cast %mul3A_3816 : i32 to index
    %get3A_3819 = arith.constant 0 : index
    %get3A_3820 = vector.load %arg5[%get3A_3817, %get3A_3818, %get3A_3819] : memref<1x2048x64xbf16, #tpu.memory_space<vmem>>, vector<1x64x64xbf16>
    %get3A_3821 = vector.shape_cast %get3A_3820 : vector<1x64x64xbf16> to vector<64x64xbf16>
    %get3A_3822 = arith.constant 8 : index
    %get3A_3823 = arith.constant 1 : index
    %get3A_3824 = memref.load %arg1[%get3A_3822, %get3A_3823] : memref<30x8xi32, #tpu.memory_space<smem>>
    %mul3A_3825 = arith.constant 64 : i32
    %mul3A_3826 = arith.muli %get3A_3824, %mul3A_3825 : i32
    %get3A_3827 = arith.constant 0 : index
    %get3A_3828 = arith.index_cast %mul3A_3826 : i32 to index
    %get3A_3829 = arith.constant 0 : index
    %get3A_3830 = vector.load %arg5[%get3A_3827, %get3A_3828, %get3A_3829] : memref<1x2048x64xbf16, #tpu.memory_space<vmem>>, vector<1x64x64xbf16>
    %get3A_3831 = vector.shape_cast %get3A_3830 : vector<1x64x64xbf16> to vector<64x64xbf16>
    %get3A_3832 = arith.constant 8 : index
    %get3A_3833 = arith.constant 2 : index
    %get3A_3834 = memref.load %arg1[%get3A_3832, %get3A_3833] : memref<30x8xi32, #tpu.memory_space<smem>>
    %mul3A_3835 = arith.constant 64 : i32
    %mul3A_3836 = arith.muli %get3A_3834, %mul3A_3835 : i32
    %get3A_3837 = arith.constant 0 : index
    %get3A_3838 = arith.index_cast %mul3A_3836 : i32 to index
    %get3A_3839 = arith.constant 0 : index
    %get3A_3840 = vector.load %arg5[%get3A_3837, %get3A_3838, %get3A_3839] : memref<1x2048x64xbf16, #tpu.memory_space<vmem>>, vector<1x64x64xbf16>
    %get3A_3841 = vector.shape_cast %get3A_3840 : vector<1x64x64xbf16> to vector<64x64xbf16>
    %get3A_3842 = arith.constant 8 : index
    %get3A_3843 = arith.constant 3 : index
    %get3A_3844 = memref.load %arg1[%get3A_3842, %get3A_3843] : memref<30x8xi32, #tpu.memory_space<smem>>
    %mul3A_3845 = arith.constant 64 : i32
    %mul3A_3846 = arith.muli %get3A_3844, %mul3A_3845 : i32
    %get3A_3847 = arith.constant 0 : index
    %get3A_3848 = arith.index_cast %mul3A_3846 : i32 to index
    %get3A_3849 = arith.constant 0 : index
    %get3A_3850 = vector.load %arg5[%get3A_3847, %get3A_3848, %get3A_3849] : memref<1x2048x64xbf16, #tpu.memory_space<vmem>>, vector<1x64x64xbf16>
    %get3A_3851 = vector.shape_cast %get3A_3850 : vector<1x64x64xbf16> to vector<64x64xbf16>
    %get3A_3852 = arith.constant 8 : index
    %get3A_3853 = arith.constant 4 : index
    %get3A_3854 = memref.load %arg1[%get3A_3852, %get3A_3853] : memref<30x8xi32, #tpu.memory_space<smem>>
    %mul3A_3855 = arith.constant 64 : i32
    %mul3A_3856 = arith.muli %get3A_3854, %mul3A_3855 : i32
    %get3A_3857 = arith.constant 0 : index
    %get3A_3858 = arith.index_cast %mul3A_3856 : i32 to index
    %get3A_3859 = arith.constant 0 : index
    %get3A_3860 = vector.load %arg5[%get3A_3857, %get3A_3858, %get3A_3859] : memref<1x2048x64xbf16, #tpu.memory_space<vmem>>, vector<1x64x64xbf16>
    %get3A_3861 = vector.shape_cast %get3A_3860 : vector<1x64x64xbf16> to vector<64x64xbf16>
    %get3A_3862 = arith.constant 8 : index
    %get3A_3863 = arith.constant 5 : index
    %get3A_3864 = memref.load %arg1[%get3A_3862, %get3A_3863] : memref<30x8xi32, #tpu.memory_space<smem>>
    %mul3A_3865 = arith.constant 64 : i32
    %mul3A_3866 = arith.muli %get3A_3864, %mul3A_3865 : i32
    %get3A_3867 = arith.constant 0 : index
    %get3A_3868 = arith.index_cast %mul3A_3866 : i32 to index
    %get3A_3869 = arith.constant 0 : index
    %get3A_3870 = vector.load %arg5[%get3A_3867, %get3A_3868, %get3A_3869] : memref<1x2048x64xbf16, #tpu.memory_space<vmem>>, vector<1x64x64xbf16>
    %get3A_3871 = vector.shape_cast %get3A_3870 : vector<1x64x64xbf16> to vector<64x64xbf16>
    %get3A_3872 = arith.constant 8 : index
    %get3A_3873 = arith.constant 6 : index
    %get3A_3874 = memref.load %arg1[%get3A_3872, %get3A_3873] : memref<30x8xi32, #tpu.memory_space<smem>>
    %mul3A_3875 = arith.constant 64 : i32
    %mul3A_3876 = arith.muli %get3A_3874, %mul3A_3875 : i32
    %get3A_3877 = arith.constant 0 : index
    %get3A_3878 = arith.index_cast %mul3A_3876 : i32 to index
    %get3A_3879 = arith.constant 0 : index
    %get3A_3880 = vector.load %arg5[%get3A_3877, %get3A_3878, %get3A_3879] : memref<1x2048x64xbf16, #tpu.memory_space<vmem>>, vector<1x64x64xbf16>
    %get3A_3881 = vector.shape_cast %get3A_3880 : vector<1x64x64xbf16> to vector<64x64xbf16>
    %get3A_3882 = arith.constant 8 : index
    %get3A_3883 = arith.constant 7 : index
    %get3A_3884 = memref.load %arg1[%get3A_3882, %get3A_3883] : memref<30x8xi32, #tpu.memory_space<smem>>
    %mul3A_3885 = arith.constant 64 : i32
    %mul3A_3886 = arith.muli %get3A_3884, %mul3A_3885 : i32
    %get3A_3887 = arith.constant 0 : index
    %get3A_3888 = arith.index_cast %mul3A_3886 : i32 to index
    %get3A_3889 = arith.constant 0 : index
    %get3A_3890 = vector.load %arg5[%get3A_3887, %get3A_3888, %get3A_3889] : memref<1x2048x64xbf16, #tpu.memory_space<vmem>>, vector<1x64x64xbf16>
    %get3A_3891 = vector.shape_cast %get3A_3890 : vector<1x64x64xbf16> to vector<64x64xbf16>
    %concatenate3A_3892 = tpu.concatenate %get3A_3821, %get3A_3831, %get3A_3841, %get3A_3851, %get3A_3861, %get3A_3871, %get3A_3881, %get3A_3891 in 0 : vector<64x64xbf16>, vector<64x64xbf16>, vector<64x64xbf16>, vector<64x64xbf16>, vector<64x64xbf16>, vector<64x64xbf16>, vector<64x64xbf16>, vector<64x64xbf16> -> vector<512x64xbf16>
    %get3A_3893 = arith.constant 512 : index
    %get3A_3894 = arith.constant 0 : index
    %get3A_3895 = vector.load %arg8[%get3A_3893, %get3A_3894] : memref<1920x512xbf16, #tpu.memory_space<vmem>>, vector<64x512xbf16>
    %dot_general3A_3896 = arith.constant dense<0.000000e+00> : vector<64x64xf32>
    %dot_general3A_3897 = tpu.matmul %get3A_3895, %concatenate3A_3892, %dot_general3A_3896 {dimension_numbers = #tpu.dot_dimension_numbers<[1], [0], [0], [1], [0, 0, 1, 1], [], []>, transpose_lhs_hint = false} : vector<64x512xbf16>, vector<512x64xbf16>, vector<64x64xf32> -> vector<64x64xf32>
    %swap3A_3898 = arith.constant 0 : index
    %swap3A_3899 = arith.constant 576 : index
    %swap3A_3900 = arith.constant 0 : index
    %swap3A_3901 = vector.load %arg6[%swap3A_3898, %swap3A_3899, %swap3A_3900] : memref<1x2048x64xf32, #tpu.memory_space<vmem>>, vector<1x64x64xf32>
    %swap3A_3902 = vector.shape_cast %swap3A_3901 : vector<1x64x64xf32> to vector<64x64xf32>
    %swap3A_3903 = vector.shape_cast %dot_general3A_3897 : vector<64x64xf32> to vector<1x64x64xf32>
    tpu.vector_store %arg6[%swap3A_3898, %swap3A_3899, %swap3A_3900], %swap3A_3903 {strides = array<i32>} : memref<1x2048x64xf32, #tpu.memory_space<vmem>>, vector<1x64x64xf32>,
    %get3A_3904 = arith.constant 9 : index
    %get3A_3905 = arith.constant 0 : index
    %get3A_3906 = memref.load %arg1[%get3A_3904, %get3A_3905] : memref<30x8xi32, #tpu.memory_space<smem>>
    %mul3A_3907 = arith.constant 64 : i32
    %mul3A_3908 = arith.muli %get3A_3906, %mul3A_3907 : i32
    %get3A_3909 = arith.constant 0 : index
    %get3A_3910 = arith.index_cast %mul3A_3908 : i32 to index
    %get3A_3911 = arith.constant 0 : index
    %get3A_3912 = vector.load %arg5[%get3A_3909, %get3A_3910, %get3A_3911] : memref<1x2048x64xbf16, #tpu.memory_space<vmem>>, vector<1x64x64xbf16>
    %get3A_3913 = vector.shape_cast %get3A_3912 : vector<1x64x64xbf16> to vector<64x64xbf16>
    %get3A_3914 = arith.constant 9 : index
    %get3A_3915 = arith.constant 1 : index
    %get3A_3916 = memref.load %arg1[%get3A_3914, %get3A_3915] : memref<30x8xi32, #tpu.memory_space<smem>>
    %mul3A_3917 = arith.constant 64 : i32
    %mul3A_3918 = arith.muli %get3A_3916, %mul3A_3917 : i32
    %get3A_3919 = arith.constant 0 : index
    %get3A_3920 = arith.index_cast %mul3A_3918 : i32 to index
    %get3A_3921 = arith.constant 0 : index
    %get3A_3922 = vector.load %arg5[%get3A_3919, %get3A_3920, %get3A_3921] : memref<1x2048x64xbf16, #tpu.memory_space<vmem>>, vector<1x64x64xbf16>
    %get3A_3923 = vector.shape_cast %get3A_3922 : vector<1x64x64xbf16> to vector<64x64xbf16>
    %get3A_3924 = arith.constant 9 : index
    %get3A_3925 = arith.constant 2 : index
    %get3A_3926 = memref.load %arg1[%get3A_3924, %get3A_3925] : memref<30x8xi32, #tpu.memory_space<smem>>
    %mul3A_3927 = arith.constant 64 : i32
    %mul3A_3928 = arith.muli %get3A_3926, %mul3A_3927 : i32
    %get3A_3929 = arith.constant 0 : index
    %get3A_3930 = arith.index_cast %mul3A_3928 : i32 to index
    %get3A_3931 = arith.constant 0 : index
    %get3A_3932 = vector.load %arg5[%get3A_3929, %get3A_3930, %get3A_3931] : memref<1x2048x64xbf16, #tpu.memory_space<vmem>>, vector<1x64x64xbf16>
    %get3A_3933 = vector.shape_cast %get3A_3932 : vector<1x64x64xbf16> to vector<64x64xbf16>
    %get3A_3934 = arith.constant 9 : index
    %get3A_3935 = arith.constant 3 : index
    %get3A_3936 = memref.load %arg1[%get3A_3934, %get3A_3935] : memref<30x8xi32, #tpu.memory_space<smem>>
    %mul3A_3937 = arith.constant 64 : i32
    %mul3A_3938 = arith.muli %get3A_3936, %mul3A_3937 : i32
    %get3A_3939 = arith.constant 0 : index
    %get3A_3940 = arith.index_cast %mul3A_3938 : i32 to index
    %get3A_3941 = arith.constant 0 : index
    %get3A_3942 = vector.load %arg5[%get3A_3939, %get3A_3940, %get3A_3941] : memref<1x2048x64xbf16, #tpu.memory_space<vmem>>, vector<1x64x64xbf16>
    %get3A_3943 = vector.shape_cast %get3A_3942 : vector<1x64x64xbf16> to vector<64x64xbf16>
    %get3A_3944 = arith.constant 9 : index
    %get3A_3945 = arith.constant 4 : index
    %get3A_3946 = memref.load %arg1[%get3A_3944, %get3A_3945] : memref<30x8xi32, #tpu.memory_space<smem>>
    %mul3A_3947 = arith.constant 64 : i32
    %mul3A_3948 = arith.muli %get3A_3946, %mul3A_3947 : i32
    %get3A_3949 = arith.constant 0 : index
    %get3A_3950 = arith.index_cast %mul3A_3948 : i32 to index
    %get3A_3951 = arith.constant 0 : index
    %get3A_3952 = vector.load %arg5[%get3A_3949, %get3A_3950, %get3A_3951] : memref<1x2048x64xbf16, #tpu.memory_space<vmem>>, vector<1x64x64xbf16>
    %get3A_3953 = vector.shape_cast %get3A_3952 : vector<1x64x64xbf16> to vector<64x64xbf16>
    %get3A_3954 = arith.constant 9 : index
    %get3A_3955 = arith.constant 5 : index
    %get3A_3956 = memref.load %arg1[%get3A_3954, %get3A_3955] : memref<30x8xi32, #tpu.memory_space<smem>>
    %mul3A_3957 = arith.constant 64 : i32
    %mul3A_3958 = arith.muli %get3A_3956, %mul3A_3957 : i32
    %get3A_3959 = arith.constant 0 : index
    %get3A_3960 = arith.index_cast %mul3A_3958 : i32 to index
    %get3A_3961 = arith.constant 0 : index
    %get3A_3962 = vector.load %arg5[%get3A_3959, %get3A_3960, %get3A_3961] : memref<1x2048x64xbf16, #tpu.memory_space<vmem>>, vector<1x64x64xbf16>
    %get3A_3963 = vector.shape_cast %get3A_3962 : vector<1x64x64xbf16> to vector<64x64xbf16>
    %get3A_3964 = arith.constant 9 : index
    %get3A_3965 = arith.constant 6 : index
    %get3A_3966 = memref.load %arg1[%get3A_3964, %get3A_3965] : memref<30x8xi32, #tpu.memory_space<smem>>
    %mul3A_3967 = arith.constant 64 : i32
    %mul3A_3968 = arith.muli %get3A_3966, %mul3A_3967 : i32
    %get3A_3969 = arith.constant 0 : index
    %get3A_3970 = arith.index_cast %mul3A_3968 : i32 to index
    %get3A_3971 = arith.constant 0 : index
    %get3A_3972 = vector.load %arg5[%get3A_3969, %get3A_3970, %get3A_3971] : memref<1x2048x64xbf16, #tpu.memory_space<vmem>>, vector<1x64x64xbf16>
    %get3A_3973 = vector.shape_cast %get3A_3972 : vector<1x64x64xbf16> to vector<64x64xbf16>
    %get3A_3974 = arith.constant 9 : index
    %get3A_3975 = arith.constant 7 : index
    %get3A_3976 = memref.load %arg1[%get3A_3974, %get3A_3975] : memref<30x8xi32, #tpu.memory_space<smem>>
    %mul3A_3977 = arith.constant 64 : i32
    %mul3A_3978 = arith.muli %get3A_3976, %mul3A_3977 : i32
    %get3A_3979 = arith.constant 0 : index
    %get3A_3980 = arith.index_cast %mul3A_3978 : i32 to index
    %get3A_3981 = arith.constant 0 : index
    %get3A_3982 = vector.load %arg5[%get3A_3979, %get3A_3980, %get3A_3981] : memref<1x2048x64xbf16, #tpu.memory_space<vmem>>, vector<1x64x64xbf16>
    %get3A_3983 = vector.shape_cast %get3A_3982 : vector<1x64x64xbf16> to vector<64x64xbf16>
    %concatenate3A_3984 = tpu.concatenate %get3A_3913, %get3A_3923, %get3A_3933, %get3A_3943, %get3A_3953, %get3A_3963, %get3A_3973, %get3A_3983 in 0 : vector<64x64xbf16>, vector<64x64xbf16>, vector<64x64xbf16>, vector<64x64xbf16>, vector<64x64xbf16>, vector<64x64xbf16>, vector<64x64xbf16>, vector<64x64xbf16> -> vector<512x64xbf16>
    %get3A_3985 = arith.constant 576 : index
    %get3A_3986 = arith.constant 0 : index
    %get3A_3987 = vector.load %arg8[%get3A_3985, %get3A_3986] : memref<1920x512xbf16, #tpu.memory_space<vmem>>, vector<64x512xbf16>
    %dot_general3A_3988 = arith.constant dense<0.000000e+00> : vector<64x64xf32>
    %dot_general3A_3989 = tpu.matmul %get3A_3987, %concatenate3A_3984, %dot_general3A_3988 {dimension_numbers = #tpu.dot_dimension_numbers<[1], [0], [0], [1], [0, 0, 1, 1], [], []>, transpose_lhs_hint = false} : vector<64x512xbf16>, vector<512x64xbf16>, vector<64x64xf32> -> vector<64x64xf32>
    %swap3A_3990 = arith.constant 0 : index
    %swap3A_3991 = arith.constant 640 : index
    %swap3A_3992 = arith.constant 0 : index
    %swap3A_3993 = vector.load %arg6[%swap3A_3990, %swap3A_3991, %swap3A_3992] : memref<1x2048x64xf32, #tpu.memory_space<vmem>>, vector<1x64x64xf32>
    %swap3A_3994 = vector.shape_cast %swap3A_3993 : vector<1x64x64xf32> to vector<64x64xf32>
    %swap3A_3995 = vector.shape_cast %dot_general3A_3989 : vector<64x64xf32> to vector<1x64x64xf32>
    tpu.vector_store %arg6[%swap3A_3990, %swap3A_3991, %swap3A_3992], %swap3A_3995 {strides = array<i32>} : memref<1x2048x64xf32, #tpu.memory_space<vmem>>, vector<1x64x64xf32>,
    %get3A_3996 = arith.constant 10 : index
    %get3A_3997 = arith.constant 0 : index
    %get3A_3998 = memref.load %arg1[%get3A_3996, %get3A_3997] : memref<30x8xi32, #tpu.memory_space<smem>>
    %mul3A_3999 = arith.constant 64 : i32
    %mul3A_4000 = arith.muli %get3A_3998, %mul3A_3999 : i32
    %get3A_4001 = arith.constant 0 : index
    %get3A_4002 = arith.index_cast %mul3A_4000 : i32 to index
    %get3A_4003 = arith.constant 0 : index
    %get3A_4004 = vector.load %arg5[%get3A_4001, %get3A_4002, %get3A_4003] : memref<1x2048x64xbf16, #tpu.memory_space<vmem>>, vector<1x64x64xbf16>
    %get3A_4005 = vector.shape_cast %get3A_4004 : vector<1x64x64xbf16> to vector<64x64xbf16>
    %get3A_4006 = arith.constant 10 : index
    %get3A_4007 = arith.constant 1 : index
    %get3A_4008 = memref.load %arg1[%get3A_4006, %get3A_4007] : memref<30x8xi32, #tpu.memory_space<smem>>
    %mul3A_4009 = arith.constant 64 : i32
    %mul3A_4010 = arith.muli %get3A_4008, %mul3A_4009 : i32
    %get3A_4011 = arith.constant 0 : index
    %get3A_4012 = arith.index_cast %mul3A_4010 : i32 to index
    %get3A_4013 = arith.constant 0 : index
    %get3A_4014 = vector.load %arg5[%get3A_4011, %get3A_4012, %get3A_4013] : memref<1x2048x64xbf16, #tpu.memory_space<vmem>>, vector<1x64x64xbf16>
    %get3A_4015 = vector.shape_cast %get3A_4014 : vector<1x64x64xbf16> to vector<64x64xbf16>
    %get3A_4016 = arith.constant 10 : index
    %get3A_4017 = arith.constant 2 : index
    %get3A_4018 = memref.load %arg1[%get3A_4016, %get3A_4017] : memref<30x8xi32, #tpu.memory_space<smem>>
    %mul3A_4019 = arith.constant 64 : i32
    %mul3A_4020 = arith.muli %get3A_4018, %mul3A_4019 : i32
    %get3A_4021 = arith.constant 0 : index
    %get3A_4022 = arith.index_cast %mul3A_4020 : i32 to index
    %get3A_4023 = arith.constant 0 : index
    %get3A_4024 = vector.load %arg5[%get3A_4021, %get3A_4022, %get3A_4023] : memref<1x2048x64xbf16, #tpu.memory_space<vmem>>, vector<1x64x64xbf16>
    %get3A_4025 = vector.shape_cast %get3A_4024 : vector<1x64x64xbf16> to vector<64x64xbf16>
    %get3A_4026 = arith.constant 10 : index
    %get3A_4027 = arith.constant 3 : index
    %get3A_4028 = memref.load %arg1[%get3A_4026, %get3A_4027] : memref<30x8xi32, #tpu.memory_space<smem>>
    %mul3A_4029 = arith.constant 64 : i32
    %mul3A_4030 = arith.muli %get3A_4028, %mul3A_4029 : i32
    %get3A_4031 = arith.constant 0 : index
    %get3A_4032 = arith.index_cast %mul3A_4030 : i32 to index
    %get3A_4033 = arith.constant 0 : index
    %get3A_4034 = vector.load %arg5[%get3A_4031, %get3A_4032, %get3A_4033] : memref<1x2048x64xbf16, #tpu.memory_space<vmem>>, vector<1x64x64xbf16>
    %get3A_4035 = vector.shape_cast %get3A_4034 : vector<1x64x64xbf16> to vector<64x64xbf16>
    %get3A_4036 = arith.constant 10 : index
    %get3A_4037 = arith.constant 4 : index
    %get3A_4038 = memref.load %arg1[%get3A_4036, %get3A_4037] : memref<30x8xi32, #tpu.memory_space<smem>>
    %mul3A_4039 = arith.constant 64 : i32
    %mul3A_4040 = arith.muli %get3A_4038, %mul3A_4039 : i32
    %get3A_4041 = arith.constant 0 : index
    %get3A_4042 = arith.index_cast %mul3A_4040 : i32 to index
    %get3A_4043 = arith.constant 0 : index
    %get3A_4044 = vector.load %arg5[%get3A_4041, %get3A_4042, %get3A_4043] : memref<1x2048x64xbf16, #tpu.memory_space<vmem>>, vector<1x64x64xbf16>
    %get3A_4045 = vector.shape_cast %get3A_4044 : vector<1x64x64xbf16> to vector<64x64xbf16>
    %get3A_4046 = arith.constant 10 : index
    %get3A_4047 = arith.constant 5 : index
    %get3A_4048 = memref.load %arg1[%get3A_4046, %get3A_4047] : memref<30x8xi32, #tpu.memory_space<smem>>
    %mul3A_4049 = arith.constant 64 : i32
    %mul3A_4050 = arith.muli %get3A_4048, %mul3A_4049 : i32
    %get3A_4051 = arith.constant 0 : index
    %get3A_4052 = arith.index_cast %mul3A_4050 : i32 to index
    %get3A_4053 = arith.constant 0 : index
    %get3A_4054 = vector.load %arg5[%get3A_4051, %get3A_4052, %get3A_4053] : memref<1x2048x64xbf16, #tpu.memory_space<vmem>>, vector<1x64x64xbf16>
    %get3A_4055 = vector.shape_cast %get3A_4054 : vector<1x64x64xbf16> to vector<64x64xbf16>
    %get3A_4056 = arith.constant 10 : index
    %get3A_4057 = arith.constant 6 : index
    %get3A_4058 = memref.load %arg1[%get3A_4056, %get3A_4057] : memref<30x8xi32, #tpu.memory_space<smem>>
    %mul3A_4059 = arith.constant 64 : i32
    %mul3A_4060 = arith.muli %get3A_4058, %mul3A_4059 : i32
    %get3A_4061 = arith.constant 0 : index
    %get3A_4062 = arith.index_cast %mul3A_4060 : i32 to index
    %get3A_4063 = arith.constant 0 : index
    %get3A_4064 = vector.load %arg5[%get3A_4061, %get3A_4062, %get3A_4063] : memref<1x2048x64xbf16, #tpu.memory_space<vmem>>, vector<1x64x64xbf16>
    %get3A_4065 = vector.shape_cast %get3A_4064 : vector<1x64x64xbf16> to vector<64x64xbf16>
    %get3A_4066 = arith.constant 10 : index
    %get3A_4067 = arith.constant 7 : index
    %get3A_4068 = memref.load %arg1[%get3A_4066, %get3A_4067] : memref<30x8xi32, #tpu.memory_space<smem>>
    %mul3A_4069 = arith.constant 64 : i32
    %mul3A_4070 = arith.muli %get3A_4068, %mul3A_4069 : i32
    %get3A_4071 = arith.constant 0 : index
    %get3A_4072 = arith.index_cast %mul3A_4070 : i32 to index
    %get3A_4073 = arith.constant 0 : index
    %get3A_4074 = vector.load %arg5[%get3A_4071, %get3A_4072, %get3A_4073] : memref<1x2048x64xbf16, #tpu.memory_space<vmem>>, vector<1x64x64xbf16>
    %get3A_4075 = vector.shape_cast %get3A_4074 : vector<1x64x64xbf16> to vector<64x64xbf16>
    %concatenate3A_4076 = tpu.concatenate %get3A_4005, %get3A_4015, %get3A_4025, %get3A_4035, %get3A_4045, %get3A_4055, %get3A_4065, %get3A_4075 in 0 : vector<64x64xbf16>, vector<64x64xbf16>, vector<64x64xbf16>, vector<64x64xbf16>, vector<64x64xbf16>, vector<64x64xbf16>, vector<64x64xbf16>, vector<64x64xbf16> -> vector<512x64xbf16>
    %get3A_4077 = arith.constant 640 : index
    %get3A_4078 = arith.constant 0 : index
    %get3A_4079 = vector.load %arg8[%get3A_4077, %get3A_4078] : memref<1920x512xbf16, #tpu.memory_space<vmem>>, vector<64x512xbf16>
    %dot_general3A_4080 = arith.constant dense<0.000000e+00> : vector<64x64xf32>
    %dot_general3A_4081 = tpu.matmul %get3A_4079, %concatenate3A_4076, %dot_general3A_4080 {dimension_numbers = #tpu.dot_dimension_numbers<[1], [0], [0], [1], [0, 0, 1, 1], [], []>, transpose_lhs_hint = false} : vector<64x512xbf16>, vector<512x64xbf16>, vector<64x64xf32> -> vector<64x64xf32>
    %swap3A_4082 = arith.constant 0 : index
    %swap3A_4083 = arith.constant 704 : index
    %swap3A_4084 = arith.constant 0 : index
    %swap3A_4085 = vector.load %arg6[%swap3A_4082, %swap3A_4083, %swap3A_4084] : memref<1x2048x64xf32, #tpu.memory_space<vmem>>, vector<1x64x64xf32>
    %swap3A_4086 = vector.shape_cast %swap3A_4085 : vector<1x64x64xf32> to vector<64x64xf32>
    %swap3A_4087 = vector.shape_cast %dot_general3A_4081 : vector<64x64xf32> to vector<1x64x64xf32>
    tpu.vector_store %arg6[%swap3A_4082, %swap3A_4083, %swap3A_4084], %swap3A_4087 {strides = array<i32>} : memref<1x2048x64xf32, #tpu.memory_space<vmem>>, vector<1x64x64xf32>,
    %get3A_4088 = arith.constant 11 : index
    %get3A_4089 = arith.constant 0 : index
    %get3A_4090 = memref.load %arg1[%get3A_4088, %get3A_4089] : memref<30x8xi32, #tpu.memory_space<smem>>
    %mul3A_4091 = arith.constant 64 : i32
    %mul3A_4092 = arith.muli %get3A_4090, %mul3A_4091 : i32
    %get3A_4093 = arith.constant 0 : index
    %get3A_4094 = arith.index_cast %mul3A_4092 : i32 to index
    %get3A_4095 = arith.constant 0 : index
    %get3A_4096 = vector.load %arg5[%get3A_4093, %get3A_4094, %get3A_4095] : memref<1x2048x64xbf16, #tpu.memory_space<vmem>>, vector<1x64x64xbf16>
    %get3A_4097 = vector.shape_cast %get3A_4096 : vector<1x64x64xbf16> to vector<64x64xbf16>
    %get3A_4098 = arith.constant 11 : index
    %get3A_4099 = arith.constant 1 : index
    %get3A_4100 = memref.load %arg1[%get3A_4098, %get3A_4099] : memref<30x8xi32, #tpu.memory_space<smem>>
    %mul3A_4101 = arith.constant 64 : i32
    %mul3A_4102 = arith.muli %get3A_4100, %mul3A_4101 : i32
    %get3A_4103 = arith.constant 0 : index
    %get3A_4104 = arith.index_cast %mul3A_4102 : i32 to index
    %get3A_4105 = arith.constant 0 : index
    %get3A_4106 = vector.load %arg5[%get3A_4103, %get3A_4104, %get3A_4105] : memref<1x2048x64xbf16, #tpu.memory_space<vmem>>, vector<1x64x64xbf16>
    %get3A_4107 = vector.shape_cast %get3A_4106 : vector<1x64x64xbf16> to vector<64x64xbf16>
    %get3A_4108 = arith.constant 11 : index
    %get3A_4109 = arith.constant 2 : index
    %get3A_4110 = memref.load %arg1[%get3A_4108, %get3A_4109] : memref<30x8xi32, #tpu.memory_space<smem>>
    %mul3A_4111 = arith.constant 64 : i32
    %mul3A_4112 = arith.muli %get3A_4110, %mul3A_4111 : i32
    %get3A_4113 = arith.constant 0 : index
    %get3A_4114 = arith.index_cast %mul3A_4112 : i32 to index
    %get3A_4115 = arith.constant 0 : index
    %get3A_4116 = vector.load %arg5[%get3A_4113, %get3A_4114, %get3A_4115] : memref<1x2048x64xbf16, #tpu.memory_space<vmem>>, vector<1x64x64xbf16>
    %get3A_4117 = vector.shape_cast %get3A_4116 : vector<1x64x64xbf16> to vector<64x64xbf16>
    %get3A_4118 = arith.constant 11 : index
    %get3A_4119 = arith.constant 3 : index
    %get3A_4120 = memref.load %arg1[%get3A_4118, %get3A_4119] : memref<30x8xi32, #tpu.memory_space<smem>>
    %mul3A_4121 = arith.constant 64 : i32
    %mul3A_4122 = arith.muli %get3A_4120, %mul3A_4121 : i32
    %get3A_4123 = arith.constant 0 : index
    %get3A_4124 = arith.index_cast %mul3A_4122 : i32 to index
    %get3A_4125 = arith.constant 0 : index
    %get3A_4126 = vector.load %arg5[%get3A_4123, %get3A_4124, %get3A_4125] : memref<1x2048x64xbf16, #tpu.memory_space<vmem>>, vector<1x64x64xbf16>
    %get3A_4127 = vector.shape_cast %get3A_4126 : vector<1x64x64xbf16> to vector<64x64xbf16>
    %get3A_4128 = arith.constant 11 : index
    %get3A_4129 = arith.constant 4 : index
    %get3A_4130 = memref.load %arg1[%get3A_4128, %get3A_4129] : memref<30x8xi32, #tpu.memory_space<smem>>
    %mul3A_4131 = arith.constant 64 : i32
    %mul3A_4132 = arith.muli %get3A_4130, %mul3A_4131 : i32
    %get3A_4133 = arith.constant 0 : index
    %get3A_4134 = arith.index_cast %mul3A_4132 : i32 to index
    %get3A_4135 = arith.constant 0 : index
    %get3A_4136 = vector.load %arg5[%get3A_4133, %get3A_4134, %get3A_4135] : memref<1x2048x64xbf16, #tpu.memory_space<vmem>>, vector<1x64x64xbf16>
    %get3A_4137 = vector.shape_cast %get3A_4136 : vector<1x64x64xbf16> to vector<64x64xbf16>
    %get3A_4138 = arith.constant 11 : index
    %get3A_4139 = arith.constant 5 : index
    %get3A_4140 = memref.load %arg1[%get3A_4138, %get3A_4139] : memref<30x8xi32, #tpu.memory_space<smem>>
    %mul3A_4141 = arith.constant 64 : i32
    %mul3A_4142 = arith.muli %get3A_4140, %mul3A_4141 : i32
    %get3A_4143 = arith.constant 0 : index
    %get3A_4144 = arith.index_cast %mul3A_4142 : i32 to index
    %get3A_4145 = arith.constant 0 : index
    %get3A_4146 = vector.load %arg5[%get3A_4143, %get3A_4144, %get3A_4145] : memref<1x2048x64xbf16, #tpu.memory_space<vmem>>, vector<1x64x64xbf16>
    %get3A_4147 = vector.shape_cast %get3A_4146 : vector<1x64x64xbf16> to vector<64x64xbf16>
    %get3A_4148 = arith.constant 11 : index
    %get3A_4149 = arith.constant 6 : index
    %get3A_4150 = memref.load %arg1[%get3A_4148, %get3A_4149] : memref<30x8xi32, #tpu.memory_space<smem>>
    %mul3A_4151 = arith.constant 64 : i32
    %mul3A_4152 = arith.muli %get3A_4150, %mul3A_4151 : i32
    %get3A_4153 = arith.constant 0 : index
    %get3A_4154 = arith.index_cast %mul3A_4152 : i32 to index
    %get3A_4155 = arith.constant 0 : index
    %get3A_4156 = vector.load %arg5[%get3A_4153, %get3A_4154, %get3A_4155] : memref<1x2048x64xbf16, #tpu.memory_space<vmem>>, vector<1x64x64xbf16>
    %get3A_4157 = vector.shape_cast %get3A_4156 : vector<1x64x64xbf16> to vector<64x64xbf16>
    %get3A_4158 = arith.constant 11 : index
    %get3A_4159 = arith.constant 7 : index
    %get3A_4160 = memref.load %arg1[%get3A_4158, %get3A_4159] : memref<30x8xi32, #tpu.memory_space<smem>>
    %mul3A_4161 = arith.constant 64 : i32
    %mul3A_4162 = arith.muli %get3A_4160, %mul3A_4161 : i32
    %get3A_4163 = arith.constant 0 : index
    %get3A_4164 = arith.index_cast %mul3A_4162 : i32 to index
    %get3A_4165 = arith.constant 0 : index
    %get3A_4166 = vector.load %arg5[%get3A_4163, %get3A_4164, %get3A_4165] : memref<1x2048x64xbf16, #tpu.memory_space<vmem>>, vector<1x64x64xbf16>
    %get3A_4167 = vector.shape_cast %get3A_4166 : vector<1x64x64xbf16> to vector<64x64xbf16>
    %concatenate3A_4168 = tpu.concatenate %get3A_4097, %get3A_4107, %get3A_4117, %get3A_4127, %get3A_4137, %get3A_4147, %get3A_4157, %get3A_4167 in 0 : vector<64x64xbf16>, vector<64x64xbf16>, vector<64x64xbf16>, vector<64x64xbf16>, vector<64x64xbf16>, vector<64x64xbf16>, vector<64x64xbf16>, vector<64x64xbf16> -> vector<512x64xbf16>
    %get3A_4169 = arith.constant 704 : index
    %get3A_4170 = arith.constant 0 : index
    %get3A_4171 = vector.load %arg8[%get3A_4169, %get3A_4170] : memref<1920x512xbf16, #tpu.memory_space<vmem>>, vector<64x512xbf16>
    %dot_general3A_4172 = arith.constant dense<0.000000e+00> : vector<64x64xf32>
    %dot_general3A_4173 = tpu.matmul %get3A_4171, %concatenate3A_4168, %dot_general3A_4172 {dimension_numbers = #tpu.dot_dimension_numbers<[1], [0], [0], [1], [0, 0, 1, 1], [], []>, transpose_lhs_hint = false} : vector<64x512xbf16>, vector<512x64xbf16>, vector<64x64xf32> -> vector<64x64xf32>
    %swap3A_4174 = arith.constant 0 : index
    %swap3A_4175 = arith.constant 768 : index
    %swap3A_4176 = arith.constant 0 : index
    %swap3A_4177 = vector.load %arg6[%swap3A_4174, %swap3A_4175, %swap3A_4176] : memref<1x2048x64xf32, #tpu.memory_space<vmem>>, vector<1x64x64xf32>
    %swap3A_4178 = vector.shape_cast %swap3A_4177 : vector<1x64x64xf32> to vector<64x64xf32>
    %swap3A_4179 = vector.shape_cast %dot_general3A_4173 : vector<64x64xf32> to vector<1x64x64xf32>
    tpu.vector_store %arg6[%swap3A_4174, %swap3A_4175, %swap3A_4176], %swap3A_4179 {strides = array<i32>} : memref<1x2048x64xf32, #tpu.memory_space<vmem>>, vector<1x64x64xf32>,
    %get3A_4180 = arith.constant 12 : index
    %get3A_4181 = arith.constant 0 : index
    %get3A_4182 = memref.load %arg1[%get3A_4180, %get3A_4181] : memref<30x8xi32, #tpu.memory_space<smem>>
    %mul3A_4183 = arith.constant 64 : i32
    %mul3A_4184 = arith.muli %get3A_4182, %mul3A_4183 : i32
    %get3A_4185 = arith.constant 0 : index
    %get3A_4186 = arith.index_cast %mul3A_4184 : i32 to index
    %get3A_4187 = arith.constant 0 : index
    %get3A_4188 = vector.load %arg5[%get3A_4185, %get3A_4186, %get3A_4187] : memref<1x2048x64xbf16, #tpu.memory_space<vmem>>, vector<1x64x64xbf16>
    %get3A_4189 = vector.shape_cast %get3A_4188 : vector<1x64x64xbf16> to vector<64x64xbf16>
    %get3A_4190 = arith.constant 12 : index
    %get3A_4191 = arith.constant 1 : index
    %get3A_4192 = memref.load %arg1[%get3A_4190, %get3A_4191] : memref<30x8xi32, #tpu.memory_space<smem>>
    %mul3A_4193 = arith.constant 64 : i32
    %mul3A_4194 = arith.muli %get3A_4192, %mul3A_4193 : i32
    %get3A_4195 = arith.constant 0 : index
    %get3A_4196 = arith.index_cast %mul3A_4194 : i32 to index
    %get3A_4197 = arith.constant 0 : index
    %get3A_4198 = vector.load %arg5[%get3A_4195, %get3A_4196, %get3A_4197] : memref<1x2048x64xbf16, #tpu.memory_space<vmem>>, vector<1x64x64xbf16>
    %get3A_4199 = vector.shape_cast %get3A_4198 : vector<1x64x64xbf16> to vector<64x64xbf16>
    %get3A_4200 = arith.constant 12 : index
    %get3A_4201 = arith.constant 2 : index
    %get3A_4202 = memref.load %arg1[%get3A_4200, %get3A_4201] : memref<30x8xi32, #tpu.memory_space<smem>>
    %mul3A_4203 = arith.constant 64 : i32
    %mul3A_4204 = arith.muli %get3A_4202, %mul3A_4203 : i32
    %get3A_4205 = arith.constant 0 : index
    %get3A_4206 = arith.index_cast %mul3A_4204 : i32 to index
    %get3A_4207 = arith.constant 0 : index
    %get3A_4208 = vector.load %arg5[%get3A_4205, %get3A_4206, %get3A_4207] : memref<1x2048x64xbf16, #tpu.memory_space<vmem>>, vector<1x64x64xbf16>
    %get3A_4209 = vector.shape_cast %get3A_4208 : vector<1x64x64xbf16> to vector<64x64xbf16>
    %get3A_4210 = arith.constant 12 : index
    %get3A_4211 = arith.constant 3 : index
    %get3A_4212 = memref.load %arg1[%get3A_4210, %get3A_4211] : memref<30x8xi32, #tpu.memory_space<smem>>
    %mul3A_4213 = arith.constant 64 : i32
    %mul3A_4214 = arith.muli %get3A_4212, %mul3A_4213 : i32
    %get3A_4215 = arith.constant 0 : index
    %get3A_4216 = arith.index_cast %mul3A_4214 : i32 to index
    %get3A_4217 = arith.constant 0 : index
    %get3A_4218 = vector.load %arg5[%get3A_4215, %get3A_4216, %get3A_4217] : memref<1x2048x64xbf16, #tpu.memory_space<vmem>>, vector<1x64x64xbf16>
    %get3A_4219 = vector.shape_cast %get3A_4218 : vector<1x64x64xbf16> to vector<64x64xbf16>
    %get3A_4220 = arith.constant 12 : index
    %get3A_4221 = arith.constant 4 : index
    %get3A_4222 = memref.load %arg1[%get3A_4220, %get3A_4221] : memref<30x8xi32, #tpu.memory_space<smem>>
    %mul3A_4223 = arith.constant 64 : i32
    %mul3A_4224 = arith.muli %get3A_4222, %mul3A_4223 : i32
    %get3A_4225 = arith.constant 0 : index
    %get3A_4226 = arith.index_cast %mul3A_4224 : i32 to index
    %get3A_4227 = arith.constant 0 : index
    %get3A_4228 = vector.load %arg5[%get3A_4225, %get3A_4226, %get3A_4227] : memref<1x2048x64xbf16, #tpu.memory_space<vmem>>, vector<1x64x64xbf16>
    %get3A_4229 = vector.shape_cast %get3A_4228 : vector<1x64x64xbf16> to vector<64x64xbf16>
    %get3A_4230 = arith.constant 12 : index
    %get3A_4231 = arith.constant 5 : index
    %get3A_4232 = memref.load %arg1[%get3A_4230, %get3A_4231] : memref<30x8xi32, #tpu.memory_space<smem>>
    %mul3A_4233 = arith.constant 64 : i32
    %mul3A_4234 = arith.muli %get3A_4232, %mul3A_4233 : i32
    %get3A_4235 = arith.constant 0 : index
    %get3A_4236 = arith.index_cast %mul3A_4234 : i32 to index
    %get3A_4237 = arith.constant 0 : index
    %get3A_4238 = vector.load %arg5[%get3A_4235, %get3A_4236, %get3A_4237] : memref<1x2048x64xbf16, #tpu.memory_space<vmem>>, vector<1x64x64xbf16>
    %get3A_4239 = vector.shape_cast %get3A_4238 : vector<1x64x64xbf16> to vector<64x64xbf16>
    %get3A_4240 = arith.constant 12 : index
    %get3A_4241 = arith.constant 6 : index
    %get3A_4242 = memref.load %arg1[%get3A_4240, %get3A_4241] : memref<30x8xi32, #tpu.memory_space<smem>>
    %mul3A_4243 = arith.constant 64 : i32
    %mul3A_4244 = arith.muli %get3A_4242, %mul3A_4243 : i32
    %get3A_4245 = arith.constant 0 : index
    %get3A_4246 = arith.index_cast %mul3A_4244 : i32 to index
    %get3A_4247 = arith.constant 0 : index
    %get3A_4248 = vector.load %arg5[%get3A_4245, %get3A_4246, %get3A_4247] : memref<1x2048x64xbf16, #tpu.memory_space<vmem>>, vector<1x64x64xbf16>
    %get3A_4249 = vector.shape_cast %get3A_4248 : vector<1x64x64xbf16> to vector<64x64xbf16>
    %get3A_4250 = arith.constant 12 : index
    %get3A_4251 = arith.constant 7 : index
    %get3A_4252 = memref.load %arg1[%get3A_4250, %get3A_4251] : memref<30x8xi32, #tpu.memory_space<smem>>
    %mul3A_4253 = arith.constant 64 : i32
    %mul3A_4254 = arith.muli %get3A_4252, %mul3A_4253 : i32
    %get3A_4255 = arith.constant 0 : index
    %get3A_4256 = arith.index_cast %mul3A_4254 : i32 to index
    %get3A_4257 = arith.constant 0 : index
    %get3A_4258 = vector.load %arg5[%get3A_4255, %get3A_4256, %get3A_4257] : memref<1x2048x64xbf16, #tpu.memory_space<vmem>>, vector<1x64x64xbf16>
    %get3A_4259 = vector.shape_cast %get3A_4258 : vector<1x64x64xbf16> to vector<64x64xbf16>
    %concatenate3A_4260 = tpu.concatenate %get3A_4189, %get3A_4199, %get3A_4209, %get3A_4219, %get3A_4229, %get3A_4239, %get3A_4249, %get3A_4259 in 0 : vector<64x64xbf16>, vector<64x64xbf16>, vector<64x64xbf16>, vector<64x64xbf16>, vector<64x64xbf16>, vector<64x64xbf16>, vector<64x64xbf16>, vector<64x64xbf16> -> vector<512x64xbf16>
    %get3A_4261 = arith.constant 768 : index
    %get3A_4262 = arith.constant 0 : index
    %get3A_4263 = vector.load %arg8[%get3A_4261, %get3A_4262] : memref<1920x512xbf16, #tpu.memory_space<vmem>>, vector<64x512xbf16>
    %dot_general3A_4264 = arith.constant dense<0.000000e+00> : vector<64x64xf32>
    %dot_general3A_4265 = tpu.matmul %get3A_4263, %concatenate3A_4260, %dot_general3A_4264 {dimension_numbers = #tpu.dot_dimension_numbers<[1], [0], [0], [1], [0, 0, 1, 1], [], []>, transpose_lhs_hint = false} : vector<64x512xbf16>, vector<512x64xbf16>, vector<64x64xf32> -> vector<64x64xf32>
    %swap3A_4266 = arith.constant 0 : index
    %swap3A_4267 = arith.constant 832 : index
    %swap3A_4268 = arith.constant 0 : index
    %swap3A_4269 = vector.load %arg6[%swap3A_4266, %swap3A_4267, %swap3A_4268] : memref<1x2048x64xf32, #tpu.memory_space<vmem>>, vector<1x64x64xf32>
    %swap3A_4270 = vector.shape_cast %swap3A_4269 : vector<1x64x64xf32> to vector<64x64xf32>
    %swap3A_4271 = vector.shape_cast %dot_general3A_4265 : vector<64x64xf32> to vector<1x64x64xf32>
    tpu.vector_store %arg6[%swap3A_4266, %swap3A_4267, %swap3A_4268], %swap3A_4271 {strides = array<i32>} : memref<1x2048x64xf32, #tpu.memory_space<vmem>>, vector<1x64x64xf32>,
    %get3A_4272 = arith.constant 13 : index
    %get3A_4273 = arith.constant 0 : index
    %get3A_4274 = memref.load %arg1[%get3A_4272, %get3A_4273] : memref<30x8xi32, #tpu.memory_space<smem>>
    %mul3A_4275 = arith.constant 64 : i32
    %mul3A_4276 = arith.muli %get3A_4274, %mul3A_4275 : i32
    %get3A_4277 = arith.constant 0 : index
    %get3A_4278 = arith.index_cast %mul3A_4276 : i32 to index
    %get3A_4279 = arith.constant 0 : index
    %get3A_4280 = vector.load %arg5[%get3A_4277, %get3A_4278, %get3A_4279] : memref<1x2048x64xbf16, #tpu.memory_space<vmem>>, vector<1x64x64xbf16>
    %get3A_4281 = vector.shape_cast %get3A_4280 : vector<1x64x64xbf16> to vector<64x64xbf16>
    %get3A_4282 = arith.constant 13 : index
    %get3A_4283 = arith.constant 1 : index
    %get3A_4284 = memref.load %arg1[%get3A_4282, %get3A_4283] : memref<30x8xi32, #tpu.memory_space<smem>>
    %mul3A_4285 = arith.constant 64 : i32
    %mul3A_4286 = arith.muli %get3A_4284, %mul3A_4285 : i32
    %get3A_4287 = arith.constant 0 : index
    %get3A_4288 = arith.index_cast %mul3A_4286 : i32 to index
    %get3A_4289 = arith.constant 0 : index
    %get3A_4290 = vector.load %arg5[%get3A_4287, %get3A_4288, %get3A_4289] : memref<1x2048x64xbf16, #tpu.memory_space<vmem>>, vector<1x64x64xbf16>
    %get3A_4291 = vector.shape_cast %get3A_4290 : vector<1x64x64xbf16> to vector<64x64xbf16>
    %get3A_4292 = arith.constant 13 : index
    %get3A_4293 = arith.constant 2 : index
    %get3A_4294 = memref.load %arg1[%get3A_4292, %get3A_4293] : memref<30x8xi32, #tpu.memory_space<smem>>
    %mul3A_4295 = arith.constant 64 : i32
    %mul3A_4296 = arith.muli %get3A_4294, %mul3A_4295 : i32
    %get3A_4297 = arith.constant 0 : index
    %get3A_4298 = arith.index_cast %mul3A_4296 : i32 to index
    %get3A_4299 = arith.constant 0 : index
    %get3A_4300 = vector.load %arg5[%get3A_4297, %get3A_4298, %get3A_4299] : memref<1x2048x64xbf16, #tpu.memory_space<vmem>>, vector<1x64x64xbf16>
    %get3A_4301 = vector.shape_cast %get3A_4300 : vector<1x64x64xbf16> to vector<64x64xbf16>
    %get3A_4302 = arith.constant 13 : index
    %get3A_4303 = arith.constant 3 : index
    %get3A_4304 = memref.load %arg1[%get3A_4302, %get3A_4303] : memref<30x8xi32, #tpu.memory_space<smem>>
    %mul3A_4305 = arith.constant 64 : i32
    %mul3A_4306 = arith.muli %get3A_4304, %mul3A_4305 : i32
    %get3A_4307 = arith.constant 0 : index
    %get3A_4308 = arith.index_cast %mul3A_4306 : i32 to index
    %get3A_4309 = arith.constant 0 : index
    %get3A_4310 = vector.load %arg5[%get3A_4307, %get3A_4308, %get3A_4309] : memref<1x2048x64xbf16, #tpu.memory_space<vmem>>, vector<1x64x64xbf16>
    %get3A_4311 = vector.shape_cast %get3A_4310 : vector<1x64x64xbf16> to vector<64x64xbf16>
    %get3A_4312 = arith.constant 13 : index
    %get3A_4313 = arith.constant 4 : index
    %get3A_4314 = memref.load %arg1[%get3A_4312, %get3A_4313] : memref<30x8xi32, #tpu.memory_space<smem>>
    %mul3A_4315 = arith.constant 64 : i32
    %mul3A_4316 = arith.muli %get3A_4314, %mul3A_4315 : i32
    %get3A_4317 = arith.constant 0 : index
    %get3A_4318 = arith.index_cast %mul3A_4316 : i32 to index
    %get3A_4319 = arith.constant 0 : index
    %get3A_4320 = vector.load %arg5[%get3A_4317, %get3A_4318, %get3A_4319] : memref<1x2048x64xbf16, #tpu.memory_space<vmem>>, vector<1x64x64xbf16>
    %get3A_4321 = vector.shape_cast %get3A_4320 : vector<1x64x64xbf16> to vector<64x64xbf16>
    %get3A_4322 = arith.constant 13 : index
    %get3A_4323 = arith.constant 5 : index
    %get3A_4324 = memref.load %arg1[%get3A_4322, %get3A_4323] : memref<30x8xi32, #tpu.memory_space<smem>>
    %mul3A_4325 = arith.constant 64 : i32
    %mul3A_4326 = arith.muli %get3A_4324, %mul3A_4325 : i32
    %get3A_4327 = arith.constant 0 : index
    %get3A_4328 = arith.index_cast %mul3A_4326 : i32 to index
    %get3A_4329 = arith.constant 0 : index
    %get3A_4330 = vector.load %arg5[%get3A_4327, %get3A_4328, %get3A_4329] : memref<1x2048x64xbf16, #tpu.memory_space<vmem>>, vector<1x64x64xbf16>
    %get3A_4331 = vector.shape_cast %get3A_4330 : vector<1x64x64xbf16> to vector<64x64xbf16>
    %get3A_4332 = arith.constant 13 : index
    %get3A_4333 = arith.constant 6 : index
    %get3A_4334 = memref.load %arg1[%get3A_4332, %get3A_4333] : memref<30x8xi32, #tpu.memory_space<smem>>
    %mul3A_4335 = arith.constant 64 : i32
    %mul3A_4336 = arith.muli %get3A_4334, %mul3A_4335 : i32
    %get3A_4337 = arith.constant 0 : index
    %get3A_4338 = arith.index_cast %mul3A_4336 : i32 to index
    %get3A_4339 = arith.constant 0 : index
    %get3A_4340 = vector.load %arg5[%get3A_4337, %get3A_4338, %get3A_4339] : memref<1x2048x64xbf16, #tpu.memory_space<vmem>>, vector<1x64x64xbf16>
    %get3A_4341 = vector.shape_cast %get3A_4340 : vector<1x64x64xbf16> to vector<64x64xbf16>
    %get3A_4342 = arith.constant 13 : index
    %get3A_4343 = arith.constant 7 : index
    %get3A_4344 = memref.load %arg1[%get3A_4342, %get3A_4343] : memref<30x8xi32, #tpu.memory_space<smem>>
    %mul3A_4345 = arith.constant 64 : i32
    %mul3A_4346 = arith.muli %get3A_4344, %mul3A_4345 : i32
    %get3A_4347 = arith.constant 0 : index
    %get3A_4348 = arith.index_cast %mul3A_4346 : i32 to index
    %get3A_4349 = arith.constant 0 : index
    %get3A_4350 = vector.load %arg5[%get3A_4347, %get3A_4348, %get3A_4349] : memref<1x2048x64xbf16, #tpu.memory_space<vmem>>, vector<1x64x64xbf16>
    %get3A_4351 = vector.shape_cast %get3A_4350 : vector<1x64x64xbf16> to vector<64x64xbf16>
    %concatenate3A_4352 = tpu.concatenate %get3A_4281, %get3A_4291, %get3A_4301, %get3A_4311, %get3A_4321, %get3A_4331, %get3A_4341, %get3A_4351 in 0 : vector<64x64xbf16>, vector<64x64xbf16>, vector<64x64xbf16>, vector<64x64xbf16>, vector<64x64xbf16>, vector<64x64xbf16>, vector<64x64xbf16>, vector<64x64xbf16> -> vector<512x64xbf16>
    %get3A_4353 = arith.constant 832 : index
    %get3A_4354 = arith.constant 0 : index
    %get3A_4355 = vector.load %arg8[%get3A_4353, %get3A_4354] : memref<1920x512xbf16, #tpu.memory_space<vmem>>, vector<64x512xbf16>
    %dot_general3A_4356 = arith.constant dense<0.000000e+00> : vector<64x64xf32>
    %dot_general3A_4357 = tpu.matmul %get3A_4355, %concatenate3A_4352, %dot_general3A_4356 {dimension_numbers = #tpu.dot_dimension_numbers<[1], [0], [0], [1], [0, 0, 1, 1], [], []>, transpose_lhs_hint = false} : vector<64x512xbf16>, vector<512x64xbf16>, vector<64x64xf32> -> vector<64x64xf32>
    %swap3A_4358 = arith.constant 0 : index
    %swap3A_4359 = arith.constant 896 : index
    %swap3A_4360 = arith.constant 0 : index
    %swap3A_4361 = vector.load %arg6[%swap3A_4358, %swap3A_4359, %swap3A_4360] : memref<1x2048x64xf32, #tpu.memory_space<vmem>>, vector<1x64x64xf32>
    %swap3A_4362 = vector.shape_cast %swap3A_4361 : vector<1x64x64xf32> to vector<64x64xf32>
    %swap3A_4363 = vector.shape_cast %dot_general3A_4357 : vector<64x64xf32> to vector<1x64x64xf32>
    tpu.vector_store %arg6[%swap3A_4358, %swap3A_4359, %swap3A_4360], %swap3A_4363 {strides = array<i32>} : memref<1x2048x64xf32, #tpu.memory_space<vmem>>, vector<1x64x64xf32>,
    %get3A_4364 = arith.constant 14 : index
    %get3A_4365 = arith.constant 0 : index
    %get3A_4366 = memref.load %arg1[%get3A_4364, %get3A_4365] : memref<30x8xi32, #tpu.memory_space<smem>>
    %mul3A_4367 = arith.constant 64 : i32
    %mul3A_4368 = arith.muli %get3A_4366, %mul3A_4367 : i32
    %get3A_4369 = arith.constant 0 : index
    %get3A_4370 = arith.index_cast %mul3A_4368 : i32 to index
    %get3A_4371 = arith.constant 0 : index
    %get3A_4372 = vector.load %arg5[%get3A_4369, %get3A_4370, %get3A_4371] : memref<1x2048x64xbf16, #tpu.memory_space<vmem>>, vector<1x64x64xbf16>
    %get3A_4373 = vector.shape_cast %get3A_4372 : vector<1x64x64xbf16> to vector<64x64xbf16>
    %get3A_4374 = arith.constant 14 : index
    %get3A_4375 = arith.constant 1 : index
    %get3A_4376 = memref.load %arg1[%get3A_4374, %get3A_4375] : memref<30x8xi32, #tpu.memory_space<smem>>
    %mul3A_4377 = arith.constant 64 : i32
    %mul3A_4378 = arith.muli %get3A_4376, %mul3A_4377 : i32
    %get3A_4379 = arith.constant 0 : index
    %get3A_4380 = arith.index_cast %mul3A_4378 : i32 to index
    %get3A_4381 = arith.constant 0 : index
    %get3A_4382 = vector.load %arg5[%get3A_4379, %get3A_4380, %get3A_4381] : memref<1x2048x64xbf16, #tpu.memory_space<vmem>>, vector<1x64x64xbf16>
    %get3A_4383 = vector.shape_cast %get3A_4382 : vector<1x64x64xbf16> to vector<64x64xbf16>
    %get3A_4384 = arith.constant 14 : index
    %get3A_4385 = arith.constant 2 : index
    %get3A_4386 = memref.load %arg1[%get3A_4384, %get3A_4385] : memref<30x8xi32, #tpu.memory_space<smem>>
    %mul3A_4387 = arith.constant 64 : i32
    %mul3A_4388 = arith.muli %get3A_4386, %mul3A_4387 : i32
    %get3A_4389 = arith.constant 0 : index
    %get3A_4390 = arith.index_cast %mul3A_4388 : i32 to index
    %get3A_4391 = arith.constant 0 : index
    %get3A_4392 = vector.load %arg5[%get3A_4389, %get3A_4390, %get3A_4391] : memref<1x2048x64xbf16, #tpu.memory_space<vmem>>, vector<1x64x64xbf16>
    %get3A_4393 = vector.shape_cast %get3A_4392 : vector<1x64x64xbf16> to vector<64x64xbf16>
    %get3A_4394 = arith.constant 14 : index
    %get3A_4395 = arith.constant 3 : index
    %get3A_4396 = memref.load %arg1[%get3A_4394, %get3A_4395] : memref<30x8xi32, #tpu.memory_space<smem>>
    %mul3A_4397 = arith.constant 64 : i32
    %mul3A_4398 = arith.muli %get3A_4396, %mul3A_4397 : i32
    %get3A_4399 = arith.constant 0 : index
    %get3A_4400 = arith.index_cast %mul3A_4398 : i32 to index
    %get3A_4401 = arith.constant 0 : index
    %get3A_4402 = vector.load %arg5[%get3A_4399, %get3A_4400, %get3A_4401] : memref<1x2048x64xbf16, #tpu.memory_space<vmem>>, vector<1x64x64xbf16>
    %get3A_4403 = vector.shape_cast %get3A_4402 : vector<1x64x64xbf16> to vector<64x64xbf16>
    %get3A_4404 = arith.constant 14 : index
    %get3A_4405 = arith.constant 4 : index
    %get3A_4406 = memref.load %arg1[%get3A_4404, %get3A_4405] : memref<30x8xi32, #tpu.memory_space<smem>>
    %mul3A_4407 = arith.constant 64 : i32
    %mul3A_4408 = arith.muli %get3A_4406, %mul3A_4407 : i32
    %get3A_4409 = arith.constant 0 : index
    %get3A_4410 = arith.index_cast %mul3A_4408 : i32 to index
    %get3A_4411 = arith.constant 0 : index
    %get3A_4412 = vector.load %arg5[%get3A_4409, %get3A_4410, %get3A_4411] : memref<1x2048x64xbf16, #tpu.memory_space<vmem>>, vector<1x64x64xbf16>
    %get3A_4413 = vector.shape_cast %get3A_4412 : vector<1x64x64xbf16> to vector<64x64xbf16>
    %get3A_4414 = arith.constant 14 : index
    %get3A_4415 = arith.constant 5 : index
    %get3A_4416 = memref.load %arg1[%get3A_4414, %get3A_4415] : memref<30x8xi32, #tpu.memory_space<smem>>
    %mul3A_4417 = arith.constant 64 : i32
    %mul3A_4418 = arith.muli %get3A_4416, %mul3A_4417 : i32
    %get3A_4419 = arith.constant 0 : index
    %get3A_4420 = arith.index_cast %mul3A_4418 : i32 to index
    %get3A_4421 = arith.constant 0 : index
    %get3A_4422 = vector.load %arg5[%get3A_4419, %get3A_4420, %get3A_4421] : memref<1x2048x64xbf16, #tpu.memory_space<vmem>>, vector<1x64x64xbf16>
    %get3A_4423 = vector.shape_cast %get3A_4422 : vector<1x64x64xbf16> to vector<64x64xbf16>
    %get3A_4424 = arith.constant 14 : index
    %get3A_4425 = arith.constant 6 : index
    %get3A_4426 = memref.load %arg1[%get3A_4424, %get3A_4425] : memref<30x8xi32, #tpu.memory_space<smem>>
    %mul3A_4427 = arith.constant 64 : i32
    %mul3A_4428 = arith.muli %get3A_4426, %mul3A_4427 : i32
    %get3A_4429 = arith.constant 0 : index
    %get3A_4430 = arith.index_cast %mul3A_4428 : i32 to index
    %get3A_4431 = arith.constant 0 : index
    %get3A_4432 = vector.load %arg5[%get3A_4429, %get3A_4430, %get3A_4431] : memref<1x2048x64xbf16, #tpu.memory_space<vmem>>, vector<1x64x64xbf16>
    %get3A_4433 = vector.shape_cast %get3A_4432 : vector<1x64x64xbf16> to vector<64x64xbf16>
    %get3A_4434 = arith.constant 14 : index
    %get3A_4435 = arith.constant 7 : index
    %get3A_4436 = memref.load %arg1[%get3A_4434, %get3A_4435] : memref<30x8xi32, #tpu.memory_space<smem>>
    %mul3A_4437 = arith.constant 64 : i32
    %mul3A_4438 = arith.muli %get3A_4436, %mul3A_4437 : i32
    %get3A_4439 = arith.constant 0 : index
    %get3A_4440 = arith.index_cast %mul3A_4438 : i32 to index
    %get3A_4441 = arith.constant 0 : index
    %get3A_4442 = vector.load %arg5[%get3A_4439, %get3A_4440, %get3A_4441] : memref<1x2048x64xbf16, #tpu.memory_space<vmem>>, vector<1x64x64xbf16>
    %get3A_4443 = vector.shape_cast %get3A_4442 : vector<1x64x64xbf16> to vector<64x64xbf16>
    %concatenate3A_4444 = tpu.concatenate %get3A_4373, %get3A_4383, %get3A_4393, %get3A_4403, %get3A_4413, %get3A_4423, %get3A_4433, %get3A_4443 in 0 : vector<64x64xbf16>, vector<64x64xbf16>, vector<64x64xbf16>, vector<64x64xbf16>, vector<64x64xbf16>, vector<64x64xbf16>, vector<64x64xbf16>, vector<64x64xbf16> -> vector<512x64xbf16>
    %get3A_4445 = arith.constant 896 : index
    %get3A_4446 = arith.constant 0 : index
    %get3A_4447 = vector.load %arg8[%get3A_4445, %get3A_4446] : memref<1920x512xbf16, #tpu.memory_space<vmem>>, vector<64x512xbf16>
    %dot_general3A_4448 = arith.constant dense<0.000000e+00> : vector<64x64xf32>
    %dot_general3A_4449 = tpu.matmul %get3A_4447, %concatenate3A_4444, %dot_general3A_4448 {dimension_numbers = #tpu.dot_dimension_numbers<[1], [0], [0], [1], [0, 0, 1, 1], [], []>, transpose_lhs_hint = false} : vector<64x512xbf16>, vector<512x64xbf16>, vector<64x64xf32> -> vector<64x64xf32>
    %swap3A_4450 = arith.constant 0 : index
    %swap3A_4451 = arith.constant 960 : index
    %swap3A_4452 = arith.constant 0 : index
    %swap3A_4453 = vector.load %arg6[%swap3A_4450, %swap3A_4451, %swap3A_4452] : memref<1x2048x64xf32, #tpu.memory_space<vmem>>, vector<1x64x64xf32>
    %swap3A_4454 = vector.shape_cast %swap3A_4453 : vector<1x64x64xf32> to vector<64x64xf32>
    %swap3A_4455 = vector.shape_cast %dot_general3A_4449 : vector<64x64xf32> to vector<1x64x64xf32>
    tpu.vector_store %arg6[%swap3A_4450, %swap3A_4451, %swap3A_4452], %swap3A_4455 {strides = array<i32>} : memref<1x2048x64xf32, #tpu.memory_space<vmem>>, vector<1x64x64xf32>,
    %get3A_4456 = arith.constant 15 : index
    %get3A_4457 = arith.constant 0 : index
    %get3A_4458 = memref.load %arg1[%get3A_4456, %get3A_4457] : memref<30x8xi32, #tpu.memory_space<smem>>
    %mul3A_4459 = arith.constant 64 : i32
    %mul3A_4460 = arith.muli %get3A_4458, %mul3A_4459 : i32
    %get3A_4461 = arith.constant 0 : index
    %get3A_4462 = arith.index_cast %mul3A_4460 : i32 to index
    %get3A_4463 = arith.constant 0 : index
    %get3A_4464 = vector.load %arg5[%get3A_4461, %get3A_4462, %get3A_4463] : memref<1x2048x64xbf16, #tpu.memory_space<vmem>>, vector<1x64x64xbf16>
    %get3A_4465 = vector.shape_cast %get3A_4464 : vector<1x64x64xbf16> to vector<64x64xbf16>
    %get3A_4466 = arith.constant 15 : index
    %get3A_4467 = arith.constant 1 : index
    %get3A_4468 = memref.load %arg1[%get3A_4466, %get3A_4467] : memref<30x8xi32, #tpu.memory_space<smem>>
    %mul3A_4469 = arith.constant 64 : i32
    %mul3A_4470 = arith.muli %get3A_4468, %mul3A_4469 : i32
    %get3A_4471 = arith.constant 0 : index
    %get3A_4472 = arith.index_cast %mul3A_4470 : i32 to index
    %get3A_4473 = arith.constant 0 : index
    %get3A_4474 = vector.load %arg5[%get3A_4471, %get3A_4472, %get3A_4473] : memref<1x2048x64xbf16, #tpu.memory_space<vmem>>, vector<1x64x64xbf16>
    %get3A_4475 = vector.shape_cast %get3A_4474 : vector<1x64x64xbf16> to vector<64x64xbf16>
    %get3A_4476 = arith.constant 15 : index
    %get3A_4477 = arith.constant 2 : index
    %get3A_4478 = memref.load %arg1[%get3A_4476, %get3A_4477] : memref<30x8xi32, #tpu.memory_space<smem>>
    %mul3A_4479 = arith.constant 64 : i32
    %mul3A_4480 = arith.muli %get3A_4478, %mul3A_4479 : i32
    %get3A_4481 = arith.constant 0 : index
    %get3A_4482 = arith.index_cast %mul3A_4480 : i32 to index
    %get3A_4483 = arith.constant 0 : index
    %get3A_4484 = vector.load %arg5[%get3A_4481, %get3A_4482, %get3A_4483] : memref<1x2048x64xbf16, #tpu.memory_space<vmem>>, vector<1x64x64xbf16>
    %get3A_4485 = vector.shape_cast %get3A_4484 : vector<1x64x64xbf16> to vector<64x64xbf16>
    %get3A_4486 = arith.constant 15 : index
    %get3A_4487 = arith.constant 3 : index
    %get3A_4488 = memref.load %arg1[%get3A_4486, %get3A_4487] : memref<30x8xi32, #tpu.memory_space<smem>>
    %mul3A_4489 = arith.constant 64 : i32
    %mul3A_4490 = arith.muli %get3A_4488, %mul3A_4489 : i32
    %get3A_4491 = arith.constant 0 : index
    %get3A_4492 = arith.index_cast %mul3A_4490 : i32 to index
    %get3A_4493 = arith.constant 0 : index
    %get3A_4494 = vector.load %arg5[%get3A_4491, %get3A_4492, %get3A_4493] : memref<1x2048x64xbf16, #tpu.memory_space<vmem>>, vector<1x64x64xbf16>
    %get3A_4495 = vector.shape_cast %get3A_4494 : vector<1x64x64xbf16> to vector<64x64xbf16>
    %get3A_4496 = arith.constant 15 : index
    %get3A_4497 = arith.constant 4 : index
    %get3A_4498 = memref.load %arg1[%get3A_4496, %get3A_4497] : memref<30x8xi32, #tpu.memory_space<smem>>
    %mul3A_4499 = arith.constant 64 : i32
    %mul3A_4500 = arith.muli %get3A_4498, %mul3A_4499 : i32
    %get3A_4501 = arith.constant 0 : index
    %get3A_4502 = arith.index_cast %mul3A_4500 : i32 to index
    %get3A_4503 = arith.constant 0 : index
    %get3A_4504 = vector.load %arg5[%get3A_4501, %get3A_4502, %get3A_4503] : memref<1x2048x64xbf16, #tpu.memory_space<vmem>>, vector<1x64x64xbf16>
    %get3A_4505 = vector.shape_cast %get3A_4504 : vector<1x64x64xbf16> to vector<64x64xbf16>
    %get3A_4506 = arith.constant 15 : index
    %get3A_4507 = arith.constant 5 : index
    %get3A_4508 = memref.load %arg1[%get3A_4506, %get3A_4507] : memref<30x8xi32, #tpu.memory_space<smem>>
    %mul3A_4509 = arith.constant 64 : i32
    %mul3A_4510 = arith.muli %get3A_4508, %mul3A_4509 : i32
    %get3A_4511 = arith.constant 0 : index
    %get3A_4512 = arith.index_cast %mul3A_4510 : i32 to index
    %get3A_4513 = arith.constant 0 : index
    %get3A_4514 = vector.load %arg5[%get3A_4511, %get3A_4512, %get3A_4513] : memref<1x2048x64xbf16, #tpu.memory_space<vmem>>, vector<1x64x64xbf16>
    %get3A_4515 = vector.shape_cast %get3A_4514 : vector<1x64x64xbf16> to vector<64x64xbf16>
    %get3A_4516 = arith.constant 15 : index
    %get3A_4517 = arith.constant 6 : index
    %get3A_4518 = memref.load %arg1[%get3A_4516, %get3A_4517] : memref<30x8xi32, #tpu.memory_space<smem>>
    %mul3A_4519 = arith.constant 64 : i32
    %mul3A_4520 = arith.muli %get3A_4518, %mul3A_4519 : i32
    %get3A_4521 = arith.constant 0 : index
    %get3A_4522 = arith.index_cast %mul3A_4520 : i32 to index
    %get3A_4523 = arith.constant 0 : index
    %get3A_4524 = vector.load %arg5[%get3A_4521, %get3A_4522, %get3A_4523] : memref<1x2048x64xbf16, #tpu.memory_space<vmem>>, vector<1x64x64xbf16>
    %get3A_4525 = vector.shape_cast %get3A_4524 : vector<1x64x64xbf16> to vector<64x64xbf16>
    %get3A_4526 = arith.constant 15 : index
    %get3A_4527 = arith.constant 7 : index
    %get3A_4528 = memref.load %arg1[%get3A_4526, %get3A_4527] : memref<30x8xi32, #tpu.memory_space<smem>>
    %mul3A_4529 = arith.constant 64 : i32
    %mul3A_4530 = arith.muli %get3A_4528, %mul3A_4529 : i32
    %get3A_4531 = arith.constant 0 : index
    %get3A_4532 = arith.index_cast %mul3A_4530 : i32 to index
    %get3A_4533 = arith.constant 0 : index
    %get3A_4534 = vector.load %arg5[%get3A_4531, %get3A_4532, %get3A_4533] : memref<1x2048x64xbf16, #tpu.memory_space<vmem>>, vector<1x64x64xbf16>
    %get3A_4535 = vector.shape_cast %get3A_4534 : vector<1x64x64xbf16> to vector<64x64xbf16>
    %concatenate3A_4536 = tpu.concatenate %get3A_4465, %get3A_4475, %get3A_4485, %get3A_4495, %get3A_4505, %get3A_4515, %get3A_4525, %get3A_4535 in 0 : vector<64x64xbf16>, vector<64x64xbf16>, vector<64x64xbf16>, vector<64x64xbf16>, vector<64x64xbf16>, vector<64x64xbf16>, vector<64x64xbf16>, vector<64x64xbf16> -> vector<512x64xbf16>
    %get3A_4537 = arith.constant 960 : index
    %get3A_4538 = arith.constant 0 : index
    %get3A_4539 = vector.load %arg8[%get3A_4537, %get3A_4538] : memref<1920x512xbf16, #tpu.memory_space<vmem>>, vector<64x512xbf16>
    %dot_general3A_4540 = arith.constant dense<0.000000e+00> : vector<64x64xf32>
    %dot_general3A_4541 = tpu.matmul %get3A_4539, %concatenate3A_4536, %dot_general3A_4540 {dimension_numbers = #tpu.dot_dimension_numbers<[1], [0], [0], [1], [0, 0, 1, 1], [], []>, transpose_lhs_hint = false} : vector<64x512xbf16>, vector<512x64xbf16>, vector<64x64xf32> -> vector<64x64xf32>
    %swap3A_4542 = arith.constant 0 : index
    %swap3A_4543 = arith.constant 1024 : index
    %swap3A_4544 = arith.constant 0 : index
    %swap3A_4545 = vector.load %arg6[%swap3A_4542, %swap3A_4543, %swap3A_4544] : memref<1x2048x64xf32, #tpu.memory_space<vmem>>, vector<1x64x64xf32>
    %swap3A_4546 = vector.shape_cast %swap3A_4545 : vector<1x64x64xf32> to vector<64x64xf32>
    %swap3A_4547 = vector.shape_cast %dot_general3A_4541 : vector<64x64xf32> to vector<1x64x64xf32>
    tpu.vector_store %arg6[%swap3A_4542, %swap3A_4543, %swap3A_4544], %swap3A_4547 {strides = array<i32>} : memref<1x2048x64xf32, #tpu.memory_space<vmem>>, vector<1x64x64xf32>,
    %get3A_4548 = arith.constant 16 : index
    %get3A_4549 = arith.constant 0 : index
    %get3A_4550 = memref.load %arg1[%get3A_4548, %get3A_4549] : memref<30x8xi32, #tpu.memory_space<smem>>
    %mul3A_4551 = arith.constant 64 : i32
    %mul3A_4552 = arith.muli %get3A_4550, %mul3A_4551 : i32
    %get3A_4553 = arith.constant 0 : index
    %get3A_4554 = arith.index_cast %mul3A_4552 : i32 to index
    %get3A_4555 = arith.constant 0 : index
    %get3A_4556 = vector.load %arg5[%get3A_4553, %get3A_4554, %get3A_4555] : memref<1x2048x64xbf16, #tpu.memory_space<vmem>>, vector<1x64x64xbf16>
    %get3A_4557 = vector.shape_cast %get3A_4556 : vector<1x64x64xbf16> to vector<64x64xbf16>
    %get3A_4558 = arith.constant 16 : index
    %get3A_4559 = arith.constant 1 : index
    %get3A_4560 = memref.load %arg1[%get3A_4558, %get3A_4559] : memref<30x8xi32, #tpu.memory_space<smem>>
    %mul3A_4561 = arith.constant 64 : i32
    %mul3A_4562 = arith.muli %get3A_4560, %mul3A_4561 : i32
    %get3A_4563 = arith.constant 0 : index
    %get3A_4564 = arith.index_cast %mul3A_4562 : i32 to index
    %get3A_4565 = arith.constant 0 : index
    %get3A_4566 = vector.load %arg5[%get3A_4563, %get3A_4564, %get3A_4565] : memref<1x2048x64xbf16, #tpu.memory_space<vmem>>, vector<1x64x64xbf16>
    %get3A_4567 = vector.shape_cast %get3A_4566 : vector<1x64x64xbf16> to vector<64x64xbf16>
    %get3A_4568 = arith.constant 16 : index
    %get3A_4569 = arith.constant 2 : index
    %get3A_4570 = memref.load %arg1[%get3A_4568, %get3A_4569] : memref<30x8xi32, #tpu.memory_space<smem>>
    %mul3A_4571 = arith.constant 64 : i32
    %mul3A_4572 = arith.muli %get3A_4570, %mul3A_4571 : i32
    %get3A_4573 = arith.constant 0 : index
    %get3A_4574 = arith.index_cast %mul3A_4572 : i32 to index
    %get3A_4575 = arith.constant 0 : index
    %get3A_4576 = vector.load %arg5[%get3A_4573, %get3A_4574, %get3A_4575] : memref<1x2048x64xbf16, #tpu.memory_space<vmem>>, vector<1x64x64xbf16>
    %get3A_4577 = vector.shape_cast %get3A_4576 : vector<1x64x64xbf16> to vector<64x64xbf16>
    %get3A_4578 = arith.constant 16 : index
    %get3A_4579 = arith.constant 3 : index
    %get3A_4580 = memref.load %arg1[%get3A_4578, %get3A_4579] : memref<30x8xi32, #tpu.memory_space<smem>>
    %mul3A_4581 = arith.constant 64 : i32
    %mul3A_4582 = arith.muli %get3A_4580, %mul3A_4581 : i32
    %get3A_4583 = arith.constant 0 : index
    %get3A_4584 = arith.index_cast %mul3A_4582 : i32 to index
    %get3A_4585 = arith.constant 0 : index
    %get3A_4586 = vector.load %arg5[%get3A_4583, %get3A_4584, %get3A_4585] : memref<1x2048x64xbf16, #tpu.memory_space<vmem>>, vector<1x64x64xbf16>
    %get3A_4587 = vector.shape_cast %get3A_4586 : vector<1x64x64xbf16> to vector<64x64xbf16>
    %get3A_4588 = arith.constant 16 : index
    %get3A_4589 = arith.constant 4 : index
    %get3A_4590 = memref.load %arg1[%get3A_4588, %get3A_4589] : memref<30x8xi32, #tpu.memory_space<smem>>
    %mul3A_4591 = arith.constant 64 : i32
    %mul3A_4592 = arith.muli %get3A_4590, %mul3A_4591 : i32
    %get3A_4593 = arith.constant 0 : index
    %get3A_4594 = arith.index_cast %mul3A_4592 : i32 to index
    %get3A_4595 = arith.constant 0 : index
    %get3A_4596 = vector.load %arg5[%get3A_4593, %get3A_4594, %get3A_4595] : memref<1x2048x64xbf16, #tpu.memory_space<vmem>>, vector<1x64x64xbf16>
    %get3A_4597 = vector.shape_cast %get3A_4596 : vector<1x64x64xbf16> to vector<64x64xbf16>
    %get3A_4598 = arith.constant 16 : index
    %get3A_4599 = arith.constant 5 : index
    %get3A_4600 = memref.load %arg1[%get3A_4598, %get3A_4599] : memref<30x8xi32, #tpu.memory_space<smem>>
    %mul3A_4601 = arith.constant 64 : i32
    %mul3A_4602 = arith.muli %get3A_4600, %mul3A_4601 : i32
    %get3A_4603 = arith.constant 0 : index
    %get3A_4604 = arith.index_cast %mul3A_4602 : i32 to index
    %get3A_4605 = arith.constant 0 : index
    %get3A_4606 = vector.load %arg5[%get3A_4603, %get3A_4604, %get3A_4605] : memref<1x2048x64xbf16, #tpu.memory_space<vmem>>, vector<1x64x64xbf16>
    %get3A_4607 = vector.shape_cast %get3A_4606 : vector<1x64x64xbf16> to vector<64x64xbf16>
    %get3A_4608 = arith.constant 16 : index
    %get3A_4609 = arith.constant 6 : index
    %get3A_4610 = memref.load %arg1[%get3A_4608, %get3A_4609] : memref<30x8xi32, #tpu.memory_space<smem>>
    %mul3A_4611 = arith.constant 64 : i32
    %mul3A_4612 = arith.muli %get3A_4610, %mul3A_4611 : i32
    %get3A_4613 = arith.constant 0 : index
    %get3A_4614 = arith.index_cast %mul3A_4612 : i32 to index
    %get3A_4615 = arith.constant 0 : index
    %get3A_4616 = vector.load %arg5[%get3A_4613, %get3A_4614, %get3A_4615] : memref<1x2048x64xbf16, #tpu.memory_space<vmem>>, vector<1x64x64xbf16>
    %get3A_4617 = vector.shape_cast %get3A_4616 : vector<1x64x64xbf16> to vector<64x64xbf16>
    %get3A_4618 = arith.constant 16 : index
    %get3A_4619 = arith.constant 7 : index
    %get3A_4620 = memref.load %arg1[%get3A_4618, %get3A_4619] : memref<30x8xi32, #tpu.memory_space<smem>>
    %mul3A_4621 = arith.constant 64 : i32
    %mul3A_4622 = arith.muli %get3A_4620, %mul3A_4621 : i32
    %get3A_4623 = arith.constant 0 : index
    %get3A_4624 = arith.index_cast %mul3A_4622 : i32 to index
    %get3A_4625 = arith.constant 0 : index
    %get3A_4626 = vector.load %arg5[%get3A_4623, %get3A_4624, %get3A_4625] : memref<1x2048x64xbf16, #tpu.memory_space<vmem>>, vector<1x64x64xbf16>
    %get3A_4627 = vector.shape_cast %get3A_4626 : vector<1x64x64xbf16> to vector<64x64xbf16>
    %concatenate3A_4628 = tpu.concatenate %get3A_4557, %get3A_4567, %get3A_4577, %get3A_4587, %get3A_4597, %get3A_4607, %get3A_4617, %get3A_4627 in 0 : vector<64x64xbf16>, vector<64x64xbf16>, vector<64x64xbf16>, vector<64x64xbf16>, vector<64x64xbf16>, vector<64x64xbf16>, vector<64x64xbf16>, vector<64x64xbf16> -> vector<512x64xbf16>
    %get3A_4629 = arith.constant 1024 : index
    %get3A_4630 = arith.constant 0 : index
    %get3A_4631 = vector.load %arg8[%get3A_4629, %get3A_4630] : memref<1920x512xbf16, #tpu.memory_space<vmem>>, vector<64x512xbf16>
    %dot_general3A_4632 = arith.constant dense<0.000000e+00> : vector<64x64xf32>
    %dot_general3A_4633 = tpu.matmul %get3A_4631, %concatenate3A_4628, %dot_general3A_4632 {dimension_numbers = #tpu.dot_dimension_numbers<[1], [0], [0], [1], [0, 0, 1, 1], [], []>, transpose_lhs_hint = false} : vector<64x512xbf16>, vector<512x64xbf16>, vector<64x64xf32> -> vector<64x64xf32>
    %swap3A_4634 = arith.constant 0 : index
    %swap3A_4635 = arith.constant 1088 : index
    %swap3A_4636 = arith.constant 0 : index
    %swap3A_4637 = vector.load %arg6[%swap3A_4634, %swap3A_4635, %swap3A_4636] : memref<1x2048x64xf32, #tpu.memory_space<vmem>>, vector<1x64x64xf32>
    %swap3A_4638 = vector.shape_cast %swap3A_4637 : vector<1x64x64xf32> to vector<64x64xf32>
    %swap3A_4639 = vector.shape_cast %dot_general3A_4633 : vector<64x64xf32> to vector<1x64x64xf32>
    tpu.vector_store %arg6[%swap3A_4634, %swap3A_4635, %swap3A_4636], %swap3A_4639 {strides = array<i32>} : memref<1x2048x64xf32, #tpu.memory_space<vmem>>, vector<1x64x64xf32>,
    %get3A_4640 = arith.constant 17 : index
    %get3A_4641 = arith.constant 0 : index
    %get3A_4642 = memref.load %arg1[%get3A_4640, %get3A_4641] : memref<30x8xi32, #tpu.memory_space<smem>>
    %mul3A_4643 = arith.constant 64 : i32
    %mul3A_4644 = arith.muli %get3A_4642, %mul3A_4643 : i32
    %get3A_4645 = arith.constant 0 : index
    %get3A_4646 = arith.index_cast %mul3A_4644 : i32 to index
    %get3A_4647 = arith.constant 0 : index
    %get3A_4648 = vector.load %arg5[%get3A_4645, %get3A_4646, %get3A_4647] : memref<1x2048x64xbf16, #tpu.memory_space<vmem>>, vector<1x64x64xbf16>
    %get3A_4649 = vector.shape_cast %get3A_4648 : vector<1x64x64xbf16> to vector<64x64xbf16>
    %get3A_4650 = arith.constant 17 : index
    %get3A_4651 = arith.constant 1 : index
    %get3A_4652 = memref.load %arg1[%get3A_4650, %get3A_4651] : memref<30x8xi32, #tpu.memory_space<smem>>
    %mul3A_4653 = arith.constant 64 : i32
    %mul3A_4654 = arith.muli %get3A_4652, %mul3A_4653 : i32
    %get3A_4655 = arith.constant 0 : index
    %get3A_4656 = arith.index_cast %mul3A_4654 : i32 to index
    %get3A_4657 = arith.constant 0 : index
    %get3A_4658 = vector.load %arg5[%get3A_4655, %get3A_4656, %get3A_4657] : memref<1x2048x64xbf16, #tpu.memory_space<vmem>>, vector<1x64x64xbf16>
    %get3A_4659 = vector.shape_cast %get3A_4658 : vector<1x64x64xbf16> to vector<64x64xbf16>
    %get3A_4660 = arith.constant 17 : index
    %get3A_4661 = arith.constant 2 : index
    %get3A_4662 = memref.load %arg1[%get3A_4660, %get3A_4661] : memref<30x8xi32, #tpu.memory_space<smem>>
    %mul3A_4663 = arith.constant 64 : i32
    %mul3A_4664 = arith.muli %get3A_4662, %mul3A_4663 : i32
    %get3A_4665 = arith.constant 0 : index
    %get3A_4666 = arith.index_cast %mul3A_4664 : i32 to index
    %get3A_4667 = arith.constant 0 : index
    %get3A_4668 = vector.load %arg5[%get3A_4665, %get3A_4666, %get3A_4667] : memref<1x2048x64xbf16, #tpu.memory_space<vmem>>, vector<1x64x64xbf16>
    %get3A_4669 = vector.shape_cast %get3A_4668 : vector<1x64x64xbf16> to vector<64x64xbf16>
    %get3A_4670 = arith.constant 17 : index
    %get3A_4671 = arith.constant 3 : index
    %get3A_4672 = memref.load %arg1[%get3A_4670, %get3A_4671] : memref<30x8xi32, #tpu.memory_space<smem>>
    %mul3A_4673 = arith.constant 64 : i32
    %mul3A_4674 = arith.muli %get3A_4672, %mul3A_4673 : i32
    %get3A_4675 = arith.constant 0 : index
    %get3A_4676 = arith.index_cast %mul3A_4674 : i32 to index
    %get3A_4677 = arith.constant 0 : index
    %get3A_4678 = vector.load %arg5[%get3A_4675, %get3A_4676, %get3A_4677] : memref<1x2048x64xbf16, #tpu.memory_space<vmem>>, vector<1x64x64xbf16>
    %get3A_4679 = vector.shape_cast %get3A_4678 : vector<1x64x64xbf16> to vector<64x64xbf16>
    %get3A_4680 = arith.constant 17 : index
    %get3A_4681 = arith.constant 4 : index
    %get3A_4682 = memref.load %arg1[%get3A_4680, %get3A_4681] : memref<30x8xi32, #tpu.memory_space<smem>>
    %mul3A_4683 = arith.constant 64 : i32
    %mul3A_4684 = arith.muli %get3A_4682, %mul3A_4683 : i32
    %get3A_4685 = arith.constant 0 : index
    %get3A_4686 = arith.index_cast %mul3A_4684 : i32 to index
    %get3A_4687 = arith.constant 0 : index
    %get3A_4688 = vector.load %arg5[%get3A_4685, %get3A_4686, %get3A_4687] : memref<1x2048x64xbf16, #tpu.memory_space<vmem>>, vector<1x64x64xbf16>
    %get3A_4689 = vector.shape_cast %get3A_4688 : vector<1x64x64xbf16> to vector<64x64xbf16>
    %get3A_4690 = arith.constant 17 : index
    %get3A_4691 = arith.constant 5 : index
    %get3A_4692 = memref.load %arg1[%get3A_4690, %get3A_4691] : memref<30x8xi32, #tpu.memory_space<smem>>
    %mul3A_4693 = arith.constant 64 : i32
    %mul3A_4694 = arith.muli %get3A_4692, %mul3A_4693 : i32
    %get3A_4695 = arith.constant 0 : index
    %get3A_4696 = arith.index_cast %mul3A_4694 : i32 to index
    %get3A_4697 = arith.constant 0 : index
    %get3A_4698 = vector.load %arg5[%get3A_4695, %get3A_4696, %get3A_4697] : memref<1x2048x64xbf16, #tpu.memory_space<vmem>>, vector<1x64x64xbf16>
    %get3A_4699 = vector.shape_cast %get3A_4698 : vector<1x64x64xbf16> to vector<64x64xbf16>
    %get3A_4700 = arith.constant 17 : index
    %get3A_4701 = arith.constant 6 : index
    %get3A_4702 = memref.load %arg1[%get3A_4700, %get3A_4701] : memref<30x8xi32, #tpu.memory_space<smem>>
    %mul3A_4703 = arith.constant 64 : i32
    %mul3A_4704 = arith.muli %get3A_4702, %mul3A_4703 : i32
    %get3A_4705 = arith.constant 0 : index
    %get3A_4706 = arith.index_cast %mul3A_4704 : i32 to index
    %get3A_4707 = arith.constant 0 : index
    %get3A_4708 = vector.load %arg5[%get3A_4705, %get3A_4706, %get3A_4707] : memref<1x2048x64xbf16, #tpu.memory_space<vmem>>, vector<1x64x64xbf16>
    %get3A_4709 = vector.shape_cast %get3A_4708 : vector<1x64x64xbf16> to vector<64x64xbf16>
    %get3A_4710 = arith.constant 17 : index
    %get3A_4711 = arith.constant 7 : index
    %get3A_4712 = memref.load %arg1[%get3A_4710, %get3A_4711] : memref<30x8xi32, #tpu.memory_space<smem>>
    %mul3A_4713 = arith.constant 64 : i32
    %mul3A_4714 = arith.muli %get3A_4712, %mul3A_4713 : i32
    %get3A_4715 = arith.constant 0 : index
    %get3A_4716 = arith.index_cast %mul3A_4714 : i32 to index
    %get3A_4717 = arith.constant 0 : index
    %get3A_4718 = vector.load %arg5[%get3A_4715, %get3A_4716, %get3A_4717] : memref<1x2048x64xbf16, #tpu.memory_space<vmem>>, vector<1x64x64xbf16>
    %get3A_4719 = vector.shape_cast %get3A_4718 : vector<1x64x64xbf16> to vector<64x64xbf16>
    %concatenate3A_4720 = tpu.concatenate %get3A_4649, %get3A_4659, %get3A_4669, %get3A_4679, %get3A_4689, %get3A_4699, %get3A_4709, %get3A_4719 in 0 : vector<64x64xbf16>, vector<64x64xbf16>, vector<64x64xbf16>, vector<64x64xbf16>, vector<64x64xbf16>, vector<64x64xbf16>, vector<64x64xbf16>, vector<64x64xbf16> -> vector<512x64xbf16>
    %get3A_4721 = arith.constant 1088 : index
    %get3A_4722 = arith.constant 0 : index
    %get3A_4723 = vector.load %arg8[%get3A_4721, %get3A_4722] : memref<1920x512xbf16, #tpu.memory_space<vmem>>, vector<64x512xbf16>
    %dot_general3A_4724 = arith.constant dense<0.000000e+00> : vector<64x64xf32>
    %dot_general3A_4725 = tpu.matmul %get3A_4723, %concatenate3A_4720, %dot_general3A_4724 {dimension_numbers = #tpu.dot_dimension_numbers<[1], [0], [0], [1], [0, 0, 1, 1], [], []>, transpose_lhs_hint = false} : vector<64x512xbf16>, vector<512x64xbf16>, vector<64x64xf32> -> vector<64x64xf32>
    %swap3A_4726 = arith.constant 0 : index
    %swap3A_4727 = arith.constant 1152 : index
    %swap3A_4728 = arith.constant 0 : index
    %swap3A_4729 = vector.load %arg6[%swap3A_4726, %swap3A_4727, %swap3A_4728] : memref<1x2048x64xf32, #tpu.memory_space<vmem>>, vector<1x64x64xf32>
    %swap3A_4730 = vector.shape_cast %swap3A_4729 : vector<1x64x64xf32> to vector<64x64xf32>
    %swap3A_4731 = vector.shape_cast %dot_general3A_4725 : vector<64x64xf32> to vector<1x64x64xf32>
    tpu.vector_store %arg6[%swap3A_4726, %swap3A_4727, %swap3A_4728], %swap3A_4731 {strides = array<i32>} : memref<1x2048x64xf32, #tpu.memory_space<vmem>>, vector<1x64x64xf32>,
    %get3A_4732 = arith.constant 18 : index
    %get3A_4733 = arith.constant 0 : index
    %get3A_4734 = memref.load %arg1[%get3A_4732, %get3A_4733] : memref<30x8xi32, #tpu.memory_space<smem>>
    %mul3A_4735 = arith.constant 64 : i32
    %mul3A_4736 = arith.muli %get3A_4734, %mul3A_4735 : i32
    %get3A_4737 = arith.constant 0 : index
    %get3A_4738 = arith.index_cast %mul3A_4736 : i32 to index
    %get3A_4739 = arith.constant 0 : index
    %get3A_4740 = vector.load %arg5[%get3A_4737, %get3A_4738, %get3A_4739] : memref<1x2048x64xbf16, #tpu.memory_space<vmem>>, vector<1x64x64xbf16>
    %get3A_4741 = vector.shape_cast %get3A_4740 : vector<1x64x64xbf16> to vector<64x64xbf16>
    %get3A_4742 = arith.constant 18 : index
    %get3A_4743 = arith.constant 1 : index
    %get3A_4744 = memref.load %arg1[%get3A_4742, %get3A_4743] : memref<30x8xi32, #tpu.memory_space<smem>>
    %mul3A_4745 = arith.constant 64 : i32
    %mul3A_4746 = arith.muli %get3A_4744, %mul3A_4745 : i32
    %get3A_4747 = arith.constant 0 : index
    %get3A_4748 = arith.index_cast %mul3A_4746 : i32 to index
    %get3A_4749 = arith.constant 0 : index
    %get3A_4750 = vector.load %arg5[%get3A_4747, %get3A_4748, %get3A_4749] : memref<1x2048x64xbf16, #tpu.memory_space<vmem>>, vector<1x64x64xbf16>
    %get3A_4751 = vector.shape_cast %get3A_4750 : vector<1x64x64xbf16> to vector<64x64xbf16>
    %get3A_4752 = arith.constant 18 : index
    %get3A_4753 = arith.constant 2 : index
    %get3A_4754 = memref.load %arg1[%get3A_4752, %get3A_4753] : memref<30x8xi32, #tpu.memory_space<smem>>
    %mul3A_4755 = arith.constant 64 : i32
    %mul3A_4756 = arith.muli %get3A_4754, %mul3A_4755 : i32
    %get3A_4757 = arith.constant 0 : index
    %get3A_4758 = arith.index_cast %mul3A_4756 : i32 to index
    %get3A_4759 = arith.constant 0 : index
    %get3A_4760 = vector.load %arg5[%get3A_4757, %get3A_4758, %get3A_4759] : memref<1x2048x64xbf16, #tpu.memory_space<vmem>>, vector<1x64x64xbf16>
    %get3A_4761 = vector.shape_cast %get3A_4760 : vector<1x64x64xbf16> to vector<64x64xbf16>
    %get3A_4762 = arith.constant 18 : index
    %get3A_4763 = arith.constant 3 : index
    %get3A_4764 = memref.load %arg1[%get3A_4762, %get3A_4763] : memref<30x8xi32, #tpu.memory_space<smem>>
    %mul3A_4765 = arith.constant 64 : i32
    %mul3A_4766 = arith.muli %get3A_4764, %mul3A_4765 : i32
    %get3A_4767 = arith.constant 0 : index
    %get3A_4768 = arith.index_cast %mul3A_4766 : i32 to index
    %get3A_4769 = arith.constant 0 : index
    %get3A_4770 = vector.load %arg5[%get3A_4767, %get3A_4768, %get3A_4769] : memref<1x2048x64xbf16, #tpu.memory_space<vmem>>, vector<1x64x64xbf16>
    %get3A_4771 = vector.shape_cast %get3A_4770 : vector<1x64x64xbf16> to vector<64x64xbf16>
    %get3A_4772 = arith.constant 18 : index
    %get3A_4773 = arith.constant 4 : index
    %get3A_4774 = memref.load %arg1[%get3A_4772, %get3A_4773] : memref<30x8xi32, #tpu.memory_space<smem>>
    %mul3A_4775 = arith.constant 64 : i32
    %mul3A_4776 = arith.muli %get3A_4774, %mul3A_4775 : i32
    %get3A_4777 = arith.constant 0 : index
    %get3A_4778 = arith.index_cast %mul3A_4776 : i32 to index
    %get3A_4779 = arith.constant 0 : index
    %get3A_4780 = vector.load %arg5[%get3A_4777, %get3A_4778, %get3A_4779] : memref<1x2048x64xbf16, #tpu.memory_space<vmem>>, vector<1x64x64xbf16>
    %get3A_4781 = vector.shape_cast %get3A_4780 : vector<1x64x64xbf16> to vector<64x64xbf16>
    %get3A_4782 = arith.constant 18 : index
    %get3A_4783 = arith.constant 5 : index
    %get3A_4784 = memref.load %arg1[%get3A_4782, %get3A_4783] : memref<30x8xi32, #tpu.memory_space<smem>>
    %mul3A_4785 = arith.constant 64 : i32
    %mul3A_4786 = arith.muli %get3A_4784, %mul3A_4785 : i32
    %get3A_4787 = arith.constant 0 : index
    %get3A_4788 = arith.index_cast %mul3A_4786 : i32 to index
    %get3A_4789 = arith.constant 0 : index
    %get3A_4790 = vector.load %arg5[%get3A_4787, %get3A_4788, %get3A_4789] : memref<1x2048x64xbf16, #tpu.memory_space<vmem>>, vector<1x64x64xbf16>
    %get3A_4791 = vector.shape_cast %get3A_4790 : vector<1x64x64xbf16> to vector<64x64xbf16>
    %get3A_4792 = arith.constant 18 : index
    %get3A_4793 = arith.constant 6 : index
    %get3A_4794 = memref.load %arg1[%get3A_4792, %get3A_4793] : memref<30x8xi32, #tpu.memory_space<smem>>
    %mul3A_4795 = arith.constant 64 : i32
    %mul3A_4796 = arith.muli %get3A_4794, %mul3A_4795 : i32
    %get3A_4797 = arith.constant 0 : index
    %get3A_4798 = arith.index_cast %mul3A_4796 : i32 to index
    %get3A_4799 = arith.constant 0 : index
    %get3A_4800 = vector.load %arg5[%get3A_4797, %get3A_4798, %get3A_4799] : memref<1x2048x64xbf16, #tpu.memory_space<vmem>>, vector<1x64x64xbf16>
    %get3A_4801 = vector.shape_cast %get3A_4800 : vector<1x64x64xbf16> to vector<64x64xbf16>
    %get3A_4802 = arith.constant 18 : index
    %get3A_4803 = arith.constant 7 : index
    %get3A_4804 = memref.load %arg1[%get3A_4802, %get3A_4803] : memref<30x8xi32, #tpu.memory_space<smem>>
    %mul3A_4805 = arith.constant 64 : i32
    %mul3A_4806 = arith.muli %get3A_4804, %mul3A_4805 : i32
    %get3A_4807 = arith.constant 0 : index
    %get3A_4808 = arith.index_cast %mul3A_4806 : i32 to index
    %get3A_4809 = arith.constant 0 : index
    %get3A_4810 = vector.load %arg5[%get3A_4807, %get3A_4808, %get3A_4809] : memref<1x2048x64xbf16, #tpu.memory_space<vmem>>, vector<1x64x64xbf16>
    %get3A_4811 = vector.shape_cast %get3A_4810 : vector<1x64x64xbf16> to vector<64x64xbf16>
    %concatenate3A_4812 = tpu.concatenate %get3A_4741, %get3A_4751, %get3A_4761, %get3A_4771, %get3A_4781, %get3A_4791, %get3A_4801, %get3A_4811 in 0 : vector<64x64xbf16>, vector<64x64xbf16>, vector<64x64xbf16>, vector<64x64xbf16>, vector<64x64xbf16>, vector<64x64xbf16>, vector<64x64xbf16>, vector<64x64xbf16> -> vector<512x64xbf16>
    %get3A_4813 = arith.constant 1152 : index
    %get3A_4814 = arith.constant 0 : index
    %get3A_4815 = vector.load %arg8[%get3A_4813, %get3A_4814] : memref<1920x512xbf16, #tpu.memory_space<vmem>>, vector<64x512xbf16>
    %dot_general3A_4816 = arith.constant dense<0.000000e+00> : vector<64x64xf32>
    %dot_general3A_4817 = tpu.matmul %get3A_4815, %concatenate3A_4812, %dot_general3A_4816 {dimension_numbers = #tpu.dot_dimension_numbers<[1], [0], [0], [1], [0, 0, 1, 1], [], []>, transpose_lhs_hint = false} : vector<64x512xbf16>, vector<512x64xbf16>, vector<64x64xf32> -> vector<64x64xf32>
    %swap3A_4818 = arith.constant 0 : index
    %swap3A_4819 = arith.constant 1216 : index
    %swap3A_4820 = arith.constant 0 : index
    %swap3A_4821 = vector.load %arg6[%swap3A_4818, %swap3A_4819, %swap3A_4820] : memref<1x2048x64xf32, #tpu.memory_space<vmem>>, vector<1x64x64xf32>
    %swap3A_4822 = vector.shape_cast %swap3A_4821 : vector<1x64x64xf32> to vector<64x64xf32>
    %swap3A_4823 = vector.shape_cast %dot_general3A_4817 : vector<64x64xf32> to vector<1x64x64xf32>
    tpu.vector_store %arg6[%swap3A_4818, %swap3A_4819, %swap3A_4820], %swap3A_4823 {strides = array<i32>} : memref<1x2048x64xf32, #tpu.memory_space<vmem>>, vector<1x64x64xf32>,
    %get3A_4824 = arith.constant 19 : index
    %get3A_4825 = arith.constant 0 : index
    %get3A_4826 = memref.load %arg1[%get3A_4824, %get3A_4825] : memref<30x8xi32, #tpu.memory_space<smem>>
    %mul3A_4827 = arith.constant 64 : i32
    %mul3A_4828 = arith.muli %get3A_4826, %mul3A_4827 : i32
    %get3A_4829 = arith.constant 0 : index
    %get3A_4830 = arith.index_cast %mul3A_4828 : i32 to index
    %get3A_4831 = arith.constant 0 : index
    %get3A_4832 = vector.load %arg5[%get3A_4829, %get3A_4830, %get3A_4831] : memref<1x2048x64xbf16, #tpu.memory_space<vmem>>, vector<1x64x64xbf16>
    %get3A_4833 = vector.shape_cast %get3A_4832 : vector<1x64x64xbf16> to vector<64x64xbf16>
    %get3A_4834 = arith.constant 19 : index
    %get3A_4835 = arith.constant 1 : index
    %get3A_4836 = memref.load %arg1[%get3A_4834, %get3A_4835] : memref<30x8xi32, #tpu.memory_space<smem>>
    %mul3A_4837 = arith.constant 64 : i32
    %mul3A_4838 = arith.muli %get3A_4836, %mul3A_4837 : i32
    %get3A_4839 = arith.constant 0 : index
    %get3A_4840 = arith.index_cast %mul3A_4838 : i32 to index
    %get3A_4841 = arith.constant 0 : index
    %get3A_4842 = vector.load %arg5[%get3A_4839, %get3A_4840, %get3A_4841] : memref<1x2048x64xbf16, #tpu.memory_space<vmem>>, vector<1x64x64xbf16>
    %get3A_4843 = vector.shape_cast %get3A_4842 : vector<1x64x64xbf16> to vector<64x64xbf16>
    %get3A_4844 = arith.constant 19 : index
    %get3A_4845 = arith.constant 2 : index
    %get3A_4846 = memref.load %arg1[%get3A_4844, %get3A_4845] : memref<30x8xi32, #tpu.memory_space<smem>>
    %mul3A_4847 = arith.constant 64 : i32
    %mul3A_4848 = arith.muli %get3A_4846, %mul3A_4847 : i32
    %get3A_4849 = arith.constant 0 : index
    %get3A_4850 = arith.index_cast %mul3A_4848 : i32 to index
    %get3A_4851 = arith.constant 0 : index
    %get3A_4852 = vector.load %arg5[%get3A_4849, %get3A_4850, %get3A_4851] : memref<1x2048x64xbf16, #tpu.memory_space<vmem>>, vector<1x64x64xbf16>
    %get3A_4853 = vector.shape_cast %get3A_4852 : vector<1x64x64xbf16> to vector<64x64xbf16>
    %get3A_4854 = arith.constant 19 : index
    %get3A_4855 = arith.constant 3 : index
    %get3A_4856 = memref.load %arg1[%get3A_4854, %get3A_4855] : memref<30x8xi32, #tpu.memory_space<smem>>
    %mul3A_4857 = arith.constant 64 : i32
    %mul3A_4858 = arith.muli %get3A_4856, %mul3A_4857 : i32
    %get3A_4859 = arith.constant 0 : index
    %get3A_4860 = arith.index_cast %mul3A_4858 : i32 to index
    %get3A_4861 = arith.constant 0 : index
    %get3A_4862 = vector.load %arg5[%get3A_4859, %get3A_4860, %get3A_4861] : memref<1x2048x64xbf16, #tpu.memory_space<vmem>>, vector<1x64x64xbf16>
    %get3A_4863 = vector.shape_cast %get3A_4862 : vector<1x64x64xbf16> to vector<64x64xbf16>
    %get3A_4864 = arith.constant 19 : index
    %get3A_4865 = arith.constant 4 : index
    %get3A_4866 = memref.load %arg1[%get3A_4864, %get3A_4865] : memref<30x8xi32, #tpu.memory_space<smem>>
    %mul3A_4867 = arith.constant 64 : i32
    %mul3A_4868 = arith.muli %get3A_4866, %mul3A_4867 : i32
    %get3A_4869 = arith.constant 0 : index
    %get3A_4870 = arith.index_cast %mul3A_4868 : i32 to index
    %get3A_4871 = arith.constant 0 : index
    %get3A_4872 = vector.load %arg5[%get3A_4869, %get3A_4870, %get3A_4871] : memref<1x2048x64xbf16, #tpu.memory_space<vmem>>, vector<1x64x64xbf16>
    %get3A_4873 = vector.shape_cast %get3A_4872 : vector<1x64x64xbf16> to vector<64x64xbf16>
    %get3A_4874 = arith.constant 19 : index
    %get3A_4875 = arith.constant 5 : index
    %get3A_4876 = memref.load %arg1[%get3A_4874, %get3A_4875] : memref<30x8xi32, #tpu.memory_space<smem>>
    %mul3A_4877 = arith.constant 64 : i32
    %mul3A_4878 = arith.muli %get3A_4876, %mul3A_4877 : i32
    %get3A_4879 = arith.constant 0 : index
    %get3A_4880 = arith.index_cast %mul3A_4878 : i32 to index
    %get3A_4881 = arith.constant 0 : index
    %get3A_4882 = vector.load %arg5[%get3A_4879, %get3A_4880, %get3A_4881] : memref<1x2048x64xbf16, #tpu.memory_space<vmem>>, vector<1x64x64xbf16>
    %get3A_4883 = vector.shape_cast %get3A_4882 : vector<1x64x64xbf16> to vector<64x64xbf16>
    %get3A_4884 = arith.constant 19 : index
    %get3A_4885 = arith.constant 6 : index
    %get3A_4886 = memref.load %arg1[%get3A_4884, %get3A_4885] : memref<30x8xi32, #tpu.memory_space<smem>>
    %mul3A_4887 = arith.constant 64 : i32
    %mul3A_4888 = arith.muli %get3A_4886, %mul3A_4887 : i32
    %get3A_4889 = arith.constant 0 : index
    %get3A_4890 = arith.index_cast %mul3A_4888 : i32 to index
    %get3A_4891 = arith.constant 0 : index
    %get3A_4892 = vector.load %arg5[%get3A_4889, %get3A_4890, %get3A_4891] : memref<1x2048x64xbf16, #tpu.memory_space<vmem>>, vector<1x64x64xbf16>
    %get3A_4893 = vector.shape_cast %get3A_4892 : vector<1x64x64xbf16> to vector<64x64xbf16>
    %get3A_4894 = arith.constant 19 : index
    %get3A_4895 = arith.constant 7 : index
    %get3A_4896 = memref.load %arg1[%get3A_4894, %get3A_4895] : memref<30x8xi32, #tpu.memory_space<smem>>
    %mul3A_4897 = arith.constant 64 : i32
    %mul3A_4898 = arith.muli %get3A_4896, %mul3A_4897 : i32
    %get3A_4899 = arith.constant 0 : index
    %get3A_4900 = arith.index_cast %mul3A_4898 : i32 to index
    %get3A_4901 = arith.constant 0 : index
    %get3A_4902 = vector.load %arg5[%get3A_4899, %get3A_4900, %get3A_4901] : memref<1x2048x64xbf16, #tpu.memory_space<vmem>>, vector<1x64x64xbf16>
    %get3A_4903 = vector.shape_cast %get3A_4902 : vector<1x64x64xbf16> to vector<64x64xbf16>
    %concatenate3A_4904 = tpu.concatenate %get3A_4833, %get3A_4843, %get3A_4853, %get3A_4863, %get3A_4873, %get3A_4883, %get3A_4893, %get3A_4903 in 0 : vector<64x64xbf16>, vector<64x64xbf16>, vector<64x64xbf16>, vector<64x64xbf16>, vector<64x64xbf16>, vector<64x64xbf16>, vector<64x64xbf16>, vector<64x64xbf16> -> vector<512x64xbf16>
    %get3A_4905 = arith.constant 1216 : index
    %get3A_4906 = arith.constant 0 : index
    %get3A_4907 = vector.load %arg8[%get3A_4905, %get3A_4906] : memref<1920x512xbf16, #tpu.memory_space<vmem>>, vector<64x512xbf16>
    %dot_general3A_4908 = arith.constant dense<0.000000e+00> : vector<64x64xf32>
    %dot_general3A_4909 = tpu.matmul %get3A_4907, %concatenate3A_4904, %dot_general3A_4908 {dimension_numbers = #tpu.dot_dimension_numbers<[1], [0], [0], [1], [0, 0, 1, 1], [], []>, transpose_lhs_hint = false} : vector<64x512xbf16>, vector<512x64xbf16>, vector<64x64xf32> -> vector<64x64xf32>
    %swap3A_4910 = arith.constant 0 : index
    %swap3A_4911 = arith.constant 1280 : index
    %swap3A_4912 = arith.constant 0 : index
    %swap3A_4913 = vector.load %arg6[%swap3A_4910, %swap3A_4911, %swap3A_4912] : memref<1x2048x64xf32, #tpu.memory_space<vmem>>, vector<1x64x64xf32>
    %swap3A_4914 = vector.shape_cast %swap3A_4913 : vector<1x64x64xf32> to vector<64x64xf32>
    %swap3A_4915 = vector.shape_cast %dot_general3A_4909 : vector<64x64xf32> to vector<1x64x64xf32>
    tpu.vector_store %arg6[%swap3A_4910, %swap3A_4911, %swap3A_4912], %swap3A_4915 {strides = array<i32>} : memref<1x2048x64xf32, #tpu.memory_space<vmem>>, vector<1x64x64xf32>,
    %get3A_4916 = arith.constant 20 : index
    %get3A_4917 = arith.constant 0 : index
    %get3A_4918 = memref.load %arg1[%get3A_4916, %get3A_4917] : memref<30x8xi32, #tpu.memory_space<smem>>
    %mul3A_4919 = arith.constant 64 : i32
    %mul3A_4920 = arith.muli %get3A_4918, %mul3A_4919 : i32
    %get3A_4921 = arith.constant 0 : index
    %get3A_4922 = arith.index_cast %mul3A_4920 : i32 to index
    %get3A_4923 = arith.constant 0 : index
    %get3A_4924 = vector.load %arg5[%get3A_4921, %get3A_4922, %get3A_4923] : memref<1x2048x64xbf16, #tpu.memory_space<vmem>>, vector<1x64x64xbf16>
    %get3A_4925 = vector.shape_cast %get3A_4924 : vector<1x64x64xbf16> to vector<64x64xbf16>
    %get3A_4926 = arith.constant 20 : index
    %get3A_4927 = arith.constant 1 : index
    %get3A_4928 = memref.load %arg1[%get3A_4926, %get3A_4927] : memref<30x8xi32, #tpu.memory_space<smem>>
    %mul3A_4929 = arith.constant 64 : i32
    %mul3A_4930 = arith.muli %get3A_4928, %mul3A_4929 : i32
    %get3A_4931 = arith.constant 0 : index
    %get3A_4932 = arith.index_cast %mul3A_4930 : i32 to index
    %get3A_4933 = arith.constant 0 : index
    %get3A_4934 = vector.load %arg5[%get3A_4931, %get3A_4932, %get3A_4933] : memref<1x2048x64xbf16, #tpu.memory_space<vmem>>, vector<1x64x64xbf16>
    %get3A_4935 = vector.shape_cast %get3A_4934 : vector<1x64x64xbf16> to vector<64x64xbf16>
    %get3A_4936 = arith.constant 20 : index
    %get3A_4937 = arith.constant 2 : index
    %get3A_4938 = memref.load %arg1[%get3A_4936, %get3A_4937] : memref<30x8xi32, #tpu.memory_space<smem>>
    %mul3A_4939 = arith.constant 64 : i32
    %mul3A_4940 = arith.muli %get3A_4938, %mul3A_4939 : i32
    %get3A_4941 = arith.constant 0 : index
    %get3A_4942 = arith.index_cast %mul3A_4940 : i32 to index
    %get3A_4943 = arith.constant 0 : index
    %get3A_4944 = vector.load %arg5[%get3A_4941, %get3A_4942, %get3A_4943] : memref<1x2048x64xbf16, #tpu.memory_space<vmem>>, vector<1x64x64xbf16>
    %get3A_4945 = vector.shape_cast %get3A_4944 : vector<1x64x64xbf16> to vector<64x64xbf16>
    %get3A_4946 = arith.constant 20 : index
    %get3A_4947 = arith.constant 3 : index
    %get3A_4948 = memref.load %arg1[%get3A_4946, %get3A_4947] : memref<30x8xi32, #tpu.memory_space<smem>>
    %mul3A_4949 = arith.constant 64 : i32
    %mul3A_4950 = arith.muli %get3A_4948, %mul3A_4949 : i32
    %get3A_4951 = arith.constant 0 : index
    %get3A_4952 = arith.index_cast %mul3A_4950 : i32 to index
    %get3A_4953 = arith.constant 0 : index
    %get3A_4954 = vector.load %arg5[%get3A_4951, %get3A_4952, %get3A_4953] : memref<1x2048x64xbf16, #tpu.memory_space<vmem>>, vector<1x64x64xbf16>
    %get3A_4955 = vector.shape_cast %get3A_4954 : vector<1x64x64xbf16> to vector<64x64xbf16>
    %get3A_4956 = arith.constant 20 : index
    %get3A_4957 = arith.constant 4 : index
    %get3A_4958 = memref.load %arg1[%get3A_4956, %get3A_4957] : memref<30x8xi32, #tpu.memory_space<smem>>
    %mul3A_4959 = arith.constant 64 : i32
    %mul3A_4960 = arith.muli %get3A_4958, %mul3A_4959 : i32
    %get3A_4961 = arith.constant 0 : index
    %get3A_4962 = arith.index_cast %mul3A_4960 : i32 to index
    %get3A_4963 = arith.constant 0 : index
    %get3A_4964 = vector.load %arg5[%get3A_4961, %get3A_4962, %get3A_4963] : memref<1x2048x64xbf16, #tpu.memory_space<vmem>>, vector<1x64x64xbf16>
    %get3A_4965 = vector.shape_cast %get3A_4964 : vector<1x64x64xbf16> to vector<64x64xbf16>
    %get3A_4966 = arith.constant 20 : index
    %get3A_4967 = arith.constant 5 : index
    %get3A_4968 = memref.load %arg1[%get3A_4966, %get3A_4967] : memref<30x8xi32, #tpu.memory_space<smem>>
    %mul3A_4969 = arith.constant 64 : i32
    %mul3A_4970 = arith.muli %get3A_4968, %mul3A_4969 : i32
    %get3A_4971 = arith.constant 0 : index
    %get3A_4972 = arith.index_cast %mul3A_4970 : i32 to index
    %get3A_4973 = arith.constant 0 : index
    %get3A_4974 = vector.load %arg5[%get3A_4971, %get3A_4972, %get3A_4973] : memref<1x2048x64xbf16, #tpu.memory_space<vmem>>, vector<1x64x64xbf16>
    %get3A_4975 = vector.shape_cast %get3A_4974 : vector<1x64x64xbf16> to vector<64x64xbf16>
    %get3A_4976 = arith.constant 20 : index
    %get3A_4977 = arith.constant 6 : index
    %get3A_4978 = memref.load %arg1[%get3A_4976, %get3A_4977] : memref<30x8xi32, #tpu.memory_space<smem>>
    %mul3A_4979 = arith.constant 64 : i32
    %mul3A_4980 = arith.muli %get3A_4978, %mul3A_4979 : i32
    %get3A_4981 = arith.constant 0 : index
    %get3A_4982 = arith.index_cast %mul3A_4980 : i32 to index
    %get3A_4983 = arith.constant 0 : index
    %get3A_4984 = vector.load %arg5[%get3A_4981, %get3A_4982, %get3A_4983] : memref<1x2048x64xbf16, #tpu.memory_space<vmem>>, vector<1x64x64xbf16>
    %get3A_4985 = vector.shape_cast %get3A_4984 : vector<1x64x64xbf16> to vector<64x64xbf16>
    %get3A_4986 = arith.constant 20 : index
    %get3A_4987 = arith.constant 7 : index
    %get3A_4988 = memref.load %arg1[%get3A_4986, %get3A_4987] : memref<30x8xi32, #tpu.memory_space<smem>>
    %mul3A_4989 = arith.constant 64 : i32
    %mul3A_4990 = arith.muli %get3A_4988, %mul3A_4989 : i32
    %get3A_4991 = arith.constant 0 : index
    %get3A_4992 = arith.index_cast %mul3A_4990 : i32 to index
    %get3A_4993 = arith.constant 0 : index
    %get3A_4994 = vector.load %arg5[%get3A_4991, %get3A_4992, %get3A_4993] : memref<1x2048x64xbf16, #tpu.memory_space<vmem>>, vector<1x64x64xbf16>
    %get3A_4995 = vector.shape_cast %get3A_4994 : vector<1x64x64xbf16> to vector<64x64xbf16>
    %concatenate3A_4996 = tpu.concatenate %get3A_4925, %get3A_4935, %get3A_4945, %get3A_4955, %get3A_4965, %get3A_4975, %get3A_4985, %get3A_4995 in 0 : vector<64x64xbf16>, vector<64x64xbf16>, vector<64x64xbf16>, vector<64x64xbf16>, vector<64x64xbf16>, vector<64x64xbf16>, vector<64x64xbf16>, vector<64x64xbf16> -> vector<512x64xbf16>
    %get3A_4997 = arith.constant 1280 : index
    %get3A_4998 = arith.constant 0 : index
    %get3A_4999 = vector.load %arg8[%get3A_4997, %get3A_4998] : memref<1920x512xbf16, #tpu.memory_space<vmem>>, vector<64x512xbf16>
    %dot_general3A_5000 = arith.constant dense<0.000000e+00> : vector<64x64xf32>
    %dot_general3A_5001 = tpu.matmul %get3A_4999, %concatenate3A_4996, %dot_general3A_5000 {dimension_numbers = #tpu.dot_dimension_numbers<[1], [0], [0], [1], [0, 0, 1, 1], [], []>, transpose_lhs_hint = false} : vector<64x512xbf16>, vector<512x64xbf16>, vector<64x64xf32> -> vector<64x64xf32>
    %swap3A_5002 = arith.constant 0 : index
    %swap3A_5003 = arith.constant 1344 : index
    %swap3A_5004 = arith.constant 0 : index
    %swap3A_5005 = vector.load %arg6[%swap3A_5002, %swap3A_5003, %swap3A_5004] : memref<1x2048x64xf32, #tpu.memory_space<vmem>>, vector<1x64x64xf32>
    %swap3A_5006 = vector.shape_cast %swap3A_5005 : vector<1x64x64xf32> to vector<64x64xf32>
    %swap3A_5007 = vector.shape_cast %dot_general3A_5001 : vector<64x64xf32> to vector<1x64x64xf32>
    tpu.vector_store %arg6[%swap3A_5002, %swap3A_5003, %swap3A_5004], %swap3A_5007 {strides = array<i32>} : memref<1x2048x64xf32, #tpu.memory_space<vmem>>, vector<1x64x64xf32>,
    %get3A_5008 = arith.constant 21 : index
    %get3A_5009 = arith.constant 0 : index
    %get3A_5010 = memref.load %arg1[%get3A_5008, %get3A_5009] : memref<30x8xi32, #tpu.memory_space<smem>>
    %mul3A_5011 = arith.constant 64 : i32
    %mul3A_5012 = arith.muli %get3A_5010, %mul3A_5011 : i32
    %get3A_5013 = arith.constant 0 : index
    %get3A_5014 = arith.index_cast %mul3A_5012 : i32 to index
    %get3A_5015 = arith.constant 0 : index
    %get3A_5016 = vector.load %arg5[%get3A_5013, %get3A_5014, %get3A_5015] : memref<1x2048x64xbf16, #tpu.memory_space<vmem>>, vector<1x64x64xbf16>
    %get3A_5017 = vector.shape_cast %get3A_5016 : vector<1x64x64xbf16> to vector<64x64xbf16>
    %get3A_5018 = arith.constant 21 : index
    %get3A_5019 = arith.constant 1 : index
    %get3A_5020 = memref.load %arg1[%get3A_5018, %get3A_5019] : memref<30x8xi32, #tpu.memory_space<smem>>
    %mul3A_5021 = arith.constant 64 : i32
    %mul3A_5022 = arith.muli %get3A_5020, %mul3A_5021 : i32
    %get3A_5023 = arith.constant 0 : index
    %get3A_5024 = arith.index_cast %mul3A_5022 : i32 to index
    %get3A_5025 = arith.constant 0 : index
    %get3A_5026 = vector.load %arg5[%get3A_5023, %get3A_5024, %get3A_5025] : memref<1x2048x64xbf16, #tpu.memory_space<vmem>>, vector<1x64x64xbf16>
    %get3A_5027 = vector.shape_cast %get3A_5026 : vector<1x64x64xbf16> to vector<64x64xbf16>
    %get3A_5028 = arith.constant 21 : index
    %get3A_5029 = arith.constant 2 : index
    %get3A_5030 = memref.load %arg1[%get3A_5028, %get3A_5029] : memref<30x8xi32, #tpu.memory_space<smem>>
    %mul3A_5031 = arith.constant 64 : i32
    %mul3A_5032 = arith.muli %get3A_5030, %mul3A_5031 : i32
    %get3A_5033 = arith.constant 0 : index
    %get3A_5034 = arith.index_cast %mul3A_5032 : i32 to index
    %get3A_5035 = arith.constant 0 : index
    %get3A_5036 = vector.load %arg5[%get3A_5033, %get3A_5034, %get3A_5035] : memref<1x2048x64xbf16, #tpu.memory_space<vmem>>, vector<1x64x64xbf16>
    %get3A_5037 = vector.shape_cast %get3A_5036 : vector<1x64x64xbf16> to vector<64x64xbf16>
    %get3A_5038 = arith.constant 21 : index
    %get3A_5039 = arith.constant 3 : index
    %get3A_5040 = memref.load %arg1[%get3A_5038, %get3A_5039] : memref<30x8xi32, #tpu.memory_space<smem>>
    %mul3A_5041 = arith.constant 64 : i32
    %mul3A_5042 = arith.muli %get3A_5040, %mul3A_5041 : i32
    %get3A_5043 = arith.constant 0 : index
    %get3A_5044 = arith.index_cast %mul3A_5042 : i32 to index
    %get3A_5045 = arith.constant 0 : index
    %get3A_5046 = vector.load %arg5[%get3A_5043, %get3A_5044, %get3A_5045] : memref<1x2048x64xbf16, #tpu.memory_space<vmem>>, vector<1x64x64xbf16>
    %get3A_5047 = vector.shape_cast %get3A_5046 : vector<1x64x64xbf16> to vector<64x64xbf16>
    %get3A_5048 = arith.constant 21 : index
    %get3A_5049 = arith.constant 4 : index
    %get3A_5050 = memref.load %arg1[%get3A_5048, %get3A_5049] : memref<30x8xi32, #tpu.memory_space<smem>>
    %mul3A_5051 = arith.constant 64 : i32
    %mul3A_5052 = arith.muli %get3A_5050, %mul3A_5051 : i32
    %get3A_5053 = arith.constant 0 : index
    %get3A_5054 = arith.index_cast %mul3A_5052 : i32 to index
    %get3A_5055 = arith.constant 0 : index
    %get3A_5056 = vector.load %arg5[%get3A_5053, %get3A_5054, %get3A_5055] : memref<1x2048x64xbf16, #tpu.memory_space<vmem>>, vector<1x64x64xbf16>
    %get3A_5057 = vector.shape_cast %get3A_5056 : vector<1x64x64xbf16> to vector<64x64xbf16>
    %get3A_5058 = arith.constant 21 : index
    %get3A_5059 = arith.constant 5 : index
    %get3A_5060 = memref.load %arg1[%get3A_5058, %get3A_5059] : memref<30x8xi32, #tpu.memory_space<smem>>
    %mul3A_5061 = arith.constant 64 : i32
    %mul3A_5062 = arith.muli %get3A_5060, %mul3A_5061 : i32
    %get3A_5063 = arith.constant 0 : index
    %get3A_5064 = arith.index_cast %mul3A_5062 : i32 to index
    %get3A_5065 = arith.constant 0 : index
    %get3A_5066 = vector.load %arg5[%get3A_5063, %get3A_5064, %get3A_5065] : memref<1x2048x64xbf16, #tpu.memory_space<vmem>>, vector<1x64x64xbf16>
    %get3A_5067 = vector.shape_cast %get3A_5066 : vector<1x64x64xbf16> to vector<64x64xbf16>
    %get3A_5068 = arith.constant 21 : index
    %get3A_5069 = arith.constant 6 : index
    %get3A_5070 = memref.load %arg1[%get3A_5068, %get3A_5069] : memref<30x8xi32, #tpu.memory_space<smem>>
    %mul3A_5071 = arith.constant 64 : i32
    %mul3A_5072 = arith.muli %get3A_5070, %mul3A_5071 : i32
    %get3A_5073 = arith.constant 0 : index
    %get3A_5074 = arith.index_cast %mul3A_5072 : i32 to index
    %get3A_5075 = arith.constant 0 : index
    %get3A_5076 = vector.load %arg5[%get3A_5073, %get3A_5074, %get3A_5075] : memref<1x2048x64xbf16, #tpu.memory_space<vmem>>, vector<1x64x64xbf16>
    %get3A_5077 = vector.shape_cast %get3A_5076 : vector<1x64x64xbf16> to vector<64x64xbf16>
    %get3A_5078 = arith.constant 21 : index
    %get3A_5079 = arith.constant 7 : index
    %get3A_5080 = memref.load %arg1[%get3A_5078, %get3A_5079] : memref<30x8xi32, #tpu.memory_space<smem>>
    %mul3A_5081 = arith.constant 64 : i32
    %mul3A_5082 = arith.muli %get3A_5080, %mul3A_5081 : i32
    %get3A_5083 = arith.constant 0 : index
    %get3A_5084 = arith.index_cast %mul3A_5082 : i32 to index
    %get3A_5085 = arith.constant 0 : index
    %get3A_5086 = vector.load %arg5[%get3A_5083, %get3A_5084, %get3A_5085] : memref<1x2048x64xbf16, #tpu.memory_space<vmem>>, vector<1x64x64xbf16>
    %get3A_5087 = vector.shape_cast %get3A_5086 : vector<1x64x64xbf16> to vector<64x64xbf16>
    %concatenate3A_5088 = tpu.concatenate %get3A_5017, %get3A_5027, %get3A_5037, %get3A_5047, %get3A_5057, %get3A_5067, %get3A_5077, %get3A_5087 in 0 : vector<64x64xbf16>, vector<64x64xbf16>, vector<64x64xbf16>, vector<64x64xbf16>, vector<64x64xbf16>, vector<64x64xbf16>, vector<64x64xbf16>, vector<64x64xbf16> -> vector<512x64xbf16>
    %get3A_5089 = arith.constant 1344 : index
    %get3A_5090 = arith.constant 0 : index
    %get3A_5091 = vector.load %arg8[%get3A_5089, %get3A_5090] : memref<1920x512xbf16, #tpu.memory_space<vmem>>, vector<64x512xbf16>
    %dot_general3A_5092 = arith.constant dense<0.000000e+00> : vector<64x64xf32>
    %dot_general3A_5093 = tpu.matmul %get3A_5091, %concatenate3A_5088, %dot_general3A_5092 {dimension_numbers = #tpu.dot_dimension_numbers<[1], [0], [0], [1], [0, 0, 1, 1], [], []>, transpose_lhs_hint = false} : vector<64x512xbf16>, vector<512x64xbf16>, vector<64x64xf32> -> vector<64x64xf32>
    %swap3A_5094 = arith.constant 0 : index
    %swap3A_5095 = arith.constant 1408 : index
    %swap3A_5096 = arith.constant 0 : index
    %swap3A_5097 = vector.load %arg6[%swap3A_5094, %swap3A_5095, %swap3A_5096] : memref<1x2048x64xf32, #tpu.memory_space<vmem>>, vector<1x64x64xf32>
    %swap3A_5098 = vector.shape_cast %swap3A_5097 : vector<1x64x64xf32> to vector<64x64xf32>
    %swap3A_5099 = vector.shape_cast %dot_general3A_5093 : vector<64x64xf32> to vector<1x64x64xf32>
    tpu.vector_store %arg6[%swap3A_5094, %swap3A_5095, %swap3A_5096], %swap3A_5099 {strides = array<i32>} : memref<1x2048x64xf32, #tpu.memory_space<vmem>>, vector<1x64x64xf32>,
    %get3A_5100 = arith.constant 22 : index
    %get3A_5101 = arith.constant 0 : index
    %get3A_5102 = memref.load %arg1[%get3A_5100, %get3A_5101] : memref<30x8xi32, #tpu.memory_space<smem>>
    %mul3A_5103 = arith.constant 64 : i32
    %mul3A_5104 = arith.muli %get3A_5102, %mul3A_5103 : i32
    %get3A_5105 = arith.constant 0 : index
    %get3A_5106 = arith.index_cast %mul3A_5104 : i32 to index
    %get3A_5107 = arith.constant 0 : index
    %get3A_5108 = vector.load %arg5[%get3A_5105, %get3A_5106, %get3A_5107] : memref<1x2048x64xbf16, #tpu.memory_space<vmem>>, vector<1x64x64xbf16>
    %get3A_5109 = vector.shape_cast %get3A_5108 : vector<1x64x64xbf16> to vector<64x64xbf16>
    %get3A_5110 = arith.constant 22 : index
    %get3A_5111 = arith.constant 1 : index
    %get3A_5112 = memref.load %arg1[%get3A_5110, %get3A_5111] : memref<30x8xi32, #tpu.memory_space<smem>>
    %mul3A_5113 = arith.constant 64 : i32
    %mul3A_5114 = arith.muli %get3A_5112, %mul3A_5113 : i32
    %get3A_5115 = arith.constant 0 : index
    %get3A_5116 = arith.index_cast %mul3A_5114 : i32 to index
    %get3A_5117 = arith.constant 0 : index
    %get3A_5118 = vector.load %arg5[%get3A_5115, %get3A_5116, %get3A_5117] : memref<1x2048x64xbf16, #tpu.memory_space<vmem>>, vector<1x64x64xbf16>
    %get3A_5119 = vector.shape_cast %get3A_5118 : vector<1x64x64xbf16> to vector<64x64xbf16>
    %get3A_5120 = arith.constant 22 : index
    %get3A_5121 = arith.constant 2 : index
    %get3A_5122 = memref.load %arg1[%get3A_5120, %get3A_5121] : memref<30x8xi32, #tpu.memory_space<smem>>
    %mul3A_5123 = arith.constant 64 : i32
    %mul3A_5124 = arith.muli %get3A_5122, %mul3A_5123 : i32
    %get3A_5125 = arith.constant 0 : index
    %get3A_5126 = arith.index_cast %mul3A_5124 : i32 to index
    %get3A_5127 = arith.constant 0 : index
    %get3A_5128 = vector.load %arg5[%get3A_5125, %get3A_5126, %get3A_5127] : memref<1x2048x64xbf16, #tpu.memory_space<vmem>>, vector<1x64x64xbf16>
    %get3A_5129 = vector.shape_cast %get3A_5128 : vector<1x64x64xbf16> to vector<64x64xbf16>
    %get3A_5130 = arith.constant 22 : index
    %get3A_5131 = arith.constant 3 : index
    %get3A_5132 = memref.load %arg1[%get3A_5130, %get3A_5131] : memref<30x8xi32, #tpu.memory_space<smem>>
    %mul3A_5133 = arith.constant 64 : i32
    %mul3A_5134 = arith.muli %get3A_5132, %mul3A_5133 : i32
    %get3A_5135 = arith.constant 0 : index
    %get3A_5136 = arith.index_cast %mul3A_5134 : i32 to index
    %get3A_5137 = arith.constant 0 : index
    %get3A_5138 = vector.load %arg5[%get3A_5135, %get3A_5136, %get3A_5137] : memref<1x2048x64xbf16, #tpu.memory_space<vmem>>, vector<1x64x64xbf16>
    %get3A_5139 = vector.shape_cast %get3A_5138 : vector<1x64x64xbf16> to vector<64x64xbf16>
    %get3A_5140 = arith.constant 22 : index
    %get3A_5141 = arith.constant 4 : index
    %get3A_5142 = memref.load %arg1[%get3A_5140, %get3A_5141] : memref<30x8xi32, #tpu.memory_space<smem>>
    %mul3A_5143 = arith.constant 64 : i32
    %mul3A_5144 = arith.muli %get3A_5142, %mul3A_5143 : i32
    %get3A_5145 = arith.constant 0 : index
    %get3A_5146 = arith.index_cast %mul3A_5144 : i32 to index
    %get3A_5147 = arith.constant 0 : index
    %get3A_5148 = vector.load %arg5[%get3A_5145, %get3A_5146, %get3A_5147] : memref<1x2048x64xbf16, #tpu.memory_space<vmem>>, vector<1x64x64xbf16>
    %get3A_5149 = vector.shape_cast %get3A_5148 : vector<1x64x64xbf16> to vector<64x64xbf16>
    %get3A_5150 = arith.constant 22 : index
    %get3A_5151 = arith.constant 5 : index
    %get3A_5152 = memref.load %arg1[%get3A_5150, %get3A_5151] : memref<30x8xi32, #tpu.memory_space<smem>>
    %mul3A_5153 = arith.constant 64 : i32
    %mul3A_5154 = arith.muli %get3A_5152, %mul3A_5153 : i32
    %get3A_5155 = arith.constant 0 : index
    %get3A_5156 = arith.index_cast %mul3A_5154 : i32 to index
    %get3A_5157 = arith.constant 0 : index
    %get3A_5158 = vector.load %arg5[%get3A_5155, %get3A_5156, %get3A_5157] : memref<1x2048x64xbf16, #tpu.memory_space<vmem>>, vector<1x64x64xbf16>
    %get3A_5159 = vector.shape_cast %get3A_5158 : vector<1x64x64xbf16> to vector<64x64xbf16>
    %get3A_5160 = arith.constant 22 : index
    %get3A_5161 = arith.constant 6 : index
    %get3A_5162 = memref.load %arg1[%get3A_5160, %get3A_5161] : memref<30x8xi32, #tpu.memory_space<smem>>
    %mul3A_5163 = arith.constant 64 : i32
    %mul3A_5164 = arith.muli %get3A_5162, %mul3A_5163 : i32
    %get3A_5165 = arith.constant 0 : index
    %get3A_5166 = arith.index_cast %mul3A_5164 : i32 to index
    %get3A_5167 = arith.constant 0 : index
    %get3A_5168 = vector.load %arg5[%get3A_5165, %get3A_5166, %get3A_5167] : memref<1x2048x64xbf16, #tpu.memory_space<vmem>>, vector<1x64x64xbf16>
    %get3A_5169 = vector.shape_cast %get3A_5168 : vector<1x64x64xbf16> to vector<64x64xbf16>
    %get3A_5170 = arith.constant 22 : index
    %get3A_5171 = arith.constant 7 : index
    %get3A_5172 = memref.load %arg1[%get3A_5170, %get3A_5171] : memref<30x8xi32, #tpu.memory_space<smem>>
    %mul3A_5173 = arith.constant 64 : i32
    %mul3A_5174 = arith.muli %get3A_5172, %mul3A_5173 : i32
    %get3A_5175 = arith.constant 0 : index
    %get3A_5176 = arith.index_cast %mul3A_5174 : i32 to index
    %get3A_5177 = arith.constant 0 : index
    %get3A_5178 = vector.load %arg5[%get3A_5175, %get3A_5176, %get3A_5177] : memref<1x2048x64xbf16, #tpu.memory_space<vmem>>, vector<1x64x64xbf16>
    %get3A_5179 = vector.shape_cast %get3A_5178 : vector<1x64x64xbf16> to vector<64x64xbf16>
    %concatenate3A_5180 = tpu.concatenate %get3A_5109, %get3A_5119, %get3A_5129, %get3A_5139, %get3A_5149, %get3A_5159, %get3A_5169, %get3A_5179 in 0 : vector<64x64xbf16>, vector<64x64xbf16>, vector<64x64xbf16>, vector<64x64xbf16>, vector<64x64xbf16>, vector<64x64xbf16>, vector<64x64xbf16>, vector<64x64xbf16> -> vector<512x64xbf16>
    %get3A_5181 = arith.constant 1408 : index
    %get3A_5182 = arith.constant 0 : index
    %get3A_5183 = vector.load %arg8[%get3A_5181, %get3A_5182] : memref<1920x512xbf16, #tpu.memory_space<vmem>>, vector<64x512xbf16>
    %dot_general3A_5184 = arith.constant dense<0.000000e+00> : vector<64x64xf32>
    %dot_general3A_5185 = tpu.matmul %get3A_5183, %concatenate3A_5180, %dot_general3A_5184 {dimension_numbers = #tpu.dot_dimension_numbers<[1], [0], [0], [1], [0, 0, 1, 1], [], []>, transpose_lhs_hint = false} : vector<64x512xbf16>, vector<512x64xbf16>, vector<64x64xf32> -> vector<64x64xf32>
    %swap3A_5186 = arith.constant 0 : index
    %swap3A_5187 = arith.constant 1472 : index
    %swap3A_5188 = arith.constant 0 : index
    %swap3A_5189 = vector.load %arg6[%swap3A_5186, %swap3A_5187, %swap3A_5188] : memref<1x2048x64xf32, #tpu.memory_space<vmem>>, vector<1x64x64xf32>
    %swap3A_5190 = vector.shape_cast %swap3A_5189 : vector<1x64x64xf32> to vector<64x64xf32>
    %swap3A_5191 = vector.shape_cast %dot_general3A_5185 : vector<64x64xf32> to vector<1x64x64xf32>
    tpu.vector_store %arg6[%swap3A_5186, %swap3A_5187, %swap3A_5188], %swap3A_5191 {strides = array<i32>} : memref<1x2048x64xf32, #tpu.memory_space<vmem>>, vector<1x64x64xf32>,
    %get3A_5192 = arith.constant 23 : index
    %get3A_5193 = arith.constant 0 : index
    %get3A_5194 = memref.load %arg1[%get3A_5192, %get3A_5193] : memref<30x8xi32, #tpu.memory_space<smem>>
    %mul3A_5195 = arith.constant 64 : i32
    %mul3A_5196 = arith.muli %get3A_5194, %mul3A_5195 : i32
    %get3A_5197 = arith.constant 0 : index
    %get3A_5198 = arith.index_cast %mul3A_5196 : i32 to index
    %get3A_5199 = arith.constant 0 : index
    %get3A_5200 = vector.load %arg5[%get3A_5197, %get3A_5198, %get3A_5199] : memref<1x2048x64xbf16, #tpu.memory_space<vmem>>, vector<1x64x64xbf16>
    %get3A_5201 = vector.shape_cast %get3A_5200 : vector<1x64x64xbf16> to vector<64x64xbf16>
    %get3A_5202 = arith.constant 23 : index
    %get3A_5203 = arith.constant 1 : index
    %get3A_5204 = memref.load %arg1[%get3A_5202, %get3A_5203] : memref<30x8xi32, #tpu.memory_space<smem>>
    %mul3A_5205 = arith.constant 64 : i32
    %mul3A_5206 = arith.muli %get3A_5204, %mul3A_5205 : i32
    %get3A_5207 = arith.constant 0 : index
    %get3A_5208 = arith.index_cast %mul3A_5206 : i32 to index
    %get3A_5209 = arith.constant 0 : index
    %get3A_5210 = vector.load %arg5[%get3A_5207, %get3A_5208, %get3A_5209] : memref<1x2048x64xbf16, #tpu.memory_space<vmem>>, vector<1x64x64xbf16>
    %get3A_5211 = vector.shape_cast %get3A_5210 : vector<1x64x64xbf16> to vector<64x64xbf16>
    %get3A_5212 = arith.constant 23 : index
    %get3A_5213 = arith.constant 2 : index
    %get3A_5214 = memref.load %arg1[%get3A_5212, %get3A_5213] : memref<30x8xi32, #tpu.memory_space<smem>>
    %mul3A_5215 = arith.constant 64 : i32
    %mul3A_5216 = arith.muli %get3A_5214, %mul3A_5215 : i32
    %get3A_5217 = arith.constant 0 : index
    %get3A_5218 = arith.index_cast %mul3A_5216 : i32 to index
    %get3A_5219 = arith.constant 0 : index
    %get3A_5220 = vector.load %arg5[%get3A_5217, %get3A_5218, %get3A_5219] : memref<1x2048x64xbf16, #tpu.memory_space<vmem>>, vector<1x64x64xbf16>
    %get3A_5221 = vector.shape_cast %get3A_5220 : vector<1x64x64xbf16> to vector<64x64xbf16>
    %get3A_5222 = arith.constant 23 : index
    %get3A_5223 = arith.constant 3 : index
    %get3A_5224 = memref.load %arg1[%get3A_5222, %get3A_5223] : memref<30x8xi32, #tpu.memory_space<smem>>
    %mul3A_5225 = arith.constant 64 : i32
    %mul3A_5226 = arith.muli %get3A_5224, %mul3A_5225 : i32
    %get3A_5227 = arith.constant 0 : index
    %get3A_5228 = arith.index_cast %mul3A_5226 : i32 to index
    %get3A_5229 = arith.constant 0 : index
    %get3A_5230 = vector.load %arg5[%get3A_5227, %get3A_5228, %get3A_5229] : memref<1x2048x64xbf16, #tpu.memory_space<vmem>>, vector<1x64x64xbf16>
    %get3A_5231 = vector.shape_cast %get3A_5230 : vector<1x64x64xbf16> to vector<64x64xbf16>
    %get3A_5232 = arith.constant 23 : index
    %get3A_5233 = arith.constant 4 : index
    %get3A_5234 = memref.load %arg1[%get3A_5232, %get3A_5233] : memref<30x8xi32, #tpu.memory_space<smem>>
    %mul3A_5235 = arith.constant 64 : i32
    %mul3A_5236 = arith.muli %get3A_5234, %mul3A_5235 : i32
    %get3A_5237 = arith.constant 0 : index
    %get3A_5238 = arith.index_cast %mul3A_5236 : i32 to index
    %get3A_5239 = arith.constant 0 : index
    %get3A_5240 = vector.load %arg5[%get3A_5237, %get3A_5238, %get3A_5239] : memref<1x2048x64xbf16, #tpu.memory_space<vmem>>, vector<1x64x64xbf16>
    %get3A_5241 = vector.shape_cast %get3A_5240 : vector<1x64x64xbf16> to vector<64x64xbf16>
    %get3A_5242 = arith.constant 23 : index
    %get3A_5243 = arith.constant 5 : index
    %get3A_5244 = memref.load %arg1[%get3A_5242, %get3A_5243] : memref<30x8xi32, #tpu.memory_space<smem>>
    %mul3A_5245 = arith.constant 64 : i32
    %mul3A_5246 = arith.muli %get3A_5244, %mul3A_5245 : i32
    %get3A_5247 = arith.constant 0 : index
    %get3A_5248 = arith.index_cast %mul3A_5246 : i32 to index
    %get3A_5249 = arith.constant 0 : index
    %get3A_5250 = vector.load %arg5[%get3A_5247, %get3A_5248, %get3A_5249] : memref<1x2048x64xbf16, #tpu.memory_space<vmem>>, vector<1x64x64xbf16>
    %get3A_5251 = vector.shape_cast %get3A_5250 : vector<1x64x64xbf16> to vector<64x64xbf16>
    %get3A_5252 = arith.constant 23 : index
    %get3A_5253 = arith.constant 6 : index
    %get3A_5254 = memref.load %arg1[%get3A_5252, %get3A_5253] : memref<30x8xi32, #tpu.memory_space<smem>>
    %mul3A_5255 = arith.constant 64 : i32
    %mul3A_5256 = arith.muli %get3A_5254, %mul3A_5255 : i32
    %get3A_5257 = arith.constant 0 : index
    %get3A_5258 = arith.index_cast %mul3A_5256 : i32 to index
    %get3A_5259 = arith.constant 0 : index
    %get3A_5260 = vector.load %arg5[%get3A_5257, %get3A_5258, %get3A_5259] : memref<1x2048x64xbf16, #tpu.memory_space<vmem>>, vector<1x64x64xbf16>
    %get3A_5261 = vector.shape_cast %get3A_5260 : vector<1x64x64xbf16> to vector<64x64xbf16>
    %get3A_5262 = arith.constant 23 : index
    %get3A_5263 = arith.constant 7 : index
    %get3A_5264 = memref.load %arg1[%get3A_5262, %get3A_5263] : memref<30x8xi32, #tpu.memory_space<smem>>
    %mul3A_5265 = arith.constant 64 : i32
    %mul3A_5266 = arith.muli %get3A_5264, %mul3A_5265 : i32
    %get3A_5267 = arith.constant 0 : index
    %get3A_5268 = arith.index_cast %mul3A_5266 : i32 to index
    %get3A_5269 = arith.constant 0 : index
    %get3A_5270 = vector.load %arg5[%get3A_5267, %get3A_5268, %get3A_5269] : memref<1x2048x64xbf16, #tpu.memory_space<vmem>>, vector<1x64x64xbf16>
    %get3A_5271 = vector.shape_cast %get3A_5270 : vector<1x64x64xbf16> to vector<64x64xbf16>
    %concatenate3A_5272 = tpu.concatenate %get3A_5201, %get3A_5211, %get3A_5221, %get3A_5231, %get3A_5241, %get3A_5251, %get3A_5261, %get3A_5271 in 0 : vector<64x64xbf16>, vector<64x64xbf16>, vector<64x64xbf16>, vector<64x64xbf16>, vector<64x64xbf16>, vector<64x64xbf16>, vector<64x64xbf16>, vector<64x64xbf16> -> vector<512x64xbf16>
    %get3A_5273 = arith.constant 1472 : index
    %get3A_5274 = arith.constant 0 : index
    %get3A_5275 = vector.load %arg8[%get3A_5273, %get3A_5274] : memref<1920x512xbf16, #tpu.memory_space<vmem>>, vector<64x512xbf16>
    %dot_general3A_5276 = arith.constant dense<0.000000e+00> : vector<64x64xf32>
    %dot_general3A_5277 = tpu.matmul %get3A_5275, %concatenate3A_5272, %dot_general3A_5276 {dimension_numbers = #tpu.dot_dimension_numbers<[1], [0], [0], [1], [0, 0, 1, 1], [], []>, transpose_lhs_hint = false} : vector<64x512xbf16>, vector<512x64xbf16>, vector<64x64xf32> -> vector<64x64xf32>
    %swap3A_5278 = arith.constant 0 : index
    %swap3A_5279 = arith.constant 1536 : index
    %swap3A_5280 = arith.constant 0 : index
    %swap3A_5281 = vector.load %arg6[%swap3A_5278, %swap3A_5279, %swap3A_5280] : memref<1x2048x64xf32, #tpu.memory_space<vmem>>, vector<1x64x64xf32>
    %swap3A_5282 = vector.shape_cast %swap3A_5281 : vector<1x64x64xf32> to vector<64x64xf32>
    %swap3A_5283 = vector.shape_cast %dot_general3A_5277 : vector<64x64xf32> to vector<1x64x64xf32>
    tpu.vector_store %arg6[%swap3A_5278, %swap3A_5279, %swap3A_5280], %swap3A_5283 {strides = array<i32>} : memref<1x2048x64xf32, #tpu.memory_space<vmem>>, vector<1x64x64xf32>,
    %get3A_5284 = arith.constant 24 : index
    %get3A_5285 = arith.constant 0 : index
    %get3A_5286 = memref.load %arg1[%get3A_5284, %get3A_5285] : memref<30x8xi32, #tpu.memory_space<smem>>
    %mul3A_5287 = arith.constant 64 : i32
    %mul3A_5288 = arith.muli %get3A_5286, %mul3A_5287 : i32
    %get3A_5289 = arith.constant 0 : index
    %get3A_5290 = arith.index_cast %mul3A_5288 : i32 to index
    %get3A_5291 = arith.constant 0 : index
    %get3A_5292 = vector.load %arg5[%get3A_5289, %get3A_5290, %get3A_5291] : memref<1x2048x64xbf16, #tpu.memory_space<vmem>>, vector<1x64x64xbf16>
    %get3A_5293 = vector.shape_cast %get3A_5292 : vector<1x64x64xbf16> to vector<64x64xbf16>
    %get3A_5294 = arith.constant 24 : index
    %get3A_5295 = arith.constant 1 : index
    %get3A_5296 = memref.load %arg1[%get3A_5294, %get3A_5295] : memref<30x8xi32, #tpu.memory_space<smem>>
    %mul3A_5297 = arith.constant 64 : i32
    %mul3A_5298 = arith.muli %get3A_5296, %mul3A_5297 : i32
    %get3A_5299 = arith.constant 0 : index
    %get3A_5300 = arith.index_cast %mul3A_5298 : i32 to index
    %get3A_5301 = arith.constant 0 : index
    %get3A_5302 = vector.load %arg5[%get3A_5299, %get3A_5300, %get3A_5301] : memref<1x2048x64xbf16, #tpu.memory_space<vmem>>, vector<1x64x64xbf16>
    %get3A_5303 = vector.shape_cast %get3A_5302 : vector<1x64x64xbf16> to vector<64x64xbf16>
    %get3A_5304 = arith.constant 24 : index
    %get3A_5305 = arith.constant 2 : index
    %get3A_5306 = memref.load %arg1[%get3A_5304, %get3A_5305] : memref<30x8xi32, #tpu.memory_space<smem>>
    %mul3A_5307 = arith.constant 64 : i32
    %mul3A_5308 = arith.muli %get3A_5306, %mul3A_5307 : i32
    %get3A_5309 = arith.constant 0 : index
    %get3A_5310 = arith.index_cast %mul3A_5308 : i32 to index
    %get3A_5311 = arith.constant 0 : index
    %get3A_5312 = vector.load %arg5[%get3A_5309, %get3A_5310, %get3A_5311] : memref<1x2048x64xbf16, #tpu.memory_space<vmem>>, vector<1x64x64xbf16>
    %get3A_5313 = vector.shape_cast %get3A_5312 : vector<1x64x64xbf16> to vector<64x64xbf16>
    %get3A_5314 = arith.constant 24 : index
    %get3A_5315 = arith.constant 3 : index
    %get3A_5316 = memref.load %arg1[%get3A_5314, %get3A_5315] : memref<30x8xi32, #tpu.memory_space<smem>>
    %mul3A_5317 = arith.constant 64 : i32
    %mul3A_5318 = arith.muli %get3A_5316, %mul3A_5317 : i32
    %get3A_5319 = arith.constant 0 : index
    %get3A_5320 = arith.index_cast %mul3A_5318 : i32 to index
    %get3A_5321 = arith.constant 0 : index
    %get3A_5322 = vector.load %arg5[%get3A_5319, %get3A_5320, %get3A_5321] : memref<1x2048x64xbf16, #tpu.memory_space<vmem>>, vector<1x64x64xbf16>
    %get3A_5323 = vector.shape_cast %get3A_5322 : vector<1x64x64xbf16> to vector<64x64xbf16>
    %get3A_5324 = arith.constant 24 : index
    %get3A_5325 = arith.constant 4 : index
    %get3A_5326 = memref.load %arg1[%get3A_5324, %get3A_5325] : memref<30x8xi32, #tpu.memory_space<smem>>
    %mul3A_5327 = arith.constant 64 : i32
    %mul3A_5328 = arith.muli %get3A_5326, %mul3A_5327 : i32
    %get3A_5329 = arith.constant 0 : index
    %get3A_5330 = arith.index_cast %mul3A_5328 : i32 to index
    %get3A_5331 = arith.constant 0 : index
    %get3A_5332 = vector.load %arg5[%get3A_5329, %get3A_5330, %get3A_5331] : memref<1x2048x64xbf16, #tpu.memory_space<vmem>>, vector<1x64x64xbf16>
    %get3A_5333 = vector.shape_cast %get3A_5332 : vector<1x64x64xbf16> to vector<64x64xbf16>
    %get3A_5334 = arith.constant 24 : index
    %get3A_5335 = arith.constant 5 : index
    %get3A_5336 = memref.load %arg1[%get3A_5334, %get3A_5335] : memref<30x8xi32, #tpu.memory_space<smem>>
    %mul3A_5337 = arith.constant 64 : i32
    %mul3A_5338 = arith.muli %get3A_5336, %mul3A_5337 : i32
    %get3A_5339 = arith.constant 0 : index
    %get3A_5340 = arith.index_cast %mul3A_5338 : i32 to index
    %get3A_5341 = arith.constant 0 : index
    %get3A_5342 = vector.load %arg5[%get3A_5339, %get3A_5340, %get3A_5341] : memref<1x2048x64xbf16, #tpu.memory_space<vmem>>, vector<1x64x64xbf16>
    %get3A_5343 = vector.shape_cast %get3A_5342 : vector<1x64x64xbf16> to vector<64x64xbf16>
    %get3A_5344 = arith.constant 24 : index
    %get3A_5345 = arith.constant 6 : index
    %get3A_5346 = memref.load %arg1[%get3A_5344, %get3A_5345] : memref<30x8xi32, #tpu.memory_space<smem>>
    %mul3A_5347 = arith.constant 64 : i32
    %mul3A_5348 = arith.muli %get3A_5346, %mul3A_5347 : i32
    %get3A_5349 = arith.constant 0 : index
    %get3A_5350 = arith.index_cast %mul3A_5348 : i32 to index
    %get3A_5351 = arith.constant 0 : index
    %get3A_5352 = vector.load %arg5[%get3A_5349, %get3A_5350, %get3A_5351] : memref<1x2048x64xbf16, #tpu.memory_space<vmem>>, vector<1x64x64xbf16>
    %get3A_5353 = vector.shape_cast %get3A_5352 : vector<1x64x64xbf16> to vector<64x64xbf16>
    %get3A_5354 = arith.constant 24 : index
    %get3A_5355 = arith.constant 7 : index
    %get3A_5356 = memref.load %arg1[%get3A_5354, %get3A_5355] : memref<30x8xi32, #tpu.memory_space<smem>>
    %mul3A_5357 = arith.constant 64 : i32
    %mul3A_5358 = arith.muli %get3A_5356, %mul3A_5357 : i32
    %get3A_5359 = arith.constant 0 : index
    %get3A_5360 = arith.index_cast %mul3A_5358 : i32 to index
    %get3A_5361 = arith.constant 0 : index
    %get3A_5362 = vector.load %arg5[%get3A_5359, %get3A_5360, %get3A_5361] : memref<1x2048x64xbf16, #tpu.memory_space<vmem>>, vector<1x64x64xbf16>
    %get3A_5363 = vector.shape_cast %get3A_5362 : vector<1x64x64xbf16> to vector<64x64xbf16>
    %concatenate3A_5364 = tpu.concatenate %get3A_5293, %get3A_5303, %get3A_5313, %get3A_5323, %get3A_5333, %get3A_5343, %get3A_5353, %get3A_5363 in 0 : vector<64x64xbf16>, vector<64x64xbf16>, vector<64x64xbf16>, vector<64x64xbf16>, vector<64x64xbf16>, vector<64x64xbf16>, vector<64x64xbf16>, vector<64x64xbf16> -> vector<512x64xbf16>
    %get3A_5365 = arith.constant 1536 : index
    %get3A_5366 = arith.constant 0 : index
    %get3A_5367 = vector.load %arg8[%get3A_5365, %get3A_5366] : memref<1920x512xbf16, #tpu.memory_space<vmem>>, vector<64x512xbf16>
    %dot_general3A_5368 = arith.constant dense<0.000000e+00> : vector<64x64xf32>
    %dot_general3A_5369 = tpu.matmul %get3A_5367, %concatenate3A_5364, %dot_general3A_5368 {dimension_numbers = #tpu.dot_dimension_numbers<[1], [0], [0], [1], [0, 0, 1, 1], [], []>, transpose_lhs_hint = false} : vector<64x512xbf16>, vector<512x64xbf16>, vector<64x64xf32> -> vector<64x64xf32>
    %swap3A_5370 = arith.constant 0 : index
    %swap3A_5371 = arith.constant 1600 : index
    %swap3A_5372 = arith.constant 0 : index
    %swap3A_5373 = vector.load %arg6[%swap3A_5370, %swap3A_5371, %swap3A_5372] : memref<1x2048x64xf32, #tpu.memory_space<vmem>>, vector<1x64x64xf32>
    %swap3A_5374 = vector.shape_cast %swap3A_5373 : vector<1x64x64xf32> to vector<64x64xf32>
    %swap3A_5375 = vector.shape_cast %dot_general3A_5369 : vector<64x64xf32> to vector<1x64x64xf32>
    tpu.vector_store %arg6[%swap3A_5370, %swap3A_5371, %swap3A_5372], %swap3A_5375 {strides = array<i32>} : memref<1x2048x64xf32, #tpu.memory_space<vmem>>, vector<1x64x64xf32>,
    %get3A_5376 = arith.constant 25 : index
    %get3A_5377 = arith.constant 0 : index
    %get3A_5378 = memref.load %arg1[%get3A_5376, %get3A_5377] : memref<30x8xi32, #tpu.memory_space<smem>>
    %mul3A_5379 = arith.constant 64 : i32
    %mul3A_5380 = arith.muli %get3A_5378, %mul3A_5379 : i32
    %get3A_5381 = arith.constant 0 : index
    %get3A_5382 = arith.index_cast %mul3A_5380 : i32 to index
    %get3A_5383 = arith.constant 0 : index
    %get3A_5384 = vector.load %arg5[%get3A_5381, %get3A_5382, %get3A_5383] : memref<1x2048x64xbf16, #tpu.memory_space<vmem>>, vector<1x64x64xbf16>
    %get3A_5385 = vector.shape_cast %get3A_5384 : vector<1x64x64xbf16> to vector<64x64xbf16>
    %get3A_5386 = arith.constant 25 : index
    %get3A_5387 = arith.constant 1 : index
    %get3A_5388 = memref.load %arg1[%get3A_5386, %get3A_5387] : memref<30x8xi32, #tpu.memory_space<smem>>
    %mul3A_5389 = arith.constant 64 : i32
    %mul3A_5390 = arith.muli %get3A_5388, %mul3A_5389 : i32
    %get3A_5391 = arith.constant 0 : index
    %get3A_5392 = arith.index_cast %mul3A_5390 : i32 to index
    %get3A_5393 = arith.constant 0 : index
    %get3A_5394 = vector.load %arg5[%get3A_5391, %get3A_5392, %get3A_5393] : memref<1x2048x64xbf16, #tpu.memory_space<vmem>>, vector<1x64x64xbf16>
    %get3A_5395 = vector.shape_cast %get3A_5394 : vector<1x64x64xbf16> to vector<64x64xbf16>
    %get3A_5396 = arith.constant 25 : index
    %get3A_5397 = arith.constant 2 : index
    %get3A_5398 = memref.load %arg1[%get3A_5396, %get3A_5397] : memref<30x8xi32, #tpu.memory_space<smem>>
    %mul3A_5399 = arith.constant 64 : i32
    %mul3A_5400 = arith.muli %get3A_5398, %mul3A_5399 : i32
    %get3A_5401 = arith.constant 0 : index
    %get3A_5402 = arith.index_cast %mul3A_5400 : i32 to index
    %get3A_5403 = arith.constant 0 : index
    %get3A_5404 = vector.load %arg5[%get3A_5401, %get3A_5402, %get3A_5403] : memref<1x2048x64xbf16, #tpu.memory_space<vmem>>, vector<1x64x64xbf16>
    %get3A_5405 = vector.shape_cast %get3A_5404 : vector<1x64x64xbf16> to vector<64x64xbf16>
    %get3A_5406 = arith.constant 25 : index
    %get3A_5407 = arith.constant 3 : index
    %get3A_5408 = memref.load %arg1[%get3A_5406, %get3A_5407] : memref<30x8xi32, #tpu.memory_space<smem>>
    %mul3A_5409 = arith.constant 64 : i32
    %mul3A_5410 = arith.muli %get3A_5408, %mul3A_5409 : i32
    %get3A_5411 = arith.constant 0 : index
    %get3A_5412 = arith.index_cast %mul3A_5410 : i32 to index
    %get3A_5413 = arith.constant 0 : index
    %get3A_5414 = vector.load %arg5[%get3A_5411, %get3A_5412, %get3A_5413] : memref<1x2048x64xbf16, #tpu.memory_space<vmem>>, vector<1x64x64xbf16>
    %get3A_5415 = vector.shape_cast %get3A_5414 : vector<1x64x64xbf16> to vector<64x64xbf16>
    %get3A_5416 = arith.constant 25 : index
    %get3A_5417 = arith.constant 4 : index
    %get3A_5418 = memref.load %arg1[%get3A_5416, %get3A_5417] : memref<30x8xi32, #tpu.memory_space<smem>>
    %mul3A_5419 = arith.constant 64 : i32
    %mul3A_5420 = arith.muli %get3A_5418, %mul3A_5419 : i32
    %get3A_5421 = arith.constant 0 : index
    %get3A_5422 = arith.index_cast %mul3A_5420 : i32 to index
    %get3A_5423 = arith.constant 0 : index
    %get3A_5424 = vector.load %arg5[%get3A_5421, %get3A_5422, %get3A_5423] : memref<1x2048x64xbf16, #tpu.memory_space<vmem>>, vector<1x64x64xbf16>
    %get3A_5425 = vector.shape_cast %get3A_5424 : vector<1x64x64xbf16> to vector<64x64xbf16>
    %get3A_5426 = arith.constant 25 : index
    %get3A_5427 = arith.constant 5 : index
    %get3A_5428 = memref.load %arg1[%get3A_5426, %get3A_5427] : memref<30x8xi32, #tpu.memory_space<smem>>
    %mul3A_5429 = arith.constant 64 : i32
    %mul3A_5430 = arith.muli %get3A_5428, %mul3A_5429 : i32
    %get3A_5431 = arith.constant 0 : index
    %get3A_5432 = arith.index_cast %mul3A_5430 : i32 to index
    %get3A_5433 = arith.constant 0 : index
    %get3A_5434 = vector.load %arg5[%get3A_5431, %get3A_5432, %get3A_5433] : memref<1x2048x64xbf16, #tpu.memory_space<vmem>>, vector<1x64x64xbf16>
    %get3A_5435 = vector.shape_cast %get3A_5434 : vector<1x64x64xbf16> to vector<64x64xbf16>
    %get3A_5436 = arith.constant 25 : index
    %get3A_5437 = arith.constant 6 : index
    %get3A_5438 = memref.load %arg1[%get3A_5436, %get3A_5437] : memref<30x8xi32, #tpu.memory_space<smem>>
    %mul3A_5439 = arith.constant 64 : i32
    %mul3A_5440 = arith.muli %get3A_5438, %mul3A_5439 : i32
    %get3A_5441 = arith.constant 0 : index
    %get3A_5442 = arith.index_cast %mul3A_5440 : i32 to index
    %get3A_5443 = arith.constant 0 : index
    %get3A_5444 = vector.load %arg5[%get3A_5441, %get3A_5442, %get3A_5443] : memref<1x2048x64xbf16, #tpu.memory_space<vmem>>, vector<1x64x64xbf16>
    %get3A_5445 = vector.shape_cast %get3A_5444 : vector<1x64x64xbf16> to vector<64x64xbf16>
    %get3A_5446 = arith.constant 25 : index
    %get3A_5447 = arith.constant 7 : index
    %get3A_5448 = memref.load %arg1[%get3A_5446, %get3A_5447] : memref<30x8xi32, #tpu.memory_space<smem>>
    %mul3A_5449 = arith.constant 64 : i32
    %mul3A_5450 = arith.muli %get3A_5448, %mul3A_5449 : i32
    %get3A_5451 = arith.constant 0 : index
    %get3A_5452 = arith.index_cast %mul3A_5450 : i32 to index
    %get3A_5453 = arith.constant 0 : index
    %get3A_5454 = vector.load %arg5[%get3A_5451, %get3A_5452, %get3A_5453] : memref<1x2048x64xbf16, #tpu.memory_space<vmem>>, vector<1x64x64xbf16>
    %get3A_5455 = vector.shape_cast %get3A_5454 : vector<1x64x64xbf16> to vector<64x64xbf16>
    %concatenate3A_5456 = tpu.concatenate %get3A_5385, %get3A_5395, %get3A_5405, %get3A_5415, %get3A_5425, %get3A_5435, %get3A_5445, %get3A_5455 in 0 : vector<64x64xbf16>, vector<64x64xbf16>, vector<64x64xbf16>, vector<64x64xbf16>, vector<64x64xbf16>, vector<64x64xbf16>, vector<64x64xbf16>, vector<64x64xbf16> -> vector<512x64xbf16>
    %get3A_5457 = arith.constant 1600 : index
    %get3A_5458 = arith.constant 0 : index
    %get3A_5459 = vector.load %arg8[%get3A_5457, %get3A_5458] : memref<1920x512xbf16, #tpu.memory_space<vmem>>, vector<64x512xbf16>
    %dot_general3A_5460 = arith.constant dense<0.000000e+00> : vector<64x64xf32>
    %dot_general3A_5461 = tpu.matmul %get3A_5459, %concatenate3A_5456, %dot_general3A_5460 {dimension_numbers = #tpu.dot_dimension_numbers<[1], [0], [0], [1], [0, 0, 1, 1], [], []>, transpose_lhs_hint = false} : vector<64x512xbf16>, vector<512x64xbf16>, vector<64x64xf32> -> vector<64x64xf32>
    %swap3A_5462 = arith.constant 0 : index
    %swap3A_5463 = arith.constant 1664 : index
    %swap3A_5464 = arith.constant 0 : index
    %swap3A_5465 = vector.load %arg6[%swap3A_5462, %swap3A_5463, %swap3A_5464] : memref<1x2048x64xf32, #tpu.memory_space<vmem>>, vector<1x64x64xf32>
    %swap3A_5466 = vector.shape_cast %swap3A_5465 : vector<1x64x64xf32> to vector<64x64xf32>
    %swap3A_5467 = vector.shape_cast %dot_general3A_5461 : vector<64x64xf32> to vector<1x64x64xf32>
    tpu.vector_store %arg6[%swap3A_5462, %swap3A_5463, %swap3A_5464], %swap3A_5467 {strides = array<i32>} : memref<1x2048x64xf32, #tpu.memory_space<vmem>>, vector<1x64x64xf32>,
    %get3A_5468 = arith.constant 26 : index
    %get3A_5469 = arith.constant 0 : index
    %get3A_5470 = memref.load %arg1[%get3A_5468, %get3A_5469] : memref<30x8xi32, #tpu.memory_space<smem>>
    %mul3A_5471 = arith.constant 64 : i32
    %mul3A_5472 = arith.muli %get3A_5470, %mul3A_5471 : i32
    %get3A_5473 = arith.constant 0 : index
    %get3A_5474 = arith.index_cast %mul3A_5472 : i32 to index
    %get3A_5475 = arith.constant 0 : index
    %get3A_5476 = vector.load %arg5[%get3A_5473, %get3A_5474, %get3A_5475] : memref<1x2048x64xbf16, #tpu.memory_space<vmem>>, vector<1x64x64xbf16>
    %get3A_5477 = vector.shape_cast %get3A_5476 : vector<1x64x64xbf16> to vector<64x64xbf16>
    %get3A_5478 = arith.constant 26 : index
    %get3A_5479 = arith.constant 1 : index
    %get3A_5480 = memref.load %arg1[%get3A_5478, %get3A_5479] : memref<30x8xi32, #tpu.memory_space<smem>>
    %mul3A_5481 = arith.constant 64 : i32
    %mul3A_5482 = arith.muli %get3A_5480, %mul3A_5481 : i32
    %get3A_5483 = arith.constant 0 : index
    %get3A_5484 = arith.index_cast %mul3A_5482 : i32 to index
    %get3A_5485 = arith.constant 0 : index
    %get3A_5486 = vector.load %arg5[%get3A_5483, %get3A_5484, %get3A_5485] : memref<1x2048x64xbf16, #tpu.memory_space<vmem>>, vector<1x64x64xbf16>
    %get3A_5487 = vector.shape_cast %get3A_5486 : vector<1x64x64xbf16> to vector<64x64xbf16>
    %get3A_5488 = arith.constant 26 : index
    %get3A_5489 = arith.constant 2 : index
    %get3A_5490 = memref.load %arg1[%get3A_5488, %get3A_5489] : memref<30x8xi32, #tpu.memory_space<smem>>
    %mul3A_5491 = arith.constant 64 : i32
    %mul3A_5492 = arith.muli %get3A_5490, %mul3A_5491 : i32
    %get3A_5493 = arith.constant 0 : index
    %get3A_5494 = arith.index_cast %mul3A_5492 : i32 to index
    %get3A_5495 = arith.constant 0 : index
    %get3A_5496 = vector.load %arg5[%get3A_5493, %get3A_5494, %get3A_5495] : memref<1x2048x64xbf16, #tpu.memory_space<vmem>>, vector<1x64x64xbf16>
    %get3A_5497 = vector.shape_cast %get3A_5496 : vector<1x64x64xbf16> to vector<64x64xbf16>
    %get3A_5498 = arith.constant 26 : index
    %get3A_5499 = arith.constant 3 : index
    %get3A_5500 = memref.load %arg1[%get3A_5498, %get3A_5499] : memref<30x8xi32, #tpu.memory_space<smem>>
    %mul3A_5501 = arith.constant 64 : i32
    %mul3A_5502 = arith.muli %get3A_5500, %mul3A_5501 : i32
    %get3A_5503 = arith.constant 0 : index
    %get3A_5504 = arith.index_cast %mul3A_5502 : i32 to index
    %get3A_5505 = arith.constant 0 : index
    %get3A_5506 = vector.load %arg5[%get3A_5503, %get3A_5504, %get3A_5505] : memref<1x2048x64xbf16, #tpu.memory_space<vmem>>, vector<1x64x64xbf16>
    %get3A_5507 = vector.shape_cast %get3A_5506 : vector<1x64x64xbf16> to vector<64x64xbf16>
    %get3A_5508 = arith.constant 26 : index
    %get3A_5509 = arith.constant 4 : index
    %get3A_5510 = memref.load %arg1[%get3A_5508, %get3A_5509] : memref<30x8xi32, #tpu.memory_space<smem>>
    %mul3A_5511 = arith.constant 64 : i32
    %mul3A_5512 = arith.muli %get3A_5510, %mul3A_5511 : i32
    %get3A_5513 = arith.constant 0 : index
    %get3A_5514 = arith.index_cast %mul3A_5512 : i32 to index
    %get3A_5515 = arith.constant 0 : index
    %get3A_5516 = vector.load %arg5[%get3A_5513, %get3A_5514, %get3A_5515] : memref<1x2048x64xbf16, #tpu.memory_space<vmem>>, vector<1x64x64xbf16>
    %get3A_5517 = vector.shape_cast %get3A_5516 : vector<1x64x64xbf16> to vector<64x64xbf16>
    %get3A_5518 = arith.constant 26 : index
    %get3A_5519 = arith.constant 5 : index
    %get3A_5520 = memref.load %arg1[%get3A_5518, %get3A_5519] : memref<30x8xi32, #tpu.memory_space<smem>>
    %mul3A_5521 = arith.constant 64 : i32
    %mul3A_5522 = arith.muli %get3A_5520, %mul3A_5521 : i32
    %get3A_5523 = arith.constant 0 : index
    %get3A_5524 = arith.index_cast %mul3A_5522 : i32 to index
    %get3A_5525 = arith.constant 0 : index
    %get3A_5526 = vector.load %arg5[%get3A_5523, %get3A_5524, %get3A_5525] : memref<1x2048x64xbf16, #tpu.memory_space<vmem>>, vector<1x64x64xbf16>
    %get3A_5527 = vector.shape_cast %get3A_5526 : vector<1x64x64xbf16> to vector<64x64xbf16>
    %get3A_5528 = arith.constant 26 : index
    %get3A_5529 = arith.constant 6 : index
    %get3A_5530 = memref.load %arg1[%get3A_5528, %get3A_5529] : memref<30x8xi32, #tpu.memory_space<smem>>
    %mul3A_5531 = arith.constant 64 : i32
    %mul3A_5532 = arith.muli %get3A_5530, %mul3A_5531 : i32
    %get3A_5533 = arith.constant 0 : index
    %get3A_5534 = arith.index_cast %mul3A_5532 : i32 to index
    %get3A_5535 = arith.constant 0 : index
    %get3A_5536 = vector.load %arg5[%get3A_5533, %get3A_5534, %get3A_5535] : memref<1x2048x64xbf16, #tpu.memory_space<vmem>>, vector<1x64x64xbf16>
    %get3A_5537 = vector.shape_cast %get3A_5536 : vector<1x64x64xbf16> to vector<64x64xbf16>
    %get3A_5538 = arith.constant 26 : index
    %get3A_5539 = arith.constant 7 : index
    %get3A_5540 = memref.load %arg1[%get3A_5538, %get3A_5539] : memref<30x8xi32, #tpu.memory_space<smem>>
    %mul3A_5541 = arith.constant 64 : i32
    %mul3A_5542 = arith.muli %get3A_5540, %mul3A_5541 : i32
    %get3A_5543 = arith.constant 0 : index
    %get3A_5544 = arith.index_cast %mul3A_5542 : i32 to index
    %get3A_5545 = arith.constant 0 : index
    %get3A_5546 = vector.load %arg5[%get3A_5543, %get3A_5544, %get3A_5545] : memref<1x2048x64xbf16, #tpu.memory_space<vmem>>, vector<1x64x64xbf16>
    %get3A_5547 = vector.shape_cast %get3A_5546 : vector<1x64x64xbf16> to vector<64x64xbf16>
    %concatenate3A_5548 = tpu.concatenate %get3A_5477, %get3A_5487, %get3A_5497, %get3A_5507, %get3A_5517, %get3A_5527, %get3A_5537, %get3A_5547 in 0 : vector<64x64xbf16>, vector<64x64xbf16>, vector<64x64xbf16>, vector<64x64xbf16>, vector<64x64xbf16>, vector<64x64xbf16>, vector<64x64xbf16>, vector<64x64xbf16> -> vector<512x64xbf16>
    %get3A_5549 = arith.constant 1664 : index
    %get3A_5550 = arith.constant 0 : index
    %get3A_5551 = vector.load %arg8[%get3A_5549, %get3A_5550] : memref<1920x512xbf16, #tpu.memory_space<vmem>>, vector<64x512xbf16>
    %dot_general3A_5552 = arith.constant dense<0.000000e+00> : vector<64x64xf32>
    %dot_general3A_5553 = tpu.matmul %get3A_5551, %concatenate3A_5548, %dot_general3A_5552 {dimension_numbers = #tpu.dot_dimension_numbers<[1], [0], [0], [1], [0, 0, 1, 1], [], []>, transpose_lhs_hint = false} : vector<64x512xbf16>, vector<512x64xbf16>, vector<64x64xf32> -> vector<64x64xf32>
    %swap3A_5554 = arith.constant 0 : index
    %swap3A_5555 = arith.constant 1728 : index
    %swap3A_5556 = arith.constant 0 : index
    %swap3A_5557 = vector.load %arg6[%swap3A_5554, %swap3A_5555, %swap3A_5556] : memref<1x2048x64xf32, #tpu.memory_space<vmem>>, vector<1x64x64xf32>
    %swap3A_5558 = vector.shape_cast %swap3A_5557 : vector<1x64x64xf32> to vector<64x64xf32>
    %swap3A_5559 = vector.shape_cast %dot_general3A_5553 : vector<64x64xf32> to vector<1x64x64xf32>
    tpu.vector_store %arg6[%swap3A_5554, %swap3A_5555, %swap3A_5556], %swap3A_5559 {strides = array<i32>} : memref<1x2048x64xf32, #tpu.memory_space<vmem>>, vector<1x64x64xf32>,
    %get3A_5560 = arith.constant 27 : index
    %get3A_5561 = arith.constant 0 : index
    %get3A_5562 = memref.load %arg1[%get3A_5560, %get3A_5561] : memref<30x8xi32, #tpu.memory_space<smem>>
    %mul3A_5563 = arith.constant 64 : i32
    %mul3A_5564 = arith.muli %get3A_5562, %mul3A_5563 : i32
    %get3A_5565 = arith.constant 0 : index
    %get3A_5566 = arith.index_cast %mul3A_5564 : i32 to index
    %get3A_5567 = arith.constant 0 : index
    %get3A_5568 = vector.load %arg5[%get3A_5565, %get3A_5566, %get3A_5567] : memref<1x2048x64xbf16, #tpu.memory_space<vmem>>, vector<1x64x64xbf16>
    %get3A_5569 = vector.shape_cast %get3A_5568 : vector<1x64x64xbf16> to vector<64x64xbf16>
    %get3A_5570 = arith.constant 27 : index
    %get3A_5571 = arith.constant 1 : index
    %get3A_5572 = memref.load %arg1[%get3A_5570, %get3A_5571] : memref<30x8xi32, #tpu.memory_space<smem>>
    %mul3A_5573 = arith.constant 64 : i32
    %mul3A_5574 = arith.muli %get3A_5572, %mul3A_5573 : i32
    %get3A_5575 = arith.constant 0 : index
    %get3A_5576 = arith.index_cast %mul3A_5574 : i32 to index
    %get3A_5577 = arith.constant 0 : index
    %get3A_5578 = vector.load %arg5[%get3A_5575, %get3A_5576, %get3A_5577] : memref<1x2048x64xbf16, #tpu.memory_space<vmem>>, vector<1x64x64xbf16>
    %get3A_5579 = vector.shape_cast %get3A_5578 : vector<1x64x64xbf16> to vector<64x64xbf16>
    %get3A_5580 = arith.constant 27 : index
    %get3A_5581 = arith.constant 2 : index
    %get3A_5582 = memref.load %arg1[%get3A_5580, %get3A_5581] : memref<30x8xi32, #tpu.memory_space<smem>>
    %mul3A_5583 = arith.constant 64 : i32
    %mul3A_5584 = arith.muli %get3A_5582, %mul3A_5583 : i32
    %get3A_5585 = arith.constant 0 : index
    %get3A_5586 = arith.index_cast %mul3A_5584 : i32 to index
    %get3A_5587 = arith.constant 0 : index
    %get3A_5588 = vector.load %arg5[%get3A_5585, %get3A_5586, %get3A_5587] : memref<1x2048x64xbf16, #tpu.memory_space<vmem>>, vector<1x64x64xbf16>
    %get3A_5589 = vector.shape_cast %get3A_5588 : vector<1x64x64xbf16> to vector<64x64xbf16>
    %get3A_5590 = arith.constant 27 : index
    %get3A_5591 = arith.constant 3 : index
    %get3A_5592 = memref.load %arg1[%get3A_5590, %get3A_5591] : memref<30x8xi32, #tpu.memory_space<smem>>
    %mul3A_5593 = arith.constant 64 : i32
    %mul3A_5594 = arith.muli %get3A_5592, %mul3A_5593 : i32
    %get3A_5595 = arith.constant 0 : index
    %get3A_5596 = arith.index_cast %mul3A_5594 : i32 to index
    %get3A_5597 = arith.constant 0 : index
    %get3A_5598 = vector.load %arg5[%get3A_5595, %get3A_5596, %get3A_5597] : memref<1x2048x64xbf16, #tpu.memory_space<vmem>>, vector<1x64x64xbf16>
    %get3A_5599 = vector.shape_cast %get3A_5598 : vector<1x64x64xbf16> to vector<64x64xbf16>
    %get3A_5600 = arith.constant 27 : index
    %get3A_5601 = arith.constant 4 : index
    %get3A_5602 = memref.load %arg1[%get3A_5600, %get3A_5601] : memref<30x8xi32, #tpu.memory_space<smem>>
    %mul3A_5603 = arith.constant 64 : i32
    %mul3A_5604 = arith.muli %get3A_5602, %mul3A_5603 : i32
    %get3A_5605 = arith.constant 0 : index
    %get3A_5606 = arith.index_cast %mul3A_5604 : i32 to index
    %get3A_5607 = arith.constant 0 : index
    %get3A_5608 = vector.load %arg5[%get3A_5605, %get3A_5606, %get3A_5607] : memref<1x2048x64xbf16, #tpu.memory_space<vmem>>, vector<1x64x64xbf16>
    %get3A_5609 = vector.shape_cast %get3A_5608 : vector<1x64x64xbf16> to vector<64x64xbf16>
    %get3A_5610 = arith.constant 27 : index
    %get3A_5611 = arith.constant 5 : index
    %get3A_5612 = memref.load %arg1[%get3A_5610, %get3A_5611] : memref<30x8xi32, #tpu.memory_space<smem>>
    %mul3A_5613 = arith.constant 64 : i32
    %mul3A_5614 = arith.muli %get3A_5612, %mul3A_5613 : i32
    %get3A_5615 = arith.constant 0 : index
    %get3A_5616 = arith.index_cast %mul3A_5614 : i32 to index
    %get3A_5617 = arith.constant 0 : index
    %get3A_5618 = vector.load %arg5[%get3A_5615, %get3A_5616, %get3A_5617] : memref<1x2048x64xbf16, #tpu.memory_space<vmem>>, vector<1x64x64xbf16>
    %get3A_5619 = vector.shape_cast %get3A_5618 : vector<1x64x64xbf16> to vector<64x64xbf16>
    %get3A_5620 = arith.constant 27 : index
    %get3A_5621 = arith.constant 6 : index
    %get3A_5622 = memref.load %arg1[%get3A_5620, %get3A_5621] : memref<30x8xi32, #tpu.memory_space<smem>>
    %mul3A_5623 = arith.constant 64 : i32
    %mul3A_5624 = arith.muli %get3A_5622, %mul3A_5623 : i32
    %get3A_5625 = arith.constant 0 : index
    %get3A_5626 = arith.index_cast %mul3A_5624 : i32 to index
    %get3A_5627 = arith.constant 0 : index
    %get3A_5628 = vector.load %arg5[%get3A_5625, %get3A_5626, %get3A_5627] : memref<1x2048x64xbf16, #tpu.memory_space<vmem>>, vector<1x64x64xbf16>
    %get3A_5629 = vector.shape_cast %get3A_5628 : vector<1x64x64xbf16> to vector<64x64xbf16>
    %get3A_5630 = arith.constant 27 : index
    %get3A_5631 = arith.constant 7 : index
    %get3A_5632 = memref.load %arg1[%get3A_5630, %get3A_5631] : memref<30x8xi32, #tpu.memory_space<smem>>
    %mul3A_5633 = arith.constant 64 : i32
    %mul3A_5634 = arith.muli %get3A_5632, %mul3A_5633 : i32
    %get3A_5635 = arith.constant 0 : index
    %get3A_5636 = arith.index_cast %mul3A_5634 : i32 to index
    %get3A_5637 = arith.constant 0 : index
    %get3A_5638 = vector.load %arg5[%get3A_5635, %get3A_5636, %get3A_5637] : memref<1x2048x64xbf16, #tpu.memory_space<vmem>>, vector<1x64x64xbf16>
    %get3A_5639 = vector.shape_cast %get3A_5638 : vector<1x64x64xbf16> to vector<64x64xbf16>
    %concatenate3A_5640 = tpu.concatenate %get3A_5569, %get3A_5579, %get3A_5589, %get3A_5599, %get3A_5609, %get3A_5619, %get3A_5629, %get3A_5639 in 0 : vector<64x64xbf16>, vector<64x64xbf16>, vector<64x64xbf16>, vector<64x64xbf16>, vector<64x64xbf16>, vector<64x64xbf16>, vector<64x64xbf16>, vector<64x64xbf16> -> vector<512x64xbf16>
    %get3A_5641 = arith.constant 1728 : index
    %get3A_5642 = arith.constant 0 : index
    %get3A_5643 = vector.load %arg8[%get3A_5641, %get3A_5642] : memref<1920x512xbf16, #tpu.memory_space<vmem>>, vector<64x512xbf16>
    %dot_general3A_5644 = arith.constant dense<0.000000e+00> : vector<64x64xf32>
    %dot_general3A_5645 = tpu.matmul %get3A_5643, %concatenate3A_5640, %dot_general3A_5644 {dimension_numbers = #tpu.dot_dimension_numbers<[1], [0], [0], [1], [0, 0, 1, 1], [], []>, transpose_lhs_hint = false} : vector<64x512xbf16>, vector<512x64xbf16>, vector<64x64xf32> -> vector<64x64xf32>
    %swap3A_5646 = arith.constant 0 : index
    %swap3A_5647 = arith.constant 1792 : index
    %swap3A_5648 = arith.constant 0 : index
    %swap3A_5649 = vector.load %arg6[%swap3A_5646, %swap3A_5647, %swap3A_5648] : memref<1x2048x64xf32, #tpu.memory_space<vmem>>, vector<1x64x64xf32>
    %swap3A_5650 = vector.shape_cast %swap3A_5649 : vector<1x64x64xf32> to vector<64x64xf32>
    %swap3A_5651 = vector.shape_cast %dot_general3A_5645 : vector<64x64xf32> to vector<1x64x64xf32>
    tpu.vector_store %arg6[%swap3A_5646, %swap3A_5647, %swap3A_5648], %swap3A_5651 {strides = array<i32>} : memref<1x2048x64xf32, #tpu.memory_space<vmem>>, vector<1x64x64xf32>,
    %get3A_5652 = arith.constant 28 : index
    %get3A_5653 = arith.constant 0 : index
    %get3A_5654 = memref.load %arg1[%get3A_5652, %get3A_5653] : memref<30x8xi32, #tpu.memory_space<smem>>
    %mul3A_5655 = arith.constant 64 : i32
    %mul3A_5656 = arith.muli %get3A_5654, %mul3A_5655 : i32
    %get3A_5657 = arith.constant 0 : index
    %get3A_5658 = arith.index_cast %mul3A_5656 : i32 to index
    %get3A_5659 = arith.constant 0 : index
    %get3A_5660 = vector.load %arg5[%get3A_5657, %get3A_5658, %get3A_5659] : memref<1x2048x64xbf16, #tpu.memory_space<vmem>>, vector<1x64x64xbf16>
    %get3A_5661 = vector.shape_cast %get3A_5660 : vector<1x64x64xbf16> to vector<64x64xbf16>
    %get3A_5662 = arith.constant 28 : index
    %get3A_5663 = arith.constant 1 : index
    %get3A_5664 = memref.load %arg1[%get3A_5662, %get3A_5663] : memref<30x8xi32, #tpu.memory_space<smem>>
    %mul3A_5665 = arith.constant 64 : i32
    %mul3A_5666 = arith.muli %get3A_5664, %mul3A_5665 : i32
    %get3A_5667 = arith.constant 0 : index
    %get3A_5668 = arith.index_cast %mul3A_5666 : i32 to index
    %get3A_5669 = arith.constant 0 : index
    %get3A_5670 = vector.load %arg5[%get3A_5667, %get3A_5668, %get3A_5669] : memref<1x2048x64xbf16, #tpu.memory_space<vmem>>, vector<1x64x64xbf16>
    %get3A_5671 = vector.shape_cast %get3A_5670 : vector<1x64x64xbf16> to vector<64x64xbf16>
    %get3A_5672 = arith.constant 28 : index
    %get3A_5673 = arith.constant 2 : index
    %get3A_5674 = memref.load %arg1[%get3A_5672, %get3A_5673] : memref<30x8xi32, #tpu.memory_space<smem>>
    %mul3A_5675 = arith.constant 64 : i32
    %mul3A_5676 = arith.muli %get3A_5674, %mul3A_5675 : i32
    %get3A_5677 = arith.constant 0 : index
    %get3A_5678 = arith.index_cast %mul3A_5676 : i32 to index
    %get3A_5679 = arith.constant 0 : index
    %get3A_5680 = vector.load %arg5[%get3A_5677, %get3A_5678, %get3A_5679] : memref<1x2048x64xbf16, #tpu.memory_space<vmem>>, vector<1x64x64xbf16>
    %get3A_5681 = vector.shape_cast %get3A_5680 : vector<1x64x64xbf16> to vector<64x64xbf16>
    %get3A_5682 = arith.constant 28 : index
    %get3A_5683 = arith.constant 3 : index
    %get3A_5684 = memref.load %arg1[%get3A_5682, %get3A_5683] : memref<30x8xi32, #tpu.memory_space<smem>>
    %mul3A_5685 = arith.constant 64 : i32
    %mul3A_5686 = arith.muli %get3A_5684, %mul3A_5685 : i32
    %get3A_5687 = arith.constant 0 : index
    %get3A_5688 = arith.index_cast %mul3A_5686 : i32 to index
    %get3A_5689 = arith.constant 0 : index
    %get3A_5690 = vector.load %arg5[%get3A_5687, %get3A_5688, %get3A_5689] : memref<1x2048x64xbf16, #tpu.memory_space<vmem>>, vector<1x64x64xbf16>
    %get3A_5691 = vector.shape_cast %get3A_5690 : vector<1x64x64xbf16> to vector<64x64xbf16>
    %get3A_5692 = arith.constant 28 : index
    %get3A_5693 = arith.constant 4 : index
    %get3A_5694 = memref.load %arg1[%get3A_5692, %get3A_5693] : memref<30x8xi32, #tpu.memory_space<smem>>
    %mul3A_5695 = arith.constant 64 : i32
    %mul3A_5696 = arith.muli %get3A_5694, %mul3A_5695 : i32
    %get3A_5697 = arith.constant 0 : index
    %get3A_5698 = arith.index_cast %mul3A_5696 : i32 to index
    %get3A_5699 = arith.constant 0 : index
    %get3A_5700 = vector.load %arg5[%get3A_5697, %get3A_5698, %get3A_5699] : memref<1x2048x64xbf16, #tpu.memory_space<vmem>>, vector<1x64x64xbf16>
    %get3A_5701 = vector.shape_cast %get3A_5700 : vector<1x64x64xbf16> to vector<64x64xbf16>
    %get3A_5702 = arith.constant 28 : index
    %get3A_5703 = arith.constant 5 : index
    %get3A_5704 = memref.load %arg1[%get3A_5702, %get3A_5703] : memref<30x8xi32, #tpu.memory_space<smem>>
    %mul3A_5705 = arith.constant 64 : i32
    %mul3A_5706 = arith.muli %get3A_5704, %mul3A_5705 : i32
    %get3A_5707 = arith.constant 0 : index
    %get3A_5708 = arith.index_cast %mul3A_5706 : i32 to index
    %get3A_5709 = arith.constant 0 : index
    %get3A_5710 = vector.load %arg5[%get3A_5707, %get3A_5708, %get3A_5709] : memref<1x2048x64xbf16, #tpu.memory_space<vmem>>, vector<1x64x64xbf16>
    %get3A_5711 = vector.shape_cast %get3A_5710 : vector<1x64x64xbf16> to vector<64x64xbf16>
    %get3A_5712 = arith.constant 28 : index
    %get3A_5713 = arith.constant 6 : index
    %get3A_5714 = memref.load %arg1[%get3A_5712, %get3A_5713] : memref<30x8xi32, #tpu.memory_space<smem>>
    %mul3A_5715 = arith.constant 64 : i32
    %mul3A_5716 = arith.muli %get3A_5714, %mul3A_5715 : i32
    %get3A_5717 = arith.constant 0 : index
    %get3A_5718 = arith.index_cast %mul3A_5716 : i32 to index
    %get3A_5719 = arith.constant 0 : index
    %get3A_5720 = vector.load %arg5[%get3A_5717, %get3A_5718, %get3A_5719] : memref<1x2048x64xbf16, #tpu.memory_space<vmem>>, vector<1x64x64xbf16>
    %get3A_5721 = vector.shape_cast %get3A_5720 : vector<1x64x64xbf16> to vector<64x64xbf16>
    %get3A_5722 = arith.constant 28 : index
    %get3A_5723 = arith.constant 7 : index
    %get3A_5724 = memref.load %arg1[%get3A_5722, %get3A_5723] : memref<30x8xi32, #tpu.memory_space<smem>>
    %mul3A_5725 = arith.constant 64 : i32
    %mul3A_5726 = arith.muli %get3A_5724, %mul3A_5725 : i32
    %get3A_5727 = arith.constant 0 : index
    %get3A_5728 = arith.index_cast %mul3A_5726 : i32 to index
    %get3A_5729 = arith.constant 0 : index
    %get3A_5730 = vector.load %arg5[%get3A_5727, %get3A_5728, %get3A_5729] : memref<1x2048x64xbf16, #tpu.memory_space<vmem>>, vector<1x64x64xbf16>
    %get3A_5731 = vector.shape_cast %get3A_5730 : vector<1x64x64xbf16> to vector<64x64xbf16>
    %concatenate3A_5732 = tpu.concatenate %get3A_5661, %get3A_5671, %get3A_5681, %get3A_5691, %get3A_5701, %get3A_5711, %get3A_5721, %get3A_5731 in 0 : vector<64x64xbf16>, vector<64x64xbf16>, vector<64x64xbf16>, vector<64x64xbf16>, vector<64x64xbf16>, vector<64x64xbf16>, vector<64x64xbf16>, vector<64x64xbf16> -> vector<512x64xbf16>
    %get3A_5733 = arith.constant 1792 : index
    %get3A_5734 = arith.constant 0 : index
    %get3A_5735 = vector.load %arg8[%get3A_5733, %get3A_5734] : memref<1920x512xbf16, #tpu.memory_space<vmem>>, vector<64x512xbf16>
    %dot_general3A_5736 = arith.constant dense<0.000000e+00> : vector<64x64xf32>
    %dot_general3A_5737 = tpu.matmul %get3A_5735, %concatenate3A_5732, %dot_general3A_5736 {dimension_numbers = #tpu.dot_dimension_numbers<[1], [0], [0], [1], [0, 0, 1, 1], [], []>, transpose_lhs_hint = false} : vector<64x512xbf16>, vector<512x64xbf16>, vector<64x64xf32> -> vector<64x64xf32>
    %swap3A_5738 = arith.constant 0 : index
    %swap3A_5739 = arith.constant 1856 : index
    %swap3A_5740 = arith.constant 0 : index
    %swap3A_5741 = vector.load %arg6[%swap3A_5738, %swap3A_5739, %swap3A_5740] : memref<1x2048x64xf32, #tpu.memory_space<vmem>>, vector<1x64x64xf32>
    %swap3A_5742 = vector.shape_cast %swap3A_5741 : vector<1x64x64xf32> to vector<64x64xf32>
    %swap3A_5743 = vector.shape_cast %dot_general3A_5737 : vector<64x64xf32> to vector<1x64x64xf32>
    tpu.vector_store %arg6[%swap3A_5738, %swap3A_5739, %swap3A_5740], %swap3A_5743 {strides = array<i32>} : memref<1x2048x64xf32, #tpu.memory_space<vmem>>, vector<1x64x64xf32>,
    %get3A_5744 = arith.constant 29 : index
    %get3A_5745 = arith.constant 0 : index
    %get3A_5746 = memref.load %arg1[%get3A_5744, %get3A_5745] : memref<30x8xi32, #tpu.memory_space<smem>>
    %mul3A_5747 = arith.constant 64 : i32
    %mul3A_5748 = arith.muli %get3A_5746, %mul3A_5747 : i32
    %get3A_5749 = arith.constant 0 : index
    %get3A_5750 = arith.index_cast %mul3A_5748 : i32 to index
    %get3A_5751 = arith.constant 0 : index
    %get3A_5752 = vector.load %arg5[%get3A_5749, %get3A_5750, %get3A_5751] : memref<1x2048x64xbf16, #tpu.memory_space<vmem>>, vector<1x64x64xbf16>
    %get3A_5753 = vector.shape_cast %get3A_5752 : vector<1x64x64xbf16> to vector<64x64xbf16>
    %get3A_5754 = arith.constant 29 : index
    %get3A_5755 = arith.constant 1 : index
    %get3A_5756 = memref.load %arg1[%get3A_5754, %get3A_5755] : memref<30x8xi32, #tpu.memory_space<smem>>
    %mul3A_5757 = arith.constant 64 : i32
    %mul3A_5758 = arith.muli %get3A_5756, %mul3A_5757 : i32
    %get3A_5759 = arith.constant 0 : index
    %get3A_5760 = arith.index_cast %mul3A_5758 : i32 to index
    %get3A_5761 = arith.constant 0 : index
    %get3A_5762 = vector.load %arg5[%get3A_5759, %get3A_5760, %get3A_5761] : memref<1x2048x64xbf16, #tpu.memory_space<vmem>>, vector<1x64x64xbf16>
    %get3A_5763 = vector.shape_cast %get3A_5762 : vector<1x64x64xbf16> to vector<64x64xbf16>
    %get3A_5764 = arith.constant 29 : index
    %get3A_5765 = arith.constant 2 : index
    %get3A_5766 = memref.load %arg1[%get3A_5764, %get3A_5765] : memref<30x8xi32, #tpu.memory_space<smem>>
    %mul3A_5767 = arith.constant 64 : i32
    %mul3A_5768 = arith.muli %get3A_5766, %mul3A_5767 : i32
    %get3A_5769 = arith.constant 0 : index
    %get3A_5770 = arith.index_cast %mul3A_5768 : i32 to index
    %get3A_5771 = arith.constant 0 : index
    %get3A_5772 = vector.load %arg5[%get3A_5769, %get3A_5770, %get3A_5771] : memref<1x2048x64xbf16, #tpu.memory_space<vmem>>, vector<1x64x64xbf16>
    %get3A_5773 = vector.shape_cast %get3A_5772 : vector<1x64x64xbf16> to vector<64x64xbf16>
    %get3A_5774 = arith.constant 29 : index
    %get3A_5775 = arith.constant 3 : index
    %get3A_5776 = memref.load %arg1[%get3A_5774, %get3A_5775] : memref<30x8xi32, #tpu.memory_space<smem>>
    %mul3A_5777 = arith.constant 64 : i32
    %mul3A_5778 = arith.muli %get3A_5776, %mul3A_5777 : i32
    %get3A_5779 = arith.constant 0 : index
    %get3A_5780 = arith.index_cast %mul3A_5778 : i32 to index
    %get3A_5781 = arith.constant 0 : index
    %get3A_5782 = vector.load %arg5[%get3A_5779, %get3A_5780, %get3A_5781] : memref<1x2048x64xbf16, #tpu.memory_space<vmem>>, vector<1x64x64xbf16>
    %get3A_5783 = vector.shape_cast %get3A_5782 : vector<1x64x64xbf16> to vector<64x64xbf16>
    %get3A_5784 = arith.constant 29 : index
    %get3A_5785 = arith.constant 4 : index
    %get3A_5786 = memref.load %arg1[%get3A_5784, %get3A_5785] : memref<30x8xi32, #tpu.memory_space<smem>>
    %mul3A_5787 = arith.constant 64 : i32
    %mul3A_5788 = arith.muli %get3A_5786, %mul3A_5787 : i32
    %get3A_5789 = arith.constant 0 : index
    %get3A_5790 = arith.index_cast %mul3A_5788 : i32 to index
    %get3A_5791 = arith.constant 0 : index
    %get3A_5792 = vector.load %arg5[%get3A_5789, %get3A_5790, %get3A_5791] : memref<1x2048x64xbf16, #tpu.memory_space<vmem>>, vector<1x64x64xbf16>
    %get3A_5793 = vector.shape_cast %get3A_5792 : vector<1x64x64xbf16> to vector<64x64xbf16>
    %get3A_5794 = arith.constant 29 : index
    %get3A_5795 = arith.constant 5 : index
    %get3A_5796 = memref.load %arg1[%get3A_5794, %get3A_5795] : memref<30x8xi32, #tpu.memory_space<smem>>
    %mul3A_5797 = arith.constant 64 : i32
    %mul3A_5798 = arith.muli %get3A_5796, %mul3A_5797 : i32
    %get3A_5799 = arith.constant 0 : index
    %get3A_5800 = arith.index_cast %mul3A_5798 : i32 to index
    %get3A_5801 = arith.constant 0 : index
    %get3A_5802 = vector.load %arg5[%get3A_5799, %get3A_5800, %get3A_5801] : memref<1x2048x64xbf16, #tpu.memory_space<vmem>>, vector<1x64x64xbf16>
    %get3A_5803 = vector.shape_cast %get3A_5802 : vector<1x64x64xbf16> to vector<64x64xbf16>
    %get3A_5804 = arith.constant 29 : index
    %get3A_5805 = arith.constant 6 : index
    %get3A_5806 = memref.load %arg1[%get3A_5804, %get3A_5805] : memref<30x8xi32, #tpu.memory_space<smem>>
    %mul3A_5807 = arith.constant 64 : i32
    %mul3A_5808 = arith.muli %get3A_5806, %mul3A_5807 : i32
    %get3A_5809 = arith.constant 0 : index
    %get3A_5810 = arith.index_cast %mul3A_5808 : i32 to index
    %get3A_5811 = arith.constant 0 : index
    %get3A_5812 = vector.load %arg5[%get3A_5809, %get3A_5810, %get3A_5811] : memref<1x2048x64xbf16, #tpu.memory_space<vmem>>, vector<1x64x64xbf16>
    %get3A_5813 = vector.shape_cast %get3A_5812 : vector<1x64x64xbf16> to vector<64x64xbf16>
    %get3A_5814 = arith.constant 29 : index
    %get3A_5815 = arith.constant 7 : index
    %get3A_5816 = memref.load %arg1[%get3A_5814, %get3A_5815] : memref<30x8xi32, #tpu.memory_space<smem>>
    %mul3A_5817 = arith.constant 64 : i32
    %mul3A_5818 = arith.muli %get3A_5816, %mul3A_5817 : i32
    %get3A_5819 = arith.constant 0 : index
    %get3A_5820 = arith.index_cast %mul3A_5818 : i32 to index
    %get3A_5821 = arith.constant 0 : index
    %get3A_5822 = vector.load %arg5[%get3A_5819, %get3A_5820, %get3A_5821] : memref<1x2048x64xbf16, #tpu.memory_space<vmem>>, vector<1x64x64xbf16>
    %get3A_5823 = vector.shape_cast %get3A_5822 : vector<1x64x64xbf16> to vector<64x64xbf16>
    %concatenate3A_5824 = tpu.concatenate %get3A_5753, %get3A_5763, %get3A_5773, %get3A_5783, %get3A_5793, %get3A_5803, %get3A_5813, %get3A_5823 in 0 : vector<64x64xbf16>, vector<64x64xbf16>, vector<64x64xbf16>, vector<64x64xbf16>, vector<64x64xbf16>, vector<64x64xbf16>, vector<64x64xbf16>, vector<64x64xbf16> -> vector<512x64xbf16>
    %get3A_5825 = arith.constant 1856 : index
    %get3A_5826 = arith.constant 0 : index
    %get3A_5827 = vector.load %arg8[%get3A_5825, %get3A_5826] : memref<1920x512xbf16, #tpu.memory_space<vmem>>, vector<64x512xbf16>
    %dot_general3A_5828 = arith.constant dense<0.000000e+00> : vector<64x64xf32>
    %dot_general3A_5829 = tpu.matmul %get3A_5827, %concatenate3A_5824, %dot_general3A_5828 {dimension_numbers = #tpu.dot_dimension_numbers<[1], [0], [0], [1], [0, 0, 1, 1], [], []>, transpose_lhs_hint = false} : vector<64x512xbf16>, vector<512x64xbf16>, vector<64x64xf32> -> vector<64x64xf32>
    %swap3A_5830 = arith.constant 0 : index
    %swap3A_5831 = arith.constant 1920 : index
    %swap3A_5832 = arith.constant 0 : index
    %swap3A_5833 = vector.load %arg6[%swap3A_5830, %swap3A_5831, %swap3A_5832] : memref<1x2048x64xf32, #tpu.memory_space<vmem>>, vector<1x64x64xf32>
    %swap3A_5834 = vector.shape_cast %swap3A_5833 : vector<1x64x64xf32> to vector<64x64xf32>
    %swap3A_5835 = vector.shape_cast %dot_general3A_5829 : vector<64x64xf32> to vector<1x64x64xf32>
    tpu.vector_store %arg6[%swap3A_5830, %swap3A_5831, %swap3A_5832], %swap3A_5835 {strides = array<i32>} : memref<1x2048x64xf32, #tpu.memory_space<vmem>>, vector<1x64x64xf32>,
    return
  }
  func.func @transform_0(%arg0: i32) -> (i32, i32) {
    %c0_i32 = arith.constant 0 : i32
    %c0_i32_0 = arith.constant 0 : i32
    %c0_i32_1 = arith.constant 0 : i32
    return %c0_i32, %c0_i32_0 : i32, i32
  }
  func.func @transform_1(%arg0: i32) -> (i32, i32, i32) {
    %c0_i32 = arith.constant 0 : i32
    %c0_i32_0 = arith.constant 0 : i32
    %c0_i32_1 = arith.constant 0 : i32
    %c0_i32_2 = arith.constant 0 : i32
    return %c0_i32, %c0_i32_0, %c0_i32_1 : i32, i32, i32
  }
  func.func @transform_2(%arg0: i32) -> (i32, i32, i32) {
    %c0_i32 = arith.constant 0 : i32
    %c0_i32_0 = arith.constant 0 : i32
    %c0_i32_1 = arith.constant 0 : i32
    return %arg0, %c0_i32, %c0_i32_0 : i32, i32, i32
  }
  func.func @transform_3(%arg0: i32) -> (i32, i32, i32) {
    %c0_i32 = arith.constant 0 : i32
    %c0_i32_0 = arith.constant 0 : i32
    %c0_i32_1 = arith.constant 0 : i32
    return %arg0, %c0_i32, %c0_i32_0 : i32, i32, i32
  }
  func.func @transform_4(%arg0: i32) -> (i32, i32, i32) {
    %c0_i32 = arith.constant 0 : i32
    %c0_i32_0 = arith.constant 0 : i32
    %c0_i32_1 = arith.constant 0 : i32
    return %arg0, %c0_i32, %c0_i32_0 : i32, i32, i32
  }
  func.func @transform_5(%arg0: i32) -> (i32, i32, i32) {
    %c0_i32 = arith.constant 0 : i32
    %c0_i32_0 = arith.constant 0 : i32
    %c0_i32_1 = arith.constant 0 : i32
    return %arg0, %c0_i32, %c0_i32_0 : i32, i32, i32
  }
}

</mosaic_0001>

<sc_bundles>
// kernel: kernel.4.cloned.1.call-start
scs
__scs_entry_jumppad:
0x0: {  	(pc) =	sbr.rel $0x88, $3  }
0x1: {  	(tag) =	ssettag $0x0;
	lr =	simm.s32 $0x1  }
0x2: {  	[smem:$0x3F9D] =	sst lr;
	_ =	strace $0xD0000000  }
0x3: {  	_ = 	snop  }
0x4: {  	_ = 	snop  }
0x5: {  	_ = 	snop  }
0x6: {  	_ = 	snop  }
0x7: {  	_ = 	snop  }
__scs_overlays_trampoline_lowered:
0x8: {  	[smem:$0x3FAC] =	sst s0  }
0x9: {  	[smem:$0x3FAD] =	sst s1  }
0xa: {  	[smem:$0x3FAE] =	sst s2  }
0xb: {  	[smem:$0x3FAF] =	sst s3  }
0xc: {  	[smem:$0x3FB0] =	sst s4  }
0xd: {  	[smem:$0x3FB1] =	sst s5  }
0xe: {  	[smem:$0x3FB2] =	sst s6  }
0xf: {  	[smem:$0x3FB3] =	sst s7  }
0x10: {  	[smem:$0x3FB4] =	sst s8  }
0x11: {  	[smem:$0x3FB5] =	sst s9;
	s0 =	simm.s32 @!p0 $0x0  }
0x12: {  	s1 =	sld [smem:$0x3F9B];
	s0 =	simm.s32 @p0 $0x1  }
0x13: {  	[smem:$0x3FB6] =	sst s0;
	s0 =	simm.s32 @!p1 $0x0  }
0x14: {  	s2 =	sld [smem:$0x3F9A];
	s0 =	simm.s32 @p1 $0x1  }
0x15: {  	[smem:$0x3FB7] =	sst s0;
	s0 =	simm.s32 @!p2 $0x0  }
0x16: {  	s3 =	sld [smem:$0x3FDB];
	s0 =	simm.s32 @p2 $0x1  }
0x17: {  	s4 =	simm.s32 $0x1BF5;
	[smem:$0x3FB9] =	sst s0  }
0x18: {  	s0 =	sld [smem:$0x3F9C];
	_ =	swait.ge [sflag:s4], $0x0  }
0x19: {  	s7 =	sld [smem:$0x3F9D]  }
0x1a: {  	s8 =	sadd.s32 $0xFFFFE003, lr  }
0x1b: {  	s9 =	sadd.s32 $0xFFFFFEF7, lr;
	s5 =	simm.s32 $0xFFFFFFFF;
	p2 =	slt.u32 s8, $0xFFFFF086  }
0x1c: {  	p1 =	slt.u32 s9, $0xF7A;
	s5 =	simm.s32 @!p2 $0x0  }
0x1d: {  	s5 =	simm.s32 @p1 $0x1;
	p0 =	seq.s32 s7, s2  }
0x1e: {  	s7 =	smul.u32 @!p0 $0xF7A, s2;
	p2 =	seq.s32 @!p0 s5, $0x0  }
0x1f: {  	s9 =	smul.u32 $0xF7A, s1;
	s8 =	simm.s32 @!p0 $0x1BF5;
	p2 =	por !p2, p0  }
0x20: {  	[sflag:s8] =	ssyncset.s32 @!p0 $0xFFFFF086;
	s6 =	sadd.s32 @!p0 s3, s7;
	s7 =	simm.s32 @!p0 $0x108  }
0x21: {  	s3 =	sadd.s32 s3, s9;
	s6 =	sadd.s32 @!p0 $0x88, s6;
	s7 =	simm.s32 @p2 $0x1082  }
0x22: {  	[simem:s7], [sflag:s8] =	dma.local @!p0 [hbm:s6], $0xF7A  }
0x23: {  	s9 =	sor.u32 $0xD0000000, s2;
	s6 =	simm.s32 $0x108;
	_ =	swait.ge @!p0 [sflag:s8], $0x0  }
0x24: {  	s3 =	sadd.s32 $0x88, s3;
	s6 =	simm.s32 @!p1 $0x1082;
	[sflag:s4] =	ssyncset.s32 $0xFFFFF086  }
0x25: {  	[simem:s6], [sflag:s4] =	dma.local [hbm:s3], $0xF7A  }
0x26: {  	[smem:$0x3F9D] =	sst s1;
	(tag) =	ssettag s2;
	_ =	strace s9  }
0x27: {  	s1 =	sld [smem:$0x3FAD]  }
0x28: {  	s2 =	sld [smem:$0x3FAE]  }
0x29: {  	s4 =	sld [smem:$0x3FB0]  }
0x2a: {  	p0 =	seq.s32 s5, $0x0;
	s5 =	sld [smem:$0x3FB1]  }
0x2b: {  	s6 =	sld [smem:$0x3FB2]  }
0x2c: {  	s7 =	sld [smem:$0x3FB3]  }
0x2d: {  	s3 =	simm.s32 $0x108;
	s8 =	sld [smem:$0x3FB4]  }
0x2e: {  	s3 =	simm.s32 @!p0 $0x1082;
	s9 =	sld [smem:$0x3FB5]  }
0x2f: {  	lr =	sadd.s32 s0, s3;
	s0 =	sld [smem:$0x3FAC]  }
0x30: {  	s3 =	sld [smem:$0x3FAF]  }
0x31: {  	[smem:$0x3FB8] =	sst s10  }
0x32: {  	s10 =	sld [smem:$0x3FB6];
	_ =	sdelay $0x3  }
0x33: {  	p0 =	seq.s32 s10, $0x1;
	s10 =	sld [smem:$0x3FB8];
	_ =	sdelay $0x3  }
0x34: {  	[smem:$0x3FB8] =	sst s10  }
0x35: {  	s10 =	sld [smem:$0x3FB7];
	_ =	sdelay $0x3  }
0x36: {  	p1 =	seq.s32 s10, $0x1;
	s10 =	sld [smem:$0x3FB8];
	_ =	sdelay $0x3  }
0x37: {  	[smem:$0x3FB8] =	sst s10  }
0x38: {  	s10 =	sld [smem:$0x3FB9]  }
0x39: {  	_ = 	snop;
	(pc) =	sbr.ind lr, $3  }
0x3a: {  	_ = 	snop  }
0x3b: {  	_ = 	snop  }
0x3c: {  	p2 =	seq.s32 s10, $0x1;
	s10 =	sld [smem:$0x3FB8]  }
0x3d: {  	_ =	shalt  }
0x3e: {  	_ =	shalt  }
0x3f: {  	_ =	shalt  }
0x40: {  	_ =	shalt  }
0x41: {  	_ =	shalt  }
0x42: {  	_ =	shalt  }
0x43: {  	_ =	shalt  }
0x44: {  	_ =	shalt  }
0x45: {  	_ =	shalt  }
0x46: {  	_ =	shalt  }
0x47: {  	_ =	shalt  }
0x48: {  	_ =	shalt  }
0x49: {  	_ =	shalt  }
0x4a: {  	_ =	shalt  }
0x4b: {  	_ =	shalt  }
0x4c: {  	_ =	shalt  }
0x4d: {  	_ =	shalt  }
0x4e: {  	_ =	shalt  }
0x4f: {  	_ =	shalt  }
0x50: {  	_ =	shalt  }
0x51: {  	_ =	shalt  }
0x52: {  	_ =	shalt  }
0x53: {  	_ =	shalt  }
0x54: {  	_ =	shalt  }
0x55: {  	_ =	shalt  }
0x56: {  	_ =	shalt  }
0x57: {  	_ =	shalt  }
0x58: {  	_ =	shalt  }
0x59: {  	_ =	shalt  }
0x5a: {  	_ =	shalt  }
0x5b: {  	_ =	shalt  }
0x5c: {  	_ =	shalt  }
0x5d: {  	_ =	shalt  }
0x5e: {  	_ =	shalt  }
0x5f: {  	_ =	shalt  }
0x60: {  	_ =	shalt  }
0x61: {  	_ =	shalt  }
0x62: {  	_ =	shalt  }
0x63: {  	_ =	shalt  }
0x64: {  	_ =	shalt  }
0x65: {  	_ =	shalt  }
0x66: {  	_ =	shalt  }
0x67: {  	_ =	shalt  }
0x68: {  	_ =	shalt  }
0x69: {  	_ =	shalt  }
0x6a: {  	_ =	shalt  }
0x6b: {  	_ =	shalt  }
0x6c: {  	_ =	shalt  }
0x6d: {  	_ =	shalt  }
0x6e: {  	_ =	shalt  }
0x6f: {  	_ =	shalt  }
0x70: {  	_ =	shalt  }
0x71: {  	_ =	shalt  }
0x72: {  	_ =	shalt  }
0x73: {  	_ =	shalt  }
0x74: {  	_ =	shalt  }
0x75: {  	_ =	shalt  }
0x76: {  	_ =	shalt  }
0x77: {  	_ =	shalt  }
0x78: {  	_ =	shalt  }
0x79: {  	_ =	shalt  }
0x7a: {  	_ =	shalt  }
0x7b: {  	_ =	shalt  }
0x7c: {  	_ =	shalt  }
0x7d: {  	_ =	shalt  }
0x7e: {  	_ =	shalt  }
0x7f: {  	_ =	shalt  }
0x80: {  	_ =	shalt  }
0x81: {  	_ =	shalt  }
0x82: {  	_ =	shalt  }
0x83: {  	_ =	shalt  }
0x84: {  	_ =	shalt  }
0x85: {  	_ =	shalt  }
0x86: {  	_ =	shalt  }
0x87: {  	_ =	shalt  }
.Lfunc_end0:
.L_simem_size_0:
called_computation_lowered:
.L_overlay_start_0:
0x88: {  	s2 =	sld [smem:$0x3FD9]  }
0x89: {  	s3 =	sld [smem:$0x3FFE];
	_ =	sdelay $0x1  }
0x8a: {  	s1 =	srdreg.scid  }
0x8b: {  	s0 =	sand.u32 $0x1, s1  }
0x8c: {  	s16 =	sshll.u32 s0, $0xA;
	s2 =	sadd.s32 s3, s2  }
0x8d: {  	s2 =	sadd.s32 s2, s16  }
0x8e: {  	[smem:$0x3FC4] =	sst s2  }
0x8f: {  	_ = 	snop  }
0x90: {  	(tm) =	ssettm $0x1  }
0x91: {  	s17 =	sld [smem:$0x3FFB];
	_ =	sdelay $0x3  }
0x92: {  	_ =	strace s17  }
0x93: {  	s2 =	sld [smem:$0x3FFC];
	_ =	sdelay $0x3  }
0x94: {  	_ =	strace s2  }
0x95: {  	s2 =	sld [smem:$0x3FFD];
	_ =	sdelay $0x3  }
0x96: {  	_ =	strace s2  }
0x97: {  	_ =	strace $0x8FFFFFFF  }
0x98: {  	s18 =	sld [smem:$0x3FDB];
	_ =	sdelay $0x1  }
0x99: {  	s19 =	simm.s32 $_scs_section_size  }
0x9a: {  	s4 =	simm.s32 $_size__tile_overlayer_lowered;
	s5 =	simm.s32 $_tile_overlayer_lowered  }
0x9b: {  	s22 =	simm.s32 $0x1BFF;
	s21 =	sshll.u32 s5, $0x1;
	s2 =	sadd.s32 s19, s18  }
0x9c: {  	s6 =	simm.s32 $0x0;
	s20 =	sshll.u32 s4, $0x1;
	s4 =	sadd.s32 s21, s2  }
0x9d: {  	[timem:s6], [sflag:s22] =	dma.local [hbm:s4], s20  }
0x9e: {  	_ =	swait.ge [sflag:s22], s20  }
0x9f: {  	s3 =	ssub.s32 $0x0, s20;
	[sflag:s22] =	ssyncset.done $0x0  }
0xa0: {  	[sflag:s22] =	ssyncadd.s32 s3;
	_ =	sdelay $0x1  }
0xa1: {  	s23 =	simm.s32 $0x1B8B  }
0xa2: {  	_ =	swait.ge [sflag:s23], $0x1  }
0xa3: {  	[sflag:s23] =	ssyncset.done $0x0  }
0xa4: {  	s25 =	simm.s32 $0x1B8E;
	s24 =	sld [smem:$0x3FFE];
	[sflag:s23] =	ssyncadd.s32 $0xFFFFFFFF  }
0xa5: {  	s26 =	simm.s32 $execute0_lowered;
	[smem:$0x3FD2] =	sst s25  }
0xa6: {  	s4 =	sshll.u32 s26, $0x1;
	_ =	strace $0x80000046;
	[dreg:$0x1] =	wrdreg $0xFFFFFFFF  }
0xa7: {  	s28 =	simm.s32 $_size_execute0_lowered;
	s2 =	sadd.s32 s2, s4;
	[dreg:$0x0] =	wrdreg $0x0  }
0xa8: {  	s4 =	sshll.u32 s28, $0x1;
	[dreg:$0x2] =	wrdreg s2  }
0xa9: {  	[dreg:$0x3] =	wrdreg s4  }
0xaa: {  	[dreg:$0x4] =	wrdreg $0xC0  }
0xab: {  	_ =	task [dreg:s6], $0x5FFFF  }
0xac: {  	[dreg:$0x1] =	wrdreg $0xFFFFFFFF  }
0xad: {  	[dreg:$0x0] =	wrdreg $0x60  }
0xae: {  	[dreg:$0x2] =	wrdreg s24  }
0xaf: {  	[dreg:$0x3] =	wrdreg $0x9  }
0xb0: {  	_ =	task.clear_ibuf [dreg:s6], $0x4FFFF;
	_ =	strace $0x90000046  }
0xb1: {  	s29 =	simm.s32 $0x9;
	_ =	strace $0x80000048  }
0xb2: {  	_ =	swait.ge [sflag:s29], $0x1  }
0xb3: {  	[sflag:s29] =	ssyncadd.s32 $0xFFFFFFFF  }
0xb4: {  	_ =	strace $0x90000048  }
0xb5: {  	_ =	sfence  }
0xb6: {  	s30 =	sld [smem:$0x0];
	_ =	sdelay $0x2  }
0xb7: {  	s31 =	sshll.u32 s1, $0xD;
	s1 =	sshrl.u32 s1, $0x2  }
0xb8: {  	s3 =	sand.u32 $0x4000, s31;
	s1 =	sadd.s32 s1, s30  }
0xb9: {  	s0 =	sor.u32 s3, s0;
	s1 =	sshll.u32 s1, $0x11  }
0xba: {  	s0 =	sor.u32 s1, s0  }
0xbb: {  	s0 =	sadd.s32 $0x8F2B, s0  }
0xbc: {  	[sflag:s0] =	ssyncadd.remote.s32 $0x1  }
0xbd: {  	_ =	sfence.sel $0xFFFF  }
0xbe: {  	[dreg:$0x0] =	wrdreg $0xFFFFFFFF;
	(pc) =	sbr.abs _section_cstart, $3  }
0xbf: {  	[dreg:$0x1] =	wrdreg $0xFFFFFFFF  }
0xc0: {  	_ =	task.clear_ibuf [dreg:s6], $0x2FFFF;
	_ =	strace $0x9FFFFFFF  }
0xc1: {  	(tm) =	ssettm $0x7FFFFFFF  }
tec
execute0_lowered:
.L_overlay_start_1:
0x0: {  	(tag) =	ssettag $0x1  }
0x1: {  	s1 =	srdreg.scid  }
0x2: {  	s0 =	stileid.u32;
	s3 =	rddreg [dreg:$0x0]  }
0x3: {  	s2 =	simm.s32 $0x0;
	s28 =	simm.s32 $0x80;
	s4 =	sand.u32 $0x1, s1  }
0x4: {  	s5 =	sshll.u32 s0, $0x5;
	s1 =	rddreg [dreg:$0x1];
	s6 =	sshll.u32 s4, $0x4  }
0x5: {  	s30 =	simm.s32 $0x100;
	[smem:$0x7FF] =	sst s2;
	s5 =	sor.u32 s6, s5  }
0x6: {  	_ =	strace $0x80000047;
	[dreg:$0x4] =	wrdreg s28;
	s3 =	sadd.s32 s5, s3  }
0x7: {  	[dreg:$0x6] =	wrdreg s30;
	s5 =	sadd.s32 $0x800, s3  }
0x8: {  	s26 =	sadd.s32 $0xA00, s3;
	[dreg:$0x2] =	wrdreg s5  }
0x9: {  	s3 =	sadd.s32 $0xC00, s3;
	[dreg:$0x3] =	wrdreg s26  }
0xa: {  	[dreg:$0x5] =	wrdreg s3  }
0xb: {  	s3 =	simm.s32 $0x1;
	s29 =	rddreg [dreg:$0x2]  }
0xc: {  	[tilespmem:s2], [sflag:$0x1] =	stream.linear.gather [hbm4b:s29+s2], $0x80, $0x38;
	[tilespmem:$0x180] =	vst v63  }
0xd: {  	_ =	swait.ge [sflag:s3], $0x80  }
0xe: {  	[sflag:s3] =	ssyncset.done $0x0  }
0xf: {  	[sflag:s3] =	ssyncadd.s32 $0xFFFFFF80  }
0x10: {  	v1 =	vld [tilespmem:$0x0];
	_ =	sdelay $0x1  }
0x11: {  	v2 =	vld [tilespmem:$0x10];
	_ =	sdelay $0x2  }
0x12: {  	v0 =	vimm.s32 $0x0;
	vm1 =	vgt.f32 v1, $0.0e+00  }
0x13: {  	v1 =	vsel vm1, $0x1, v0  }
0x14: {  	vm2 =	vgt.f32 v2, $0.0e+00;
	(xrf0) =	vadd.scan.msk.s32 $0xffff, v1  }
0x15: {  	v1 =	vsel vm2, $0x1, v0  }
0x16: {  	(xrf0) =	vadd.scan.msk.s32 $0xffff, v1;
	_ =	sdelay $0x3  }
0x17: {  	v7, _, _ =	vpop (xrf0)  }
0x18: {  	v1 =	vlaneseq.u32;
	v3 =	vbroadcast v7, $0xF  }
0x19: {  	v2 =	vor.u32 $0x10, v1;
	vm3 =	veq.s32 v7, $0x1;
	vm0 =	veq.s32 v7, $0x6;
	v4, _, _ =	vpop (xrf0)  }
0x1a: {  	vm5 =	veq.s32 v7, $0x3;
	vm4 =	vmand vm1, vm3;
	v8 =	vadd.s32 v3, v4  }
0x1b: {  	vm3 =	veq.s32 v7, $0x2;
	vm5 =	vmand vm1, vm5;
	vm6 =	veq.s32 v8, $0x1  }
0x1c: {  	v3 =	vsel vm4, $0x1, v0;
	vm7 =	veq.s32 v8, $0x2;
	vm6 =	vmand vm2, vm6  }
0x1d: {  	vm3 =	vmand vm1, vm3;
	(xrf0) =	vadd.scan.msk.s32 $0xffff, v3;
	vm7 =	vmand vm2, vm7;
	v3 =	vnsel vm6, $0x0, v2  }
0x1e: {  	v4 =	vsel vm6, $0x1, v0;
	vm6 =	veq.s32 v8, $0x3;
	v5 =	vsel vm7, $0x1, v0;
	(xrf0) =	vadd.scan.msk.s32 $0xffff, v3  }
0x1f: {  	v12 =	vnsel vm4, $0x0, v1;
	vm8 =	veq.s32 v8, $0x4;
	vm6 =	vmand vm2, vm6;
	(xrf0) =	vadd.scan.msk.s32 $0xffff, v5  }
0x20: {  	v3 =	vnsel vm7, $0x0, v2;
	vm7 =	veq.s32 v7, $0x4;
	v6 =	vsel vm6, $0x1, v0;
	(xrf0) =	vadd.scan.msk.s32 $0xffff, v4  }
0x21: {  	vm4 =	vmand vm2, vm8;
	vm7 =	vmand vm1, vm7;
	v4 =	vsel vm5, $0x1, v0;
	(xrf0) =	vadd.scan.msk.s32 $0xffff, v6  }
0x22: {  	vm9 =	veq.s32 v8, $0x7;
	v5 =	vsel vm4, $0x1, v0;
	v9 =	vnsel vm7, $0x0, v1;
	(xrf0) =	vadd.scan.msk.s32 $0xffff, v4  }
0x23: {  	v6 =	vnsel vm4, $0x0, v2;
	vm4 =	veq.s32 v8, $0x5;
	(xrf0) =	vadd.scan.msk.s32 $0xffff, v5;
	v5 =	vsel vm3, $0x1, v0  }
0x24: {  	v10 =	vsel vm7, $0x1, v0;
	v11, _, _ =	vpop (xrf0);
	v4 =	vnsel vm5, $0x0, v1;
	vm5 =	vmand vm2, vm4  }
0x25: {  	vm7 =	veq.s32 v7, $0x5;
	(v2sf) =	vpush v11, $0xF;
	v11, _, _ =	vpop (xrf0);
	(xrf0) =	vadd.scan.msk.s32 $0xffff, v9;
	v9 =	vsel vm5, $0x1, v0  }
0x26: {  	vm8 =	vmand vm1, vm7;
	vm4 =	veq.s32 v8, $0x6;
	(v2sf) =	vpush v11, $0xF;
	(xrf0) =	vadd.scan.msk.s32 $0xffff, v5;
	v5, _, _ =	vpop (xrf0)  }
0x27: {  	vm7 =	vmand vm1, vm0;
	vm4 =	vmand vm2, vm4;
	(xrf0) =	vadd.scan.msk.s32 $0xffff, v9;
	v11, _, _ =	vpop (xrf0);
	(v2sf) =	vpush v5, $0xF  }
0x28: {  	v5 =	vsel vm8, $0x1, v0;
	(xrf0) =	vadd.scan.msk.s32 $0xffff, v6;
	(v2sf) =	vpush v11, $0xF;
	v9, _, _ =	vpop (xrf0);
	v11 =	vsel vm4, $0x1, v0  }
0x29: {  	vm0 =	vmand vm2, vm9;
	v6 =	vnsel vm8, $0x0, v1;
	vm8 =	veq.s32 v7, $0x7;
	(xrf0) =	vadd.scan.msk.s32 $0xffff, v5;
	v13, _, _ =	vpop (xrf0)  }
0x2a: {  	v5 =	vsel vm0, $0x1, v0;
	(v2sf) =	vpush v9, $0xF;
	v9 =	vsel vm7, $0x1, v0;
	v14, _, _ =	vpop (xrf0);
	(xrf0) =	vadd.scan.msk.s32 $0xffff, v11  }
0x2b: {  	vm8 =	vmand vm1, vm8;
	(v2sf) =	vpush v13, $0xF;
	v11, _, _ =	vpop (xrf0);
	(xrf0) =	vadd.scan.msk.s32 $0xffff, v5  }
0x2c: {  	v16 =	vnsel vm8, $0x0, v1;
	(v2sf) =	vpush v14, $0xF;
	v62, _, _ =	vpop (xrf0);
	(xrf0) =	vadd.scan.msk.s32 $0xffff, v9  }
0x2d: {  	(v2sf) =	vpush v11, $0xF;
	v11 =	vnsel vm5, $0x0, v2;
	vm5 =	veq.s32 v8, $0x8;
	v9, _, _ =	vpop (xrf0);
	(xrf0) =	vadd.scan.msk.s32 $0xffff, v16  }
0x2e: {  	s4 =	ssub.s32 $0x2, s4;
	(v2sf) =	vpush v62, $0xF;
	vm5 =	vmand vm2, vm5;
	vm2 =	veq.s32 v7, $0x8;
	v8, _, _ =	vpop (xrf0);
	(xrf0) =	vadd.scan.msk.s32 $0xffff, v10  }
0x2f: {  	s31 =	sshrl.u32 s4, $0x1;
	v15 =	vsel vm8, $0x1, v0;
	(v2sf) =	vpush v9, $0xF;
	vm8 =	vmand vm1, vm2;
	(xrf0) =	vadd.scan.msk.s32 $0xffff, v11;
	v7, _, _ =	vpop (xrf0)  }
0x30: {  	s4 =	ssub.s32 s4, s31;
	v10 =	vsel vm5, $0x1, v0;
	v9, _, _ =	vpop (xrf0);
	(xrf0) =	vadd.scan.msk.s32 $0xffff, v15;
	(v2sf) =	vpush v7, $0xF;
	v7 =	vsel vm8, $0x1, v0  }
0x31: {  	s5 =	smax.u32 s4, $0x1;
	v63 =	vnsel vm4, $0x0, v2;
	v11, _, _ =	vpop (xrf0);
	(xrf0) =	vadd.scan.msk.s32 $0xffff, v10  }
0x32: {  	p0 =	sne.s32 s5, $0x1;
	vm4 =	vcmask $0x1310;
	v10 =	vnsel vm3, $0x0, v1;
	(v2sf) =	vpush v9, $0xF;
	v9, _, _ =	vpop (xrf0);
	(xrf0) =	vadd.scan.msk.s32 $0xffff, v7  }
.Ltmp0:
0x33: {  	v5 =	vnsel vm0, $0x0, v2;
	vm2 =	vcmask $0xB08;
	(v2sf) =	vpush v11, $0xF;
	(xrf0) =	vadd.scan.msk.s32 $0xffff, v10;
	v7, _, _ =	vpop (xrf0);
	(pc) =	sbr.rel @!p0 .LBB2_2-.Ltmp0, $4  }
0x34: {  	vm3 =	vcmask $0xF0C;
	s7 =	spop (v2sf);
	v10 =	vnsel vm8, $0x0, v1;
	(v2sf) =	vpush v9, $0xF;
	v9, _, _ =	vpop (xrf0);
	(xrf0) =	vadd.scan.msk.s32 $0xffff, v63  }
0x35: {  	v11 =	vnsel vm5, $0x0, v2;
	vm5 =	vcmask $0x1714;
	s6 =	spop (v2sf);
	(v2sf) =	vpush v9, $0xF;
	v9, _, _ =	vpop (xrf0);
	(xrf0) =	vadd.scan.msk.s32 $0xffff, v10  }
0x36: {  	v10 =	vnsel vm6, $0x0, v2;
	vm6 =	vcmask $0x1B18;
	s9 =	spop (v2sf);
	(v2sf) =	vpush v8, $0xF;
	v8, _, _ =	vpop (xrf0);
	(xrf0) =	vadd.scan.msk.s32 $0xffff, v11  }
0x37: {  	s4 =	simm.f32 $0.0e+00;
	s5 =	sadd.s32 $0xFFFFFFFF, s5;
	v11 =	vnsel vm7, $0x0, v1;
	vm7 =	vcmask $0x1F1C;
	(xrf0) =	vadd.scan.msk.s32 $0xffff, v12;
	s10 =	spop (v2sf);
	(v2sf) =	vpush v8, $0xF;
	v8, _, _ =	vpop (xrf0)  }
.LBB2_1:
0x38: {  	_ = 	snop  }
0x39: {  	(xrf0) =	vadd.scan.msk.s32 $0xffff, v4;
	v4, _, _ =	vpop (xrf0);
	s8 =	spop (v2sf);
	(v2sf) =	vpush v8, $0xF  }
0x3a: {  	v8, _, _ =	vpop (xrf0);
	(xrf0) =	vadd.scan.msk.s32 $0xffff, v3;
	s11 =	spop (v2sf);
	(v2sf) =	vpush v4, $0xF  }
0x3b: {  	(xrf0) =	vadd.scan.msk.s32 $0xffff, v10;
	v3, _, _ =	vpop (xrf0);
	s8 =	sadd.s32 s11, s8;
	(v2sf) =	vpush v8, $0xF;
	s19 =	spop (v2sf)  }
0x3c: {  	(xrf0) =	vadd.scan.msk.s32 $0xffff, v11;
	p1 =	sgt.s32 s8, $0x0;
	s8 =	spop (v2sf);
	(v2sf) =	vpush v3, $0xF;
	v3, _, _ =	vpop (xrf0)  }
0x3d: {  	(xrf0) =	vadd.scan.msk.s32 $0xffff, v6;
	s12 =	spop (v2sf);
	(v2sf) =	vpush v3, $0xF;
	v3, _, _ =	vpop (xrf0)  }
0x3e: {  	v4, _, _ =	vpop (xrf0);
	(v2sf) =	vpush v9, $0xF  }
0x3f: {  	s7 =	sadd.s32 s7, s10;
	(v2sf) =	vpush v4, $0xF;
	v4, _, _ =	vpop (xrf0);
	(xrf0) =	vadd.scan.msk.s32 $0xffff, v5  }
0x40: {  	s10 =	simm.f32 $0.0e+00;
	p3 =	sgt.s32 s7, $0x0;
	s20 =	spop (v2sf);
	v5, _, _ =	vpop (xrf0);
	(v2sf) =	vpush v4, $0xF  }
0x41: {  	s13 =	simm.f32 $0.0e+00;
	s10 =	simm.s32 @!p3 $0xCE6E6B28;
	s21 =	spop (v2sf);
	(v2sf) =	vpush v5, $0xF;
	v4, _, _ =	vpop (xrf0)  }
0x42: {  	s11 =	simm.f32 $0.0e+00;
	s9 =	sadd.s32 s12, s9;
	s22 =	spop (v2sf);
	(v2sf) =	vpush v4, $0xF;
	v4, _, _ =	vpop (xrf0)  }
0x43: {  	s12 =	simm.f32 $0.0e+00;
	p2 =	sgt.s32 s9, $0x0;
	s23 =	spop (v2sf);
	v6, _, _ =	vpop (xrf0);
	(v2sf) =	vpush v4, $0xF  }
0x44: {  	s12 =	simm.s32 @!p1 $0xCE6E6B28;
	s7 =	sadd.s32 s21, s20;
	s24 =	spop (v2sf);
	(v2sf) =	vpush v6, $0xF  }
0x45: {  	s13 =	simm.s32 @!p2 $0xCE6E6B28;
	p3 =	sgt.s32 s7, $0x0;
	s25 =	spop (v2sf);
	(v2sf) =	vpush v7, $0xF;
	v4, _, _ =	vpop (xrf0)  }
0x46: {  	vm0 =	vcmask $0x300;
	v5 =	vmov s10;
	s9 =	sadd.s32 s24, s22;
	s26 =	spop (v2sf);
	s10 =	sadd.s32 s25, s19;
	(v2sf) =	vpush v4, $0xF  }
0x47: {  	vm1 =	vcmask $0x704;
	v5 =	vnsel vm0, $0x0, v5;
	p1 =	sgt.s32 s9, $0x0;
	s28 =	spop (v2sf);
	p2 =	sgt.s32 s10, $0x0;
	(v2sf) =	vpush v3, $0xF  }
0x48: {  	s7 =	sadd.s32 s28, s23;
	v3 =	vsel vm1, s13, v5;
	s11 =	simm.s32 @!p2 $0xCE6E6B28;
	s29 =	spop (v2sf)  }
0x49: {  	s13 =	simm.f32 $0.0e+00;
	v3 =	vsel vm2, s12, v3;
	s12 =	simm.f32 $0.0e+00;
	s30 =	spop (v2sf)  }
0x4a: {  	p2 =	sgt.s32 s7, $0x0;
	s12 =	simm.s32 @!p3 $0xCE6E6B28;
	s31 =	spop (v2sf)  }
0x4b: {  	v3 =	vsel vm3, s11, v3;
	s11 =	simm.f32 $0.0e+00;
	s13 =	simm.s32 @!p2 $0xCE6E6B28;
	s14 =	spop (v2sf)  }
0x4c: {  	s7 =	sadd.s32 s30, s29;
	s11 =	simm.s32 @!p1 $0xCE6E6B28;
	v3 =	vsel vm4, s12, v3;
	s15 =	spop (v2sf)  }
0x4d: {  	p1 =	sgt.s32 s7, $0x0;
	v3 =	vsel vm5, s11, v3;
	s11 =	simm.f32 $0.0e+00;
	s16 =	spop (v2sf)  }
0x4e: {  	s11 =	simm.s32 @!p1 $0xCE6E6B28;
	v3 =	vsel vm6, s13, v3;
	s17 =	spop (v2sf)  }
0x4f: {  	v3 =	vsel vm7, s11, v3;
	s6 =	sadd.s32 s17, s6;
	s18 =	spop (v2sf)  }
0x50: {  	[tilespmem:$0x100] =	vst v3;
	v3 =	vmov s6;
	s19 =	spop (v2sf)  }
0x51: {  	s6 =	sadd.s32 s31, s19;
	v3 =	vnsel vm0, $0x0, v3;
	s20 =	spop (v2sf)  }
0x52: {  	s10 =	sadd.s32 s18, s20;
	v3 =	vsel vm1, s6, v3;
	s21 =	spop (v2sf)  }
0x53: {  	s8 =	sadd.s32 s8, s26;
	v3 =	vsel vm2, s10, v3;
	s22 =	spop (v2sf)  }
0x54: {  	s9 =	sadd.s32 s22, s16;
	v3 =	vsel vm3, s8, v3;
	s23 =	spop (v2sf)  }
0x55: {  	s6 =	sadd.s32 s21, s14;
	v3 =	vsel vm4, s9, v3;
	s24 =	spop (v2sf)  }
0x56: {  	s8 =	sadd.s32 s23, s24;
	v3 =	vsel vm5, s6, v3;
	s26 =	spop (v2sf)  }
0x57: {  	s7 =	sadd.s32 s15, s26;
	v3 =	vsel vm6, s8, v3  }
0x58: {  	s25 =	rddreg [dreg:$0x4];
	v3 =	vsel vm7, s7, v3  }
0x59: {  	s28 =	rddreg [dreg:$0x3];
	[tilespmem:$0x80] =	vst v3  }
0x5a: {  	[hbm4b:s28+s2] =	stream.linear.scatter [tilespmem:s25], [sflag:$0x1], $0x80, $0x38;
	[tilespmem:$0x180] =	vst v63  }
0x5b: {  	_ =	swait.ge [sflag:s3], $0x80  }
0x5c: {  	s29 =	rddreg [dreg:$0x5];
	[sflag:s3] =	ssyncset.done $0x0  }
0x5d: {  	s30 =	rddreg [dreg:$0x6];
	[sflag:s3] =	ssyncadd.s32 $0xFFFFFF80  }
0x5e: {  	[hbm4b:s29+s2] =	stream.linear.scatter [tilespmem:s30], [sflag:$0x1], $0x80, $0x38;
	[tilespmem:$0x180] =	vst v63  }
0x5f: {  	_ =	swait.ge [sflag:s3], $0x80  }
0x60: {  	[sflag:s3] =	ssyncset.done $0x0  }
0x61: {  	s31 =	rddreg [dreg:$0x2];
	[sflag:s3] =	ssyncadd.s32 $0xFFFFFF80  }
0x62: {  	[tilespmem:s2], [sflag:$0x1] =	stream.linear.gather [hbm4b:s31+s2], $0x80, $0x38;
	[tilespmem:$0x180] =	vst v63  }
0x63: {  	_ =	swait.ge [sflag:s3], $0x80  }
0x64: {  	[sflag:s3] =	ssyncset.done $0x0  }
0x65: {  	[sflag:s3] =	ssyncadd.s32 $0xFFFFFF80  }
0x66: {  	v3 =	vld [tilespmem:$0x0];
	_ =	sdelay $0x1  }
0x67: {  	v4 =	vld [tilespmem:$0x10];
	_ =	sdelay $0x2  }
0x68: {  	vm8 =	vgt.f32 v3, $0.0e+00  }
0x69: {  	v3 =	vsel vm8, $0x1, v0  }
0x6a: {  	vm9 =	vgt.f32 v4, $0.0e+00;
	(xrf0) =	vadd.scan.msk.s32 $0xffff, v3  }
0x6b: {  	v4 =	vsel vm9, $0x1, v0  }
0x6c: {  	(xrf0) =	vadd.scan.msk.s32 $0xffff, v4;
	_ =	sdelay $0x3  }
0x6d: {  	v7, _, _ =	vpop (xrf0)  }
0x6e: {  	v3 =	vbroadcast v7, $0xF  }
0x6f: {  	vm10 =	veq.s32 v7, $0x1;
	vm11 =	veq.s32 v7, $0x6;
	v4, _, _ =	vpop (xrf0);
	vm13 =	veq.s32 v7, $0x3  }
0x70: {  	vm12 =	vmand vm8, vm10;
	vm10 =	veq.s32 v7, $0x2;
	v9 =	vadd.s32 v3, v4  }
0x71: {  	vm13 =	vmand vm8, vm13;
	v3 =	vsel vm12, $0x1, v0;
	vm14 =	veq.s32 v9, $0x1  }
0x72: {  	vm10 =	vmand vm8, vm10;
	vm15 =	veq.s32 v9, $0x2;
	(xrf0) =	vadd.scan.msk.s32 $0xffff, v3;
	vm14 =	vmand vm9, vm14  }
0x73: {  	vm0 =	veq.s32 v9, $0x4;
	vm15 =	vmand vm9, vm15;
	v3 =	vnsel vm14, $0x0, v2  }
0x74: {  	v4 =	vsel vm14, $0x1, v0;
	vm14 =	veq.s32 v9, $0x3;
	v5 =	vsel vm15, $0x1, v0;
	(xrf0) =	vadd.scan.msk.s32 $0xffff, v3  }
0x75: {  	v8 =	vnsel vm12, $0x0, v1;
	vm0 =	vmand vm9, vm0;
	vm12 =	vmand vm9, vm14;
	(xrf0) =	vadd.scan.msk.s32 $0xffff, v5  }
0x76: {  	v15 =	vsel vm10, $0x1, v0;
	v10 =	vnsel vm0, $0x0, v2;
	v6 =	vsel vm12, $0x1, v0;
	(xrf0) =	vadd.scan.msk.s32 $0xffff, v4  }
0x77: {  	v3 =	vnsel vm15, $0x0, v2;
	vm14 =	veq.s32 v7, $0x4;
	v4 =	vsel vm13, $0x1, v0;
	(xrf0) =	vadd.scan.msk.s32 $0xffff, v6  }
0x78: {  	vm15 =	veq.s32 v9, $0x7;
	v5 =	vsel vm0, $0x1, v0;
	vm14 =	vmand vm8, vm14;
	v12, _, _ =	vpop (xrf0);
	(xrf0) =	vadd.scan.msk.s32 $0xffff, v4  }
0x79: {  	v6 =	vnsel vm14, $0x0, v1;
	v4 =	vnsel vm13, $0x0, v1;
	vm13 =	veq.s32 v9, $0x5;
	(xrf0) =	vadd.scan.msk.s32 $0xffff, v5  }
0x7a: {  	vm0 =	veq.s32 v7, $0x5;
	(v2sf) =	vpush v12, $0xF;
	vm13 =	vmand vm9, vm13;
	v53, _, _ =	vpop (xrf0);
	(xrf0) =	vadd.scan.msk.s32 $0xffff, v6  }
0x7b: {  	v11 =	vsel vm14, $0x1, v0;
	v14 =	vsel vm13, $0x1, v0;
	(v2sf) =	vpush v53, $0xF;
	(xrf0) =	vadd.scan.msk.s32 $0xffff, v15;
	v5, _, _ =	vpop (xrf0)  }
0x7c: {  	vm0 =	vmand vm8, vm0;
	vm14 =	veq.s32 v9, $0x6;
	v13, _, _ =	vpop (xrf0);
	(v2sf) =	vpush v5, $0xF;
	(xrf0) =	vadd.scan.msk.s32 $0xffff, v14  }
0x7d: {  	vm14 =	vmand vm9, vm14;
	v5 =	vsel vm0, $0x1, v0;
	(v2sf) =	vpush v13, $0xF;
	v6, _, _ =	vpop (xrf0);
	(xrf0) =	vadd.scan.msk.s32 $0xffff, v10  }
0x7e: {  	vm1 =	veq.s32 v7, $0x7;
	vm15 =	vmand vm9, vm15;
	v54 =	vsel vm14, $0x1, v0;
	v10, _, _ =	vpop (xrf0);
	(xrf0) =	vadd.scan.msk.s32 $0xffff, v5  }
0x7f: {  	vm11 =	vmand vm8, vm11;
	(v2sf) =	vpush v6, $0xF;
	v5 =	vsel vm15, $0x1, v0;
	v6, _, _ =	vpop (xrf0);
	(xrf0) =	vadd.scan.msk.s32 $0xffff, v54  }
0x80: {  	vm1 =	vmand vm8, vm1;
	(v2sf) =	vpush v10, $0xF;
	v10 =	vsel vm11, $0x1, v0;
	v56, _, _ =	vpop (xrf0);
	(xrf0) =	vadd.scan.msk.s32 $0xffff, v5  }
0x81: {  	v16 =	vnsel vm1, $0x0, v1;
	(v2sf) =	vpush v6, $0xF;
	v15, _, _ =	vpop (xrf0);
	(xrf0) =	vadd.scan.msk.s32 $0xffff, v10  }
0x82: {  	v6 =	vnsel vm0, $0x0, v1;
	vm0 =	veq.s32 v9, $0x8;
	(v2sf) =	vpush v56, $0xF;
	v9, _, _ =	vpop (xrf0);
	(xrf0) =	vadd.scan.msk.s32 $0xffff, v16  }
0x83: {  	v55 =	vsel vm1, $0x1, v0;
	v57 =	vnsel vm13, $0x0, v2;
	(v2sf) =	vpush v15, $0xF;
	v59, _, _ =	vpop (xrf0);
	(xrf0) =	vadd.scan.msk.s32 $0xffff, v11  }
0x84: {  	vm1 =	veq.s32 v7, $0x8;
	vm0 =	vmand vm9, vm0;
	(v2sf) =	vpush v9, $0xF;
	(xrf0) =	vadd.scan.msk.s32 $0xffff, v57;
	v10, _, _ =	vpop (xrf0)  }
0x85: {  	vm1 =	vmand vm8, vm1;
	v7 =	vsel vm0, $0x1, v0;
	(v2sf) =	vpush v10, $0xF;
	v9, _, _ =	vpop (xrf0);
	(xrf0) =	vadd.scan.msk.s32 $0xffff, v55  }
0x86: {  	v11 =	vsel vm1, $0x1, v0;
	(v2sf) =	vpush v9, $0xF;
	v9, _, _ =	vpop (xrf0);
	(xrf0) =	vadd.scan.msk.s32 $0xffff, v7  }
0x87: {  	p0 =	sne.s32 s5, $0x1;
	v17 =	vnsel vm10, $0x0, v1;
	v62, _, _ =	vpop (xrf0);
	(xrf0) =	vadd.scan.msk.s32 $0xffff, v11  }
.Ltmp1:
0x88: {  	v58 =	vnsel vm14, $0x0, v2;
	(v2sf) =	vpush v9, $0xF;
	(xrf0) =	vadd.scan.msk.s32 $0xffff, v17;
	v7, _, _ =	vpop (xrf0);
	(pc) =	sbr.rel @p0 .LBB2_1-.Ltmp1, $4  }
0x89: {  	v61 =	vnsel vm1, $0x0, v1;
	s7 =	spop (v2sf);
	(v2sf) =	vpush v62, $0xF;
	v9, _, _ =	vpop (xrf0);
	(xrf0) =	vadd.scan.msk.s32 $0xffff, v58  }
0x8a: {  	v60 =	vnsel vm0, $0x0, v2;
	s6 =	spop (v2sf);
	(v2sf) =	vpush v9, $0xF;
	v9, _, _ =	vpop (xrf0);
	(xrf0) =	vadd.scan.msk.s32 $0xffff, v61  }
0x8b: {  	v5 =	vnsel vm15, $0x0, v2;
	s9 =	spop (v2sf);
	(v2sf) =	vpush v59, $0xF;
	v63, _, _ =	vpop (xrf0);
	(xrf0) =	vadd.scan.msk.s32 $0xffff, v60  }
0x8c: {  	s5 =	sadd.s32 $0xFFFFFFFF, s5;
	v10 =	vnsel vm12, $0x0, v2;
	v11 =	vnsel vm11, $0x0, v1;
	(xrf0) =	vadd.scan.msk.s32 $0xffff, v8;
	s10 =	spop (v2sf);
	(v2sf) =	vpush v63, $0xF;
	v8, _, _ =	vpop (xrf0)  }
.LBB2_2:
0x8d: {  	(xrf0) =	vadd.scan.msk.s32 $0xffff, v4;
	v0, _, _ =	vpop (xrf0);
	(v2sf) =	vpush v8, $0xF  }
0x8e: {  	v1, _, _ =	vpop (xrf0);
	(xrf0) =	vadd.scan.msk.s32 $0xffff, v3;
	(v2sf) =	vpush v0, $0xF  }
0x8f: {  	s8 =	spop (v2sf);
	(v2sf) =	vpush v1, $0xF;
	(xrf0) =	vadd.scan.msk.s32 $0xffff, v10;
	v52, _, _ =	vpop (xrf0)  }
0x90: {  	s11 =	spop (v2sf);
	(xrf0) =	vadd.scan.msk.s32 $0xffff, v11;
	(v2sf) =	vpush v52, $0xF;
	v53, _, _ =	vpop (xrf0)  }
0x91: {  	s12 =	spop (v2sf);
	(xrf0) =	vadd.scan.msk.s32 $0xffff, v6;
	(v2sf) =	vpush v53, $0xF;
	v54, _, _ =	vpop (xrf0)  }
0x92: {  	s5 =	spop (v2sf);
	v55, _, _ =	vpop (xrf0);
	(v2sf) =	vpush v9, $0xF  }
0x93: {  	s13 =	spop (v2sf);
	(xrf0) =	vadd.scan.msk.s32 $0xffff, v5;
	(v2sf) =	vpush v55, $0xF;
	v56, _, _ =	vpop (xrf0)  }
0x94: {  	s14 =	spop (v2sf);
	v2, _, _ =	vpop (xrf0);
	(v2sf) =	vpush v56, $0xF  }
0x95: {  	s15 =	spop (v2sf);
	(v2sf) =	vpush v2, $0xF;
	v57, _, _ =	vpop (xrf0)  }
0x96: {  	s16 =	spop (v2sf);
	(v2sf) =	vpush v57, $0xF;
	v58, _, _ =	vpop (xrf0)  }
0x97: {  	s7 =	sadd.s32 s7, s10;
	s31 =	spop (v2sf);
	v59, _, _ =	vpop (xrf0);
	(v2sf) =	vpush v58, $0xF  }
0x98: {  	p2 =	sgt.s32 s7, $0x0;
	s7 =	simm.f32 $0.0e+00;
	s19 =	spop (v2sf);
	(v2sf) =	vpush v59, $0xF  }
0x99: {  	s7 =	simm.s32 @!p2 $0xCE6E6B28;
	v60, _, _ =	vpop (xrf0);
	s20 =	spop (v2sf);
	(v2sf) =	vpush v7, $0xF  }
0x9a: {  	s8 =	sadd.s32 s11, s8;
	v61 =	vmov s7;
	s7 =	simm.f32 $0.0e+00;
	s10 =	spop (v2sf);
	(v2sf) =	vpush v60, $0xF  }
0x9b: {  	p0 =	sgt.s32 s8, $0x0;
	s18 =	sadd.s32 s13, s9;
	s22 =	spop (v2sf);
	(v2sf) =	vpush v54, $0xF  }
0x9c: {  	s13 =	simm.f32 $0.0e+00;
	p1 =	sgt.s32 s18, $0x0;
	s23 =	spop (v2sf)  }
0x9d: {  	s13 =	simm.s32 @!p0 $0xCE6E6B28;
	s21 =	sadd.s32 s15, s14;
	s24 =	spop (v2sf)  }
0x9e: {  	s14 =	simm.f32 $0.0e+00;
	p2 =	sgt.s32 s21, $0x0;
	s17 =	spop (v2sf)  }
0x9f: {  	s7 =	simm.s32 @!p2 $0xCE6E6B28;
	s9 =	sadd.s32 s19, s16;
	s25 =	spop (v2sf)  }
0xa0: {  	p0 =	sgt.s32 s9, $0x0;
	s9 =	simm.f32 $0.0e+00;
	s28 =	spop (v2sf)  }
0xa1: {  	s8 =	sadd.s32 s20, s12;
	s9 =	simm.s32 @!p1 $0xCE6E6B28;
	s29 =	spop (v2sf)  }
0xa2: {  	p3 =	sgt.s32 s8, $0x0;
	s26 =	sadd.s32 s22, s31;
	s30 =	spop (v2sf)  }
0xa3: {  	vm0 =	vcmask $0x300;
	s15 =	sadd.s32 s24, s23;
	s6 =	sadd.s32 s30, s6;
	s31 =	spop (v2sf)  }
0xa4: {  	vm1 =	vcmask $0x704;
	v0 =	vnsel vm0, $0x0, v61;
	s14 =	simm.s32 @!p3 $0xCE6E6B28;
	p3 =	sgt.s32 s15, $0x0;
	v62 =	vmov s6;
	s15 =	spop (v2sf)  }
0xa5: {  	s5 =	sadd.s32 s5, s10;
	v0 =	vsel vm1, s9, v0;
	s6 =	sadd.s32 s17, s15;
	v1 =	vnsel vm0, $0x0, v62;
	s18 =	spop (v2sf)  }
0xa6: {  	s10 =	simm.f32 $0.0e+00;
	v0 =	vsel vm2, s13, v0;
	s19 =	sadd.s32 s31, s18;
	v1 =	vsel vm1, s6, v1;
	s20 =	spop (v2sf)  }
0xa7: {  	s9 =	simm.f32 $0.0e+00;
	p1 =	sgt.s32 s26, $0x0;
	v0 =	vsel vm3, s14, v0;
	v1 =	vsel vm2, s19, v1;
	s21 =	spop (v2sf)  }
0xa8: {  	s9 =	simm.s32 @!p0 $0xCE6E6B28;
	v0 =	vsel vm4, s7, v0;
	s22 =	sadd.s32 s21, s29;
	v1 =	vsel vm3, s5, v1;
	s23 =	spop (v2sf)  }
0xa9: {  	s10 =	simm.s32 @!p1 $0xCE6E6B28;
	v0 =	vsel vm5, s9, v0;
	s6 =	sadd.s32 s20, s25;
	v1 =	vsel vm4, s22, v1;
	s24 =	spop (v2sf)  }
0xaa: {  	s4 =	simm.s32 @!p3 $0xCE6E6B28;
	v0 =	vsel vm6, s10, v0;
	s5 =	sadd.s32 s23, s24;
	v1 =	vsel vm5, s6, v1;
	s26 =	spop (v2sf)  }
0xab: {  	v0 =	vsel vm7, s4, v0;
	s28 =	sadd.s32 s28, s26;
	v1 =	vsel vm6, s5, v1  }
0xac: {  	[tilespmem:$0x100] =	vst v0;
	s25 =	rddreg [dreg:$0x4];
	v63 =	vsel vm7, s28, v1  }
0xad: {  	s29 =	rddreg [dreg:$0x3];
	[tilespmem:$0x80] =	vst v63  }
0xae: {  	[hbm4b:s29+s2] =	stream.linear.scatter [tilespmem:s25], [sflag:$0x1], $0x80, $0x38;
	[tilespmem:$0x180] =	vst v63  }
0xaf: {  	_ =	swait.ge [sflag:s3], $0x80  }
0xb0: {  	s30 =	rddreg [dreg:$0x5];
	[sflag:s3] =	ssyncset.done $0x0  }
0xb1: {  	s31 =	rddreg [dreg:$0x6];
	[sflag:s3] =	ssyncadd.s32 $0xFFFFFF80  }
0xb2: {  	[hbm4b:s30+s2] =	stream.linear.scatter [tilespmem:s31], [sflag:$0x1], $0x80, $0x38;
	[tilespmem:$0x180] =	vst v63  }
0xb3: {  	_ =	swait.ge [sflag:s3], $0x80  }
0xb4: {  	[sflag:s3] =	ssyncset.done $0x0  }
0xb5: {  	[sflag:s3] =	ssyncadd.s32 $0xFFFFFF80  }
0xb6: {  	_ =	sfence.sel $0x180000  }
0xb7: {  	[bflag:$0x0] =	sbarrier.arrive $0xFFFF  }
0xb8: {  	p0 =	sne.s32 s0, $0x0;
	_ =	strace $0x90000047  }
0xb9: {  	s0 =	sadd.s32 @!p0 $0x100000, s1;
	[bflag:$0x2] =	sbarrier.arrive $0xFFFF  }
0xba: {  	[sflag:s0] =	ssyncadd.tile.s32 @!p0 $0x1;
	_ =	shalt  }
.Lfunc_end2:
_tile_overlayer_lowered:
.L_overlay_start_2:
0xbb: {  	(tag) =	ssettag $0x2  }
0xbc: {  	s0 =	rddreg [dreg:$0x0];
	s2 =	stileid.u32  }
0xbd: {  	s1 =	rddreg [dreg:$0x1];
	p0 =	sne.s32 s2, $0x0  }
0xbe: {  	s3 =	rddreg [dreg:$0x2];
	[bflag:$0x3] =	sbarrier.arrive $0xFFFF;
	s2 =	simm.s32 @!p0 $0x1C01  }
0xbf: {  	[timem:s3], [sflag:s2] =	dma.local @!p0 [hbm:s0], s1  }
0xc0: {  	s0 =	simm.s32 @!p0 $0x1  }
0xc1: {  	_ =	swait.ge @!p0 [sflag:s0], s1  }
0xc2: {  	s1 =	ssub.s32 @!p0 $0x0, s1;
	[sflag:s0] =	ssyncset.done @!p0 $0x0  }
0xc3: {  	[sflag:s0] =	ssyncadd.s32 @!p0 s1  }
0xc4: {  	[bflag:$0x3] =	sbarrier.arrive $0xFFFF  }
0xc5: {  	_ =	shalt  }

</sc_bundles>
